<compile_context>
chip_gen: v7x
topology: tpu7x:2x2x1
jax: 0.10.2.dev20260603
libtpu: 0.0.44.dev20260713+nightly
codegen_flags: <defaults>
</compile_context>

<pallas_src>
import jax
import jax.numpy as jnp
from jax import lax
from jax.experimental import pallas as pl
from jax.experimental.pallas import tpu as pltpu
from jax.experimental.pallas import tpu_sc as plsc

_B = 16384
_D = 128
_NC = 2
_NS = 16
_NW = _NC * _NS
_BPW = _B // _NW
_NCH = 2
_CH = _BPW // _NCH


def _sc_body(idx_hbm, cond_hbm, table_hbm, out_hbm, idx_v, table_v, buf_v,
             *sems):
    sem_t, sem_i = sems[0], sems[1]
    sem_in = list(sems[2:2 + _NCH])
    sem_out = list(sems[2 + _NCH:2 + 2 * _NCH])
    wid = lax.axis_index("s") * _NC + lax.axis_index("c")
    base = wid * _BPW

    h_t = pltpu.async_copy(table_hbm, table_v, sem_t)
    h_i = pltpu.async_copy(idx_hbm.at[pl.ds(base, _BPW)], idx_v, sem_i)
    h_in = [
        pltpu.async_copy(
            cond_hbm.at[pl.ds((base + c * _CH) * _D, _CH * _D)],
            buf_v.at[pl.ds(c * _CH * _D, _CH * _D)],
            sem_in[c],
        )
        for c in range(_NCH)
    ]
    h_t.wait()
    h_i.wait()

    t1 = [table_v[pl.ds(_D + 16 * j, 16)] for j in range(8)]
    d = [table_v[pl.ds(16 * j, 16)] - t1[j] for j in range(8)]

    h_out = []
    for c in range(_NCH):
        h_in[c].wait()

        @plsc.parallel_loop(0, _CH // 16, unroll=2)
        def group_body(g, _c=c):
            gb = _c * _CH + g * 16
            fv = 1.0 - idx_v[pl.ds(gb, 16)].astype(jnp.float32)
            for r in range(16):
                f = lax.broadcast_in_dim(lax.slice(fv, (r,), (r + 1,)), (16,), (0,))
                rb = (gb + r) * _D
                for j in range(8):
                    off = pl.ds(rb + 16 * j, 16)
                    plsc.addupdate(buf_v.at[off], t1[j] + f * d[j])

        h_out.append(
            pltpu.async_copy(
                buf_v.at[pl.ds(c * _CH * _D, _CH * _D)],
                out_hbm.at[pl.ds((base + c * _CH) * _D, _CH * _D)],
                sem_out[c],
            )
        )
    for h in h_out:
        h.wait()


@jax.jit
def _run(idx, cond_flat, table_flat):
    mesh = plsc.VectorSubcoreMesh(core_axis_name="c", subcore_axis_name="s")
    return pl.kernel(
        _sc_body,
        out_type=jax.ShapeDtypeStruct((_B * _D,), jnp.float32),
        mesh=mesh,
        scratch_types=[
            pltpu.VMEM((_BPW,), jnp.int32),
            pltpu.VMEM((2 * _D,), jnp.float32),
            pltpu.VMEM((_BPW * _D,), jnp.float32),
        ] + [pltpu.SemaphoreType.DMA] * (2 + 2 * _NCH),
    )(idx, cond_flat, table_flat)


def kernel(indices, cond, table):
    idx = indices.astype(jnp.int32)
    out_flat = _run(idx, cond.reshape(-1), table.reshape(-1))
    return out_flat.reshape(_B, _D)

# --- scband reference (transcript-rebuilt; emitter-appended) ---
"""Pipeline reference for scband-mesh-fusion-embedder-33741263077686 (READ-ONLY COPY).

The authoritative reference and input builder live on the scoring server;
editing this copy changes nothing except your own understanding.
"""

import jax, jax.numpy as jnp
import numpy as np

B = 16384
EMB_DIM = 128
NUM_ROWS = 2

def setup_inputs(seed: int = 0) -> dict:
    key = jax.random.key(seed)
    k1, k2, k3 = jax.random.split(key, 3)
    indices = jax.random.randint(k1, (B,), 0, NUM_ROWS, dtype=jnp.int64)
    cond = jax.random.normal(k2, (B, EMB_DIM), dtype=jnp.float32)
    table = jax.random.normal(k3, (NUM_ROWS, EMB_DIM), dtype=jnp.float32)
    return {"indices": indices, "cond": cond, "table": table}

def reference(indices, cond, table):
    # condition[0] -> indices, condition[1] -> cond
    c1 = jnp.take(table, indices, axis=0)  # embedding lookup (gather)
    c = c1 + cond
    return c

if __name__ == "__main__":
    import jax
    _d = setup_inputs()
    print(jax.jit(kernel)(*tuple(_d.values())))

</pallas_src>

<mosaic_0001>
#map = affine_map<(d0, d1) -> (0)>
module attributes {stable_mosaic.version = 14 : i64} {
  func.func @_sc_body(%arg0: i32, %arg1: i32, %arg2: memref<16384xi32, #tpu.memory_space<hbm>>, %arg3: memref<2097152xf32, #tpu.memory_space<hbm>>, %arg4: memref<256xf32, #tpu.memory_space<hbm>>, %arg5: memref<2097152xf32, #tpu.memory_space<hbm>>, %arg6: memref<512xi32, #tpu.memory_space<vmem>>, %arg7: memref<256xf32, #tpu.memory_space<vmem>>, %arg8: memref<65536xf32, #tpu.memory_space<vmem>>, %arg9: memref<!tpu.dma_semaphore, #tpu.memory_space<semaphore_mem>>, %arg10: memref<!tpu.dma_semaphore, #tpu.memory_space<semaphore_mem>>, %arg11: memref<!tpu.dma_semaphore, #tpu.memory_space<semaphore_mem>>, %arg12: memref<!tpu.dma_semaphore, #tpu.memory_space<semaphore_mem>>, %arg13: memref<!tpu.dma_semaphore, #tpu.memory_space<semaphore_mem>>, %arg14: memref<!tpu.dma_semaphore, #tpu.memory_space<semaphore_mem>>) attributes {dimension_semantics = [#tpu.dimension_semantics<core_parallel>, #tpu.dimension_semantics<subcore_parallel>], iteration_bounds = array<i64: 2, 16>, scalar_prefetch = 0 : i64, scratch_operands = 9 : i64, tpu.core_type = #tpu.core_type<sc_vector_subcore>, window_params = [{transform_indices = #map}, {transform_indices = #map}, {transform_indices = #map}, {transform_indices = #map}]} {
    %mul3A = arith.constant 2 : i32
    %mul3A_0 = arith.muli %arg1, %mul3A : i32
    %add3A = arith.addi %mul3A_0, %arg0 : i32
    %mul3A_1 = arith.constant 512 : i32
    %mul3A_2 = arith.muli %add3A, %mul3A_1 : i32
    tpu.enqueue_dma source(%arg4 : memref<256xf32, #tpu.memory_space<hbm>>) target(%arg7 : memref<256xf32, #tpu.memory_space<vmem>>) target_semaphore(%arg9 : memref<!tpu.dma_semaphore, #tpu.memory_space<semaphore_mem>>)
    %dma_start3A = tpu.memref_slice %arg2[%mul3A_2] : memref<16384xi32, #tpu.memory_space<hbm>> -> memref<512xi32, #tpu.memory_space<hbm>>
    %dma_start3A_3 = tpu.memref_slice %arg2[%mul3A_2] : memref<16384xi32, #tpu.memory_space<hbm>> -> memref<512xi32, #tpu.memory_space<hbm>>
    tpu.enqueue_dma source(%dma_start3A_3 : memref<512xi32, #tpu.memory_space<hbm>>) target(%arg6 : memref<512xi32, #tpu.memory_space<vmem>>) target_semaphore(%arg10 : memref<!tpu.dma_semaphore, #tpu.memory_space<semaphore_mem>>)
    %add3A_4 = arith.constant 0 : i32
    %add3A_5 = arith.addi %mul3A_2, %add3A_4 : i32
    %mul3A_6 = arith.constant 128 : i32
    %mul3A_7 = arith.muli %add3A_5, %mul3A_6 : i32
    %dma_start3A_8 = arith.constant 0 : i32
    %dma_start3A_9 = tpu.memref_slice %arg8[%dma_start3A_8] : memref<65536xf32, #tpu.memory_space<vmem>> -> memref<32768xf32, #tpu.memory_space<vmem>>
    %dma_start3A_10 = tpu.memref_slice %arg3[%mul3A_7] : memref<2097152xf32, #tpu.memory_space<hbm>> -> memref<32768xf32, #tpu.memory_space<hbm>>
    %dma_start3A_11 = arith.constant 0 : i32
    %dma_start3A_12 = tpu.memref_slice %arg8[%dma_start3A_11] : memref<65536xf32, #tpu.memory_space<vmem>> -> memref<32768xf32, #tpu.memory_space<vmem>>
    %dma_start3A_13 = tpu.memref_slice %arg3[%mul3A_7] : memref<2097152xf32, #tpu.memory_space<hbm>> -> memref<32768xf32, #tpu.memory_space<hbm>>
    tpu.enqueue_dma source(%dma_start3A_13 : memref<32768xf32, #tpu.memory_space<hbm>>) target(%dma_start3A_12 : memref<32768xf32, #tpu.memory_space<vmem>>) target_semaphore(%arg11 : memref<!tpu.dma_semaphore, #tpu.memory_space<semaphore_mem>>)
    %add3A_14 = arith.constant 256 : i32
    %add3A_15 = arith.addi %mul3A_2, %add3A_14 : i32
    %mul3A_16 = arith.constant 128 : i32
    %mul3A_17 = arith.muli %add3A_15, %mul3A_16 : i32
    %dma_start3A_18 = arith.constant 32768 : i32
    %dma_start3A_19 = tpu.memref_slice %arg8[%dma_start3A_18] : memref<65536xf32, #tpu.memory_space<vmem>> -> memref<32768xf32, #tpu.memory_space<vmem>>
    %dma_start3A_20 = tpu.memref_slice %arg3[%mul3A_17] : memref<2097152xf32, #tpu.memory_space<hbm>> -> memref<32768xf32, #tpu.memory_space<hbm>>
    %dma_start3A_21 = arith.constant 32768 : i32
    %dma_start3A_22 = tpu.memref_slice %arg8[%dma_start3A_21] : memref<65536xf32, #tpu.memory_space<vmem>> -> memref<32768xf32, #tpu.memory_space<vmem>>
    %dma_start3A_23 = tpu.memref_slice %arg3[%mul3A_17] : memref<2097152xf32, #tpu.memory_space<hbm>> -> memref<32768xf32, #tpu.memory_space<hbm>>
    tpu.enqueue_dma source(%dma_start3A_23 : memref<32768xf32, #tpu.memory_space<hbm>>) target(%dma_start3A_22 : memref<32768xf32, #tpu.memory_space<vmem>>) target_semaphore(%arg12 : memref<!tpu.dma_semaphore, #tpu.memory_space<semaphore_mem>>)
    tpu.wait_dma2 semaphore(%arg9 : memref<!tpu.dma_semaphore, #tpu.memory_space<semaphore_mem>>) src(%arg4 : memref<256xf32, #tpu.memory_space<hbm>>) dst(%arg7 : memref<256xf32, #tpu.memory_space<vmem>>)
    %dma_wait3A = tpu.memref_slice %arg2[%mul3A_2] : memref<16384xi32, #tpu.memory_space<hbm>> -> memref<512xi32, #tpu.memory_space<hbm>>
    %dma_wait3A_24 = tpu.memref_slice %arg2[%mul3A_2] : memref<16384xi32, #tpu.memory_space<hbm>> -> memref<512xi32, #tpu.memory_space<hbm>>
    tpu.wait_dma2 semaphore(%arg10 : memref<!tpu.dma_semaphore, #tpu.memory_space<semaphore_mem>>) src(%dma_wait3A_24 : memref<512xi32, #tpu.memory_space<hbm>>) dst(%arg6 : memref<512xi32, #tpu.memory_space<vmem>>)
    %get3A = arith.constant 128 : index
    %get3A_25 = tpu.vector_load %arg7[%get3A] {strides = array<i32>} : memref<256xf32, #tpu.memory_space<vmem>>, vector<16xf32>,
    %get3A_26 = vector.shape_cast %get3A_25 : vector<16xf32> to vector<16xf32>
    %get3A_27 = arith.constant 144 : index
    %get3A_28 = tpu.vector_load %arg7[%get3A_27] {strides = array<i32>} : memref<256xf32, #tpu.memory_space<vmem>>, vector<16xf32>,
    %get3A_29 = vector.shape_cast %get3A_28 : vector<16xf32> to vector<16xf32>
    %get3A_30 = arith.constant 160 : index
    %get3A_31 = tpu.vector_load %arg7[%get3A_30] {strides = array<i32>} : memref<256xf32, #tpu.memory_space<vmem>>, vector<16xf32>,
    %get3A_32 = vector.shape_cast %get3A_31 : vector<16xf32> to vector<16xf32>
    %get3A_33 = arith.constant 176 : index
    %get3A_34 = tpu.vector_load %arg7[%get3A_33] {strides = array<i32>} : memref<256xf32, #tpu.memory_space<vmem>>, vector<16xf32>,
    %get3A_35 = vector.shape_cast %get3A_34 : vector<16xf32> to vector<16xf32>
    %get3A_36 = arith.constant 192 : index
    %get3A_37 = tpu.vector_load %arg7[%get3A_36] {strides = array<i32>} : memref<256xf32, #tpu.memory_space<vmem>>, vector<16xf32>,
    %get3A_38 = vector.shape_cast %get3A_37 : vector<16xf32> to vector<16xf32>
    %get3A_39 = arith.constant 208 : index
    %get3A_40 = tpu.vector_load %arg7[%get3A_39] {strides = array<i32>} : memref<256xf32, #tpu.memory_space<vmem>>, vector<16xf32>,
    %get3A_41 = vector.shape_cast %get3A_40 : vector<16xf32> to vector<16xf32>
    %get3A_42 = arith.constant 224 : index
    %get3A_43 = tpu.vector_load %arg7[%get3A_42] {strides = array<i32>} : memref<256xf32, #tpu.memory_space<vmem>>, vector<16xf32>,
    %get3A_44 = vector.shape_cast %get3A_43 : vector<16xf32> to vector<16xf32>
    %get3A_45 = arith.constant 240 : index
    %get3A_46 = tpu.vector_load %arg7[%get3A_45] {strides = array<i32>} : memref<256xf32, #tpu.memory_space<vmem>>, vector<16xf32>,
    %get3A_47 = vector.shape_cast %get3A_46 : vector<16xf32> to vector<16xf32>
    %get3A_48 = arith.constant 0 : index
    %get3A_49 = tpu.vector_load %arg7[%get3A_48] {strides = array<i32>} : memref<256xf32, #tpu.memory_space<vmem>>, vector<16xf32>,
    %get3A_50 = vector.shape_cast %get3A_49 : vector<16xf32> to vector<16xf32>
    %sub3A = arith.subf %get3A_50, %get3A_26 : vector<16xf32>
    %get3A_51 = arith.constant 16 : index
    %get3A_52 = tpu.vector_load %arg7[%get3A_51] {strides = array<i32>} : memref<256xf32, #tpu.memory_space<vmem>>, vector<16xf32>,
    %get3A_53 = vector.shape_cast %get3A_52 : vector<16xf32> to vector<16xf32>
    %sub3A_54 = arith.subf %get3A_53, %get3A_29 : vector<16xf32>
    %get3A_55 = arith.constant 32 : index
    %get3A_56 = tpu.vector_load %arg7[%get3A_55] {strides = array<i32>} : memref<256xf32, #tpu.memory_space<vmem>>, vector<16xf32>,
    %get3A_57 = vector.shape_cast %get3A_56 : vector<16xf32> to vector<16xf32>
    %sub3A_58 = arith.subf %get3A_57, %get3A_32 : vector<16xf32>
    %get3A_59 = arith.constant 48 : index
    %get3A_60 = tpu.vector_load %arg7[%get3A_59] {strides = array<i32>} : memref<256xf32, #tpu.memory_space<vmem>>, vector<16xf32>,
    %get3A_61 = vector.shape_cast %get3A_60 : vector<16xf32> to vector<16xf32>
    %sub3A_62 = arith.subf %get3A_61, %get3A_35 : vector<16xf32>
    %get3A_63 = arith.constant 64 : index
    %get3A_64 = tpu.vector_load %arg7[%get3A_63] {strides = array<i32>} : memref<256xf32, #tpu.memory_space<vmem>>, vector<16xf32>,
    %get3A_65 = vector.shape_cast %get3A_64 : vector<16xf32> to vector<16xf32>
    %sub3A_66 = arith.subf %get3A_65, %get3A_38 : vector<16xf32>
    %get3A_67 = arith.constant 80 : index
    %get3A_68 = tpu.vector_load %arg7[%get3A_67] {strides = array<i32>} : memref<256xf32, #tpu.memory_space<vmem>>, vector<16xf32>,
    %get3A_69 = vector.shape_cast %get3A_68 : vector<16xf32> to vector<16xf32>
    %sub3A_70 = arith.subf %get3A_69, %get3A_41 : vector<16xf32>
    %get3A_71 = arith.constant 96 : index
    %get3A_72 = tpu.vector_load %arg7[%get3A_71] {strides = array<i32>} : memref<256xf32, #tpu.memory_space<vmem>>, vector<16xf32>,
    %get3A_73 = vector.shape_cast %get3A_72 : vector<16xf32> to vector<16xf32>
    %sub3A_74 = arith.subf %get3A_73, %get3A_44 : vector<16xf32>
    %get3A_75 = arith.constant 112 : index
    %get3A_76 = tpu.vector_load %arg7[%get3A_75] {strides = array<i32>} : memref<256xf32, #tpu.memory_space<vmem>>, vector<16xf32>,
    %get3A_77 = vector.shape_cast %get3A_76 : vector<16xf32> to vector<16xf32>
    %sub3A_78 = arith.subf %get3A_77, %get3A_47 : vector<16xf32>
    %dma_wait3A_79 = arith.constant 0 : i32
    %dma_wait3A_80 = tpu.memref_slice %arg8[%dma_wait3A_79] : memref<65536xf32, #tpu.memory_space<vmem>> -> memref<32768xf32, #tpu.memory_space<vmem>>
    %dma_wait3A_81 = tpu.memref_slice %arg3[%mul3A_7] : memref<2097152xf32, #tpu.memory_space<hbm>> -> memref<32768xf32, #tpu.memory_space<hbm>>
    %dma_wait3A_82 = arith.constant 0 : i32
    %dma_wait3A_83 = tpu.memref_slice %arg8[%dma_wait3A_82] : memref<65536xf32, #tpu.memory_space<vmem>> -> memref<32768xf32, #tpu.memory_space<vmem>>
    %dma_wait3A_84 = tpu.memref_slice %arg3[%mul3A_7] : memref<2097152xf32, #tpu.memory_space<hbm>> -> memref<32768xf32, #tpu.memory_space<hbm>>
    tpu.wait_dma2 semaphore(%arg11 : memref<!tpu.dma_semaphore, #tpu.memory_space<semaphore_mem>>) src(%dma_wait3A_84 : memref<32768xf32, #tpu.memory_space<hbm>>) dst(%dma_wait3A_83 : memref<32768xf32, #tpu.memory_space<vmem>>)
    %parallel_loop3A = arith.constant 0 : i32
    %parallel_loop3A_85 = arith.constant 16 : i32
    %parallel_loop3A_86 = arith.constant 1 : i32
    scf.for %parallel_loop3A_128 = %parallel_loop3A to %parallel_loop3A_85 step %parallel_loop3A_86  : i32 {
      %parallel_loop3A_129 = arith.constant 16 : i32
      %parallel_loop3A_130 = arith.muli %parallel_loop3A_128, %parallel_loop3A_129 : i32
      %parallel_loop3A_131 = arith.constant 0 : i32
      %parallel_loop3A_132 = arith.addi %parallel_loop3A_131, %parallel_loop3A_130 : i32
      %parallel_loop3A_133 = arith.index_cast %parallel_loop3A_132 : i32 to index
      %parallel_loop3A_134 = tpu.vector_load %arg6[%parallel_loop3A_133] {strides = array<i32>} : memref<512xi32, #tpu.memory_space<vmem>>, vector<16xi32>,
      %parallel_loop3A_135 = vector.shape_cast %parallel_loop3A_134 : vector<16xi32> to vector<16xi32>
      %parallel_loop3A_136 = arith.sitofp %parallel_loop3A_135 : vector<16xi32> to vector<16xf32>
      %parallel_loop3A_137 = arith.constant 1.000000e+00 : f32
      %parallel_loop3A_138 = vector.broadcast %parallel_loop3A_137 : f32 to vector<16xf32>
      %parallel_loop3A_139 = arith.subf %parallel_loop3A_138, %parallel_loop3A_136 : vector<16xf32>
      %parallel_loop3A_140 = vector.extract_strided_slice %parallel_loop3A_139 {offsets = [0], sizes = [1], strides = [1]} : vector<16xf32> to vector<1xf32>
      %parallel_loop3A_141 = vector.shape_cast %parallel_loop3A_140 : vector<1xf32> to vector<1xf32>
      %parallel_loop3A_142 = vector.broadcast %parallel_loop3A_141 : vector<1xf32> to vector<16xf32>
      %parallel_loop3A_143 = arith.constant 0 : i32
      %parallel_loop3A_144 = arith.addi %parallel_loop3A_132, %parallel_loop3A_143 : i32
      %parallel_loop3A_145 = arith.constant 128 : i32
      %parallel_loop3A_146 = arith.muli %parallel_loop3A_144, %parallel_loop3A_145 : i32
      %parallel_loop3A_147 = arith.constant 0 : i32
      %parallel_loop3A_148 = arith.addi %parallel_loop3A_146, %parallel_loop3A_147 : i32
      %parallel_loop3A_149 = arith.mulf %parallel_loop3A_142, %sub3A : vector<16xf32>
      %parallel_loop3A_150 = arith.addf %get3A_26, %parallel_loop3A_149 : vector<16xf32>
      %parallel_loop3A_151 = arith.index_cast %parallel_loop3A_148 : i32 to index
      %parallel_loop3A_152 = tpu.vector_load %arg8[%parallel_loop3A_151] {strides = array<i32>} : memref<65536xf32, #tpu.memory_space<vmem>>, vector<16xf32>,
      %parallel_loop3A_153 = vector.shape_cast %parallel_loop3A_152 : vector<16xf32> to vector<16xf32>
      %parallel_loop3A_154 = vector.shape_cast %parallel_loop3A_150 : vector<16xf32> to vector<16xf32>
      tpu.vector_store %arg8[%parallel_loop3A_151], %parallel_loop3A_154 {add = true, strides = array<i32>} : memref<65536xf32, #tpu.memory_space<vmem>>, vector<16xf32>,
      %parallel_loop3A_155 = arith.constant 16 : i32
      %parallel_loop3A_156 = arith.addi %parallel_loop3A_146, %parallel_loop3A_155 : i32
      %parallel_loop3A_157 = arith.mulf %parallel_loop3A_142, %sub3A_54 : vector<16xf32>
      %parallel_loop3A_158 = arith.addf %get3A_29, %parallel_loop3A_157 : vector<16xf32>
      %parallel_loop3A_159 = arith.index_cast %parallel_loop3A_156 : i32 to index
      %parallel_loop3A_160 = tpu.vector_load %arg8[%parallel_loop3A_159] {strides = array<i32>} : memref<65536xf32, #tpu.memory_space<vmem>>, vector<16xf32>,
      %parallel_loop3A_161 = vector.shape_cast %parallel_loop3A_160 : vector<16xf32> to vector<16xf32>
      %parallel_loop3A_162 = vector.shape_cast %parallel_loop3A_158 : vector<16xf32> to vector<16xf32>
      tpu.vector_store %arg8[%parallel_loop3A_159], %parallel_loop3A_162 {add = true, strides = array<i32>} : memref<65536xf32, #tpu.memory_space<vmem>>, vector<16xf32>,
      %parallel_loop3A_163 = arith.constant 32 : i32
      %parallel_loop3A_164 = arith.addi %parallel_loop3A_146, %parallel_loop3A_163 : i32
      %parallel_loop3A_165 = arith.mulf %parallel_loop3A_142, %sub3A_58 : vector<16xf32>
      %parallel_loop3A_166 = arith.addf %get3A_32, %parallel_loop3A_165 : vector<16xf32>
      %parallel_loop3A_167 = arith.index_cast %parallel_loop3A_164 : i32 to index
      %parallel_loop3A_168 = tpu.vector_load %arg8[%parallel_loop3A_167] {strides = array<i32>} : memref<65536xf32, #tpu.memory_space<vmem>>, vector<16xf32>,
      %parallel_loop3A_169 = vector.shape_cast %parallel_loop3A_168 : vector<16xf32> to vector<16xf32>
      %parallel_loop3A_170 = vector.shape_cast %parallel_loop3A_166 : vector<16xf32> to vector<16xf32>
      tpu.vector_store %arg8[%parallel_loop3A_167], %parallel_loop3A_170 {add = true, strides = array<i32>} : memref<65536xf32, #tpu.memory_space<vmem>>, vector<16xf32>,
      %parallel_loop3A_171 = arith.constant 48 : i32
      %parallel_loop3A_172 = arith.addi %parallel_loop3A_146, %parallel_loop3A_171 : i32
      %parallel_loop3A_173 = arith.mulf %parallel_loop3A_142, %sub3A_62 : vector<16xf32>
      %parallel_loop3A_174 = arith.addf %get3A_35, %parallel_loop3A_173 : vector<16xf32>
      %parallel_loop3A_175 = arith.index_cast %parallel_loop3A_172 : i32 to index
      %parallel_loop3A_176 = tpu.vector_load %arg8[%parallel_loop3A_175] {strides = array<i32>} : memref<65536xf32, #tpu.memory_space<vmem>>, vector<16xf32>,
      %parallel_loop3A_177 = vector.shape_cast %parallel_loop3A_176 : vector<16xf32> to vector<16xf32>
      %parallel_loop3A_178 = vector.shape_cast %parallel_loop3A_174 : vector<16xf32> to vector<16xf32>
      tpu.vector_store %arg8[%parallel_loop3A_175], %parallel_loop3A_178 {add = true, strides = array<i32>} : memref<65536xf32, #tpu.memory_space<vmem>>, vector<16xf32>,
      %parallel_loop3A_179 = arith.constant 64 : i32
      %parallel_loop3A_180 = arith.addi %parallel_loop3A_146, %parallel_loop3A_179 : i32
      %parallel_loop3A_181 = arith.mulf %parallel_loop3A_142, %sub3A_66 : vector<16xf32>
      %parallel_loop3A_182 = arith.addf %get3A_38, %parallel_loop3A_181 : vector<16xf32>
      %parallel_loop3A_183 = arith.index_cast %parallel_loop3A_180 : i32 to index
      %parallel_loop3A_184 = tpu.vector_load %arg8[%parallel_loop3A_183] {strides = array<i32>} : memref<65536xf32, #tpu.memory_space<vmem>>, vector<16xf32>,
      %parallel_loop3A_185 = vector.shape_cast %parallel_loop3A_184 : vector<16xf32> to vector<16xf32>
      %parallel_loop3A_186 = vector.shape_cast %parallel_loop3A_182 : vector<16xf32> to vector<16xf32>
      tpu.vector_store %arg8[%parallel_loop3A_183], %parallel_loop3A_186 {add = true, strides = array<i32>} : memref<65536xf32, #tpu.memory_space<vmem>>, vector<16xf32>,
      %parallel_loop3A_187 = arith.constant 80 : i32
      %parallel_loop3A_188 = arith.addi %parallel_loop3A_146, %parallel_loop3A_187 : i32
      %parallel_loop3A_189 = arith.mulf %parallel_loop3A_142, %sub3A_70 : vector<16xf32>
      %parallel_loop3A_190 = arith.addf %get3A_41, %parallel_loop3A_189 : vector<16xf32>
      %parallel_loop3A_191 = arith.index_cast %parallel_loop3A_188 : i32 to index
      %parallel_loop3A_192 = tpu.vector_load %arg8[%parallel_loop3A_191] {strides = array<i32>} : memref<65536xf32, #tpu.memory_space<vmem>>, vector<16xf32>,
      %parallel_loop3A_193 = vector.shape_cast %parallel_loop3A_192 : vector<16xf32> to vector<16xf32>
      %parallel_loop3A_194 = vector.shape_cast %parallel_loop3A_190 : vector<16xf32> to vector<16xf32>
      tpu.vector_store %arg8[%parallel_loop3A_191], %parallel_loop3A_194 {add = true, strides = array<i32>} : memref<65536xf32, #tpu.memory_space<vmem>>, vector<16xf32>,
      %parallel_loop3A_195 = arith.constant 96 : i32
      %parallel_loop3A_196 = arith.addi %parallel_loop3A_146, %parallel_loop3A_195 : i32
      %parallel_loop3A_197 = arith.mulf %parallel_loop3A_142, %sub3A_74 : vector<16xf32>
      %parallel_loop3A_198 = arith.addf %get3A_44, %parallel_loop3A_197 : vector<16xf32>
      %parallel_loop3A_199 = arith.index_cast %parallel_loop3A_196 : i32 to index
      %parallel_loop3A_200 = tpu.vector_load %arg8[%parallel_loop3A_199] {strides = array<i32>} : memref<65536xf32, #tpu.memory_space<vmem>>, vector<16xf32>,
      %parallel_loop3A_201 = vector.shape_cast %parallel_loop3A_200 : vector<16xf32> to vector<16xf32>
      %parallel_loop3A_202 = vector.shape_cast %parallel_loop3A_198 : vector<16xf32> to vector<16xf32>
      tpu.vector_store %arg8[%parallel_loop3A_199], %parallel_loop3A_202 {add = true, strides = array<i32>} : memref<65536xf32, #tpu.memory_space<vmem>>, vector<16xf32>,
      %parallel_loop3A_203 = arith.constant 112 : i32
      %parallel_loop3A_204 = arith.addi %parallel_loop3A_146, %parallel_loop3A_203 : i32
      %parallel_loop3A_205 = arith.mulf %parallel_loop3A_142, %sub3A_78 : vector<16xf32>
      %parallel_loop3A_206 = arith.addf %get3A_47, %parallel_loop3A_205 : vector<16xf32>
      %parallel_loop3A_207 = arith.index_cast %parallel_loop3A_204 : i32 to index
      %parallel_loop3A_208 = tpu.vector_load %arg8[%parallel_loop3A_207] {strides = array<i32>} : memref<65536xf32, #tpu.memory_space<vmem>>, vector<16xf32>,
      %parallel_loop3A_209 = vector.shape_cast %parallel_loop3A_208 : vector<16xf32> to vector<16xf32>
      %parallel_loop3A_210 = vector.shape_cast %parallel_loop3A_206 : vector<16xf32> to vector<16xf32>
      tpu.vector_store %arg8[%parallel_loop3A_207], %parallel_loop3A_210 {add = true, strides = array<i32>} : memref<65536xf32, #tpu.memory_space<vmem>>, vector<16xf32>,
      %parallel_loop3A_211 = vector.extract_strided_slice %parallel_loop3A_139 {offsets = [1], sizes = [1], strides = [1]} : vector<16xf32> to vector<1xf32>
      %parallel_loop3A_212 = vector.shape_cast %parallel_loop3A_211 : vector<1xf32> to vector<1xf32>
      %parallel_loop3A_213 = vector.broadcast %parallel_loop3A_212 : vector<1xf32> to vector<16xf32>
      %parallel_loop3A_214 = arith.constant 1 : i32
      %parallel_loop3A_215 = arith.addi %parallel_loop3A_132, %parallel_loop3A_214 : i32
      %parallel_loop3A_216 = arith.constant 128 : i32
      %parallel_loop3A_217 = arith.muli %parallel_loop3A_215, %parallel_loop3A_216 : i32
      %parallel_loop3A_218 = arith.constant 0 : i32
      %parallel_loop3A_219 = arith.addi %parallel_loop3A_217, %parallel_loop3A_218 : i32
      %parallel_loop3A_220 = arith.mulf %parallel_loop3A_213, %sub3A : vector<16xf32>
      %parallel_loop3A_221 = arith.addf %get3A_26, %parallel_loop3A_220 : vector<16xf32>
      %parallel_loop3A_222 = arith.index_cast %parallel_loop3A_219 : i32 to index
      %parallel_loop3A_223 = tpu.vector_load %arg8[%parallel_loop3A_222] {strides = array<i32>} : memref<65536xf32, #tpu.memory_space<vmem>>, vector<16xf32>,
      %parallel_loop3A_224 = vector.shape_cast %parallel_loop3A_223 : vector<16xf32> to vector<16xf32>
      %parallel_loop3A_225 = vector.shape_cast %parallel_loop3A_221 : vector<16xf32> to vector<16xf32>
      tpu.vector_store %arg8[%parallel_loop3A_222], %parallel_loop3A_225 {add = true, strides = array<i32>} : memref<65536xf32, #tpu.memory_space<vmem>>, vector<16xf32>,
      %parallel_loop3A_226 = arith.constant 16 : i32
      %parallel_loop3A_227 = arith.addi %parallel_loop3A_217, %parallel_loop3A_226 : i32
      %parallel_loop3A_228 = arith.mulf %parallel_loop3A_213, %sub3A_54 : vector<16xf32>
      %parallel_loop3A_229 = arith.addf %get3A_29, %parallel_loop3A_228 : vector<16xf32>
      %parallel_loop3A_230 = arith.index_cast %parallel_loop3A_227 : i32 to index
      %parallel_loop3A_231 = tpu.vector_load %arg8[%parallel_loop3A_230] {strides = array<i32>} : memref<65536xf32, #tpu.memory_space<vmem>>, vector<16xf32>,
      %parallel_loop3A_232 = vector.shape_cast %parallel_loop3A_231 : vector<16xf32> to vector<16xf32>
      %parallel_loop3A_233 = vector.shape_cast %parallel_loop3A_229 : vector<16xf32> to vector<16xf32>
      tpu.vector_store %arg8[%parallel_loop3A_230], %parallel_loop3A_233 {add = true, strides = array<i32>} : memref<65536xf32, #tpu.memory_space<vmem>>, vector<16xf32>,
      %parallel_loop3A_234 = arith.constant 32 : i32
      %parallel_loop3A_235 = arith.addi %parallel_loop3A_217, %parallel_loop3A_234 : i32
      %parallel_loop3A_236 = arith.mulf %parallel_loop3A_213, %sub3A_58 : vector<16xf32>
      %parallel_loop3A_237 = arith.addf %get3A_32, %parallel_loop3A_236 : vector<16xf32>
      %parallel_loop3A_238 = arith.index_cast %parallel_loop3A_235 : i32 to index
      %parallel_loop3A_239 = tpu.vector_load %arg8[%parallel_loop3A_238] {strides = array<i32>} : memref<65536xf32, #tpu.memory_space<vmem>>, vector<16xf32>,
      %parallel_loop3A_240 = vector.shape_cast %parallel_loop3A_239 : vector<16xf32> to vector<16xf32>
      %parallel_loop3A_241 = vector.shape_cast %parallel_loop3A_237 : vector<16xf32> to vector<16xf32>
      tpu.vector_store %arg8[%parallel_loop3A_238], %parallel_loop3A_241 {add = true, strides = array<i32>} : memref<65536xf32, #tpu.memory_space<vmem>>, vector<16xf32>,
      %parallel_loop3A_242 = arith.constant 48 : i32
      %parallel_loop3A_243 = arith.addi %parallel_loop3A_217, %parallel_loop3A_242 : i32
      %parallel_loop3A_244 = arith.mulf %parallel_loop3A_213, %sub3A_62 : vector<16xf32>
      %parallel_loop3A_245 = arith.addf %get3A_35, %parallel_loop3A_244 : vector<16xf32>
      %parallel_loop3A_246 = arith.index_cast %parallel_loop3A_243 : i32 to index
      %parallel_loop3A_247 = tpu.vector_load %arg8[%parallel_loop3A_246] {strides = array<i32>} : memref<65536xf32, #tpu.memory_space<vmem>>, vector<16xf32>,
      %parallel_loop3A_248 = vector.shape_cast %parallel_loop3A_247 : vector<16xf32> to vector<16xf32>
      %parallel_loop3A_249 = vector.shape_cast %parallel_loop3A_245 : vector<16xf32> to vector<16xf32>
      tpu.vector_store %arg8[%parallel_loop3A_246], %parallel_loop3A_249 {add = true, strides = array<i32>} : memref<65536xf32, #tpu.memory_space<vmem>>, vector<16xf32>,
      %parallel_loop3A_250 = arith.constant 64 : i32
      %parallel_loop3A_251 = arith.addi %parallel_loop3A_217, %parallel_loop3A_250 : i32
      %parallel_loop3A_252 = arith.mulf %parallel_loop3A_213, %sub3A_66 : vector<16xf32>
      %parallel_loop3A_253 = arith.addf %get3A_38, %parallel_loop3A_252 : vector<16xf32>
      %parallel_loop3A_254 = arith.index_cast %parallel_loop3A_251 : i32 to index
      %parallel_loop3A_255 = tpu.vector_load %arg8[%parallel_loop3A_254] {strides = array<i32>} : memref<65536xf32, #tpu.memory_space<vmem>>, vector<16xf32>,
      %parallel_loop3A_256 = vector.shape_cast %parallel_loop3A_255 : vector<16xf32> to vector<16xf32>
      %parallel_loop3A_257 = vector.shape_cast %parallel_loop3A_253 : vector<16xf32> to vector<16xf32>
      tpu.vector_store %arg8[%parallel_loop3A_254], %parallel_loop3A_257 {add = true, strides = array<i32>} : memref<65536xf32, #tpu.memory_space<vmem>>, vector<16xf32>,
      %parallel_loop3A_258 = arith.constant 80 : i32
      %parallel_loop3A_259 = arith.addi %parallel_loop3A_217, %parallel_loop3A_258 : i32
      %parallel_loop3A_260 = arith.mulf %parallel_loop3A_213, %sub3A_70 : vector<16xf32>
      %parallel_loop3A_261 = arith.addf %get3A_41, %parallel_loop3A_260 : vector<16xf32>
      %parallel_loop3A_262 = arith.index_cast %parallel_loop3A_259 : i32 to index
      %parallel_loop3A_263 = tpu.vector_load %arg8[%parallel_loop3A_262] {strides = array<i32>} : memref<65536xf32, #tpu.memory_space<vmem>>, vector<16xf32>,
      %parallel_loop3A_264 = vector.shape_cast %parallel_loop3A_263 : vector<16xf32> to vector<16xf32>
      %parallel_loop3A_265 = vector.shape_cast %parallel_loop3A_261 : vector<16xf32> to vector<16xf32>
      tpu.vector_store %arg8[%parallel_loop3A_262], %parallel_loop3A_265 {add = true, strides = array<i32>} : memref<65536xf32, #tpu.memory_space<vmem>>, vector<16xf32>,
      %parallel_loop3A_266 = arith.constant 96 : i32
      %parallel_loop3A_267 = arith.addi %parallel_loop3A_217, %parallel_loop3A_266 : i32
      %parallel_loop3A_268 = arith.mulf %parallel_loop3A_213, %sub3A_74 : vector<16xf32>
      %parallel_loop3A_269 = arith.addf %get3A_44, %parallel_loop3A_268 : vector<16xf32>
      %parallel_loop3A_270 = arith.index_cast %parallel_loop3A_267 : i32 to index
      %parallel_loop3A_271 = tpu.vector_load %arg8[%parallel_loop3A_270] {strides = array<i32>} : memref<65536xf32, #tpu.memory_space<vmem>>, vector<16xf32>,
      %parallel_loop3A_272 = vector.shape_cast %parallel_loop3A_271 : vector<16xf32> to vector<16xf32>
      %parallel_loop3A_273 = vector.shape_cast %parallel_loop3A_269 : vector<16xf32> to vector<16xf32>
      tpu.vector_store %arg8[%parallel_loop3A_270], %parallel_loop3A_273 {add = true, strides = array<i32>} : memref<65536xf32, #tpu.memory_space<vmem>>, vector<16xf32>,
      %parallel_loop3A_274 = arith.constant 112 : i32
      %parallel_loop3A_275 = arith.addi %parallel_loop3A_217, %parallel_loop3A_274 : i32
      %parallel_loop3A_276 = arith.mulf %parallel_loop3A_213, %sub3A_78 : vector<16xf32>
      %parallel_loop3A_277 = arith.addf %get3A_47, %parallel_loop3A_276 : vector<16xf32>
      %parallel_loop3A_278 = arith.index_cast %parallel_loop3A_275 : i32 to index
      %parallel_loop3A_279 = tpu.vector_load %arg8[%parallel_loop3A_278] {strides = array<i32>} : memref<65536xf32, #tpu.memory_space<vmem>>, vector<16xf32>,
      %parallel_loop3A_280 = vector.shape_cast %parallel_loop3A_279 : vector<16xf32> to vector<16xf32>
      %parallel_loop3A_281 = vector.shape_cast %parallel_loop3A_277 : vector<16xf32> to vector<16xf32>
      tpu.vector_store %arg8[%parallel_loop3A_278], %parallel_loop3A_281 {add = true, strides = array<i32>} : memref<65536xf32, #tpu.memory_space<vmem>>, vector<16xf32>,
      %parallel_loop3A_282 = vector.extract_strided_slice %parallel_loop3A_139 {offsets = [2], sizes = [1], strides = [1]} : vector<16xf32> to vector<1xf32>
      %parallel_loop3A_283 = vector.shape_cast %parallel_loop3A_282 : vector<1xf32> to vector<1xf32>
      %parallel_loop3A_284 = vector.broadcast %parallel_loop3A_283 : vector<1xf32> to vector<16xf32>
      %parallel_loop3A_285 = arith.constant 2 : i32
      %parallel_loop3A_286 = arith.addi %parallel_loop3A_132, %parallel_loop3A_285 : i32
      %parallel_loop3A_287 = arith.constant 128 : i32
      %parallel_loop3A_288 = arith.muli %parallel_loop3A_286, %parallel_loop3A_287 : i32
      %parallel_loop3A_289 = arith.constant 0 : i32
      %parallel_loop3A_290 = arith.addi %parallel_loop3A_288, %parallel_loop3A_289 : i32
      %parallel_loop3A_291 = arith.mulf %parallel_loop3A_284, %sub3A : vector<16xf32>
      %parallel_loop3A_292 = arith.addf %get3A_26, %parallel_loop3A_291 : vector<16xf32>
      %parallel_loop3A_293 = arith.index_cast %parallel_loop3A_290 : i32 to index
      %parallel_loop3A_294 = tpu.vector_load %arg8[%parallel_loop3A_293] {strides = array<i32>} : memref<65536xf32, #tpu.memory_space<vmem>>, vector<16xf32>,
      %parallel_loop3A_295 = vector.shape_cast %parallel_loop3A_294 : vector<16xf32> to vector<16xf32>
      %parallel_loop3A_296 = vector.shape_cast %parallel_loop3A_292 : vector<16xf32> to vector<16xf32>
      tpu.vector_store %arg8[%parallel_loop3A_293], %parallel_loop3A_296 {add = true, strides = array<i32>} : memref<65536xf32, #tpu.memory_space<vmem>>, vector<16xf32>,
      %parallel_loop3A_297 = arith.constant 16 : i32
      %parallel_loop3A_298 = arith.addi %parallel_loop3A_288, %parallel_loop3A_297 : i32
      %parallel_loop3A_299 = arith.mulf %parallel_loop3A_284, %sub3A_54 : vector<16xf32>
      %parallel_loop3A_300 = arith.addf %get3A_29, %parallel_loop3A_299 : vector<16xf32>
      %parallel_loop3A_301 = arith.index_cast %parallel_loop3A_298 : i32 to index
      %parallel_loop3A_302 = tpu.vector_load %arg8[%parallel_loop3A_301] {strides = array<i32>} : memref<65536xf32, #tpu.memory_space<vmem>>, vector<16xf32>,
      %parallel_loop3A_303 = vector.shape_cast %parallel_loop3A_302 : vector<16xf32> to vector<16xf32>
      %parallel_loop3A_304 = vector.shape_cast %parallel_loop3A_300 : vector<16xf32> to vector<16xf32>
      tpu.vector_store %arg8[%parallel_loop3A_301], %parallel_loop3A_304 {add = true, strides = array<i32>} : memref<65536xf32, #tpu.memory_space<vmem>>, vector<16xf32>,
      %parallel_loop3A_305 = arith.constant 32 : i32
      %parallel_loop3A_306 = arith.addi %parallel_loop3A_288, %parallel_loop3A_305 : i32
      %parallel_loop3A_307 = arith.mulf %parallel_loop3A_284, %sub3A_58 : vector<16xf32>
      %parallel_loop3A_308 = arith.addf %get3A_32, %parallel_loop3A_307 : vector<16xf32>
      %parallel_loop3A_309 = arith.index_cast %parallel_loop3A_306 : i32 to index
      %parallel_loop3A_310 = tpu.vector_load %arg8[%parallel_loop3A_309] {strides = array<i32>} : memref<65536xf32, #tpu.memory_space<vmem>>, vector<16xf32>,
      %parallel_loop3A_311 = vector.shape_cast %parallel_loop3A_310 : vector<16xf32> to vector<16xf32>
      %parallel_loop3A_312 = vector.shape_cast %parallel_loop3A_308 : vector<16xf32> to vector<16xf32>
      tpu.vector_store %arg8[%parallel_loop3A_309], %parallel_loop3A_312 {add = true, strides = array<i32>} : memref<65536xf32, #tpu.memory_space<vmem>>, vector<16xf32>,
      %parallel_loop3A_313 = arith.constant 48 : i32
      %parallel_loop3A_314 = arith.addi %parallel_loop3A_288, %parallel_loop3A_313 : i32
      %parallel_loop3A_315 = arith.mulf %parallel_loop3A_284, %sub3A_62 : vector<16xf32>
      %parallel_loop3A_316 = arith.addf %get3A_35, %parallel_loop3A_315 : vector<16xf32>
      %parallel_loop3A_317 = arith.index_cast %parallel_loop3A_314 : i32 to index
      %parallel_loop3A_318 = tpu.vector_load %arg8[%parallel_loop3A_317] {strides = array<i32>} : memref<65536xf32, #tpu.memory_space<vmem>>, vector<16xf32>,
      %parallel_loop3A_319 = vector.shape_cast %parallel_loop3A_318 : vector<16xf32> to vector<16xf32>
      %parallel_loop3A_320 = vector.shape_cast %parallel_loop3A_316 : vector<16xf32> to vector<16xf32>
      tpu.vector_store %arg8[%parallel_loop3A_317], %parallel_loop3A_320 {add = true, strides = array<i32>} : memref<65536xf32, #tpu.memory_space<vmem>>, vector<16xf32>,
      %parallel_loop3A_321 = arith.constant 64 : i32
      %parallel_loop3A_322 = arith.addi %parallel_loop3A_288, %parallel_loop3A_321 : i32
      %parallel_loop3A_323 = arith.mulf %parallel_loop3A_284, %sub3A_66 : vector<16xf32>
      %parallel_loop3A_324 = arith.addf %get3A_38, %parallel_loop3A_323 : vector<16xf32>
      %parallel_loop3A_325 = arith.index_cast %parallel_loop3A_322 : i32 to index
      %parallel_loop3A_326 = tpu.vector_load %arg8[%parallel_loop3A_325] {strides = array<i32>} : memref<65536xf32, #tpu.memory_space<vmem>>, vector<16xf32>,
      %parallel_loop3A_327 = vector.shape_cast %parallel_loop3A_326 : vector<16xf32> to vector<16xf32>
      %parallel_loop3A_328 = vector.shape_cast %parallel_loop3A_324 : vector<16xf32> to vector<16xf32>
      tpu.vector_store %arg8[%parallel_loop3A_325], %parallel_loop3A_328 {add = true, strides = array<i32>} : memref<65536xf32, #tpu.memory_space<vmem>>, vector<16xf32>,
      %parallel_loop3A_329 = arith.constant 80 : i32
      %parallel_loop3A_330 = arith.addi %parallel_loop3A_288, %parallel_loop3A_329 : i32
      %parallel_loop3A_331 = arith.mulf %parallel_loop3A_284, %sub3A_70 : vector<16xf32>
      %parallel_loop3A_332 = arith.addf %get3A_41, %parallel_loop3A_331 : vector<16xf32>
      %parallel_loop3A_333 = arith.index_cast %parallel_loop3A_330 : i32 to index
      %parallel_loop3A_334 = tpu.vector_load %arg8[%parallel_loop3A_333] {strides = array<i32>} : memref<65536xf32, #tpu.memory_space<vmem>>, vector<16xf32>,
      %parallel_loop3A_335 = vector.shape_cast %parallel_loop3A_334 : vector<16xf32> to vector<16xf32>
      %parallel_loop3A_336 = vector.shape_cast %parallel_loop3A_332 : vector<16xf32> to vector<16xf32>
      tpu.vector_store %arg8[%parallel_loop3A_333], %parallel_loop3A_336 {add = true, strides = array<i32>} : memref<65536xf32, #tpu.memory_space<vmem>>, vector<16xf32>,
      %parallel_loop3A_337 = arith.constant 96 : i32
      %parallel_loop3A_338 = arith.addi %parallel_loop3A_288, %parallel_loop3A_337 : i32
      %parallel_loop3A_339 = arith.mulf %parallel_loop3A_284, %sub3A_74 : vector<16xf32>
      %parallel_loop3A_340 = arith.addf %get3A_44, %parallel_loop3A_339 : vector<16xf32>
      %parallel_loop3A_341 = arith.index_cast %parallel_loop3A_338 : i32 to index
      %parallel_loop3A_342 = tpu.vector_load %arg8[%parallel_loop3A_341] {strides = array<i32>} : memref<65536xf32, #tpu.memory_space<vmem>>, vector<16xf32>,
      %parallel_loop3A_343 = vector.shape_cast %parallel_loop3A_342 : vector<16xf32> to vector<16xf32>
      %parallel_loop3A_344 = vector.shape_cast %parallel_loop3A_340 : vector<16xf32> to vector<16xf32>
      tpu.vector_store %arg8[%parallel_loop3A_341], %parallel_loop3A_344 {add = true, strides = array<i32>} : memref<65536xf32, #tpu.memory_space<vmem>>, vector<16xf32>,
      %parallel_loop3A_345 = arith.constant 112 : i32
      %parallel_loop3A_346 = arith.addi %parallel_loop3A_288, %parallel_loop3A_345 : i32
      %parallel_loop3A_347 = arith.mulf %parallel_loop3A_284, %sub3A_78 : vector<16xf32>
      %parallel_loop3A_348 = arith.addf %get3A_47, %parallel_loop3A_347 : vector<16xf32>
      %parallel_loop3A_349 = arith.index_cast %parallel_loop3A_346 : i32 to index
      %parallel_loop3A_350 = tpu.vector_load %arg8[%parallel_loop3A_349] {strides = array<i32>} : memref<65536xf32, #tpu.memory_space<vmem>>, vector<16xf32>,
      %parallel_loop3A_351 = vector.shape_cast %parallel_loop3A_350 : vector<16xf32> to vector<16xf32>
      %parallel_loop3A_352 = vector.shape_cast %parallel_loop3A_348 : vector<16xf32> to vector<16xf32>
      tpu.vector_store %arg8[%parallel_loop3A_349], %parallel_loop3A_352 {add = true, strides = array<i32>} : memref<65536xf32, #tpu.memory_space<vmem>>, vector<16xf32>,
      %parallel_loop3A_353 = vector.extract_strided_slice %parallel_loop3A_139 {offsets = [3], sizes = [1], strides = [1]} : vector<16xf32> to vector<1xf32>
      %parallel_loop3A_354 = vector.shape_cast %parallel_loop3A_353 : vector<1xf32> to vector<1xf32>
      %parallel_loop3A_355 = vector.broadcast %parallel_loop3A_354 : vector<1xf32> to vector<16xf32>
      %parallel_loop3A_356 = arith.constant 3 : i32
      %parallel_loop3A_357 = arith.addi %parallel_loop3A_132, %parallel_loop3A_356 : i32
      %parallel_loop3A_358 = arith.constant 128 : i32
      %parallel_loop3A_359 = arith.muli %parallel_loop3A_357, %parallel_loop3A_358 : i32
      %parallel_loop3A_360 = arith.constant 0 : i32
      %parallel_loop3A_361 = arith.addi %parallel_loop3A_359, %parallel_loop3A_360 : i32
      %parallel_loop3A_362 = arith.mulf %parallel_loop3A_355, %sub3A : vector<16xf32>
      %parallel_loop3A_363 = arith.addf %get3A_26, %parallel_loop3A_362 : vector<16xf32>
      %parallel_loop3A_364 = arith.index_cast %parallel_loop3A_361 : i32 to index
      %parallel_loop3A_365 = tpu.vector_load %arg8[%parallel_loop3A_364] {strides = array<i32>} : memref<65536xf32, #tpu.memory_space<vmem>>, vector<16xf32>,
      %parallel_loop3A_366 = vector.shape_cast %parallel_loop3A_365 : vector<16xf32> to vector<16xf32>
      %parallel_loop3A_367 = vector.shape_cast %parallel_loop3A_363 : vector<16xf32> to vector<16xf32>
      tpu.vector_store %arg8[%parallel_loop3A_364], %parallel_loop3A_367 {add = true, strides = array<i32>} : memref<65536xf32, #tpu.memory_space<vmem>>, vector<16xf32>,
      %parallel_loop3A_368 = arith.constant 16 : i32
      %parallel_loop3A_369 = arith.addi %parallel_loop3A_359, %parallel_loop3A_368 : i32
      %parallel_loop3A_370 = arith.mulf %parallel_loop3A_355, %sub3A_54 : vector<16xf32>
      %parallel_loop3A_371 = arith.addf %get3A_29, %parallel_loop3A_370 : vector<16xf32>
      %parallel_loop3A_372 = arith.index_cast %parallel_loop3A_369 : i32 to index
      %parallel_loop3A_373 = tpu.vector_load %arg8[%parallel_loop3A_372] {strides = array<i32>} : memref<65536xf32, #tpu.memory_space<vmem>>, vector<16xf32>,
      %parallel_loop3A_374 = vector.shape_cast %parallel_loop3A_373 : vector<16xf32> to vector<16xf32>
      %parallel_loop3A_375 = vector.shape_cast %parallel_loop3A_371 : vector<16xf32> to vector<16xf32>
      tpu.vector_store %arg8[%parallel_loop3A_372], %parallel_loop3A_375 {add = true, strides = array<i32>} : memref<65536xf32, #tpu.memory_space<vmem>>, vector<16xf32>,
      %parallel_loop3A_376 = arith.constant 32 : i32
      %parallel_loop3A_377 = arith.addi %parallel_loop3A_359, %parallel_loop3A_376 : i32
      %parallel_loop3A_378 = arith.mulf %parallel_loop3A_355, %sub3A_58 : vector<16xf32>
      %parallel_loop3A_379 = arith.addf %get3A_32, %parallel_loop3A_378 : vector<16xf32>
      %parallel_loop3A_380 = arith.index_cast %parallel_loop3A_377 : i32 to index
      %parallel_loop3A_381 = tpu.vector_load %arg8[%parallel_loop3A_380] {strides = array<i32>} : memref<65536xf32, #tpu.memory_space<vmem>>, vector<16xf32>,
      %parallel_loop3A_382 = vector.shape_cast %parallel_loop3A_381 : vector<16xf32> to vector<16xf32>
      %parallel_loop3A_383 = vector.shape_cast %parallel_loop3A_379 : vector<16xf32> to vector<16xf32>
      tpu.vector_store %arg8[%parallel_loop3A_380], %parallel_loop3A_383 {add = true, strides = array<i32>} : memref<65536xf32, #tpu.memory_space<vmem>>, vector<16xf32>,
      %parallel_loop3A_384 = arith.constant 48 : i32
      %parallel_loop3A_385 = arith.addi %parallel_loop3A_359, %parallel_loop3A_384 : i32
      %parallel_loop3A_386 = arith.mulf %parallel_loop3A_355, %sub3A_62 : vector<16xf32>
      %parallel_loop3A_387 = arith.addf %get3A_35, %parallel_loop3A_386 : vector<16xf32>
      %parallel_loop3A_388 = arith.index_cast %parallel_loop3A_385 : i32 to index
      %parallel_loop3A_389 = tpu.vector_load %arg8[%parallel_loop3A_388] {strides = array<i32>} : memref<65536xf32, #tpu.memory_space<vmem>>, vector<16xf32>,
      %parallel_loop3A_390 = vector.shape_cast %parallel_loop3A_389 : vector<16xf32> to vector<16xf32>
      %parallel_loop3A_391 = vector.shape_cast %parallel_loop3A_387 : vector<16xf32> to vector<16xf32>
      tpu.vector_store %arg8[%parallel_loop3A_388], %parallel_loop3A_391 {add = true, strides = array<i32>} : memref<65536xf32, #tpu.memory_space<vmem>>, vector<16xf32>,
      %parallel_loop3A_392 = arith.constant 64 : i32
      %parallel_loop3A_393 = arith.addi %parallel_loop3A_359, %parallel_loop3A_392 : i32
      %parallel_loop3A_394 = arith.mulf %parallel_loop3A_355, %sub3A_66 : vector<16xf32>
      %parallel_loop3A_395 = arith.addf %get3A_38, %parallel_loop3A_394 : vector<16xf32>
      %parallel_loop3A_396 = arith.index_cast %parallel_loop3A_393 : i32 to index
      %parallel_loop3A_397 = tpu.vector_load %arg8[%parallel_loop3A_396] {strides = array<i32>} : memref<65536xf32, #tpu.memory_space<vmem>>, vector<16xf32>,
      %parallel_loop3A_398 = vector.shape_cast %parallel_loop3A_397 : vector<16xf32> to vector<16xf32>
      %parallel_loop3A_399 = vector.shape_cast %parallel_loop3A_395 : vector<16xf32> to vector<16xf32>
      tpu.vector_store %arg8[%parallel_loop3A_396], %parallel_loop3A_399 {add = true, strides = array<i32>} : memref<65536xf32, #tpu.memory_space<vmem>>, vector<16xf32>,
      %parallel_loop3A_400 = arith.constant 80 : i32
      %parallel_loop3A_401 = arith.addi %parallel_loop3A_359, %parallel_loop3A_400 : i32
      %parallel_loop3A_402 = arith.mulf %parallel_loop3A_355, %sub3A_70 : vector<16xf32>
      %parallel_loop3A_403 = arith.addf %get3A_41, %parallel_loop3A_402 : vector<16xf32>
      %parallel_loop3A_404 = arith.index_cast %parallel_loop3A_401 : i32 to index
      %parallel_loop3A_405 = tpu.vector_load %arg8[%parallel_loop3A_404] {strides = array<i32>} : memref<65536xf32, #tpu.memory_space<vmem>>, vector<16xf32>,
      %parallel_loop3A_406 = vector.shape_cast %parallel_loop3A_405 : vector<16xf32> to vector<16xf32>
      %parallel_loop3A_407 = vector.shape_cast %parallel_loop3A_403 : vector<16xf32> to vector<16xf32>
      tpu.vector_store %arg8[%parallel_loop3A_404], %parallel_loop3A_407 {add = true, strides = array<i32>} : memref<65536xf32, #tpu.memory_space<vmem>>, vector<16xf32>,
      %parallel_loop3A_408 = arith.constant 96 : i32
      %parallel_loop3A_409 = arith.addi %parallel_loop3A_359, %parallel_loop3A_408 : i32
      %parallel_loop3A_410 = arith.mulf %parallel_loop3A_355, %sub3A_74 : vector<16xf32>
      %parallel_loop3A_411 = arith.addf %get3A_44, %parallel_loop3A_410 : vector<16xf32>
      %parallel_loop3A_412 = arith.index_cast %parallel_loop3A_409 : i32 to index
      %parallel_loop3A_413 = tpu.vector_load %arg8[%parallel_loop3A_412] {strides = array<i32>} : memref<65536xf32, #tpu.memory_space<vmem>>, vector<16xf32>,
      %parallel_loop3A_414 = vector.shape_cast %parallel_loop3A_413 : vector<16xf32> to vector<16xf32>
      %parallel_loop3A_415 = vector.shape_cast %parallel_loop3A_411 : vector<16xf32> to vector<16xf32>
      tpu.vector_store %arg8[%parallel_loop3A_412], %parallel_loop3A_415 {add = true, strides = array<i32>} : memref<65536xf32, #tpu.memory_space<vmem>>, vector<16xf32>,
      %parallel_loop3A_416 = arith.constant 112 : i32
      %parallel_loop3A_417 = arith.addi %parallel_loop3A_359, %parallel_loop3A_416 : i32
      %parallel_loop3A_418 = arith.mulf %parallel_loop3A_355, %sub3A_78 : vector<16xf32>
      %parallel_loop3A_419 = arith.addf %get3A_47, %parallel_loop3A_418 : vector<16xf32>
      %parallel_loop3A_420 = arith.index_cast %parallel_loop3A_417 : i32 to index
      %parallel_loop3A_421 = tpu.vector_load %arg8[%parallel_loop3A_420] {strides = array<i32>} : memref<65536xf32, #tpu.memory_space<vmem>>, vector<16xf32>,
      %parallel_loop3A_422 = vector.shape_cast %parallel_loop3A_421 : vector<16xf32> to vector<16xf32>
      %parallel_loop3A_423 = vector.shape_cast %parallel_loop3A_419 : vector<16xf32> to vector<16xf32>
      tpu.vector_store %arg8[%parallel_loop3A_420], %parallel_loop3A_423 {add = true, strides = array<i32>} : memref<65536xf32, #tpu.memory_space<vmem>>, vector<16xf32>,
      %parallel_loop3A_424 = vector.extract_strided_slice %parallel_loop3A_139 {offsets = [4], sizes = [1], strides = [1]} : vector<16xf32> to vector<1xf32>
      %parallel_loop3A_425 = vector.shape_cast %parallel_loop3A_424 : vector<1xf32> to vector<1xf32>
      %parallel_loop3A_426 = vector.broadcast %parallel_loop3A_425 : vector<1xf32> to vector<16xf32>
      %parallel_loop3A_427 = arith.constant 4 : i32
      %parallel_loop3A_428 = arith.addi %parallel_loop3A_132, %parallel_loop3A_427 : i32
      %parallel_loop3A_429 = arith.constant 128 : i32
      %parallel_loop3A_430 = arith.muli %parallel_loop3A_428, %parallel_loop3A_429 : i32
      %parallel_loop3A_431 = arith.constant 0 : i32
      %parallel_loop3A_432 = arith.addi %parallel_loop3A_430, %parallel_loop3A_431 : i32
      %parallel_loop3A_433 = arith.mulf %parallel_loop3A_426, %sub3A : vector<16xf32>
      %parallel_loop3A_434 = arith.addf %get3A_26, %parallel_loop3A_433 : vector<16xf32>
      %parallel_loop3A_435 = arith.index_cast %parallel_loop3A_432 : i32 to index
      %parallel_loop3A_436 = tpu.vector_load %arg8[%parallel_loop3A_435] {strides = array<i32>} : memref<65536xf32, #tpu.memory_space<vmem>>, vector<16xf32>,
      %parallel_loop3A_437 = vector.shape_cast %parallel_loop3A_436 : vector<16xf32> to vector<16xf32>
      %parallel_loop3A_438 = vector.shape_cast %parallel_loop3A_434 : vector<16xf32> to vector<16xf32>
      tpu.vector_store %arg8[%parallel_loop3A_435], %parallel_loop3A_438 {add = true, strides = array<i32>} : memref<65536xf32, #tpu.memory_space<vmem>>, vector<16xf32>,
      %parallel_loop3A_439 = arith.constant 16 : i32
      %parallel_loop3A_440 = arith.addi %parallel_loop3A_430, %parallel_loop3A_439 : i32
      %parallel_loop3A_441 = arith.mulf %parallel_loop3A_426, %sub3A_54 : vector<16xf32>
      %parallel_loop3A_442 = arith.addf %get3A_29, %parallel_loop3A_441 : vector<16xf32>
      %parallel_loop3A_443 = arith.index_cast %parallel_loop3A_440 : i32 to index
      %parallel_loop3A_444 = tpu.vector_load %arg8[%parallel_loop3A_443] {strides = array<i32>} : memref<65536xf32, #tpu.memory_space<vmem>>, vector<16xf32>,
      %parallel_loop3A_445 = vector.shape_cast %parallel_loop3A_444 : vector<16xf32> to vector<16xf32>
      %parallel_loop3A_446 = vector.shape_cast %parallel_loop3A_442 : vector<16xf32> to vector<16xf32>
      tpu.vector_store %arg8[%parallel_loop3A_443], %parallel_loop3A_446 {add = true, strides = array<i32>} : memref<65536xf32, #tpu.memory_space<vmem>>, vector<16xf32>,
      %parallel_loop3A_447 = arith.constant 32 : i32
      %parallel_loop3A_448 = arith.addi %parallel_loop3A_430, %parallel_loop3A_447 : i32
      %parallel_loop3A_449 = arith.mulf %parallel_loop3A_426, %sub3A_58 : vector<16xf32>
      %parallel_loop3A_450 = arith.addf %get3A_32, %parallel_loop3A_449 : vector<16xf32>
      %parallel_loop3A_451 = arith.index_cast %parallel_loop3A_448 : i32 to index
      %parallel_loop3A_452 = tpu.vector_load %arg8[%parallel_loop3A_451] {strides = array<i32>} : memref<65536xf32, #tpu.memory_space<vmem>>, vector<16xf32>,
      %parallel_loop3A_453 = vector.shape_cast %parallel_loop3A_452 : vector<16xf32> to vector<16xf32>
      %parallel_loop3A_454 = vector.shape_cast %parallel_loop3A_450 : vector<16xf32> to vector<16xf32>
      tpu.vector_store %arg8[%parallel_loop3A_451], %parallel_loop3A_454 {add = true, strides = array<i32>} : memref<65536xf32, #tpu.memory_space<vmem>>, vector<16xf32>,
      %parallel_loop3A_455 = arith.constant 48 : i32
      %parallel_loop3A_456 = arith.addi %parallel_loop3A_430, %parallel_loop3A_455 : i32
      %parallel_loop3A_457 = arith.mulf %parallel_loop3A_426, %sub3A_62 : vector<16xf32>
      %parallel_loop3A_458 = arith.addf %get3A_35, %parallel_loop3A_457 : vector<16xf32>
      %parallel_loop3A_459 = arith.index_cast %parallel_loop3A_456 : i32 to index
      %parallel_loop3A_460 = tpu.vector_load %arg8[%parallel_loop3A_459] {strides = array<i32>} : memref<65536xf32, #tpu.memory_space<vmem>>, vector<16xf32>,
      %parallel_loop3A_461 = vector.shape_cast %parallel_loop3A_460 : vector<16xf32> to vector<16xf32>
      %parallel_loop3A_462 = vector.shape_cast %parallel_loop3A_458 : vector<16xf32> to vector<16xf32>
      tpu.vector_store %arg8[%parallel_loop3A_459], %parallel_loop3A_462 {add = true, strides = array<i32>} : memref<65536xf32, #tpu.memory_space<vmem>>, vector<16xf32>,
      %parallel_loop3A_463 = arith.constant 64 : i32
      %parallel_loop3A_464 = arith.addi %parallel_loop3A_430, %parallel_loop3A_463 : i32
      %parallel_loop3A_465 = arith.mulf %parallel_loop3A_426, %sub3A_66 : vector<16xf32>
      %parallel_loop3A_466 = arith.addf %get3A_38, %parallel_loop3A_465 : vector<16xf32>
      %parallel_loop3A_467 = arith.index_cast %parallel_loop3A_464 : i32 to index
      %parallel_loop3A_468 = tpu.vector_load %arg8[%parallel_loop3A_467] {strides = array<i32>} : memref<65536xf32, #tpu.memory_space<vmem>>, vector<16xf32>,
      %parallel_loop3A_469 = vector.shape_cast %parallel_loop3A_468 : vector<16xf32> to vector<16xf32>
      %parallel_loop3A_470 = vector.shape_cast %parallel_loop3A_466 : vector<16xf32> to vector<16xf32>
      tpu.vector_store %arg8[%parallel_loop3A_467], %parallel_loop3A_470 {add = true, strides = array<i32>} : memref<65536xf32, #tpu.memory_space<vmem>>, vector<16xf32>,
      %parallel_loop3A_471 = arith.constant 80 : i32
      %parallel_loop3A_472 = arith.addi %parallel_loop3A_430, %parallel_loop3A_471 : i32
      %parallel_loop3A_473 = arith.mulf %parallel_loop3A_426, %sub3A_70 : vector<16xf32>
      %parallel_loop3A_474 = arith.addf %get3A_41, %parallel_loop3A_473 : vector<16xf32>
      %parallel_loop3A_475 = arith.index_cast %parallel_loop3A_472 : i32 to index
      %parallel_loop3A_476 = tpu.vector_load %arg8[%parallel_loop3A_475] {strides = array<i32>} : memref<65536xf32, #tpu.memory_space<vmem>>, vector<16xf32>,
      %parallel_loop3A_477 = vector.shape_cast %parallel_loop3A_476 : vector<16xf32> to vector<16xf32>
      %parallel_loop3A_478 = vector.shape_cast %parallel_loop3A_474 : vector<16xf32> to vector<16xf32>
      tpu.vector_store %arg8[%parallel_loop3A_475], %parallel_loop3A_478 {add = true, strides = array<i32>} : memref<65536xf32, #tpu.memory_space<vmem>>, vector<16xf32>,
      %parallel_loop3A_479 = arith.constant 96 : i32
      %parallel_loop3A_480 = arith.addi %parallel_loop3A_430, %parallel_loop3A_479 : i32
      %parallel_loop3A_481 = arith.mulf %parallel_loop3A_426, %sub3A_74 : vector<16xf32>
      %parallel_loop3A_482 = arith.addf %get3A_44, %parallel_loop3A_481 : vector<16xf32>
      %parallel_loop3A_483 = arith.index_cast %parallel_loop3A_480 : i32 to index
      %parallel_loop3A_484 = tpu.vector_load %arg8[%parallel_loop3A_483] {strides = array<i32>} : memref<65536xf32, #tpu.memory_space<vmem>>, vector<16xf32>,
      %parallel_loop3A_485 = vector.shape_cast %parallel_loop3A_484 : vector<16xf32> to vector<16xf32>
      %parallel_loop3A_486 = vector.shape_cast %parallel_loop3A_482 : vector<16xf32> to vector<16xf32>
      tpu.vector_store %arg8[%parallel_loop3A_483], %parallel_loop3A_486 {add = true, strides = array<i32>} : memref<65536xf32, #tpu.memory_space<vmem>>, vector<16xf32>,
      %parallel_loop3A_487 = arith.constant 112 : i32
      %parallel_loop3A_488 = arith.addi %parallel_loop3A_430, %parallel_loop3A_487 : i32
      %parallel_loop3A_489 = arith.mulf %parallel_loop3A_426, %sub3A_78 : vector<16xf32>
      %parallel_loop3A_490 = arith.addf %get3A_47, %parallel_loop3A_489 : vector<16xf32>
      %parallel_loop3A_491 = arith.index_cast %parallel_loop3A_488 : i32 to index
      %parallel_loop3A_492 = tpu.vector_load %arg8[%parallel_loop3A_491] {strides = array<i32>} : memref<65536xf32, #tpu.memory_space<vmem>>, vector<16xf32>,
      %parallel_loop3A_493 = vector.shape_cast %parallel_loop3A_492 : vector<16xf32> to vector<16xf32>
      %parallel_loop3A_494 = vector.shape_cast %parallel_loop3A_490 : vector<16xf32> to vector<16xf32>
      tpu.vector_store %arg8[%parallel_loop3A_491], %parallel_loop3A_494 {add = true, strides = array<i32>} : memref<65536xf32, #tpu.memory_space<vmem>>, vector<16xf32>,
      %parallel_loop3A_495 = vector.extract_strided_slice %parallel_loop3A_139 {offsets = [5], sizes = [1], strides = [1]} : vector<16xf32> to vector<1xf32>
      %parallel_loop3A_496 = vector.shape_cast %parallel_loop3A_495 : vector<1xf32> to vector<1xf32>
      %parallel_loop3A_497 = vector.broadcast %parallel_loop3A_496 : vector<1xf32> to vector<16xf32>
      %parallel_loop3A_498 = arith.constant 5 : i32
      %parallel_loop3A_499 = arith.addi %parallel_loop3A_132, %parallel_loop3A_498 : i32
      %parallel_loop3A_500 = arith.constant 128 : i32
      %parallel_loop3A_501 = arith.muli %parallel_loop3A_499, %parallel_loop3A_500 : i32
      %parallel_loop3A_502 = arith.constant 0 : i32
      %parallel_loop3A_503 = arith.addi %parallel_loop3A_501, %parallel_loop3A_502 : i32
      %parallel_loop3A_504 = arith.mulf %parallel_loop3A_497, %sub3A : vector<16xf32>
      %parallel_loop3A_505 = arith.addf %get3A_26, %parallel_loop3A_504 : vector<16xf32>
      %parallel_loop3A_506 = arith.index_cast %parallel_loop3A_503 : i32 to index
      %parallel_loop3A_507 = tpu.vector_load %arg8[%parallel_loop3A_506] {strides = array<i32>} : memref<65536xf32, #tpu.memory_space<vmem>>, vector<16xf32>,
      %parallel_loop3A_508 = vector.shape_cast %parallel_loop3A_507 : vector<16xf32> to vector<16xf32>
      %parallel_loop3A_509 = vector.shape_cast %parallel_loop3A_505 : vector<16xf32> to vector<16xf32>
      tpu.vector_store %arg8[%parallel_loop3A_506], %parallel_loop3A_509 {add = true, strides = array<i32>} : memref<65536xf32, #tpu.memory_space<vmem>>, vector<16xf32>,
      %parallel_loop3A_510 = arith.constant 16 : i32
      %parallel_loop3A_511 = arith.addi %parallel_loop3A_501, %parallel_loop3A_510 : i32
      %parallel_loop3A_512 = arith.mulf %parallel_loop3A_497, %sub3A_54 : vector<16xf32>
      %parallel_loop3A_513 = arith.addf %get3A_29, %parallel_loop3A_512 : vector<16xf32>
      %parallel_loop3A_514 = arith.index_cast %parallel_loop3A_511 : i32 to index
      %parallel_loop3A_515 = tpu.vector_load %arg8[%parallel_loop3A_514] {strides = array<i32>} : memref<65536xf32, #tpu.memory_space<vmem>>, vector<16xf32>,
      %parallel_loop3A_516 = vector.shape_cast %parallel_loop3A_515 : vector<16xf32> to vector<16xf32>
      %parallel_loop3A_517 = vector.shape_cast %parallel_loop3A_513 : vector<16xf32> to vector<16xf32>
      tpu.vector_store %arg8[%parallel_loop3A_514], %parallel_loop3A_517 {add = true, strides = array<i32>} : memref<65536xf32, #tpu.memory_space<vmem>>, vector<16xf32>,
      %parallel_loop3A_518 = arith.constant 32 : i32
      %parallel_loop3A_519 = arith.addi %parallel_loop3A_501, %parallel_loop3A_518 : i32
      %parallel_loop3A_520 = arith.mulf %parallel_loop3A_497, %sub3A_58 : vector<16xf32>
      %parallel_loop3A_521 = arith.addf %get3A_32, %parallel_loop3A_520 : vector<16xf32>
      %parallel_loop3A_522 = arith.index_cast %parallel_loop3A_519 : i32 to index
      %parallel_loop3A_523 = tpu.vector_load %arg8[%parallel_loop3A_522] {strides = array<i32>} : memref<65536xf32, #tpu.memory_space<vmem>>, vector<16xf32>,
      %parallel_loop3A_524 = vector.shape_cast %parallel_loop3A_523 : vector<16xf32> to vector<16xf32>
      %parallel_loop3A_525 = vector.shape_cast %parallel_loop3A_521 : vector<16xf32> to vector<16xf32>
      tpu.vector_store %arg8[%parallel_loop3A_522], %parallel_loop3A_525 {add = true, strides = array<i32>} : memref<65536xf32, #tpu.memory_space<vmem>>, vector<16xf32>,
      %parallel_loop3A_526 = arith.constant 48 : i32
      %parallel_loop3A_527 = arith.addi %parallel_loop3A_501, %parallel_loop3A_526 : i32
      %parallel_loop3A_528 = arith.mulf %parallel_loop3A_497, %sub3A_62 : vector<16xf32>
      %parallel_loop3A_529 = arith.addf %get3A_35, %parallel_loop3A_528 : vector<16xf32>
      %parallel_loop3A_530 = arith.index_cast %parallel_loop3A_527 : i32 to index
      %parallel_loop3A_531 = tpu.vector_load %arg8[%parallel_loop3A_530] {strides = array<i32>} : memref<65536xf32, #tpu.memory_space<vmem>>, vector<16xf32>,
      %parallel_loop3A_532 = vector.shape_cast %parallel_loop3A_531 : vector<16xf32> to vector<16xf32>
      %parallel_loop3A_533 = vector.shape_cast %parallel_loop3A_529 : vector<16xf32> to vector<16xf32>
      tpu.vector_store %arg8[%parallel_loop3A_530], %parallel_loop3A_533 {add = true, strides = array<i32>} : memref<65536xf32, #tpu.memory_space<vmem>>, vector<16xf32>,
      %parallel_loop3A_534 = arith.constant 64 : i32
      %parallel_loop3A_535 = arith.addi %parallel_loop3A_501, %parallel_loop3A_534 : i32
      %parallel_loop3A_536 = arith.mulf %parallel_loop3A_497, %sub3A_66 : vector<16xf32>
      %parallel_loop3A_537 = arith.addf %get3A_38, %parallel_loop3A_536 : vector<16xf32>
      %parallel_loop3A_538 = arith.index_cast %parallel_loop3A_535 : i32 to index
      %parallel_loop3A_539 = tpu.vector_load %arg8[%parallel_loop3A_538] {strides = array<i32>} : memref<65536xf32, #tpu.memory_space<vmem>>, vector<16xf32>,
      %parallel_loop3A_540 = vector.shape_cast %parallel_loop3A_539 : vector<16xf32> to vector<16xf32>
      %parallel_loop3A_541 = vector.shape_cast %parallel_loop3A_537 : vector<16xf32> to vector<16xf32>
      tpu.vector_store %arg8[%parallel_loop3A_538], %parallel_loop3A_541 {add = true, strides = array<i32>} : memref<65536xf32, #tpu.memory_space<vmem>>, vector<16xf32>,
      %parallel_loop3A_542 = arith.constant 80 : i32
      %parallel_loop3A_543 = arith.addi %parallel_loop3A_501, %parallel_loop3A_542 : i32
      %parallel_loop3A_544 = arith.mulf %parallel_loop3A_497, %sub3A_70 : vector<16xf32>
      %parallel_loop3A_545 = arith.addf %get3A_41, %parallel_loop3A_544 : vector<16xf32>
      %parallel_loop3A_546 = arith.index_cast %parallel_loop3A_543 : i32 to index
      %parallel_loop3A_547 = tpu.vector_load %arg8[%parallel_loop3A_546] {strides = array<i32>} : memref<65536xf32, #tpu.memory_space<vmem>>, vector<16xf32>,
      %parallel_loop3A_548 = vector.shape_cast %parallel_loop3A_547 : vector<16xf32> to vector<16xf32>
      %parallel_loop3A_549 = vector.shape_cast %parallel_loop3A_545 : vector<16xf32> to vector<16xf32>
      tpu.vector_store %arg8[%parallel_loop3A_546], %parallel_loop3A_549 {add = true, strides = array<i32>} : memref<65536xf32, #tpu.memory_space<vmem>>, vector<16xf32>,
      %parallel_loop3A_550 = arith.constant 96 : i32
      %parallel_loop3A_551 = arith.addi %parallel_loop3A_501, %parallel_loop3A_550 : i32
      %parallel_loop3A_552 = arith.mulf %parallel_loop3A_497, %sub3A_74 : vector<16xf32>
      %parallel_loop3A_553 = arith.addf %get3A_44, %parallel_loop3A_552 : vector<16xf32>
      %parallel_loop3A_554 = arith.index_cast %parallel_loop3A_551 : i32 to index
      %parallel_loop3A_555 = tpu.vector_load %arg8[%parallel_loop3A_554] {strides = array<i32>} : memref<65536xf32, #tpu.memory_space<vmem>>, vector<16xf32>,
      %parallel_loop3A_556 = vector.shape_cast %parallel_loop3A_555 : vector<16xf32> to vector<16xf32>
      %parallel_loop3A_557 = vector.shape_cast %parallel_loop3A_553 : vector<16xf32> to vector<16xf32>
      tpu.vector_store %arg8[%parallel_loop3A_554], %parallel_loop3A_557 {add = true, strides = array<i32>} : memref<65536xf32, #tpu.memory_space<vmem>>, vector<16xf32>,
      %parallel_loop3A_558 = arith.constant 112 : i32
      %parallel_loop3A_559 = arith.addi %parallel_loop3A_501, %parallel_loop3A_558 : i32
      %parallel_loop3A_560 = arith.mulf %parallel_loop3A_497, %sub3A_78 : vector<16xf32>
      %parallel_loop3A_561 = arith.addf %get3A_47, %parallel_loop3A_560 : vector<16xf32>
      %parallel_loop3A_562 = arith.index_cast %parallel_loop3A_559 : i32 to index
      %parallel_loop3A_563 = tpu.vector_load %arg8[%parallel_loop3A_562] {strides = array<i32>} : memref<65536xf32, #tpu.memory_space<vmem>>, vector<16xf32>,
      %parallel_loop3A_564 = vector.shape_cast %parallel_loop3A_563 : vector<16xf32> to vector<16xf32>
      %parallel_loop3A_565 = vector.shape_cast %parallel_loop3A_561 : vector<16xf32> to vector<16xf32>
      tpu.vector_store %arg8[%parallel_loop3A_562], %parallel_loop3A_565 {add = true, strides = array<i32>} : memref<65536xf32, #tpu.memory_space<vmem>>, vector<16xf32>,
      %parallel_loop3A_566 = vector.extract_strided_slice %parallel_loop3A_139 {offsets = [6], sizes = [1], strides = [1]} : vector<16xf32> to vector<1xf32>
      %parallel_loop3A_567 = vector.shape_cast %parallel_loop3A_566 : vector<1xf32> to vector<1xf32>
      %parallel_loop3A_568 = vector.broadcast %parallel_loop3A_567 : vector<1xf32> to vector<16xf32>
      %parallel_loop3A_569 = arith.constant 6 : i32
      %parallel_loop3A_570 = arith.addi %parallel_loop3A_132, %parallel_loop3A_569 : i32
      %parallel_loop3A_571 = arith.constant 128 : i32
      %parallel_loop3A_572 = arith.muli %parallel_loop3A_570, %parallel_loop3A_571 : i32
      %parallel_loop3A_573 = arith.constant 0 : i32
      %parallel_loop3A_574 = arith.addi %parallel_loop3A_572, %parallel_loop3A_573 : i32
      %parallel_loop3A_575 = arith.mulf %parallel_loop3A_568, %sub3A : vector<16xf32>
      %parallel_loop3A_576 = arith.addf %get3A_26, %parallel_loop3A_575 : vector<16xf32>
      %parallel_loop3A_577 = arith.index_cast %parallel_loop3A_574 : i32 to index
      %parallel_loop3A_578 = tpu.vector_load %arg8[%parallel_loop3A_577] {strides = array<i32>} : memref<65536xf32, #tpu.memory_space<vmem>>, vector<16xf32>,
      %parallel_loop3A_579 = vector.shape_cast %parallel_loop3A_578 : vector<16xf32> to vector<16xf32>
      %parallel_loop3A_580 = vector.shape_cast %parallel_loop3A_576 : vector<16xf32> to vector<16xf32>
      tpu.vector_store %arg8[%parallel_loop3A_577], %parallel_loop3A_580 {add = true, strides = array<i32>} : memref<65536xf32, #tpu.memory_space<vmem>>, vector<16xf32>,
      %parallel_loop3A_581 = arith.constant 16 : i32
      %parallel_loop3A_582 = arith.addi %parallel_loop3A_572, %parallel_loop3A_581 : i32
      %parallel_loop3A_583 = arith.mulf %parallel_loop3A_568, %sub3A_54 : vector<16xf32>
      %parallel_loop3A_584 = arith.addf %get3A_29, %parallel_loop3A_583 : vector<16xf32>
      %parallel_loop3A_585 = arith.index_cast %parallel_loop3A_582 : i32 to index
      %parallel_loop3A_586 = tpu.vector_load %arg8[%parallel_loop3A_585] {strides = array<i32>} : memref<65536xf32, #tpu.memory_space<vmem>>, vector<16xf32>,
      %parallel_loop3A_587 = vector.shape_cast %parallel_loop3A_586 : vector<16xf32> to vector<16xf32>
      %parallel_loop3A_588 = vector.shape_cast %parallel_loop3A_584 : vector<16xf32> to vector<16xf32>
      tpu.vector_store %arg8[%parallel_loop3A_585], %parallel_loop3A_588 {add = true, strides = array<i32>} : memref<65536xf32, #tpu.memory_space<vmem>>, vector<16xf32>,
      %parallel_loop3A_589 = arith.constant 32 : i32
      %parallel_loop3A_590 = arith.addi %parallel_loop3A_572, %parallel_loop3A_589 : i32
      %parallel_loop3A_591 = arith.mulf %parallel_loop3A_568, %sub3A_58 : vector<16xf32>
      %parallel_loop3A_592 = arith.addf %get3A_32, %parallel_loop3A_591 : vector<16xf32>
      %parallel_loop3A_593 = arith.index_cast %parallel_loop3A_590 : i32 to index
      %parallel_loop3A_594 = tpu.vector_load %arg8[%parallel_loop3A_593] {strides = array<i32>} : memref<65536xf32, #tpu.memory_space<vmem>>, vector<16xf32>,
      %parallel_loop3A_595 = vector.shape_cast %parallel_loop3A_594 : vector<16xf32> to vector<16xf32>
      %parallel_loop3A_596 = vector.shape_cast %parallel_loop3A_592 : vector<16xf32> to vector<16xf32>
      tpu.vector_store %arg8[%parallel_loop3A_593], %parallel_loop3A_596 {add = true, strides = array<i32>} : memref<65536xf32, #tpu.memory_space<vmem>>, vector<16xf32>,
      %parallel_loop3A_597 = arith.constant 48 : i32
      %parallel_loop3A_598 = arith.addi %parallel_loop3A_572, %parallel_loop3A_597 : i32
      %parallel_loop3A_599 = arith.mulf %parallel_loop3A_568, %sub3A_62 : vector<16xf32>
      %parallel_loop3A_600 = arith.addf %get3A_35, %parallel_loop3A_599 : vector<16xf32>
      %parallel_loop3A_601 = arith.index_cast %parallel_loop3A_598 : i32 to index
      %parallel_loop3A_602 = tpu.vector_load %arg8[%parallel_loop3A_601] {strides = array<i32>} : memref<65536xf32, #tpu.memory_space<vmem>>, vector<16xf32>,
      %parallel_loop3A_603 = vector.shape_cast %parallel_loop3A_602 : vector<16xf32> to vector<16xf32>
      %parallel_loop3A_604 = vector.shape_cast %parallel_loop3A_600 : vector<16xf32> to vector<16xf32>
      tpu.vector_store %arg8[%parallel_loop3A_601], %parallel_loop3A_604 {add = true, strides = array<i32>} : memref<65536xf32, #tpu.memory_space<vmem>>, vector<16xf32>,
      %parallel_loop3A_605 = arith.constant 64 : i32
      %parallel_loop3A_606 = arith.addi %parallel_loop3A_572, %parallel_loop3A_605 : i32
      %parallel_loop3A_607 = arith.mulf %parallel_loop3A_568, %sub3A_66 : vector<16xf32>
      %parallel_loop3A_608 = arith.addf %get3A_38, %parallel_loop3A_607 : vector<16xf32>
      %parallel_loop3A_609 = arith.index_cast %parallel_loop3A_606 : i32 to index
      %parallel_loop3A_610 = tpu.vector_load %arg8[%parallel_loop3A_609] {strides = array<i32>} : memref<65536xf32, #tpu.memory_space<vmem>>, vector<16xf32>,
      %parallel_loop3A_611 = vector.shape_cast %parallel_loop3A_610 : vector<16xf32> to vector<16xf32>
      %parallel_loop3A_612 = vector.shape_cast %parallel_loop3A_608 : vector<16xf32> to vector<16xf32>
      tpu.vector_store %arg8[%parallel_loop3A_609], %parallel_loop3A_612 {add = true, strides = array<i32>} : memref<65536xf32, #tpu.memory_space<vmem>>, vector<16xf32>,
      %parallel_loop3A_613 = arith.constant 80 : i32
      %parallel_loop3A_614 = arith.addi %parallel_loop3A_572, %parallel_loop3A_613 : i32
      %parallel_loop3A_615 = arith.mulf %parallel_loop3A_568, %sub3A_70 : vector<16xf32>
      %parallel_loop3A_616 = arith.addf %get3A_41, %parallel_loop3A_615 : vector<16xf32>
      %parallel_loop3A_617 = arith.index_cast %parallel_loop3A_614 : i32 to index
      %parallel_loop3A_618 = tpu.vector_load %arg8[%parallel_loop3A_617] {strides = array<i32>} : memref<65536xf32, #tpu.memory_space<vmem>>, vector<16xf32>,
      %parallel_loop3A_619 = vector.shape_cast %parallel_loop3A_618 : vector<16xf32> to vector<16xf32>
      %parallel_loop3A_620 = vector.shape_cast %parallel_loop3A_616 : vector<16xf32> to vector<16xf32>
      tpu.vector_store %arg8[%parallel_loop3A_617], %parallel_loop3A_620 {add = true, strides = array<i32>} : memref<65536xf32, #tpu.memory_space<vmem>>, vector<16xf32>,
      %parallel_loop3A_621 = arith.constant 96 : i32
      %parallel_loop3A_622 = arith.addi %parallel_loop3A_572, %parallel_loop3A_621 : i32
      %parallel_loop3A_623 = arith.mulf %parallel_loop3A_568, %sub3A_74 : vector<16xf32>
      %parallel_loop3A_624 = arith.addf %get3A_44, %parallel_loop3A_623 : vector<16xf32>
      %parallel_loop3A_625 = arith.index_cast %parallel_loop3A_622 : i32 to index
      %parallel_loop3A_626 = tpu.vector_load %arg8[%parallel_loop3A_625] {strides = array<i32>} : memref<65536xf32, #tpu.memory_space<vmem>>, vector<16xf32>,
      %parallel_loop3A_627 = vector.shape_cast %parallel_loop3A_626 : vector<16xf32> to vector<16xf32>
      %parallel_loop3A_628 = vector.shape_cast %parallel_loop3A_624 : vector<16xf32> to vector<16xf32>
      tpu.vector_store %arg8[%parallel_loop3A_625], %parallel_loop3A_628 {add = true, strides = array<i32>} : memref<65536xf32, #tpu.memory_space<vmem>>, vector<16xf32>,
      %parallel_loop3A_629 = arith.constant 112 : i32
      %parallel_loop3A_630 = arith.addi %parallel_loop3A_572, %parallel_loop3A_629 : i32
      %parallel_loop3A_631 = arith.mulf %parallel_loop3A_568, %sub3A_78 : vector<16xf32>
      %parallel_loop3A_632 = arith.addf %get3A_47, %parallel_loop3A_631 : vector<16xf32>
      %parallel_loop3A_633 = arith.index_cast %parallel_loop3A_630 : i32 to index
      %parallel_loop3A_634 = tpu.vector_load %arg8[%parallel_loop3A_633] {strides = array<i32>} : memref<65536xf32, #tpu.memory_space<vmem>>, vector<16xf32>,
      %parallel_loop3A_635 = vector.shape_cast %parallel_loop3A_634 : vector<16xf32> to vector<16xf32>
      %parallel_loop3A_636 = vector.shape_cast %parallel_loop3A_632 : vector<16xf32> to vector<16xf32>
      tpu.vector_store %arg8[%parallel_loop3A_633], %parallel_loop3A_636 {add = true, strides = array<i32>} : memref<65536xf32, #tpu.memory_space<vmem>>, vector<16xf32>,
      %parallel_loop3A_637 = vector.extract_strided_slice %parallel_loop3A_139 {offsets = [7], sizes = [1], strides = [1]} : vector<16xf32> to vector<1xf32>
      %parallel_loop3A_638 = vector.shape_cast %parallel_loop3A_637 : vector<1xf32> to vector<1xf32>
      %parallel_loop3A_639 = vector.broadcast %parallel_loop3A_638 : vector<1xf32> to vector<16xf32>
      %parallel_loop3A_640 = arith.constant 7 : i32
      %parallel_loop3A_641 = arith.addi %parallel_loop3A_132, %parallel_loop3A_640 : i32
      %parallel_loop3A_642 = arith.constant 128 : i32
      %parallel_loop3A_643 = arith.muli %parallel_loop3A_641, %parallel_loop3A_642 : i32
      %parallel_loop3A_644 = arith.constant 0 : i32
      %parallel_loop3A_645 = arith.addi %parallel_loop3A_643, %parallel_loop3A_644 : i32
      %parallel_loop3A_646 = arith.mulf %parallel_loop3A_639, %sub3A : vector<16xf32>
      %parallel_loop3A_647 = arith.addf %get3A_26, %parallel_loop3A_646 : vector<16xf32>
      %parallel_loop3A_648 = arith.index_cast %parallel_loop3A_645 : i32 to index
      %parallel_loop3A_649 = tpu.vector_load %arg8[%parallel_loop3A_648] {strides = array<i32>} : memref<65536xf32, #tpu.memory_space<vmem>>, vector<16xf32>,
      %parallel_loop3A_650 = vector.shape_cast %parallel_loop3A_649 : vector<16xf32> to vector<16xf32>
      %parallel_loop3A_651 = vector.shape_cast %parallel_loop3A_647 : vector<16xf32> to vector<16xf32>
      tpu.vector_store %arg8[%parallel_loop3A_648], %parallel_loop3A_651 {add = true, strides = array<i32>} : memref<65536xf32, #tpu.memory_space<vmem>>, vector<16xf32>,
      %parallel_loop3A_652 = arith.constant 16 : i32
      %parallel_loop3A_653 = arith.addi %parallel_loop3A_643, %parallel_loop3A_652 : i32
      %parallel_loop3A_654 = arith.mulf %parallel_loop3A_639, %sub3A_54 : vector<16xf32>
      %parallel_loop3A_655 = arith.addf %get3A_29, %parallel_loop3A_654 : vector<16xf32>
      %parallel_loop3A_656 = arith.index_cast %parallel_loop3A_653 : i32 to index
      %parallel_loop3A_657 = tpu.vector_load %arg8[%parallel_loop3A_656] {strides = array<i32>} : memref<65536xf32, #tpu.memory_space<vmem>>, vector<16xf32>,
      %parallel_loop3A_658 = vector.shape_cast %parallel_loop3A_657 : vector<16xf32> to vector<16xf32>
      %parallel_loop3A_659 = vector.shape_cast %parallel_loop3A_655 : vector<16xf32> to vector<16xf32>
      tpu.vector_store %arg8[%parallel_loop3A_656], %parallel_loop3A_659 {add = true, strides = array<i32>} : memref<65536xf32, #tpu.memory_space<vmem>>, vector<16xf32>,
      %parallel_loop3A_660 = arith.constant 32 : i32
      %parallel_loop3A_661 = arith.addi %parallel_loop3A_643, %parallel_loop3A_660 : i32
      %parallel_loop3A_662 = arith.mulf %parallel_loop3A_639, %sub3A_58 : vector<16xf32>
      %parallel_loop3A_663 = arith.addf %get3A_32, %parallel_loop3A_662 : vector<16xf32>
      %parallel_loop3A_664 = arith.index_cast %parallel_loop3A_661 : i32 to index
      %parallel_loop3A_665 = tpu.vector_load %arg8[%parallel_loop3A_664] {strides = array<i32>} : memref<65536xf32, #tpu.memory_space<vmem>>, vector<16xf32>,
      %parallel_loop3A_666 = vector.shape_cast %parallel_loop3A_665 : vector<16xf32> to vector<16xf32>
      %parallel_loop3A_667 = vector.shape_cast %parallel_loop3A_663 : vector<16xf32> to vector<16xf32>
      tpu.vector_store %arg8[%parallel_loop3A_664], %parallel_loop3A_667 {add = true, strides = array<i32>} : memref<65536xf32, #tpu.memory_space<vmem>>, vector<16xf32>,
      %parallel_loop3A_668 = arith.constant 48 : i32
      %parallel_loop3A_669 = arith.addi %parallel_loop3A_643, %parallel_loop3A_668 : i32
      %parallel_loop3A_670 = arith.mulf %parallel_loop3A_639, %sub3A_62 : vector<16xf32>
      %parallel_loop3A_671 = arith.addf %get3A_35, %parallel_loop3A_670 : vector<16xf32>
      %parallel_loop3A_672 = arith.index_cast %parallel_loop3A_669 : i32 to index
      %parallel_loop3A_673 = tpu.vector_load %arg8[%parallel_loop3A_672] {strides = array<i32>} : memref<65536xf32, #tpu.memory_space<vmem>>, vector<16xf32>,
      %parallel_loop3A_674 = vector.shape_cast %parallel_loop3A_673 : vector<16xf32> to vector<16xf32>
      %parallel_loop3A_675 = vector.shape_cast %parallel_loop3A_671 : vector<16xf32> to vector<16xf32>
      tpu.vector_store %arg8[%parallel_loop3A_672], %parallel_loop3A_675 {add = true, strides = array<i32>} : memref<65536xf32, #tpu.memory_space<vmem>>, vector<16xf32>,
      %parallel_loop3A_676 = arith.constant 64 : i32
      %parallel_loop3A_677 = arith.addi %parallel_loop3A_643, %parallel_loop3A_676 : i32
      %parallel_loop3A_678 = arith.mulf %parallel_loop3A_639, %sub3A_66 : vector<16xf32>
      %parallel_loop3A_679 = arith.addf %get3A_38, %parallel_loop3A_678 : vector<16xf32>
      %parallel_loop3A_680 = arith.index_cast %parallel_loop3A_677 : i32 to index
      %parallel_loop3A_681 = tpu.vector_load %arg8[%parallel_loop3A_680] {strides = array<i32>} : memref<65536xf32, #tpu.memory_space<vmem>>, vector<16xf32>,
      %parallel_loop3A_682 = vector.shape_cast %parallel_loop3A_681 : vector<16xf32> to vector<16xf32>
      %parallel_loop3A_683 = vector.shape_cast %parallel_loop3A_679 : vector<16xf32> to vector<16xf32>
      tpu.vector_store %arg8[%parallel_loop3A_680], %parallel_loop3A_683 {add = true, strides = array<i32>} : memref<65536xf32, #tpu.memory_space<vmem>>, vector<16xf32>,
      %parallel_loop3A_684 = arith.constant 80 : i32
      %parallel_loop3A_685 = arith.addi %parallel_loop3A_643, %parallel_loop3A_684 : i32
      %parallel_loop3A_686 = arith.mulf %parallel_loop3A_639, %sub3A_70 : vector<16xf32>
      %parallel_loop3A_687 = arith.addf %get3A_41, %parallel_loop3A_686 : vector<16xf32>
      %parallel_loop3A_688 = arith.index_cast %parallel_loop3A_685 : i32 to index
      %parallel_loop3A_689 = tpu.vector_load %arg8[%parallel_loop3A_688] {strides = array<i32>} : memref<65536xf32, #tpu.memory_space<vmem>>, vector<16xf32>,
      %parallel_loop3A_690 = vector.shape_cast %parallel_loop3A_689 : vector<16xf32> to vector<16xf32>
      %parallel_loop3A_691 = vector.shape_cast %parallel_loop3A_687 : vector<16xf32> to vector<16xf32>
      tpu.vector_store %arg8[%parallel_loop3A_688], %parallel_loop3A_691 {add = true, strides = array<i32>} : memref<65536xf32, #tpu.memory_space<vmem>>, vector<16xf32>,
      %parallel_loop3A_692 = arith.constant 96 : i32
      %parallel_loop3A_693 = arith.addi %parallel_loop3A_643, %parallel_loop3A_692 : i32
      %parallel_loop3A_694 = arith.mulf %parallel_loop3A_639, %sub3A_74 : vector<16xf32>
      %parallel_loop3A_695 = arith.addf %get3A_44, %parallel_loop3A_694 : vector<16xf32>
      %parallel_loop3A_696 = arith.index_cast %parallel_loop3A_693 : i32 to index
      %parallel_loop3A_697 = tpu.vector_load %arg8[%parallel_loop3A_696] {strides = array<i32>} : memref<65536xf32, #tpu.memory_space<vmem>>, vector<16xf32>,
      %parallel_loop3A_698 = vector.shape_cast %parallel_loop3A_697 : vector<16xf32> to vector<16xf32>
      %parallel_loop3A_699 = vector.shape_cast %parallel_loop3A_695 : vector<16xf32> to vector<16xf32>
      tpu.vector_store %arg8[%parallel_loop3A_696], %parallel_loop3A_699 {add = true, strides = array<i32>} : memref<65536xf32, #tpu.memory_space<vmem>>, vector<16xf32>,
      %parallel_loop3A_700 = arith.constant 112 : i32
      %parallel_loop3A_701 = arith.addi %parallel_loop3A_643, %parallel_loop3A_700 : i32
      %parallel_loop3A_702 = arith.mulf %parallel_loop3A_639, %sub3A_78 : vector<16xf32>
      %parallel_loop3A_703 = arith.addf %get3A_47, %parallel_loop3A_702 : vector<16xf32>
      %parallel_loop3A_704 = arith.index_cast %parallel_loop3A_701 : i32 to index
      %parallel_loop3A_705 = tpu.vector_load %arg8[%parallel_loop3A_704] {strides = array<i32>} : memref<65536xf32, #tpu.memory_space<vmem>>, vector<16xf32>,
      %parallel_loop3A_706 = vector.shape_cast %parallel_loop3A_705 : vector<16xf32> to vector<16xf32>
      %parallel_loop3A_707 = vector.shape_cast %parallel_loop3A_703 : vector<16xf32> to vector<16xf32>
      tpu.vector_store %arg8[%parallel_loop3A_704], %parallel_loop3A_707 {add = true, strides = array<i32>} : memref<65536xf32, #tpu.memory_space<vmem>>, vector<16xf32>,
      %parallel_loop3A_708 = vector.extract_strided_slice %parallel_loop3A_139 {offsets = [8], sizes = [1], strides = [1]} : vector<16xf32> to vector<1xf32>
      %parallel_loop3A_709 = vector.shape_cast %parallel_loop3A_708 : vector<1xf32> to vector<1xf32>
      %parallel_loop3A_710 = vector.broadcast %parallel_loop3A_709 : vector<1xf32> to vector<16xf32>
      %parallel_loop3A_711 = arith.constant 8 : i32
      %parallel_loop3A_712 = arith.addi %parallel_loop3A_132, %parallel_loop3A_711 : i32
      %parallel_loop3A_713 = arith.constant 128 : i32
      %parallel_loop3A_714 = arith.muli %parallel_loop3A_712, %parallel_loop3A_713 : i32
      %parallel_loop3A_715 = arith.constant 0 : i32
      %parallel_loop3A_716 = arith.addi %parallel_loop3A_714, %parallel_loop3A_715 : i32
      %parallel_loop3A_717 = arith.mulf %parallel_loop3A_710, %sub3A : vector<16xf32>
      %parallel_loop3A_718 = arith.addf %get3A_26, %parallel_loop3A_717 : vector<16xf32>
      %parallel_loop3A_719 = arith.index_cast %parallel_loop3A_716 : i32 to index
      %parallel_loop3A_720 = tpu.vector_load %arg8[%parallel_loop3A_719] {strides = array<i32>} : memref<65536xf32, #tpu.memory_space<vmem>>, vector<16xf32>,
      %parallel_loop3A_721 = vector.shape_cast %parallel_loop3A_720 : vector<16xf32> to vector<16xf32>
      %parallel_loop3A_722 = vector.shape_cast %parallel_loop3A_718 : vector<16xf32> to vector<16xf32>
      tpu.vector_store %arg8[%parallel_loop3A_719], %parallel_loop3A_722 {add = true, strides = array<i32>} : memref<65536xf32, #tpu.memory_space<vmem>>, vector<16xf32>,
      %parallel_loop3A_723 = arith.constant 16 : i32
      %parallel_loop3A_724 = arith.addi %parallel_loop3A_714, %parallel_loop3A_723 : i32
      %parallel_loop3A_725 = arith.mulf %parallel_loop3A_710, %sub3A_54 : vector<16xf32>
      %parallel_loop3A_726 = arith.addf %get3A_29, %parallel_loop3A_725 : vector<16xf32>
      %parallel_loop3A_727 = arith.index_cast %parallel_loop3A_724 : i32 to index
      %parallel_loop3A_728 = tpu.vector_load %arg8[%parallel_loop3A_727] {strides = array<i32>} : memref<65536xf32, #tpu.memory_space<vmem>>, vector<16xf32>,
      %parallel_loop3A_729 = vector.shape_cast %parallel_loop3A_728 : vector<16xf32> to vector<16xf32>
      %parallel_loop3A_730 = vector.shape_cast %parallel_loop3A_726 : vector<16xf32> to vector<16xf32>
      tpu.vector_store %arg8[%parallel_loop3A_727], %parallel_loop3A_730 {add = true, strides = array<i32>} : memref<65536xf32, #tpu.memory_space<vmem>>, vector<16xf32>,
      %parallel_loop3A_731 = arith.constant 32 : i32
      %parallel_loop3A_732 = arith.addi %parallel_loop3A_714, %parallel_loop3A_731 : i32
      %parallel_loop3A_733 = arith.mulf %parallel_loop3A_710, %sub3A_58 : vector<16xf32>
      %parallel_loop3A_734 = arith.addf %get3A_32, %parallel_loop3A_733 : vector<16xf32>
      %parallel_loop3A_735 = arith.index_cast %parallel_loop3A_732 : i32 to index
      %parallel_loop3A_736 = tpu.vector_load %arg8[%parallel_loop3A_735] {strides = array<i32>} : memref<65536xf32, #tpu.memory_space<vmem>>, vector<16xf32>,
      %parallel_loop3A_737 = vector.shape_cast %parallel_loop3A_736 : vector<16xf32> to vector<16xf32>
      %parallel_loop3A_738 = vector.shape_cast %parallel_loop3A_734 : vector<16xf32> to vector<16xf32>
      tpu.vector_store %arg8[%parallel_loop3A_735], %parallel_loop3A_738 {add = true, strides = array<i32>} : memref<65536xf32, #tpu.memory_space<vmem>>, vector<16xf32>,
      %parallel_loop3A_739 = arith.constant 48 : i32
      %parallel_loop3A_740 = arith.addi %parallel_loop3A_714, %parallel_loop3A_739 : i32
      %parallel_loop3A_741 = arith.mulf %parallel_loop3A_710, %sub3A_62 : vector<16xf32>
      %parallel_loop3A_742 = arith.addf %get3A_35, %parallel_loop3A_741 : vector<16xf32>
      %parallel_loop3A_743 = arith.index_cast %parallel_loop3A_740 : i32 to index
      %parallel_loop3A_744 = tpu.vector_load %arg8[%parallel_loop3A_743] {strides = array<i32>} : memref<65536xf32, #tpu.memory_space<vmem>>, vector<16xf32>,
      %parallel_loop3A_745 = vector.shape_cast %parallel_loop3A_744 : vector<16xf32> to vector<16xf32>
      %parallel_loop3A_746 = vector.shape_cast %parallel_loop3A_742 : vector<16xf32> to vector<16xf32>
      tpu.vector_store %arg8[%parallel_loop3A_743], %parallel_loop3A_746 {add = true, strides = array<i32>} : memref<65536xf32, #tpu.memory_space<vmem>>, vector<16xf32>,
      %parallel_loop3A_747 = arith.constant 64 : i32
      %parallel_loop3A_748 = arith.addi %parallel_loop3A_714, %parallel_loop3A_747 : i32
      %parallel_loop3A_749 = arith.mulf %parallel_loop3A_710, %sub3A_66 : vector<16xf32>
      %parallel_loop3A_750 = arith.addf %get3A_38, %parallel_loop3A_749 : vector<16xf32>
      %parallel_loop3A_751 = arith.index_cast %parallel_loop3A_748 : i32 to index
      %parallel_loop3A_752 = tpu.vector_load %arg8[%parallel_loop3A_751] {strides = array<i32>} : memref<65536xf32, #tpu.memory_space<vmem>>, vector<16xf32>,
      %parallel_loop3A_753 = vector.shape_cast %parallel_loop3A_752 : vector<16xf32> to vector<16xf32>
      %parallel_loop3A_754 = vector.shape_cast %parallel_loop3A_750 : vector<16xf32> to vector<16xf32>
      tpu.vector_store %arg8[%parallel_loop3A_751], %parallel_loop3A_754 {add = true, strides = array<i32>} : memref<65536xf32, #tpu.memory_space<vmem>>, vector<16xf32>,
      %parallel_loop3A_755 = arith.constant 80 : i32
      %parallel_loop3A_756 = arith.addi %parallel_loop3A_714, %parallel_loop3A_755 : i32
      %parallel_loop3A_757 = arith.mulf %parallel_loop3A_710, %sub3A_70 : vector<16xf32>
      %parallel_loop3A_758 = arith.addf %get3A_41, %parallel_loop3A_757 : vector<16xf32>
      %parallel_loop3A_759 = arith.index_cast %parallel_loop3A_756 : i32 to index
      %parallel_loop3A_760 = tpu.vector_load %arg8[%parallel_loop3A_759] {strides = array<i32>} : memref<65536xf32, #tpu.memory_space<vmem>>, vector<16xf32>,
      %parallel_loop3A_761 = vector.shape_cast %parallel_loop3A_760 : vector<16xf32> to vector<16xf32>
      %parallel_loop3A_762 = vector.shape_cast %parallel_loop3A_758 : vector<16xf32> to vector<16xf32>
      tpu.vector_store %arg8[%parallel_loop3A_759], %parallel_loop3A_762 {add = true, strides = array<i32>} : memref<65536xf32, #tpu.memory_space<vmem>>, vector<16xf32>,
      %parallel_loop3A_763 = arith.constant 96 : i32
      %parallel_loop3A_764 = arith.addi %parallel_loop3A_714, %parallel_loop3A_763 : i32
      %parallel_loop3A_765 = arith.mulf %parallel_loop3A_710, %sub3A_74 : vector<16xf32>
      %parallel_loop3A_766 = arith.addf %get3A_44, %parallel_loop3A_765 : vector<16xf32>
      %parallel_loop3A_767 = arith.index_cast %parallel_loop3A_764 : i32 to index
      %parallel_loop3A_768 = tpu.vector_load %arg8[%parallel_loop3A_767] {strides = array<i32>} : memref<65536xf32, #tpu.memory_space<vmem>>, vector<16xf32>,
      %parallel_loop3A_769 = vector.shape_cast %parallel_loop3A_768 : vector<16xf32> to vector<16xf32>
      %parallel_loop3A_770 = vector.shape_cast %parallel_loop3A_766 : vector<16xf32> to vector<16xf32>
      tpu.vector_store %arg8[%parallel_loop3A_767], %parallel_loop3A_770 {add = true, strides = array<i32>} : memref<65536xf32, #tpu.memory_space<vmem>>, vector<16xf32>,
      %parallel_loop3A_771 = arith.constant 112 : i32
      %parallel_loop3A_772 = arith.addi %parallel_loop3A_714, %parallel_loop3A_771 : i32
      %parallel_loop3A_773 = arith.mulf %parallel_loop3A_710, %sub3A_78 : vector<16xf32>
      %parallel_loop3A_774 = arith.addf %get3A_47, %parallel_loop3A_773 : vector<16xf32>
      %parallel_loop3A_775 = arith.index_cast %parallel_loop3A_772 : i32 to index
      %parallel_loop3A_776 = tpu.vector_load %arg8[%parallel_loop3A_775] {strides = array<i32>} : memref<65536xf32, #tpu.memory_space<vmem>>, vector<16xf32>,
      %parallel_loop3A_777 = vector.shape_cast %parallel_loop3A_776 : vector<16xf32> to vector<16xf32>
      %parallel_loop3A_778 = vector.shape_cast %parallel_loop3A_774 : vector<16xf32> to vector<16xf32>
      tpu.vector_store %arg8[%parallel_loop3A_775], %parallel_loop3A_778 {add = true, strides = array<i32>} : memref<65536xf32, #tpu.memory_space<vmem>>, vector<16xf32>,
      %parallel_loop3A_779 = vector.extract_strided_slice %parallel_loop3A_139 {offsets = [9], sizes = [1], strides = [1]} : vector<16xf32> to vector<1xf32>
      %parallel_loop3A_780 = vector.shape_cast %parallel_loop3A_779 : vector<1xf32> to vector<1xf32>
      %parallel_loop3A_781 = vector.broadcast %parallel_loop3A_780 : vector<1xf32> to vector<16xf32>
      %parallel_loop3A_782 = arith.constant 9 : i32
      %parallel_loop3A_783 = arith.addi %parallel_loop3A_132, %parallel_loop3A_782 : i32
      %parallel_loop3A_784 = arith.constant 128 : i32
      %parallel_loop3A_785 = arith.muli %parallel_loop3A_783, %parallel_loop3A_784 : i32
      %parallel_loop3A_786 = arith.constant 0 : i32
      %parallel_loop3A_787 = arith.addi %parallel_loop3A_785, %parallel_loop3A_786 : i32
      %parallel_loop3A_788 = arith.mulf %parallel_loop3A_781, %sub3A : vector<16xf32>
      %parallel_loop3A_789 = arith.addf %get3A_26, %parallel_loop3A_788 : vector<16xf32>
      %parallel_loop3A_790 = arith.index_cast %parallel_loop3A_787 : i32 to index
      %parallel_loop3A_791 = tpu.vector_load %arg8[%parallel_loop3A_790] {strides = array<i32>} : memref<65536xf32, #tpu.memory_space<vmem>>, vector<16xf32>,
      %parallel_loop3A_792 = vector.shape_cast %parallel_loop3A_791 : vector<16xf32> to vector<16xf32>
      %parallel_loop3A_793 = vector.shape_cast %parallel_loop3A_789 : vector<16xf32> to vector<16xf32>
      tpu.vector_store %arg8[%parallel_loop3A_790], %parallel_loop3A_793 {add = true, strides = array<i32>} : memref<65536xf32, #tpu.memory_space<vmem>>, vector<16xf32>,
      %parallel_loop3A_794 = arith.constant 16 : i32
      %parallel_loop3A_795 = arith.addi %parallel_loop3A_785, %parallel_loop3A_794 : i32
      %parallel_loop3A_796 = arith.mulf %parallel_loop3A_781, %sub3A_54 : vector<16xf32>
      %parallel_loop3A_797 = arith.addf %get3A_29, %parallel_loop3A_796 : vector<16xf32>
      %parallel_loop3A_798 = arith.index_cast %parallel_loop3A_795 : i32 to index
      %parallel_loop3A_799 = tpu.vector_load %arg8[%parallel_loop3A_798] {strides = array<i32>} : memref<65536xf32, #tpu.memory_space<vmem>>, vector<16xf32>,
      %parallel_loop3A_800 = vector.shape_cast %parallel_loop3A_799 : vector<16xf32> to vector<16xf32>
      %parallel_loop3A_801 = vector.shape_cast %parallel_loop3A_797 : vector<16xf32> to vector<16xf32>
      tpu.vector_store %arg8[%parallel_loop3A_798], %parallel_loop3A_801 {add = true, strides = array<i32>} : memref<65536xf32, #tpu.memory_space<vmem>>, vector<16xf32>,
      %parallel_loop3A_802 = arith.constant 32 : i32
      %parallel_loop3A_803 = arith.addi %parallel_loop3A_785, %parallel_loop3A_802 : i32
      %parallel_loop3A_804 = arith.mulf %parallel_loop3A_781, %sub3A_58 : vector<16xf32>
      %parallel_loop3A_805 = arith.addf %get3A_32, %parallel_loop3A_804 : vector<16xf32>
      %parallel_loop3A_806 = arith.index_cast %parallel_loop3A_803 : i32 to index
      %parallel_loop3A_807 = tpu.vector_load %arg8[%parallel_loop3A_806] {strides = array<i32>} : memref<65536xf32, #tpu.memory_space<vmem>>, vector<16xf32>,
      %parallel_loop3A_808 = vector.shape_cast %parallel_loop3A_807 : vector<16xf32> to vector<16xf32>
      %parallel_loop3A_809 = vector.shape_cast %parallel_loop3A_805 : vector<16xf32> to vector<16xf32>
      tpu.vector_store %arg8[%parallel_loop3A_806], %parallel_loop3A_809 {add = true, strides = array<i32>} : memref<65536xf32, #tpu.memory_space<vmem>>, vector<16xf32>,
      %parallel_loop3A_810 = arith.constant 48 : i32
      %parallel_loop3A_811 = arith.addi %parallel_loop3A_785, %parallel_loop3A_810 : i32
      %parallel_loop3A_812 = arith.mulf %parallel_loop3A_781, %sub3A_62 : vector<16xf32>
      %parallel_loop3A_813 = arith.addf %get3A_35, %parallel_loop3A_812 : vector<16xf32>
      %parallel_loop3A_814 = arith.index_cast %parallel_loop3A_811 : i32 to index
      %parallel_loop3A_815 = tpu.vector_load %arg8[%parallel_loop3A_814] {strides = array<i32>} : memref<65536xf32, #tpu.memory_space<vmem>>, vector<16xf32>,
      %parallel_loop3A_816 = vector.shape_cast %parallel_loop3A_815 : vector<16xf32> to vector<16xf32>
      %parallel_loop3A_817 = vector.shape_cast %parallel_loop3A_813 : vector<16xf32> to vector<16xf32>
      tpu.vector_store %arg8[%parallel_loop3A_814], %parallel_loop3A_817 {add = true, strides = array<i32>} : memref<65536xf32, #tpu.memory_space<vmem>>, vector<16xf32>,
      %parallel_loop3A_818 = arith.constant 64 : i32
      %parallel_loop3A_819 = arith.addi %parallel_loop3A_785, %parallel_loop3A_818 : i32
      %parallel_loop3A_820 = arith.mulf %parallel_loop3A_781, %sub3A_66 : vector<16xf32>
      %parallel_loop3A_821 = arith.addf %get3A_38, %parallel_loop3A_820 : vector<16xf32>
      %parallel_loop3A_822 = arith.index_cast %parallel_loop3A_819 : i32 to index
      %parallel_loop3A_823 = tpu.vector_load %arg8[%parallel_loop3A_822] {strides = array<i32>} : memref<65536xf32, #tpu.memory_space<vmem>>, vector<16xf32>,
      %parallel_loop3A_824 = vector.shape_cast %parallel_loop3A_823 : vector<16xf32> to vector<16xf32>
      %parallel_loop3A_825 = vector.shape_cast %parallel_loop3A_821 : vector<16xf32> to vector<16xf32>
      tpu.vector_store %arg8[%parallel_loop3A_822], %parallel_loop3A_825 {add = true, strides = array<i32>} : memref<65536xf32, #tpu.memory_space<vmem>>, vector<16xf32>,
      %parallel_loop3A_826 = arith.constant 80 : i32
      %parallel_loop3A_827 = arith.addi %parallel_loop3A_785, %parallel_loop3A_826 : i32
      %parallel_loop3A_828 = arith.mulf %parallel_loop3A_781, %sub3A_70 : vector<16xf32>
      %parallel_loop3A_829 = arith.addf %get3A_41, %parallel_loop3A_828 : vector<16xf32>
      %parallel_loop3A_830 = arith.index_cast %parallel_loop3A_827 : i32 to index
      %parallel_loop3A_831 = tpu.vector_load %arg8[%parallel_loop3A_830] {strides = array<i32>} : memref<65536xf32, #tpu.memory_space<vmem>>, vector<16xf32>,
      %parallel_loop3A_832 = vector.shape_cast %parallel_loop3A_831 : vector<16xf32> to vector<16xf32>
      %parallel_loop3A_833 = vector.shape_cast %parallel_loop3A_829 : vector<16xf32> to vector<16xf32>
      tpu.vector_store %arg8[%parallel_loop3A_830], %parallel_loop3A_833 {add = true, strides = array<i32>} : memref<65536xf32, #tpu.memory_space<vmem>>, vector<16xf32>,
      %parallel_loop3A_834 = arith.constant 96 : i32
      %parallel_loop3A_835 = arith.addi %parallel_loop3A_785, %parallel_loop3A_834 : i32
      %parallel_loop3A_836 = arith.mulf %parallel_loop3A_781, %sub3A_74 : vector<16xf32>
      %parallel_loop3A_837 = arith.addf %get3A_44, %parallel_loop3A_836 : vector<16xf32>
      %parallel_loop3A_838 = arith.index_cast %parallel_loop3A_835 : i32 to index
      %parallel_loop3A_839 = tpu.vector_load %arg8[%parallel_loop3A_838] {strides = array<i32>} : memref<65536xf32, #tpu.memory_space<vmem>>, vector<16xf32>,
      %parallel_loop3A_840 = vector.shape_cast %parallel_loop3A_839 : vector<16xf32> to vector<16xf32>
      %parallel_loop3A_841 = vector.shape_cast %parallel_loop3A_837 : vector<16xf32> to vector<16xf32>
      tpu.vector_store %arg8[%parallel_loop3A_838], %parallel_loop3A_841 {add = true, strides = array<i32>} : memref<65536xf32, #tpu.memory_space<vmem>>, vector<16xf32>,
      %parallel_loop3A_842 = arith.constant 112 : i32
      %parallel_loop3A_843 = arith.addi %parallel_loop3A_785, %parallel_loop3A_842 : i32
      %parallel_loop3A_844 = arith.mulf %parallel_loop3A_781, %sub3A_78 : vector<16xf32>
      %parallel_loop3A_845 = arith.addf %get3A_47, %parallel_loop3A_844 : vector<16xf32>
      %parallel_loop3A_846 = arith.index_cast %parallel_loop3A_843 : i32 to index
      %parallel_loop3A_847 = tpu.vector_load %arg8[%parallel_loop3A_846] {strides = array<i32>} : memref<65536xf32, #tpu.memory_space<vmem>>, vector<16xf32>,
      %parallel_loop3A_848 = vector.shape_cast %parallel_loop3A_847 : vector<16xf32> to vector<16xf32>
      %parallel_loop3A_849 = vector.shape_cast %parallel_loop3A_845 : vector<16xf32> to vector<16xf32>
      tpu.vector_store %arg8[%parallel_loop3A_846], %parallel_loop3A_849 {add = true, strides = array<i32>} : memref<65536xf32, #tpu.memory_space<vmem>>, vector<16xf32>,
      %parallel_loop3A_850 = vector.extract_strided_slice %parallel_loop3A_139 {offsets = [10], sizes = [1], strides = [1]} : vector<16xf32> to vector<1xf32>
      %parallel_loop3A_851 = vector.shape_cast %parallel_loop3A_850 : vector<1xf32> to vector<1xf32>
      %parallel_loop3A_852 = vector.broadcast %parallel_loop3A_851 : vector<1xf32> to vector<16xf32>
      %parallel_loop3A_853 = arith.constant 10 : i32
      %parallel_loop3A_854 = arith.addi %parallel_loop3A_132, %parallel_loop3A_853 : i32
      %parallel_loop3A_855 = arith.constant 128 : i32
      %parallel_loop3A_856 = arith.muli %parallel_loop3A_854, %parallel_loop3A_855 : i32
      %parallel_loop3A_857 = arith.constant 0 : i32
      %parallel_loop3A_858 = arith.addi %parallel_loop3A_856, %parallel_loop3A_857 : i32
      %parallel_loop3A_859 = arith.mulf %parallel_loop3A_852, %sub3A : vector<16xf32>
      %parallel_loop3A_860 = arith.addf %get3A_26, %parallel_loop3A_859 : vector<16xf32>
      %parallel_loop3A_861 = arith.index_cast %parallel_loop3A_858 : i32 to index
      %parallel_loop3A_862 = tpu.vector_load %arg8[%parallel_loop3A_861] {strides = array<i32>} : memref<65536xf32, #tpu.memory_space<vmem>>, vector<16xf32>,
      %parallel_loop3A_863 = vector.shape_cast %parallel_loop3A_862 : vector<16xf32> to vector<16xf32>
      %parallel_loop3A_864 = vector.shape_cast %parallel_loop3A_860 : vector<16xf32> to vector<16xf32>
      tpu.vector_store %arg8[%parallel_loop3A_861], %parallel_loop3A_864 {add = true, strides = array<i32>} : memref<65536xf32, #tpu.memory_space<vmem>>, vector<16xf32>,
      %parallel_loop3A_865 = arith.constant 16 : i32
      %parallel_loop3A_866 = arith.addi %parallel_loop3A_856, %parallel_loop3A_865 : i32
      %parallel_loop3A_867 = arith.mulf %parallel_loop3A_852, %sub3A_54 : vector<16xf32>
      %parallel_loop3A_868 = arith.addf %get3A_29, %parallel_loop3A_867 : vector<16xf32>
      %parallel_loop3A_869 = arith.index_cast %parallel_loop3A_866 : i32 to index
      %parallel_loop3A_870 = tpu.vector_load %arg8[%parallel_loop3A_869] {strides = array<i32>} : memref<65536xf32, #tpu.memory_space<vmem>>, vector<16xf32>,
      %parallel_loop3A_871 = vector.shape_cast %parallel_loop3A_870 : vector<16xf32> to vector<16xf32>
      %parallel_loop3A_872 = vector.shape_cast %parallel_loop3A_868 : vector<16xf32> to vector<16xf32>
      tpu.vector_store %arg8[%parallel_loop3A_869], %parallel_loop3A_872 {add = true, strides = array<i32>} : memref<65536xf32, #tpu.memory_space<vmem>>, vector<16xf32>,
      %parallel_loop3A_873 = arith.constant 32 : i32
      %parallel_loop3A_874 = arith.addi %parallel_loop3A_856, %parallel_loop3A_873 : i32
      %parallel_loop3A_875 = arith.mulf %parallel_loop3A_852, %sub3A_58 : vector<16xf32>
      %parallel_loop3A_876 = arith.addf %get3A_32, %parallel_loop3A_875 : vector<16xf32>
      %parallel_loop3A_877 = arith.index_cast %parallel_loop3A_874 : i32 to index
      %parallel_loop3A_878 = tpu.vector_load %arg8[%parallel_loop3A_877] {strides = array<i32>} : memref<65536xf32, #tpu.memory_space<vmem>>, vector<16xf32>,
      %parallel_loop3A_879 = vector.shape_cast %parallel_loop3A_878 : vector<16xf32> to vector<16xf32>
      %parallel_loop3A_880 = vector.shape_cast %parallel_loop3A_876 : vector<16xf32> to vector<16xf32>
      tpu.vector_store %arg8[%parallel_loop3A_877], %parallel_loop3A_880 {add = true, strides = array<i32>} : memref<65536xf32, #tpu.memory_space<vmem>>, vector<16xf32>,
      %parallel_loop3A_881 = arith.constant 48 : i32
      %parallel_loop3A_882 = arith.addi %parallel_loop3A_856, %parallel_loop3A_881 : i32
      %parallel_loop3A_883 = arith.mulf %parallel_loop3A_852, %sub3A_62 : vector<16xf32>
      %parallel_loop3A_884 = arith.addf %get3A_35, %parallel_loop3A_883 : vector<16xf32>
      %parallel_loop3A_885 = arith.index_cast %parallel_loop3A_882 : i32 to index
      %parallel_loop3A_886 = tpu.vector_load %arg8[%parallel_loop3A_885] {strides = array<i32>} : memref<65536xf32, #tpu.memory_space<vmem>>, vector<16xf32>,
      %parallel_loop3A_887 = vector.shape_cast %parallel_loop3A_886 : vector<16xf32> to vector<16xf32>
      %parallel_loop3A_888 = vector.shape_cast %parallel_loop3A_884 : vector<16xf32> to vector<16xf32>
      tpu.vector_store %arg8[%parallel_loop3A_885], %parallel_loop3A_888 {add = true, strides = array<i32>} : memref<65536xf32, #tpu.memory_space<vmem>>, vector<16xf32>,
      %parallel_loop3A_889 = arith.constant 64 : i32
      %parallel_loop3A_890 = arith.addi %parallel_loop3A_856, %parallel_loop3A_889 : i32
      %parallel_loop3A_891 = arith.mulf %parallel_loop3A_852, %sub3A_66 : vector<16xf32>
      %parallel_loop3A_892 = arith.addf %get3A_38, %parallel_loop3A_891 : vector<16xf32>
      %parallel_loop3A_893 = arith.index_cast %parallel_loop3A_890 : i32 to index
      %parallel_loop3A_894 = tpu.vector_load %arg8[%parallel_loop3A_893] {strides = array<i32>} : memref<65536xf32, #tpu.memory_space<vmem>>, vector<16xf32>,
      %parallel_loop3A_895 = vector.shape_cast %parallel_loop3A_894 : vector<16xf32> to vector<16xf32>
      %parallel_loop3A_896 = vector.shape_cast %parallel_loop3A_892 : vector<16xf32> to vector<16xf32>
      tpu.vector_store %arg8[%parallel_loop3A_893], %parallel_loop3A_896 {add = true, strides = array<i32>} : memref<65536xf32, #tpu.memory_space<vmem>>, vector<16xf32>,
      %parallel_loop3A_897 = arith.constant 80 : i32
      %parallel_loop3A_898 = arith.addi %parallel_loop3A_856, %parallel_loop3A_897 : i32
      %parallel_loop3A_899 = arith.mulf %parallel_loop3A_852, %sub3A_70 : vector<16xf32>
      %parallel_loop3A_900 = arith.addf %get3A_41, %parallel_loop3A_899 : vector<16xf32>
      %parallel_loop3A_901 = arith.index_cast %parallel_loop3A_898 : i32 to index
      %parallel_loop3A_902 = tpu.vector_load %arg8[%parallel_loop3A_901] {strides = array<i32>} : memref<65536xf32, #tpu.memory_space<vmem>>, vector<16xf32>,
      %parallel_loop3A_903 = vector.shape_cast %parallel_loop3A_902 : vector<16xf32> to vector<16xf32>
      %parallel_loop3A_904 = vector.shape_cast %parallel_loop3A_900 : vector<16xf32> to vector<16xf32>
      tpu.vector_store %arg8[%parallel_loop3A_901], %parallel_loop3A_904 {add = true, strides = array<i32>} : memref<65536xf32, #tpu.memory_space<vmem>>, vector<16xf32>,
      %parallel_loop3A_905 = arith.constant 96 : i32
      %parallel_loop3A_906 = arith.addi %parallel_loop3A_856, %parallel_loop3A_905 : i32
      %parallel_loop3A_907 = arith.mulf %parallel_loop3A_852, %sub3A_74 : vector<16xf32>
      %parallel_loop3A_908 = arith.addf %get3A_44, %parallel_loop3A_907 : vector<16xf32>
      %parallel_loop3A_909 = arith.index_cast %parallel_loop3A_906 : i32 to index
      %parallel_loop3A_910 = tpu.vector_load %arg8[%parallel_loop3A_909] {strides = array<i32>} : memref<65536xf32, #tpu.memory_space<vmem>>, vector<16xf32>,
      %parallel_loop3A_911 = vector.shape_cast %parallel_loop3A_910 : vector<16xf32> to vector<16xf32>
      %parallel_loop3A_912 = vector.shape_cast %parallel_loop3A_908 : vector<16xf32> to vector<16xf32>
      tpu.vector_store %arg8[%parallel_loop3A_909], %parallel_loop3A_912 {add = true, strides = array<i32>} : memref<65536xf32, #tpu.memory_space<vmem>>, vector<16xf32>,
      %parallel_loop3A_913 = arith.constant 112 : i32
      %parallel_loop3A_914 = arith.addi %parallel_loop3A_856, %parallel_loop3A_913 : i32
      %parallel_loop3A_915 = arith.mulf %parallel_loop3A_852, %sub3A_78 : vector<16xf32>
      %parallel_loop3A_916 = arith.addf %get3A_47, %parallel_loop3A_915 : vector<16xf32>
      %parallel_loop3A_917 = arith.index_cast %parallel_loop3A_914 : i32 to index
      %parallel_loop3A_918 = tpu.vector_load %arg8[%parallel_loop3A_917] {strides = array<i32>} : memref<65536xf32, #tpu.memory_space<vmem>>, vector<16xf32>,
      %parallel_loop3A_919 = vector.shape_cast %parallel_loop3A_918 : vector<16xf32> to vector<16xf32>
      %parallel_loop3A_920 = vector.shape_cast %parallel_loop3A_916 : vector<16xf32> to vector<16xf32>
      tpu.vector_store %arg8[%parallel_loop3A_917], %parallel_loop3A_920 {add = true, strides = array<i32>} : memref<65536xf32, #tpu.memory_space<vmem>>, vector<16xf32>,
      %parallel_loop3A_921 = vector.extract_strided_slice %parallel_loop3A_139 {offsets = [11], sizes = [1], strides = [1]} : vector<16xf32> to vector<1xf32>
      %parallel_loop3A_922 = vector.shape_cast %parallel_loop3A_921 : vector<1xf32> to vector<1xf32>
      %parallel_loop3A_923 = vector.broadcast %parallel_loop3A_922 : vector<1xf32> to vector<16xf32>
      %parallel_loop3A_924 = arith.constant 11 : i32
      %parallel_loop3A_925 = arith.addi %parallel_loop3A_132, %parallel_loop3A_924 : i32
      %parallel_loop3A_926 = arith.constant 128 : i32
      %parallel_loop3A_927 = arith.muli %parallel_loop3A_925, %parallel_loop3A_926 : i32
      %parallel_loop3A_928 = arith.constant 0 : i32
      %parallel_loop3A_929 = arith.addi %parallel_loop3A_927, %parallel_loop3A_928 : i32
      %parallel_loop3A_930 = arith.mulf %parallel_loop3A_923, %sub3A : vector<16xf32>
      %parallel_loop3A_931 = arith.addf %get3A_26, %parallel_loop3A_930 : vector<16xf32>
      %parallel_loop3A_932 = arith.index_cast %parallel_loop3A_929 : i32 to index
      %parallel_loop3A_933 = tpu.vector_load %arg8[%parallel_loop3A_932] {strides = array<i32>} : memref<65536xf32, #tpu.memory_space<vmem>>, vector<16xf32>,
      %parallel_loop3A_934 = vector.shape_cast %parallel_loop3A_933 : vector<16xf32> to vector<16xf32>
      %parallel_loop3A_935 = vector.shape_cast %parallel_loop3A_931 : vector<16xf32> to vector<16xf32>
      tpu.vector_store %arg8[%parallel_loop3A_932], %parallel_loop3A_935 {add = true, strides = array<i32>} : memref<65536xf32, #tpu.memory_space<vmem>>, vector<16xf32>,
      %parallel_loop3A_936 = arith.constant 16 : i32
      %parallel_loop3A_937 = arith.addi %parallel_loop3A_927, %parallel_loop3A_936 : i32
      %parallel_loop3A_938 = arith.mulf %parallel_loop3A_923, %sub3A_54 : vector<16xf32>
      %parallel_loop3A_939 = arith.addf %get3A_29, %parallel_loop3A_938 : vector<16xf32>
      %parallel_loop3A_940 = arith.index_cast %parallel_loop3A_937 : i32 to index
      %parallel_loop3A_941 = tpu.vector_load %arg8[%parallel_loop3A_940] {strides = array<i32>} : memref<65536xf32, #tpu.memory_space<vmem>>, vector<16xf32>,
      %parallel_loop3A_942 = vector.shape_cast %parallel_loop3A_941 : vector<16xf32> to vector<16xf32>
      %parallel_loop3A_943 = vector.shape_cast %parallel_loop3A_939 : vector<16xf32> to vector<16xf32>
      tpu.vector_store %arg8[%parallel_loop3A_940], %parallel_loop3A_943 {add = true, strides = array<i32>} : memref<65536xf32, #tpu.memory_space<vmem>>, vector<16xf32>,
      %parallel_loop3A_944 = arith.constant 32 : i32
      %parallel_loop3A_945 = arith.addi %parallel_loop3A_927, %parallel_loop3A_944 : i32
      %parallel_loop3A_946 = arith.mulf %parallel_loop3A_923, %sub3A_58 : vector<16xf32>
      %parallel_loop3A_947 = arith.addf %get3A_32, %parallel_loop3A_946 : vector<16xf32>
      %parallel_loop3A_948 = arith.index_cast %parallel_loop3A_945 : i32 to index
      %parallel_loop3A_949 = tpu.vector_load %arg8[%parallel_loop3A_948] {strides = array<i32>} : memref<65536xf32, #tpu.memory_space<vmem>>, vector<16xf32>,
      %parallel_loop3A_950 = vector.shape_cast %parallel_loop3A_949 : vector<16xf32> to vector<16xf32>
      %parallel_loop3A_951 = vector.shape_cast %parallel_loop3A_947 : vector<16xf32> to vector<16xf32>
      tpu.vector_store %arg8[%parallel_loop3A_948], %parallel_loop3A_951 {add = true, strides = array<i32>} : memref<65536xf32, #tpu.memory_space<vmem>>, vector<16xf32>,
      %parallel_loop3A_952 = arith.constant 48 : i32
      %parallel_loop3A_953 = arith.addi %parallel_loop3A_927, %parallel_loop3A_952 : i32
      %parallel_loop3A_954 = arith.mulf %parallel_loop3A_923, %sub3A_62 : vector<16xf32>
      %parallel_loop3A_955 = arith.addf %get3A_35, %parallel_loop3A_954 : vector<16xf32>
      %parallel_loop3A_956 = arith.index_cast %parallel_loop3A_953 : i32 to index
      %parallel_loop3A_957 = tpu.vector_load %arg8[%parallel_loop3A_956] {strides = array<i32>} : memref<65536xf32, #tpu.memory_space<vmem>>, vector<16xf32>,
      %parallel_loop3A_958 = vector.shape_cast %parallel_loop3A_957 : vector<16xf32> to vector<16xf32>
      %parallel_loop3A_959 = vector.shape_cast %parallel_loop3A_955 : vector<16xf32> to vector<16xf32>
      tpu.vector_store %arg8[%parallel_loop3A_956], %parallel_loop3A_959 {add = true, strides = array<i32>} : memref<65536xf32, #tpu.memory_space<vmem>>, vector<16xf32>,
      %parallel_loop3A_960 = arith.constant 64 : i32
      %parallel_loop3A_961 = arith.addi %parallel_loop3A_927, %parallel_loop3A_960 : i32
      %parallel_loop3A_962 = arith.mulf %parallel_loop3A_923, %sub3A_66 : vector<16xf32>
      %parallel_loop3A_963 = arith.addf %get3A_38, %parallel_loop3A_962 : vector<16xf32>
      %parallel_loop3A_964 = arith.index_cast %parallel_loop3A_961 : i32 to index
      %parallel_loop3A_965 = tpu.vector_load %arg8[%parallel_loop3A_964] {strides = array<i32>} : memref<65536xf32, #tpu.memory_space<vmem>>, vector<16xf32>,
      %parallel_loop3A_966 = vector.shape_cast %parallel_loop3A_965 : vector<16xf32> to vector<16xf32>
      %parallel_loop3A_967 = vector.shape_cast %parallel_loop3A_963 : vector<16xf32> to vector<16xf32>
      tpu.vector_store %arg8[%parallel_loop3A_964], %parallel_loop3A_967 {add = true, strides = array<i32>} : memref<65536xf32, #tpu.memory_space<vmem>>, vector<16xf32>,
      %parallel_loop3A_968 = arith.constant 80 : i32
      %parallel_loop3A_969 = arith.addi %parallel_loop3A_927, %parallel_loop3A_968 : i32
      %parallel_loop3A_970 = arith.mulf %parallel_loop3A_923, %sub3A_70 : vector<16xf32>
      %parallel_loop3A_971 = arith.addf %get3A_41, %parallel_loop3A_970 : vector<16xf32>
      %parallel_loop3A_972 = arith.index_cast %parallel_loop3A_969 : i32 to index
      %parallel_loop3A_973 = tpu.vector_load %arg8[%parallel_loop3A_972] {strides = array<i32>} : memref<65536xf32, #tpu.memory_space<vmem>>, vector<16xf32>,
      %parallel_loop3A_974 = vector.shape_cast %parallel_loop3A_973 : vector<16xf32> to vector<16xf32>
      %parallel_loop3A_975 = vector.shape_cast %parallel_loop3A_971 : vector<16xf32> to vector<16xf32>
      tpu.vector_store %arg8[%parallel_loop3A_972], %parallel_loop3A_975 {add = true, strides = array<i32>} : memref<65536xf32, #tpu.memory_space<vmem>>, vector<16xf32>,
      %parallel_loop3A_976 = arith.constant 96 : i32
      %parallel_loop3A_977 = arith.addi %parallel_loop3A_927, %parallel_loop3A_976 : i32
      %parallel_loop3A_978 = arith.mulf %parallel_loop3A_923, %sub3A_74 : vector<16xf32>
      %parallel_loop3A_979 = arith.addf %get3A_44, %parallel_loop3A_978 : vector<16xf32>
      %parallel_loop3A_980 = arith.index_cast %parallel_loop3A_977 : i32 to index
      %parallel_loop3A_981 = tpu.vector_load %arg8[%parallel_loop3A_980] {strides = array<i32>} : memref<65536xf32, #tpu.memory_space<vmem>>, vector<16xf32>,
      %parallel_loop3A_982 = vector.shape_cast %parallel_loop3A_981 : vector<16xf32> to vector<16xf32>
      %parallel_loop3A_983 = vector.shape_cast %parallel_loop3A_979 : vector<16xf32> to vector<16xf32>
      tpu.vector_store %arg8[%parallel_loop3A_980], %parallel_loop3A_983 {add = true, strides = array<i32>} : memref<65536xf32, #tpu.memory_space<vmem>>, vector<16xf32>,
      %parallel_loop3A_984 = arith.constant 112 : i32
      %parallel_loop3A_985 = arith.addi %parallel_loop3A_927, %parallel_loop3A_984 : i32
      %parallel_loop3A_986 = arith.mulf %parallel_loop3A_923, %sub3A_78 : vector<16xf32>
      %parallel_loop3A_987 = arith.addf %get3A_47, %parallel_loop3A_986 : vector<16xf32>
      %parallel_loop3A_988 = arith.index_cast %parallel_loop3A_985 : i32 to index
      %parallel_loop3A_989 = tpu.vector_load %arg8[%parallel_loop3A_988] {strides = array<i32>} : memref<65536xf32, #tpu.memory_space<vmem>>, vector<16xf32>,
      %parallel_loop3A_990 = vector.shape_cast %parallel_loop3A_989 : vector<16xf32> to vector<16xf32>
      %parallel_loop3A_991 = vector.shape_cast %parallel_loop3A_987 : vector<16xf32> to vector<16xf32>
      tpu.vector_store %arg8[%parallel_loop3A_988], %parallel_loop3A_991 {add = true, strides = array<i32>} : memref<65536xf32, #tpu.memory_space<vmem>>, vector<16xf32>,
      %parallel_loop3A_992 = vector.extract_strided_slice %parallel_loop3A_139 {offsets = [12], sizes = [1], strides = [1]} : vector<16xf32> to vector<1xf32>
      %parallel_loop3A_993 = vector.shape_cast %parallel_loop3A_992 : vector<1xf32> to vector<1xf32>
      %parallel_loop3A_994 = vector.broadcast %parallel_loop3A_993 : vector<1xf32> to vector<16xf32>
      %parallel_loop3A_995 = arith.constant 12 : i32
      %parallel_loop3A_996 = arith.addi %parallel_loop3A_132, %parallel_loop3A_995 : i32
      %parallel_loop3A_997 = arith.constant 128 : i32
      %parallel_loop3A_998 = arith.muli %parallel_loop3A_996, %parallel_loop3A_997 : i32
      %parallel_loop3A_999 = arith.constant 0 : i32
      %parallel_loop3A_1000 = arith.addi %parallel_loop3A_998, %parallel_loop3A_999 : i32
      %parallel_loop3A_1001 = arith.mulf %parallel_loop3A_994, %sub3A : vector<16xf32>
      %parallel_loop3A_1002 = arith.addf %get3A_26, %parallel_loop3A_1001 : vector<16xf32>
      %parallel_loop3A_1003 = arith.index_cast %parallel_loop3A_1000 : i32 to index
      %parallel_loop3A_1004 = tpu.vector_load %arg8[%parallel_loop3A_1003] {strides = array<i32>} : memref<65536xf32, #tpu.memory_space<vmem>>, vector<16xf32>,
      %parallel_loop3A_1005 = vector.shape_cast %parallel_loop3A_1004 : vector<16xf32> to vector<16xf32>
      %parallel_loop3A_1006 = vector.shape_cast %parallel_loop3A_1002 : vector<16xf32> to vector<16xf32>
      tpu.vector_store %arg8[%parallel_loop3A_1003], %parallel_loop3A_1006 {add = true, strides = array<i32>} : memref<65536xf32, #tpu.memory_space<vmem>>, vector<16xf32>,
      %parallel_loop3A_1007 = arith.constant 16 : i32
      %parallel_loop3A_1008 = arith.addi %parallel_loop3A_998, %parallel_loop3A_1007 : i32
      %parallel_loop3A_1009 = arith.mulf %parallel_loop3A_994, %sub3A_54 : vector<16xf32>
      %parallel_loop3A_1010 = arith.addf %get3A_29, %parallel_loop3A_1009 : vector<16xf32>
      %parallel_loop3A_1011 = arith.index_cast %parallel_loop3A_1008 : i32 to index
      %parallel_loop3A_1012 = tpu.vector_load %arg8[%parallel_loop3A_1011] {strides = array<i32>} : memref<65536xf32, #tpu.memory_space<vmem>>, vector<16xf32>,
      %parallel_loop3A_1013 = vector.shape_cast %parallel_loop3A_1012 : vector<16xf32> to vector<16xf32>
      %parallel_loop3A_1014 = vector.shape_cast %parallel_loop3A_1010 : vector<16xf32> to vector<16xf32>
      tpu.vector_store %arg8[%parallel_loop3A_1011], %parallel_loop3A_1014 {add = true, strides = array<i32>} : memref<65536xf32, #tpu.memory_space<vmem>>, vector<16xf32>,
      %parallel_loop3A_1015 = arith.constant 32 : i32
      %parallel_loop3A_1016 = arith.addi %parallel_loop3A_998, %parallel_loop3A_1015 : i32
      %parallel_loop3A_1017 = arith.mulf %parallel_loop3A_994, %sub3A_58 : vector<16xf32>
      %parallel_loop3A_1018 = arith.addf %get3A_32, %parallel_loop3A_1017 : vector<16xf32>
      %parallel_loop3A_1019 = arith.index_cast %parallel_loop3A_1016 : i32 to index
      %parallel_loop3A_1020 = tpu.vector_load %arg8[%parallel_loop3A_1019] {strides = array<i32>} : memref<65536xf32, #tpu.memory_space<vmem>>, vector<16xf32>,
      %parallel_loop3A_1021 = vector.shape_cast %parallel_loop3A_1020 : vector<16xf32> to vector<16xf32>
      %parallel_loop3A_1022 = vector.shape_cast %parallel_loop3A_1018 : vector<16xf32> to vector<16xf32>
      tpu.vector_store %arg8[%parallel_loop3A_1019], %parallel_loop3A_1022 {add = true, strides = array<i32>} : memref<65536xf32, #tpu.memory_space<vmem>>, vector<16xf32>,
      %parallel_loop3A_1023 = arith.constant 48 : i32
      %parallel_loop3A_1024 = arith.addi %parallel_loop3A_998, %parallel_loop3A_1023 : i32
      %parallel_loop3A_1025 = arith.mulf %parallel_loop3A_994, %sub3A_62 : vector<16xf32>
      %parallel_loop3A_1026 = arith.addf %get3A_35, %parallel_loop3A_1025 : vector<16xf32>
      %parallel_loop3A_1027 = arith.index_cast %parallel_loop3A_1024 : i32 to index
      %parallel_loop3A_1028 = tpu.vector_load %arg8[%parallel_loop3A_1027] {strides = array<i32>} : memref<65536xf32, #tpu.memory_space<vmem>>, vector<16xf32>,
      %parallel_loop3A_1029 = vector.shape_cast %parallel_loop3A_1028 : vector<16xf32> to vector<16xf32>
      %parallel_loop3A_1030 = vector.shape_cast %parallel_loop3A_1026 : vector<16xf32> to vector<16xf32>
      tpu.vector_store %arg8[%parallel_loop3A_1027], %parallel_loop3A_1030 {add = true, strides = array<i32>} : memref<65536xf32, #tpu.memory_space<vmem>>, vector<16xf32>,
      %parallel_loop3A_1031 = arith.constant 64 : i32
      %parallel_loop3A_1032 = arith.addi %parallel_loop3A_998, %parallel_loop3A_1031 : i32
      %parallel_loop3A_1033 = arith.mulf %parallel_loop3A_994, %sub3A_66 : vector<16xf32>
      %parallel_loop3A_1034 = arith.addf %get3A_38, %parallel_loop3A_1033 : vector<16xf32>
      %parallel_loop3A_1035 = arith.index_cast %parallel_loop3A_1032 : i32 to index
      %parallel_loop3A_1036 = tpu.vector_load %arg8[%parallel_loop3A_1035] {strides = array<i32>} : memref<65536xf32, #tpu.memory_space<vmem>>, vector<16xf32>,
      %parallel_loop3A_1037 = vector.shape_cast %parallel_loop3A_1036 : vector<16xf32> to vector<16xf32>
      %parallel_loop3A_1038 = vector.shape_cast %parallel_loop3A_1034 : vector<16xf32> to vector<16xf32>
      tpu.vector_store %arg8[%parallel_loop3A_1035], %parallel_loop3A_1038 {add = true, strides = array<i32>} : memref<65536xf32, #tpu.memory_space<vmem>>, vector<16xf32>,
      %parallel_loop3A_1039 = arith.constant 80 : i32
      %parallel_loop3A_1040 = arith.addi %parallel_loop3A_998, %parallel_loop3A_1039 : i32
      %parallel_loop3A_1041 = arith.mulf %parallel_loop3A_994, %sub3A_70 : vector<16xf32>
      %parallel_loop3A_1042 = arith.addf %get3A_41, %parallel_loop3A_1041 : vector<16xf32>
      %parallel_loop3A_1043 = arith.index_cast %parallel_loop3A_1040 : i32 to index
      %parallel_loop3A_1044 = tpu.vector_load %arg8[%parallel_loop3A_1043] {strides = array<i32>} : memref<65536xf32, #tpu.memory_space<vmem>>, vector<16xf32>,
      %parallel_loop3A_1045 = vector.shape_cast %parallel_loop3A_1044 : vector<16xf32> to vector<16xf32>
      %parallel_loop3A_1046 = vector.shape_cast %parallel_loop3A_1042 : vector<16xf32> to vector<16xf32>
      tpu.vector_store %arg8[%parallel_loop3A_1043], %parallel_loop3A_1046 {add = true, strides = array<i32>} : memref<65536xf32, #tpu.memory_space<vmem>>, vector<16xf32>,
      %parallel_loop3A_1047 = arith.constant 96 : i32
      %parallel_loop3A_1048 = arith.addi %parallel_loop3A_998, %parallel_loop3A_1047 : i32
      %parallel_loop3A_1049 = arith.mulf %parallel_loop3A_994, %sub3A_74 : vector<16xf32>
      %parallel_loop3A_1050 = arith.addf %get3A_44, %parallel_loop3A_1049 : vector<16xf32>
      %parallel_loop3A_1051 = arith.index_cast %parallel_loop3A_1048 : i32 to index
      %parallel_loop3A_1052 = tpu.vector_load %arg8[%parallel_loop3A_1051] {strides = array<i32>} : memref<65536xf32, #tpu.memory_space<vmem>>, vector<16xf32>,
      %parallel_loop3A_1053 = vector.shape_cast %parallel_loop3A_1052 : vector<16xf32> to vector<16xf32>
      %parallel_loop3A_1054 = vector.shape_cast %parallel_loop3A_1050 : vector<16xf32> to vector<16xf32>
      tpu.vector_store %arg8[%parallel_loop3A_1051], %parallel_loop3A_1054 {add = true, strides = array<i32>} : memref<65536xf32, #tpu.memory_space<vmem>>, vector<16xf32>,
      %parallel_loop3A_1055 = arith.constant 112 : i32
      %parallel_loop3A_1056 = arith.addi %parallel_loop3A_998, %parallel_loop3A_1055 : i32
      %parallel_loop3A_1057 = arith.mulf %parallel_loop3A_994, %sub3A_78 : vector<16xf32>
      %parallel_loop3A_1058 = arith.addf %get3A_47, %parallel_loop3A_1057 : vector<16xf32>
      %parallel_loop3A_1059 = arith.index_cast %parallel_loop3A_1056 : i32 to index
      %parallel_loop3A_1060 = tpu.vector_load %arg8[%parallel_loop3A_1059] {strides = array<i32>} : memref<65536xf32, #tpu.memory_space<vmem>>, vector<16xf32>,
      %parallel_loop3A_1061 = vector.shape_cast %parallel_loop3A_1060 : vector<16xf32> to vector<16xf32>
      %parallel_loop3A_1062 = vector.shape_cast %parallel_loop3A_1058 : vector<16xf32> to vector<16xf32>
      tpu.vector_store %arg8[%parallel_loop3A_1059], %parallel_loop3A_1062 {add = true, strides = array<i32>} : memref<65536xf32, #tpu.memory_space<vmem>>, vector<16xf32>,
      %parallel_loop3A_1063 = vector.extract_strided_slice %parallel_loop3A_139 {offsets = [13], sizes = [1], strides = [1]} : vector<16xf32> to vector<1xf32>
      %parallel_loop3A_1064 = vector.shape_cast %parallel_loop3A_1063 : vector<1xf32> to vector<1xf32>
      %parallel_loop3A_1065 = vector.broadcast %parallel_loop3A_1064 : vector<1xf32> to vector<16xf32>
      %parallel_loop3A_1066 = arith.constant 13 : i32
      %parallel_loop3A_1067 = arith.addi %parallel_loop3A_132, %parallel_loop3A_1066 : i32
      %parallel_loop3A_1068 = arith.constant 128 : i32
      %parallel_loop3A_1069 = arith.muli %parallel_loop3A_1067, %parallel_loop3A_1068 : i32
      %parallel_loop3A_1070 = arith.constant 0 : i32
      %parallel_loop3A_1071 = arith.addi %parallel_loop3A_1069, %parallel_loop3A_1070 : i32
      %parallel_loop3A_1072 = arith.mulf %parallel_loop3A_1065, %sub3A : vector<16xf32>
      %parallel_loop3A_1073 = arith.addf %get3A_26, %parallel_loop3A_1072 : vector<16xf32>
      %parallel_loop3A_1074 = arith.index_cast %parallel_loop3A_1071 : i32 to index
      %parallel_loop3A_1075 = tpu.vector_load %arg8[%parallel_loop3A_1074] {strides = array<i32>} : memref<65536xf32, #tpu.memory_space<vmem>>, vector<16xf32>,
      %parallel_loop3A_1076 = vector.shape_cast %parallel_loop3A_1075 : vector<16xf32> to vector<16xf32>
      %parallel_loop3A_1077 = vector.shape_cast %parallel_loop3A_1073 : vector<16xf32> to vector<16xf32>
      tpu.vector_store %arg8[%parallel_loop3A_1074], %parallel_loop3A_1077 {add = true, strides = array<i32>} : memref<65536xf32, #tpu.memory_space<vmem>>, vector<16xf32>,
      %parallel_loop3A_1078 = arith.constant 16 : i32
      %parallel_loop3A_1079 = arith.addi %parallel_loop3A_1069, %parallel_loop3A_1078 : i32
      %parallel_loop3A_1080 = arith.mulf %parallel_loop3A_1065, %sub3A_54 : vector<16xf32>
      %parallel_loop3A_1081 = arith.addf %get3A_29, %parallel_loop3A_1080 : vector<16xf32>
      %parallel_loop3A_1082 = arith.index_cast %parallel_loop3A_1079 : i32 to index
      %parallel_loop3A_1083 = tpu.vector_load %arg8[%parallel_loop3A_1082] {strides = array<i32>} : memref<65536xf32, #tpu.memory_space<vmem>>, vector<16xf32>,
      %parallel_loop3A_1084 = vector.shape_cast %parallel_loop3A_1083 : vector<16xf32> to vector<16xf32>
      %parallel_loop3A_1085 = vector.shape_cast %parallel_loop3A_1081 : vector<16xf32> to vector<16xf32>
      tpu.vector_store %arg8[%parallel_loop3A_1082], %parallel_loop3A_1085 {add = true, strides = array<i32>} : memref<65536xf32, #tpu.memory_space<vmem>>, vector<16xf32>,
      %parallel_loop3A_1086 = arith.constant 32 : i32
      %parallel_loop3A_1087 = arith.addi %parallel_loop3A_1069, %parallel_loop3A_1086 : i32
      %parallel_loop3A_1088 = arith.mulf %parallel_loop3A_1065, %sub3A_58 : vector<16xf32>
      %parallel_loop3A_1089 = arith.addf %get3A_32, %parallel_loop3A_1088 : vector<16xf32>
      %parallel_loop3A_1090 = arith.index_cast %parallel_loop3A_1087 : i32 to index
      %parallel_loop3A_1091 = tpu.vector_load %arg8[%parallel_loop3A_1090] {strides = array<i32>} : memref<65536xf32, #tpu.memory_space<vmem>>, vector<16xf32>,
      %parallel_loop3A_1092 = vector.shape_cast %parallel_loop3A_1091 : vector<16xf32> to vector<16xf32>
      %parallel_loop3A_1093 = vector.shape_cast %parallel_loop3A_1089 : vector<16xf32> to vector<16xf32>
      tpu.vector_store %arg8[%parallel_loop3A_1090], %parallel_loop3A_1093 {add = true, strides = array<i32>} : memref<65536xf32, #tpu.memory_space<vmem>>, vector<16xf32>,
      %parallel_loop3A_1094 = arith.constant 48 : i32
      %parallel_loop3A_1095 = arith.addi %parallel_loop3A_1069, %parallel_loop3A_1094 : i32
      %parallel_loop3A_1096 = arith.mulf %parallel_loop3A_1065, %sub3A_62 : vector<16xf32>
      %parallel_loop3A_1097 = arith.addf %get3A_35, %parallel_loop3A_1096 : vector<16xf32>
      %parallel_loop3A_1098 = arith.index_cast %parallel_loop3A_1095 : i32 to index
      %parallel_loop3A_1099 = tpu.vector_load %arg8[%parallel_loop3A_1098] {strides = array<i32>} : memref<65536xf32, #tpu.memory_space<vmem>>, vector<16xf32>,
      %parallel_loop3A_1100 = vector.shape_cast %parallel_loop3A_1099 : vector<16xf32> to vector<16xf32>
      %parallel_loop3A_1101 = vector.shape_cast %parallel_loop3A_1097 : vector<16xf32> to vector<16xf32>
      tpu.vector_store %arg8[%parallel_loop3A_1098], %parallel_loop3A_1101 {add = true, strides = array<i32>} : memref<65536xf32, #tpu.memory_space<vmem>>, vector<16xf32>,
      %parallel_loop3A_1102 = arith.constant 64 : i32
      %parallel_loop3A_1103 = arith.addi %parallel_loop3A_1069, %parallel_loop3A_1102 : i32
      %parallel_loop3A_1104 = arith.mulf %parallel_loop3A_1065, %sub3A_66 : vector<16xf32>
      %parallel_loop3A_1105 = arith.addf %get3A_38, %parallel_loop3A_1104 : vector<16xf32>
      %parallel_loop3A_1106 = arith.index_cast %parallel_loop3A_1103 : i32 to index
      %parallel_loop3A_1107 = tpu.vector_load %arg8[%parallel_loop3A_1106] {strides = array<i32>} : memref<65536xf32, #tpu.memory_space<vmem>>, vector<16xf32>,
      %parallel_loop3A_1108 = vector.shape_cast %parallel_loop3A_1107 : vector<16xf32> to vector<16xf32>
      %parallel_loop3A_1109 = vector.shape_cast %parallel_loop3A_1105 : vector<16xf32> to vector<16xf32>
      tpu.vector_store %arg8[%parallel_loop3A_1106], %parallel_loop3A_1109 {add = true, strides = array<i32>} : memref<65536xf32, #tpu.memory_space<vmem>>, vector<16xf32>,
      %parallel_loop3A_1110 = arith.constant 80 : i32
      %parallel_loop3A_1111 = arith.addi %parallel_loop3A_1069, %parallel_loop3A_1110 : i32
      %parallel_loop3A_1112 = arith.mulf %parallel_loop3A_1065, %sub3A_70 : vector<16xf32>
      %parallel_loop3A_1113 = arith.addf %get3A_41, %parallel_loop3A_1112 : vector<16xf32>
      %parallel_loop3A_1114 = arith.index_cast %parallel_loop3A_1111 : i32 to index
      %parallel_loop3A_1115 = tpu.vector_load %arg8[%parallel_loop3A_1114] {strides = array<i32>} : memref<65536xf32, #tpu.memory_space<vmem>>, vector<16xf32>,
      %parallel_loop3A_1116 = vector.shape_cast %parallel_loop3A_1115 : vector<16xf32> to vector<16xf32>
      %parallel_loop3A_1117 = vector.shape_cast %parallel_loop3A_1113 : vector<16xf32> to vector<16xf32>
      tpu.vector_store %arg8[%parallel_loop3A_1114], %parallel_loop3A_1117 {add = true, strides = array<i32>} : memref<65536xf32, #tpu.memory_space<vmem>>, vector<16xf32>,
      %parallel_loop3A_1118 = arith.constant 96 : i32
      %parallel_loop3A_1119 = arith.addi %parallel_loop3A_1069, %parallel_loop3A_1118 : i32
      %parallel_loop3A_1120 = arith.mulf %parallel_loop3A_1065, %sub3A_74 : vector<16xf32>
      %parallel_loop3A_1121 = arith.addf %get3A_44, %parallel_loop3A_1120 : vector<16xf32>
      %parallel_loop3A_1122 = arith.index_cast %parallel_loop3A_1119 : i32 to index
      %parallel_loop3A_1123 = tpu.vector_load %arg8[%parallel_loop3A_1122] {strides = array<i32>} : memref<65536xf32, #tpu.memory_space<vmem>>, vector<16xf32>,
      %parallel_loop3A_1124 = vector.shape_cast %parallel_loop3A_1123 : vector<16xf32> to vector<16xf32>
      %parallel_loop3A_1125 = vector.shape_cast %parallel_loop3A_1121 : vector<16xf32> to vector<16xf32>
      tpu.vector_store %arg8[%parallel_loop3A_1122], %parallel_loop3A_1125 {add = true, strides = array<i32>} : memref<65536xf32, #tpu.memory_space<vmem>>, vector<16xf32>,
      %parallel_loop3A_1126 = arith.constant 112 : i32
      %parallel_loop3A_1127 = arith.addi %parallel_loop3A_1069, %parallel_loop3A_1126 : i32
      %parallel_loop3A_1128 = arith.mulf %parallel_loop3A_1065, %sub3A_78 : vector<16xf32>
      %parallel_loop3A_1129 = arith.addf %get3A_47, %parallel_loop3A_1128 : vector<16xf32>
      %parallel_loop3A_1130 = arith.index_cast %parallel_loop3A_1127 : i32 to index
      %parallel_loop3A_1131 = tpu.vector_load %arg8[%parallel_loop3A_1130] {strides = array<i32>} : memref<65536xf32, #tpu.memory_space<vmem>>, vector<16xf32>,
      %parallel_loop3A_1132 = vector.shape_cast %parallel_loop3A_1131 : vector<16xf32> to vector<16xf32>
      %parallel_loop3A_1133 = vector.shape_cast %parallel_loop3A_1129 : vector<16xf32> to vector<16xf32>
      tpu.vector_store %arg8[%parallel_loop3A_1130], %parallel_loop3A_1133 {add = true, strides = array<i32>} : memref<65536xf32, #tpu.memory_space<vmem>>, vector<16xf32>,
      %parallel_loop3A_1134 = vector.extract_strided_slice %parallel_loop3A_139 {offsets = [14], sizes = [1], strides = [1]} : vector<16xf32> to vector<1xf32>
      %parallel_loop3A_1135 = vector.shape_cast %parallel_loop3A_1134 : vector<1xf32> to vector<1xf32>
      %parallel_loop3A_1136 = vector.broadcast %parallel_loop3A_1135 : vector<1xf32> to vector<16xf32>
      %parallel_loop3A_1137 = arith.constant 14 : i32
      %parallel_loop3A_1138 = arith.addi %parallel_loop3A_132, %parallel_loop3A_1137 : i32
      %parallel_loop3A_1139 = arith.constant 128 : i32
      %parallel_loop3A_1140 = arith.muli %parallel_loop3A_1138, %parallel_loop3A_1139 : i32
      %parallel_loop3A_1141 = arith.constant 0 : i32
      %parallel_loop3A_1142 = arith.addi %parallel_loop3A_1140, %parallel_loop3A_1141 : i32
      %parallel_loop3A_1143 = arith.mulf %parallel_loop3A_1136, %sub3A : vector<16xf32>
      %parallel_loop3A_1144 = arith.addf %get3A_26, %parallel_loop3A_1143 : vector<16xf32>
      %parallel_loop3A_1145 = arith.index_cast %parallel_loop3A_1142 : i32 to index
      %parallel_loop3A_1146 = tpu.vector_load %arg8[%parallel_loop3A_1145] {strides = array<i32>} : memref<65536xf32, #tpu.memory_space<vmem>>, vector<16xf32>,
      %parallel_loop3A_1147 = vector.shape_cast %parallel_loop3A_1146 : vector<16xf32> to vector<16xf32>
      %parallel_loop3A_1148 = vector.shape_cast %parallel_loop3A_1144 : vector<16xf32> to vector<16xf32>
      tpu.vector_store %arg8[%parallel_loop3A_1145], %parallel_loop3A_1148 {add = true, strides = array<i32>} : memref<65536xf32, #tpu.memory_space<vmem>>, vector<16xf32>,
      %parallel_loop3A_1149 = arith.constant 16 : i32
      %parallel_loop3A_1150 = arith.addi %parallel_loop3A_1140, %parallel_loop3A_1149 : i32
      %parallel_loop3A_1151 = arith.mulf %parallel_loop3A_1136, %sub3A_54 : vector<16xf32>
      %parallel_loop3A_1152 = arith.addf %get3A_29, %parallel_loop3A_1151 : vector<16xf32>
      %parallel_loop3A_1153 = arith.index_cast %parallel_loop3A_1150 : i32 to index
      %parallel_loop3A_1154 = tpu.vector_load %arg8[%parallel_loop3A_1153] {strides = array<i32>} : memref<65536xf32, #tpu.memory_space<vmem>>, vector<16xf32>,
      %parallel_loop3A_1155 = vector.shape_cast %parallel_loop3A_1154 : vector<16xf32> to vector<16xf32>
      %parallel_loop3A_1156 = vector.shape_cast %parallel_loop3A_1152 : vector<16xf32> to vector<16xf32>
      tpu.vector_store %arg8[%parallel_loop3A_1153], %parallel_loop3A_1156 {add = true, strides = array<i32>} : memref<65536xf32, #tpu.memory_space<vmem>>, vector<16xf32>,
      %parallel_loop3A_1157 = arith.constant 32 : i32
      %parallel_loop3A_1158 = arith.addi %parallel_loop3A_1140, %parallel_loop3A_1157 : i32
      %parallel_loop3A_1159 = arith.mulf %parallel_loop3A_1136, %sub3A_58 : vector<16xf32>
      %parallel_loop3A_1160 = arith.addf %get3A_32, %parallel_loop3A_1159 : vector<16xf32>
      %parallel_loop3A_1161 = arith.index_cast %parallel_loop3A_1158 : i32 to index
      %parallel_loop3A_1162 = tpu.vector_load %arg8[%parallel_loop3A_1161] {strides = array<i32>} : memref<65536xf32, #tpu.memory_space<vmem>>, vector<16xf32>,
      %parallel_loop3A_1163 = vector.shape_cast %parallel_loop3A_1162 : vector<16xf32> to vector<16xf32>
      %parallel_loop3A_1164 = vector.shape_cast %parallel_loop3A_1160 : vector<16xf32> to vector<16xf32>
      tpu.vector_store %arg8[%parallel_loop3A_1161], %parallel_loop3A_1164 {add = true, strides = array<i32>} : memref<65536xf32, #tpu.memory_space<vmem>>, vector<16xf32>,
      %parallel_loop3A_1165 = arith.constant 48 : i32
      %parallel_loop3A_1166 = arith.addi %parallel_loop3A_1140, %parallel_loop3A_1165 : i32
      %parallel_loop3A_1167 = arith.mulf %parallel_loop3A_1136, %sub3A_62 : vector<16xf32>
      %parallel_loop3A_1168 = arith.addf %get3A_35, %parallel_loop3A_1167 : vector<16xf32>
      %parallel_loop3A_1169 = arith.index_cast %parallel_loop3A_1166 : i32 to index
      %parallel_loop3A_1170 = tpu.vector_load %arg8[%parallel_loop3A_1169] {strides = array<i32>} : memref<65536xf32, #tpu.memory_space<vmem>>, vector<16xf32>,
      %parallel_loop3A_1171 = vector.shape_cast %parallel_loop3A_1170 : vector<16xf32> to vector<16xf32>
      %parallel_loop3A_1172 = vector.shape_cast %parallel_loop3A_1168 : vector<16xf32> to vector<16xf32>
      tpu.vector_store %arg8[%parallel_loop3A_1169], %parallel_loop3A_1172 {add = true, strides = array<i32>} : memref<65536xf32, #tpu.memory_space<vmem>>, vector<16xf32>,
      %parallel_loop3A_1173 = arith.constant 64 : i32
      %parallel_loop3A_1174 = arith.addi %parallel_loop3A_1140, %parallel_loop3A_1173 : i32
      %parallel_loop3A_1175 = arith.mulf %parallel_loop3A_1136, %sub3A_66 : vector<16xf32>
      %parallel_loop3A_1176 = arith.addf %get3A_38, %parallel_loop3A_1175 : vector<16xf32>
      %parallel_loop3A_1177 = arith.index_cast %parallel_loop3A_1174 : i32 to index
      %parallel_loop3A_1178 = tpu.vector_load %arg8[%parallel_loop3A_1177] {strides = array<i32>} : memref<65536xf32, #tpu.memory_space<vmem>>, vector<16xf32>,
      %parallel_loop3A_1179 = vector.shape_cast %parallel_loop3A_1178 : vector<16xf32> to vector<16xf32>
      %parallel_loop3A_1180 = vector.shape_cast %parallel_loop3A_1176 : vector<16xf32> to vector<16xf32>
      tpu.vector_store %arg8[%parallel_loop3A_1177], %parallel_loop3A_1180 {add = true, strides = array<i32>} : memref<65536xf32, #tpu.memory_space<vmem>>, vector<16xf32>,
      %parallel_loop3A_1181 = arith.constant 80 : i32
      %parallel_loop3A_1182 = arith.addi %parallel_loop3A_1140, %parallel_loop3A_1181 : i32
      %parallel_loop3A_1183 = arith.mulf %parallel_loop3A_1136, %sub3A_70 : vector<16xf32>
      %parallel_loop3A_1184 = arith.addf %get3A_41, %parallel_loop3A_1183 : vector<16xf32>
      %parallel_loop3A_1185 = arith.index_cast %parallel_loop3A_1182 : i32 to index
      %parallel_loop3A_1186 = tpu.vector_load %arg8[%parallel_loop3A_1185] {strides = array<i32>} : memref<65536xf32, #tpu.memory_space<vmem>>, vector<16xf32>,
      %parallel_loop3A_1187 = vector.shape_cast %parallel_loop3A_1186 : vector<16xf32> to vector<16xf32>
      %parallel_loop3A_1188 = vector.shape_cast %parallel_loop3A_1184 : vector<16xf32> to vector<16xf32>
      tpu.vector_store %arg8[%parallel_loop3A_1185], %parallel_loop3A_1188 {add = true, strides = array<i32>} : memref<65536xf32, #tpu.memory_space<vmem>>, vector<16xf32>,
      %parallel_loop3A_1189 = arith.constant 96 : i32
      %parallel_loop3A_1190 = arith.addi %parallel_loop3A_1140, %parallel_loop3A_1189 : i32
      %parallel_loop3A_1191 = arith.mulf %parallel_loop3A_1136, %sub3A_74 : vector<16xf32>
      %parallel_loop3A_1192 = arith.addf %get3A_44, %parallel_loop3A_1191 : vector<16xf32>
      %parallel_loop3A_1193 = arith.index_cast %parallel_loop3A_1190 : i32 to index
      %parallel_loop3A_1194 = tpu.vector_load %arg8[%parallel_loop3A_1193] {strides = array<i32>} : memref<65536xf32, #tpu.memory_space<vmem>>, vector<16xf32>,
      %parallel_loop3A_1195 = vector.shape_cast %parallel_loop3A_1194 : vector<16xf32> to vector<16xf32>
      %parallel_loop3A_1196 = vector.shape_cast %parallel_loop3A_1192 : vector<16xf32> to vector<16xf32>
      tpu.vector_store %arg8[%parallel_loop3A_1193], %parallel_loop3A_1196 {add = true, strides = array<i32>} : memref<65536xf32, #tpu.memory_space<vmem>>, vector<16xf32>,
      %parallel_loop3A_1197 = arith.constant 112 : i32
      %parallel_loop3A_1198 = arith.addi %parallel_loop3A_1140, %parallel_loop3A_1197 : i32
      %parallel_loop3A_1199 = arith.mulf %parallel_loop3A_1136, %sub3A_78 : vector<16xf32>
      %parallel_loop3A_1200 = arith.addf %get3A_47, %parallel_loop3A_1199 : vector<16xf32>
      %parallel_loop3A_1201 = arith.index_cast %parallel_loop3A_1198 : i32 to index
      %parallel_loop3A_1202 = tpu.vector_load %arg8[%parallel_loop3A_1201] {strides = array<i32>} : memref<65536xf32, #tpu.memory_space<vmem>>, vector<16xf32>,
      %parallel_loop3A_1203 = vector.shape_cast %parallel_loop3A_1202 : vector<16xf32> to vector<16xf32>
      %parallel_loop3A_1204 = vector.shape_cast %parallel_loop3A_1200 : vector<16xf32> to vector<16xf32>
      tpu.vector_store %arg8[%parallel_loop3A_1201], %parallel_loop3A_1204 {add = true, strides = array<i32>} : memref<65536xf32, #tpu.memory_space<vmem>>, vector<16xf32>,
      %parallel_loop3A_1205 = vector.extract_strided_slice %parallel_loop3A_139 {offsets = [15], sizes = [1], strides = [1]} : vector<16xf32> to vector<1xf32>
      %parallel_loop3A_1206 = vector.shape_cast %parallel_loop3A_1205 : vector<1xf32> to vector<1xf32>
      %parallel_loop3A_1207 = vector.broadcast %parallel_loop3A_1206 : vector<1xf32> to vector<16xf32>
      %parallel_loop3A_1208 = arith.constant 15 : i32
      %parallel_loop3A_1209 = arith.addi %parallel_loop3A_132, %parallel_loop3A_1208 : i32
      %parallel_loop3A_1210 = arith.constant 128 : i32
      %parallel_loop3A_1211 = arith.muli %parallel_loop3A_1209, %parallel_loop3A_1210 : i32
      %parallel_loop3A_1212 = arith.constant 0 : i32
      %parallel_loop3A_1213 = arith.addi %parallel_loop3A_1211, %parallel_loop3A_1212 : i32
      %parallel_loop3A_1214 = arith.mulf %parallel_loop3A_1207, %sub3A : vector<16xf32>
      %parallel_loop3A_1215 = arith.addf %get3A_26, %parallel_loop3A_1214 : vector<16xf32>
      %parallel_loop3A_1216 = arith.index_cast %parallel_loop3A_1213 : i32 to index
      %parallel_loop3A_1217 = tpu.vector_load %arg8[%parallel_loop3A_1216] {strides = array<i32>} : memref<65536xf32, #tpu.memory_space<vmem>>, vector<16xf32>,
      %parallel_loop3A_1218 = vector.shape_cast %parallel_loop3A_1217 : vector<16xf32> to vector<16xf32>
      %parallel_loop3A_1219 = vector.shape_cast %parallel_loop3A_1215 : vector<16xf32> to vector<16xf32>
      tpu.vector_store %arg8[%parallel_loop3A_1216], %parallel_loop3A_1219 {add = true, strides = array<i32>} : memref<65536xf32, #tpu.memory_space<vmem>>, vector<16xf32>,
      %parallel_loop3A_1220 = arith.constant 16 : i32
      %parallel_loop3A_1221 = arith.addi %parallel_loop3A_1211, %parallel_loop3A_1220 : i32
      %parallel_loop3A_1222 = arith.mulf %parallel_loop3A_1207, %sub3A_54 : vector<16xf32>
      %parallel_loop3A_1223 = arith.addf %get3A_29, %parallel_loop3A_1222 : vector<16xf32>
      %parallel_loop3A_1224 = arith.index_cast %parallel_loop3A_1221 : i32 to index
      %parallel_loop3A_1225 = tpu.vector_load %arg8[%parallel_loop3A_1224] {strides = array<i32>} : memref<65536xf32, #tpu.memory_space<vmem>>, vector<16xf32>,
      %parallel_loop3A_1226 = vector.shape_cast %parallel_loop3A_1225 : vector<16xf32> to vector<16xf32>
      %parallel_loop3A_1227 = vector.shape_cast %parallel_loop3A_1223 : vector<16xf32> to vector<16xf32>
      tpu.vector_store %arg8[%parallel_loop3A_1224], %parallel_loop3A_1227 {add = true, strides = array<i32>} : memref<65536xf32, #tpu.memory_space<vmem>>, vector<16xf32>,
      %parallel_loop3A_1228 = arith.constant 32 : i32
      %parallel_loop3A_1229 = arith.addi %parallel_loop3A_1211, %parallel_loop3A_1228 : i32
      %parallel_loop3A_1230 = arith.mulf %parallel_loop3A_1207, %sub3A_58 : vector<16xf32>
      %parallel_loop3A_1231 = arith.addf %get3A_32, %parallel_loop3A_1230 : vector<16xf32>
      %parallel_loop3A_1232 = arith.index_cast %parallel_loop3A_1229 : i32 to index
      %parallel_loop3A_1233 = tpu.vector_load %arg8[%parallel_loop3A_1232] {strides = array<i32>} : memref<65536xf32, #tpu.memory_space<vmem>>, vector<16xf32>,
      %parallel_loop3A_1234 = vector.shape_cast %parallel_loop3A_1233 : vector<16xf32> to vector<16xf32>
      %parallel_loop3A_1235 = vector.shape_cast %parallel_loop3A_1231 : vector<16xf32> to vector<16xf32>
      tpu.vector_store %arg8[%parallel_loop3A_1232], %parallel_loop3A_1235 {add = true, strides = array<i32>} : memref<65536xf32, #tpu.memory_space<vmem>>, vector<16xf32>,
      %parallel_loop3A_1236 = arith.constant 48 : i32
      %parallel_loop3A_1237 = arith.addi %parallel_loop3A_1211, %parallel_loop3A_1236 : i32
      %parallel_loop3A_1238 = arith.mulf %parallel_loop3A_1207, %sub3A_62 : vector<16xf32>
      %parallel_loop3A_1239 = arith.addf %get3A_35, %parallel_loop3A_1238 : vector<16xf32>
      %parallel_loop3A_1240 = arith.index_cast %parallel_loop3A_1237 : i32 to index
      %parallel_loop3A_1241 = tpu.vector_load %arg8[%parallel_loop3A_1240] {strides = array<i32>} : memref<65536xf32, #tpu.memory_space<vmem>>, vector<16xf32>,
      %parallel_loop3A_1242 = vector.shape_cast %parallel_loop3A_1241 : vector<16xf32> to vector<16xf32>
      %parallel_loop3A_1243 = vector.shape_cast %parallel_loop3A_1239 : vector<16xf32> to vector<16xf32>
      tpu.vector_store %arg8[%parallel_loop3A_1240], %parallel_loop3A_1243 {add = true, strides = array<i32>} : memref<65536xf32, #tpu.memory_space<vmem>>, vector<16xf32>,
      %parallel_loop3A_1244 = arith.constant 64 : i32
      %parallel_loop3A_1245 = arith.addi %parallel_loop3A_1211, %parallel_loop3A_1244 : i32
      %parallel_loop3A_1246 = arith.mulf %parallel_loop3A_1207, %sub3A_66 : vector<16xf32>
      %parallel_loop3A_1247 = arith.addf %get3A_38, %parallel_loop3A_1246 : vector<16xf32>
      %parallel_loop3A_1248 = arith.index_cast %parallel_loop3A_1245 : i32 to index
      %parallel_loop3A_1249 = tpu.vector_load %arg8[%parallel_loop3A_1248] {strides = array<i32>} : memref<65536xf32, #tpu.memory_space<vmem>>, vector<16xf32>,
      %parallel_loop3A_1250 = vector.shape_cast %parallel_loop3A_1249 : vector<16xf32> to vector<16xf32>
      %parallel_loop3A_1251 = vector.shape_cast %parallel_loop3A_1247 : vector<16xf32> to vector<16xf32>
      tpu.vector_store %arg8[%parallel_loop3A_1248], %parallel_loop3A_1251 {add = true, strides = array<i32>} : memref<65536xf32, #tpu.memory_space<vmem>>, vector<16xf32>,
      %parallel_loop3A_1252 = arith.constant 80 : i32
      %parallel_loop3A_1253 = arith.addi %parallel_loop3A_1211, %parallel_loop3A_1252 : i32
      %parallel_loop3A_1254 = arith.mulf %parallel_loop3A_1207, %sub3A_70 : vector<16xf32>
      %parallel_loop3A_1255 = arith.addf %get3A_41, %parallel_loop3A_1254 : vector<16xf32>
      %parallel_loop3A_1256 = arith.index_cast %parallel_loop3A_1253 : i32 to index
      %parallel_loop3A_1257 = tpu.vector_load %arg8[%parallel_loop3A_1256] {strides = array<i32>} : memref<65536xf32, #tpu.memory_space<vmem>>, vector<16xf32>,
      %parallel_loop3A_1258 = vector.shape_cast %parallel_loop3A_1257 : vector<16xf32> to vector<16xf32>
      %parallel_loop3A_1259 = vector.shape_cast %parallel_loop3A_1255 : vector<16xf32> to vector<16xf32>
      tpu.vector_store %arg8[%parallel_loop3A_1256], %parallel_loop3A_1259 {add = true, strides = array<i32>} : memref<65536xf32, #tpu.memory_space<vmem>>, vector<16xf32>,
      %parallel_loop3A_1260 = arith.constant 96 : i32
      %parallel_loop3A_1261 = arith.addi %parallel_loop3A_1211, %parallel_loop3A_1260 : i32
      %parallel_loop3A_1262 = arith.mulf %parallel_loop3A_1207, %sub3A_74 : vector<16xf32>
      %parallel_loop3A_1263 = arith.addf %get3A_44, %parallel_loop3A_1262 : vector<16xf32>
      %parallel_loop3A_1264 = arith.index_cast %parallel_loop3A_1261 : i32 to index
      %parallel_loop3A_1265 = tpu.vector_load %arg8[%parallel_loop3A_1264] {strides = array<i32>} : memref<65536xf32, #tpu.memory_space<vmem>>, vector<16xf32>,
      %parallel_loop3A_1266 = vector.shape_cast %parallel_loop3A_1265 : vector<16xf32> to vector<16xf32>
      %parallel_loop3A_1267 = vector.shape_cast %parallel_loop3A_1263 : vector<16xf32> to vector<16xf32>
      tpu.vector_store %arg8[%parallel_loop3A_1264], %parallel_loop3A_1267 {add = true, strides = array<i32>} : memref<65536xf32, #tpu.memory_space<vmem>>, vector<16xf32>,
      %parallel_loop3A_1268 = arith.constant 112 : i32
      %parallel_loop3A_1269 = arith.addi %parallel_loop3A_1211, %parallel_loop3A_1268 : i32
      %parallel_loop3A_1270 = arith.mulf %parallel_loop3A_1207, %sub3A_78 : vector<16xf32>
      %parallel_loop3A_1271 = arith.addf %get3A_47, %parallel_loop3A_1270 : vector<16xf32>
      %parallel_loop3A_1272 = arith.index_cast %parallel_loop3A_1269 : i32 to index
      %parallel_loop3A_1273 = tpu.vector_load %arg8[%parallel_loop3A_1272] {strides = array<i32>} : memref<65536xf32, #tpu.memory_space<vmem>>, vector<16xf32>,
      %parallel_loop3A_1274 = vector.shape_cast %parallel_loop3A_1273 : vector<16xf32> to vector<16xf32>
      %parallel_loop3A_1275 = vector.shape_cast %parallel_loop3A_1271 : vector<16xf32> to vector<16xf32>
      tpu.vector_store %arg8[%parallel_loop3A_1272], %parallel_loop3A_1275 {add = true, strides = array<i32>} : memref<65536xf32, #tpu.memory_space<vmem>>, vector<16xf32>,
    } {sc.loop_unroll_factor = 2 : i64, sc.parallel_access}
    %add3A_87 = arith.constant 0 : i32
    %add3A_88 = arith.addi %mul3A_2, %add3A_87 : i32
    %mul3A_89 = arith.constant 128 : i32
    %mul3A_90 = arith.muli %add3A_88, %mul3A_89 : i32
    %dma_start3A_91 = arith.constant 0 : i32
    %dma_start3A_92 = tpu.memref_slice %arg8[%dma_start3A_91] : memref<65536xf32, #tpu.memory_space<vmem>> -> memref<32768xf32, #tpu.memory_space<vmem>>
    %dma_start3A_93 = tpu.memref_slice %arg5[%mul3A_90] : memref<2097152xf32, #tpu.memory_space<hbm>> -> memref<32768xf32, #tpu.memory_space<hbm>>
    %dma_start3A_94 = tpu.memref_slice %arg5[%mul3A_90] : memref<2097152xf32, #tpu.memory_space<hbm>> -> memref<32768xf32, #tpu.memory_space<hbm>>
    %dma_start3A_95 = arith.constant 0 : i32
    %dma_start3A_96 = tpu.memref_slice %arg8[%dma_start3A_95] : memref<65536xf32, #tpu.memory_space<vmem>> -> memref<32768xf32, #tpu.memory_space<vmem>>
    tpu.enqueue_dma source(%dma_start3A_96 : memref<32768xf32, #tpu.memory_space<vmem>>) target(%dma_start3A_94 : memref<32768xf32, #tpu.memory_space<hbm>>) target_semaphore(%arg13 : memref<!tpu.dma_semaphore, #tpu.memory_space<semaphore_mem>>)
    %dma_wait3A_97 = arith.constant 32768 : i32
    %dma_wait3A_98 = tpu.memref_slice %arg8[%dma_wait3A_97] : memref<65536xf32, #tpu.memory_space<vmem>> -> memref<32768xf32, #tpu.memory_space<vmem>>
    %dma_wait3A_99 = tpu.memref_slice %arg3[%mul3A_17] : memref<2097152xf32, #tpu.memory_space<hbm>> -> memref<32768xf32, #tpu.memory_space<hbm>>
    %dma_wait3A_100 = arith.constant 32768 : i32
    %dma_wait3A_101 = tpu.memref_slice %arg8[%dma_wait3A_100] : memref<65536xf32, #tpu.memory_space<vmem>> -> memref<32768xf32, #tpu.memory_space<vmem>>
    %dma_wait3A_102 = tpu.memref_slice %arg3[%mul3A_17] : memref<2097152xf32, #tpu.memory_space<hbm>> -> memref<32768xf32, #tpu.memory_space<hbm>>
    tpu.wait_dma2 semaphore(%arg12 : memref<!tpu.dma_semaphore, #tpu.memory_space<semaphore_mem>>) src(%dma_wait3A_102 : memref<32768xf32, #tpu.memory_space<hbm>>) dst(%dma_wait3A_101 : memref<32768xf32, #tpu.memory_space<vmem>>)
    %parallel_loop3A_103 = arith.constant 0 : i32
    %parallel_loop3A_104 = arith.constant 16 : i32
    %parallel_loop3A_105 = arith.constant 1 : i32
    scf.for %parallel_loop3A_128 = %parallel_loop3A_103 to %parallel_loop3A_104 step %parallel_loop3A_105  : i32 {
      %parallel_loop3A_129 = arith.constant 16 : i32
      %parallel_loop3A_130 = arith.muli %parallel_loop3A_128, %parallel_loop3A_129 : i32
      %parallel_loop3A_131 = arith.constant 256 : i32
      %parallel_loop3A_132 = arith.addi %parallel_loop3A_131, %parallel_loop3A_130 : i32
      %parallel_loop3A_133 = arith.index_cast %parallel_loop3A_132 : i32 to index
      %parallel_loop3A_134 = tpu.vector_load %arg6[%parallel_loop3A_133] {strides = array<i32>} : memref<512xi32, #tpu.memory_space<vmem>>, vector<16xi32>,
      %parallel_loop3A_135 = vector.shape_cast %parallel_loop3A_134 : vector<16xi32> to vector<16xi32>
      %parallel_loop3A_136 = arith.sitofp %parallel_loop3A_135 : vector<16xi32> to vector<16xf32>
      %parallel_loop3A_137 = arith.constant 1.000000e+00 : f32
      %parallel_loop3A_138 = vector.broadcast %parallel_loop3A_137 : f32 to vector<16xf32>
      %parallel_loop3A_139 = arith.subf %parallel_loop3A_138, %parallel_loop3A_136 : vector<16xf32>
      %parallel_loop3A_140 = vector.extract_strided_slice %parallel_loop3A_139 {offsets = [0], sizes = [1], strides = [1]} : vector<16xf32> to vector<1xf32>
      %parallel_loop3A_141 = vector.shape_cast %parallel_loop3A_140 : vector<1xf32> to vector<1xf32>
      %parallel_loop3A_142 = vector.broadcast %parallel_loop3A_141 : vector<1xf32> to vector<16xf32>
      %parallel_loop3A_143 = arith.constant 0 : i32
      %parallel_loop3A_144 = arith.addi %parallel_loop3A_132, %parallel_loop3A_143 : i32
      %parallel_loop3A_145 = arith.constant 128 : i32
      %parallel_loop3A_146 = arith.muli %parallel_loop3A_144, %parallel_loop3A_145 : i32
      %parallel_loop3A_147 = arith.constant 0 : i32
      %parallel_loop3A_148 = arith.addi %parallel_loop3A_146, %parallel_loop3A_147 : i32
      %parallel_loop3A_149 = arith.mulf %parallel_loop3A_142, %sub3A : vector<16xf32>
      %parallel_loop3A_150 = arith.addf %get3A_26, %parallel_loop3A_149 : vector<16xf32>
      %parallel_loop3A_151 = arith.index_cast %parallel_loop3A_148 : i32 to index
      %parallel_loop3A_152 = tpu.vector_load %arg8[%parallel_loop3A_151] {strides = array<i32>} : memref<65536xf32, #tpu.memory_space<vmem>>, vector<16xf32>,
      %parallel_loop3A_153 = vector.shape_cast %parallel_loop3A_152 : vector<16xf32> to vector<16xf32>
      %parallel_loop3A_154 = vector.shape_cast %parallel_loop3A_150 : vector<16xf32> to vector<16xf32>
      tpu.vector_store %arg8[%parallel_loop3A_151], %parallel_loop3A_154 {add = true, strides = array<i32>} : memref<65536xf32, #tpu.memory_space<vmem>>, vector<16xf32>,
      %parallel_loop3A_155 = arith.constant 16 : i32
      %parallel_loop3A_156 = arith.addi %parallel_loop3A_146, %parallel_loop3A_155 : i32
      %parallel_loop3A_157 = arith.mulf %parallel_loop3A_142, %sub3A_54 : vector<16xf32>
      %parallel_loop3A_158 = arith.addf %get3A_29, %parallel_loop3A_157 : vector<16xf32>
      %parallel_loop3A_159 = arith.index_cast %parallel_loop3A_156 : i32 to index
      %parallel_loop3A_160 = tpu.vector_load %arg8[%parallel_loop3A_159] {strides = array<i32>} : memref<65536xf32, #tpu.memory_space<vmem>>, vector<16xf32>,
      %parallel_loop3A_161 = vector.shape_cast %parallel_loop3A_160 : vector<16xf32> to vector<16xf32>
      %parallel_loop3A_162 = vector.shape_cast %parallel_loop3A_158 : vector<16xf32> to vector<16xf32>
      tpu.vector_store %arg8[%parallel_loop3A_159], %parallel_loop3A_162 {add = true, strides = array<i32>} : memref<65536xf32, #tpu.memory_space<vmem>>, vector<16xf32>,
      %parallel_loop3A_163 = arith.constant 32 : i32
      %parallel_loop3A_164 = arith.addi %parallel_loop3A_146, %parallel_loop3A_163 : i32
      %parallel_loop3A_165 = arith.mulf %parallel_loop3A_142, %sub3A_58 : vector<16xf32>
      %parallel_loop3A_166 = arith.addf %get3A_32, %parallel_loop3A_165 : vector<16xf32>
      %parallel_loop3A_167 = arith.index_cast %parallel_loop3A_164 : i32 to index
      %parallel_loop3A_168 = tpu.vector_load %arg8[%parallel_loop3A_167] {strides = array<i32>} : memref<65536xf32, #tpu.memory_space<vmem>>, vector<16xf32>,
      %parallel_loop3A_169 = vector.shape_cast %parallel_loop3A_168 : vector<16xf32> to vector<16xf32>
      %parallel_loop3A_170 = vector.shape_cast %parallel_loop3A_166 : vector<16xf32> to vector<16xf32>
      tpu.vector_store %arg8[%parallel_loop3A_167], %parallel_loop3A_170 {add = true, strides = array<i32>} : memref<65536xf32, #tpu.memory_space<vmem>>, vector<16xf32>,
      %parallel_loop3A_171 = arith.constant 48 : i32
      %parallel_loop3A_172 = arith.addi %parallel_loop3A_146, %parallel_loop3A_171 : i32
      %parallel_loop3A_173 = arith.mulf %parallel_loop3A_142, %sub3A_62 : vector<16xf32>
      %parallel_loop3A_174 = arith.addf %get3A_35, %parallel_loop3A_173 : vector<16xf32>
      %parallel_loop3A_175 = arith.index_cast %parallel_loop3A_172 : i32 to index
      %parallel_loop3A_176 = tpu.vector_load %arg8[%parallel_loop3A_175] {strides = array<i32>} : memref<65536xf32, #tpu.memory_space<vmem>>, vector<16xf32>,
      %parallel_loop3A_177 = vector.shape_cast %parallel_loop3A_176 : vector<16xf32> to vector<16xf32>
      %parallel_loop3A_178 = vector.shape_cast %parallel_loop3A_174 : vector<16xf32> to vector<16xf32>
      tpu.vector_store %arg8[%parallel_loop3A_175], %parallel_loop3A_178 {add = true, strides = array<i32>} : memref<65536xf32, #tpu.memory_space<vmem>>, vector<16xf32>,
      %parallel_loop3A_179 = arith.constant 64 : i32
      %parallel_loop3A_180 = arith.addi %parallel_loop3A_146, %parallel_loop3A_179 : i32
      %parallel_loop3A_181 = arith.mulf %parallel_loop3A_142, %sub3A_66 : vector<16xf32>
      %parallel_loop3A_182 = arith.addf %get3A_38, %parallel_loop3A_181 : vector<16xf32>
      %parallel_loop3A_183 = arith.index_cast %parallel_loop3A_180 : i32 to index
      %parallel_loop3A_184 = tpu.vector_load %arg8[%parallel_loop3A_183] {strides = array<i32>} : memref<65536xf32, #tpu.memory_space<vmem>>, vector<16xf32>,
      %parallel_loop3A_185 = vector.shape_cast %parallel_loop3A_184 : vector<16xf32> to vector<16xf32>
      %parallel_loop3A_186 = vector.shape_cast %parallel_loop3A_182 : vector<16xf32> to vector<16xf32>
      tpu.vector_store %arg8[%parallel_loop3A_183], %parallel_loop3A_186 {add = true, strides = array<i32>} : memref<65536xf32, #tpu.memory_space<vmem>>, vector<16xf32>,
      %parallel_loop3A_187 = arith.constant 80 : i32
      %parallel_loop3A_188 = arith.addi %parallel_loop3A_146, %parallel_loop3A_187 : i32
      %parallel_loop3A_189 = arith.mulf %parallel_loop3A_142, %sub3A_70 : vector<16xf32>
      %parallel_loop3A_190 = arith.addf %get3A_41, %parallel_loop3A_189 : vector<16xf32>
      %parallel_loop3A_191 = arith.index_cast %parallel_loop3A_188 : i32 to index
      %parallel_loop3A_192 = tpu.vector_load %arg8[%parallel_loop3A_191] {strides = array<i32>} : memref<65536xf32, #tpu.memory_space<vmem>>, vector<16xf32>,
      %parallel_loop3A_193 = vector.shape_cast %parallel_loop3A_192 : vector<16xf32> to vector<16xf32>
      %parallel_loop3A_194 = vector.shape_cast %parallel_loop3A_190 : vector<16xf32> to vector<16xf32>
      tpu.vector_store %arg8[%parallel_loop3A_191], %parallel_loop3A_194 {add = true, strides = array<i32>} : memref<65536xf32, #tpu.memory_space<vmem>>, vector<16xf32>,
      %parallel_loop3A_195 = arith.constant 96 : i32
      %parallel_loop3A_196 = arith.addi %parallel_loop3A_146, %parallel_loop3A_195 : i32
      %parallel_loop3A_197 = arith.mulf %parallel_loop3A_142, %sub3A_74 : vector<16xf32>
      %parallel_loop3A_198 = arith.addf %get3A_44, %parallel_loop3A_197 : vector<16xf32>
      %parallel_loop3A_199 = arith.index_cast %parallel_loop3A_196 : i32 to index
      %parallel_loop3A_200 = tpu.vector_load %arg8[%parallel_loop3A_199] {strides = array<i32>} : memref<65536xf32, #tpu.memory_space<vmem>>, vector<16xf32>,
      %parallel_loop3A_201 = vector.shape_cast %parallel_loop3A_200 : vector<16xf32> to vector<16xf32>
      %parallel_loop3A_202 = vector.shape_cast %parallel_loop3A_198 : vector<16xf32> to vector<16xf32>
      tpu.vector_store %arg8[%parallel_loop3A_199], %parallel_loop3A_202 {add = true, strides = array<i32>} : memref<65536xf32, #tpu.memory_space<vmem>>, vector<16xf32>,
      %parallel_loop3A_203 = arith.constant 112 : i32
      %parallel_loop3A_204 = arith.addi %parallel_loop3A_146, %parallel_loop3A_203 : i32
      %parallel_loop3A_205 = arith.mulf %parallel_loop3A_142, %sub3A_78 : vector<16xf32>
      %parallel_loop3A_206 = arith.addf %get3A_47, %parallel_loop3A_205 : vector<16xf32>
      %parallel_loop3A_207 = arith.index_cast %parallel_loop3A_204 : i32 to index
      %parallel_loop3A_208 = tpu.vector_load %arg8[%parallel_loop3A_207] {strides = array<i32>} : memref<65536xf32, #tpu.memory_space<vmem>>, vector<16xf32>,
      %parallel_loop3A_209 = vector.shape_cast %parallel_loop3A_208 : vector<16xf32> to vector<16xf32>
      %parallel_loop3A_210 = vector.shape_cast %parallel_loop3A_206 : vector<16xf32> to vector<16xf32>
      tpu.vector_store %arg8[%parallel_loop3A_207], %parallel_loop3A_210 {add = true, strides = array<i32>} : memref<65536xf32, #tpu.memory_space<vmem>>, vector<16xf32>,
      %parallel_loop3A_211 = vector.extract_strided_slice %parallel_loop3A_139 {offsets = [1], sizes = [1], strides = [1]} : vector<16xf32> to vector<1xf32>
      %parallel_loop3A_212 = vector.shape_cast %parallel_loop3A_211 : vector<1xf32> to vector<1xf32>
      %parallel_loop3A_213 = vector.broadcast %parallel_loop3A_212 : vector<1xf32> to vector<16xf32>
      %parallel_loop3A_214 = arith.constant 1 : i32
      %parallel_loop3A_215 = arith.addi %parallel_loop3A_132, %parallel_loop3A_214 : i32
      %parallel_loop3A_216 = arith.constant 128 : i32
      %parallel_loop3A_217 = arith.muli %parallel_loop3A_215, %parallel_loop3A_216 : i32
      %parallel_loop3A_218 = arith.constant 0 : i32
      %parallel_loop3A_219 = arith.addi %parallel_loop3A_217, %parallel_loop3A_218 : i32
      %parallel_loop3A_220 = arith.mulf %parallel_loop3A_213, %sub3A : vector<16xf32>
      %parallel_loop3A_221 = arith.addf %get3A_26, %parallel_loop3A_220 : vector<16xf32>
      %parallel_loop3A_222 = arith.index_cast %parallel_loop3A_219 : i32 to index
      %parallel_loop3A_223 = tpu.vector_load %arg8[%parallel_loop3A_222] {strides = array<i32>} : memref<65536xf32, #tpu.memory_space<vmem>>, vector<16xf32>,
      %parallel_loop3A_224 = vector.shape_cast %parallel_loop3A_223 : vector<16xf32> to vector<16xf32>
      %parallel_loop3A_225 = vector.shape_cast %parallel_loop3A_221 : vector<16xf32> to vector<16xf32>
      tpu.vector_store %arg8[%parallel_loop3A_222], %parallel_loop3A_225 {add = true, strides = array<i32>} : memref<65536xf32, #tpu.memory_space<vmem>>, vector<16xf32>,
      %parallel_loop3A_226 = arith.constant 16 : i32
      %parallel_loop3A_227 = arith.addi %parallel_loop3A_217, %parallel_loop3A_226 : i32
      %parallel_loop3A_228 = arith.mulf %parallel_loop3A_213, %sub3A_54 : vector<16xf32>
      %parallel_loop3A_229 = arith.addf %get3A_29, %parallel_loop3A_228 : vector<16xf32>
      %parallel_loop3A_230 = arith.index_cast %parallel_loop3A_227 : i32 to index
      %parallel_loop3A_231 = tpu.vector_load %arg8[%parallel_loop3A_230] {strides = array<i32>} : memref<65536xf32, #tpu.memory_space<vmem>>, vector<16xf32>,
      %parallel_loop3A_232 = vector.shape_cast %parallel_loop3A_231 : vector<16xf32> to vector<16xf32>
      %parallel_loop3A_233 = vector.shape_cast %parallel_loop3A_229 : vector<16xf32> to vector<16xf32>
      tpu.vector_store %arg8[%parallel_loop3A_230], %parallel_loop3A_233 {add = true, strides = array<i32>} : memref<65536xf32, #tpu.memory_space<vmem>>, vector<16xf32>,
      %parallel_loop3A_234 = arith.constant 32 : i32
      %parallel_loop3A_235 = arith.addi %parallel_loop3A_217, %parallel_loop3A_234 : i32
      %parallel_loop3A_236 = arith.mulf %parallel_loop3A_213, %sub3A_58 : vector<16xf32>
      %parallel_loop3A_237 = arith.addf %get3A_32, %parallel_loop3A_236 : vector<16xf32>
      %parallel_loop3A_238 = arith.index_cast %parallel_loop3A_235 : i32 to index
      %parallel_loop3A_239 = tpu.vector_load %arg8[%parallel_loop3A_238] {strides = array<i32>} : memref<65536xf32, #tpu.memory_space<vmem>>, vector<16xf32>,
      %parallel_loop3A_240 = vector.shape_cast %parallel_loop3A_239 : vector<16xf32> to vector<16xf32>
      %parallel_loop3A_241 = vector.shape_cast %parallel_loop3A_237 : vector<16xf32> to vector<16xf32>
      tpu.vector_store %arg8[%parallel_loop3A_238], %parallel_loop3A_241 {add = true, strides = array<i32>} : memref<65536xf32, #tpu.memory_space<vmem>>, vector<16xf32>,
      %parallel_loop3A_242 = arith.constant 48 : i32
      %parallel_loop3A_243 = arith.addi %parallel_loop3A_217, %parallel_loop3A_242 : i32
      %parallel_loop3A_244 = arith.mulf %parallel_loop3A_213, %sub3A_62 : vector<16xf32>
      %parallel_loop3A_245 = arith.addf %get3A_35, %parallel_loop3A_244 : vector<16xf32>
      %parallel_loop3A_246 = arith.index_cast %parallel_loop3A_243 : i32 to index
      %parallel_loop3A_247 = tpu.vector_load %arg8[%parallel_loop3A_246] {strides = array<i32>} : memref<65536xf32, #tpu.memory_space<vmem>>, vector<16xf32>,
      %parallel_loop3A_248 = vector.shape_cast %parallel_loop3A_247 : vector<16xf32> to vector<16xf32>
      %parallel_loop3A_249 = vector.shape_cast %parallel_loop3A_245 : vector<16xf32> to vector<16xf32>
      tpu.vector_store %arg8[%parallel_loop3A_246], %parallel_loop3A_249 {add = true, strides = array<i32>} : memref<65536xf32, #tpu.memory_space<vmem>>, vector<16xf32>,
      %parallel_loop3A_250 = arith.constant 64 : i32
      %parallel_loop3A_251 = arith.addi %parallel_loop3A_217, %parallel_loop3A_250 : i32
      %parallel_loop3A_252 = arith.mulf %parallel_loop3A_213, %sub3A_66 : vector<16xf32>
      %parallel_loop3A_253 = arith.addf %get3A_38, %parallel_loop3A_252 : vector<16xf32>
      %parallel_loop3A_254 = arith.index_cast %parallel_loop3A_251 : i32 to index
      %parallel_loop3A_255 = tpu.vector_load %arg8[%parallel_loop3A_254] {strides = array<i32>} : memref<65536xf32, #tpu.memory_space<vmem>>, vector<16xf32>,
      %parallel_loop3A_256 = vector.shape_cast %parallel_loop3A_255 : vector<16xf32> to vector<16xf32>
      %parallel_loop3A_257 = vector.shape_cast %parallel_loop3A_253 : vector<16xf32> to vector<16xf32>
      tpu.vector_store %arg8[%parallel_loop3A_254], %parallel_loop3A_257 {add = true, strides = array<i32>} : memref<65536xf32, #tpu.memory_space<vmem>>, vector<16xf32>,
      %parallel_loop3A_258 = arith.constant 80 : i32
      %parallel_loop3A_259 = arith.addi %parallel_loop3A_217, %parallel_loop3A_258 : i32
      %parallel_loop3A_260 = arith.mulf %parallel_loop3A_213, %sub3A_70 : vector<16xf32>
      %parallel_loop3A_261 = arith.addf %get3A_41, %parallel_loop3A_260 : vector<16xf32>
      %parallel_loop3A_262 = arith.index_cast %parallel_loop3A_259 : i32 to index
      %parallel_loop3A_263 = tpu.vector_load %arg8[%parallel_loop3A_262] {strides = array<i32>} : memref<65536xf32, #tpu.memory_space<vmem>>, vector<16xf32>,
      %parallel_loop3A_264 = vector.shape_cast %parallel_loop3A_263 : vector<16xf32> to vector<16xf32>
      %parallel_loop3A_265 = vector.shape_cast %parallel_loop3A_261 : vector<16xf32> to vector<16xf32>
      tpu.vector_store %arg8[%parallel_loop3A_262], %parallel_loop3A_265 {add = true, strides = array<i32>} : memref<65536xf32, #tpu.memory_space<vmem>>, vector<16xf32>,
      %parallel_loop3A_266 = arith.constant 96 : i32
      %parallel_loop3A_267 = arith.addi %parallel_loop3A_217, %parallel_loop3A_266 : i32
      %parallel_loop3A_268 = arith.mulf %parallel_loop3A_213, %sub3A_74 : vector<16xf32>
      %parallel_loop3A_269 = arith.addf %get3A_44, %parallel_loop3A_268 : vector<16xf32>
      %parallel_loop3A_270 = arith.index_cast %parallel_loop3A_267 : i32 to index
      %parallel_loop3A_271 = tpu.vector_load %arg8[%parallel_loop3A_270] {strides = array<i32>} : memref<65536xf32, #tpu.memory_space<vmem>>, vector<16xf32>,
      %parallel_loop3A_272 = vector.shape_cast %parallel_loop3A_271 : vector<16xf32> to vector<16xf32>
      %parallel_loop3A_273 = vector.shape_cast %parallel_loop3A_269 : vector<16xf32> to vector<16xf32>
      tpu.vector_store %arg8[%parallel_loop3A_270], %parallel_loop3A_273 {add = true, strides = array<i32>} : memref<65536xf32, #tpu.memory_space<vmem>>, vector<16xf32>,
      %parallel_loop3A_274 = arith.constant 112 : i32
      %parallel_loop3A_275 = arith.addi %parallel_loop3A_217, %parallel_loop3A_274 : i32
      %parallel_loop3A_276 = arith.mulf %parallel_loop3A_213, %sub3A_78 : vector<16xf32>
      %parallel_loop3A_277 = arith.addf %get3A_47, %parallel_loop3A_276 : vector<16xf32>
      %parallel_loop3A_278 = arith.index_cast %parallel_loop3A_275 : i32 to index
      %parallel_loop3A_279 = tpu.vector_load %arg8[%parallel_loop3A_278] {strides = array<i32>} : memref<65536xf32, #tpu.memory_space<vmem>>, vector<16xf32>,
      %parallel_loop3A_280 = vector.shape_cast %parallel_loop3A_279 : vector<16xf32> to vector<16xf32>
      %parallel_loop3A_281 = vector.shape_cast %parallel_loop3A_277 : vector<16xf32> to vector<16xf32>
      tpu.vector_store %arg8[%parallel_loop3A_278], %parallel_loop3A_281 {add = true, strides = array<i32>} : memref<65536xf32, #tpu.memory_space<vmem>>, vector<16xf32>,
      %parallel_loop3A_282 = vector.extract_strided_slice %parallel_loop3A_139 {offsets = [2], sizes = [1], strides = [1]} : vector<16xf32> to vector<1xf32>
      %parallel_loop3A_283 = vector.shape_cast %parallel_loop3A_282 : vector<1xf32> to vector<1xf32>
      %parallel_loop3A_284 = vector.broadcast %parallel_loop3A_283 : vector<1xf32> to vector<16xf32>
      %parallel_loop3A_285 = arith.constant 2 : i32
      %parallel_loop3A_286 = arith.addi %parallel_loop3A_132, %parallel_loop3A_285 : i32
      %parallel_loop3A_287 = arith.constant 128 : i32
      %parallel_loop3A_288 = arith.muli %parallel_loop3A_286, %parallel_loop3A_287 : i32
      %parallel_loop3A_289 = arith.constant 0 : i32
      %parallel_loop3A_290 = arith.addi %parallel_loop3A_288, %parallel_loop3A_289 : i32
      %parallel_loop3A_291 = arith.mulf %parallel_loop3A_284, %sub3A : vector<16xf32>
      %parallel_loop3A_292 = arith.addf %get3A_26, %parallel_loop3A_291 : vector<16xf32>
      %parallel_loop3A_293 = arith.index_cast %parallel_loop3A_290 : i32 to index
      %parallel_loop3A_294 = tpu.vector_load %arg8[%parallel_loop3A_293] {strides = array<i32>} : memref<65536xf32, #tpu.memory_space<vmem>>, vector<16xf32>,
      %parallel_loop3A_295 = vector.shape_cast %parallel_loop3A_294 : vector<16xf32> to vector<16xf32>
      %parallel_loop3A_296 = vector.shape_cast %parallel_loop3A_292 : vector<16xf32> to vector<16xf32>
      tpu.vector_store %arg8[%parallel_loop3A_293], %parallel_loop3A_296 {add = true, strides = array<i32>} : memref<65536xf32, #tpu.memory_space<vmem>>, vector<16xf32>,
      %parallel_loop3A_297 = arith.constant 16 : i32
      %parallel_loop3A_298 = arith.addi %parallel_loop3A_288, %parallel_loop3A_297 : i32
      %parallel_loop3A_299 = arith.mulf %parallel_loop3A_284, %sub3A_54 : vector<16xf32>
      %parallel_loop3A_300 = arith.addf %get3A_29, %parallel_loop3A_299 : vector<16xf32>
      %parallel_loop3A_301 = arith.index_cast %parallel_loop3A_298 : i32 to index
      %parallel_loop3A_302 = tpu.vector_load %arg8[%parallel_loop3A_301] {strides = array<i32>} : memref<65536xf32, #tpu.memory_space<vmem>>, vector<16xf32>,
      %parallel_loop3A_303 = vector.shape_cast %parallel_loop3A_302 : vector<16xf32> to vector<16xf32>
      %parallel_loop3A_304 = vector.shape_cast %parallel_loop3A_300 : vector<16xf32> to vector<16xf32>
      tpu.vector_store %arg8[%parallel_loop3A_301], %parallel_loop3A_304 {add = true, strides = array<i32>} : memref<65536xf32, #tpu.memory_space<vmem>>, vector<16xf32>,
      %parallel_loop3A_305 = arith.constant 32 : i32
      %parallel_loop3A_306 = arith.addi %parallel_loop3A_288, %parallel_loop3A_305 : i32
      %parallel_loop3A_307 = arith.mulf %parallel_loop3A_284, %sub3A_58 : vector<16xf32>
      %parallel_loop3A_308 = arith.addf %get3A_32, %parallel_loop3A_307 : vector<16xf32>
      %parallel_loop3A_309 = arith.index_cast %parallel_loop3A_306 : i32 to index
      %parallel_loop3A_310 = tpu.vector_load %arg8[%parallel_loop3A_309] {strides = array<i32>} : memref<65536xf32, #tpu.memory_space<vmem>>, vector<16xf32>,
      %parallel_loop3A_311 = vector.shape_cast %parallel_loop3A_310 : vector<16xf32> to vector<16xf32>
      %parallel_loop3A_312 = vector.shape_cast %parallel_loop3A_308 : vector<16xf32> to vector<16xf32>
      tpu.vector_store %arg8[%parallel_loop3A_309], %parallel_loop3A_312 {add = true, strides = array<i32>} : memref<65536xf32, #tpu.memory_space<vmem>>, vector<16xf32>,
      %parallel_loop3A_313 = arith.constant 48 : i32
      %parallel_loop3A_314 = arith.addi %parallel_loop3A_288, %parallel_loop3A_313 : i32
      %parallel_loop3A_315 = arith.mulf %parallel_loop3A_284, %sub3A_62 : vector<16xf32>
      %parallel_loop3A_316 = arith.addf %get3A_35, %parallel_loop3A_315 : vector<16xf32>
      %parallel_loop3A_317 = arith.index_cast %parallel_loop3A_314 : i32 to index
      %parallel_loop3A_318 = tpu.vector_load %arg8[%parallel_loop3A_317] {strides = array<i32>} : memref<65536xf32, #tpu.memory_space<vmem>>, vector<16xf32>,
      %parallel_loop3A_319 = vector.shape_cast %parallel_loop3A_318 : vector<16xf32> to vector<16xf32>
      %parallel_loop3A_320 = vector.shape_cast %parallel_loop3A_316 : vector<16xf32> to vector<16xf32>
      tpu.vector_store %arg8[%parallel_loop3A_317], %parallel_loop3A_320 {add = true, strides = array<i32>} : memref<65536xf32, #tpu.memory_space<vmem>>, vector<16xf32>,
      %parallel_loop3A_321 = arith.constant 64 : i32
      %parallel_loop3A_322 = arith.addi %parallel_loop3A_288, %parallel_loop3A_321 : i32
      %parallel_loop3A_323 = arith.mulf %parallel_loop3A_284, %sub3A_66 : vector<16xf32>
      %parallel_loop3A_324 = arith.addf %get3A_38, %parallel_loop3A_323 : vector<16xf32>
      %parallel_loop3A_325 = arith.index_cast %parallel_loop3A_322 : i32 to index
      %parallel_loop3A_326 = tpu.vector_load %arg8[%parallel_loop3A_325] {strides = array<i32>} : memref<65536xf32, #tpu.memory_space<vmem>>, vector<16xf32>,
      %parallel_loop3A_327 = vector.shape_cast %parallel_loop3A_326 : vector<16xf32> to vector<16xf32>
      %parallel_loop3A_328 = vector.shape_cast %parallel_loop3A_324 : vector<16xf32> to vector<16xf32>
      tpu.vector_store %arg8[%parallel_loop3A_325], %parallel_loop3A_328 {add = true, strides = array<i32>} : memref<65536xf32, #tpu.memory_space<vmem>>, vector<16xf32>,
      %parallel_loop3A_329 = arith.constant 80 : i32
      %parallel_loop3A_330 = arith.addi %parallel_loop3A_288, %parallel_loop3A_329 : i32
      %parallel_loop3A_331 = arith.mulf %parallel_loop3A_284, %sub3A_70 : vector<16xf32>
      %parallel_loop3A_332 = arith.addf %get3A_41, %parallel_loop3A_331 : vector<16xf32>
      %parallel_loop3A_333 = arith.index_cast %parallel_loop3A_330 : i32 to index
      %parallel_loop3A_334 = tpu.vector_load %arg8[%parallel_loop3A_333] {strides = array<i32>} : memref<65536xf32, #tpu.memory_space<vmem>>, vector<16xf32>,
      %parallel_loop3A_335 = vector.shape_cast %parallel_loop3A_334 : vector<16xf32> to vector<16xf32>
      %parallel_loop3A_336 = vector.shape_cast %parallel_loop3A_332 : vector<16xf32> to vector<16xf32>
      tpu.vector_store %arg8[%parallel_loop3A_333], %parallel_loop3A_336 {add = true, strides = array<i32>} : memref<65536xf32, #tpu.memory_space<vmem>>, vector<16xf32>,
      %parallel_loop3A_337 = arith.constant 96 : i32
      %parallel_loop3A_338 = arith.addi %parallel_loop3A_288, %parallel_loop3A_337 : i32
      %parallel_loop3A_339 = arith.mulf %parallel_loop3A_284, %sub3A_74 : vector<16xf32>
      %parallel_loop3A_340 = arith.addf %get3A_44, %parallel_loop3A_339 : vector<16xf32>
      %parallel_loop3A_341 = arith.index_cast %parallel_loop3A_338 : i32 to index
      %parallel_loop3A_342 = tpu.vector_load %arg8[%parallel_loop3A_341] {strides = array<i32>} : memref<65536xf32, #tpu.memory_space<vmem>>, vector<16xf32>,
      %parallel_loop3A_343 = vector.shape_cast %parallel_loop3A_342 : vector<16xf32> to vector<16xf32>
      %parallel_loop3A_344 = vector.shape_cast %parallel_loop3A_340 : vector<16xf32> to vector<16xf32>
      tpu.vector_store %arg8[%parallel_loop3A_341], %parallel_loop3A_344 {add = true, strides = array<i32>} : memref<65536xf32, #tpu.memory_space<vmem>>, vector<16xf32>,
      %parallel_loop3A_345 = arith.constant 112 : i32
      %parallel_loop3A_346 = arith.addi %parallel_loop3A_288, %parallel_loop3A_345 : i32
      %parallel_loop3A_347 = arith.mulf %parallel_loop3A_284, %sub3A_78 : vector<16xf32>
      %parallel_loop3A_348 = arith.addf %get3A_47, %parallel_loop3A_347 : vector<16xf32>
      %parallel_loop3A_349 = arith.index_cast %parallel_loop3A_346 : i32 to index
      %parallel_loop3A_350 = tpu.vector_load %arg8[%parallel_loop3A_349] {strides = array<i32>} : memref<65536xf32, #tpu.memory_space<vmem>>, vector<16xf32>,
      %parallel_loop3A_351 = vector.shape_cast %parallel_loop3A_350 : vector<16xf32> to vector<16xf32>
      %parallel_loop3A_352 = vector.shape_cast %parallel_loop3A_348 : vector<16xf32> to vector<16xf32>
      tpu.vector_store %arg8[%parallel_loop3A_349], %parallel_loop3A_352 {add = true, strides = array<i32>} : memref<65536xf32, #tpu.memory_space<vmem>>, vector<16xf32>,
      %parallel_loop3A_353 = vector.extract_strided_slice %parallel_loop3A_139 {offsets = [3], sizes = [1], strides = [1]} : vector<16xf32> to vector<1xf32>
      %parallel_loop3A_354 = vector.shape_cast %parallel_loop3A_353 : vector<1xf32> to vector<1xf32>
      %parallel_loop3A_355 = vector.broadcast %parallel_loop3A_354 : vector<1xf32> to vector<16xf32>
      %parallel_loop3A_356 = arith.constant 3 : i32
      %parallel_loop3A_357 = arith.addi %parallel_loop3A_132, %parallel_loop3A_356 : i32
      %parallel_loop3A_358 = arith.constant 128 : i32
      %parallel_loop3A_359 = arith.muli %parallel_loop3A_357, %parallel_loop3A_358 : i32
      %parallel_loop3A_360 = arith.constant 0 : i32
      %parallel_loop3A_361 = arith.addi %parallel_loop3A_359, %parallel_loop3A_360 : i32
      %parallel_loop3A_362 = arith.mulf %parallel_loop3A_355, %sub3A : vector<16xf32>
      %parallel_loop3A_363 = arith.addf %get3A_26, %parallel_loop3A_362 : vector<16xf32>
      %parallel_loop3A_364 = arith.index_cast %parallel_loop3A_361 : i32 to index
      %parallel_loop3A_365 = tpu.vector_load %arg8[%parallel_loop3A_364] {strides = array<i32>} : memref<65536xf32, #tpu.memory_space<vmem>>, vector<16xf32>,
      %parallel_loop3A_366 = vector.shape_cast %parallel_loop3A_365 : vector<16xf32> to vector<16xf32>
      %parallel_loop3A_367 = vector.shape_cast %parallel_loop3A_363 : vector<16xf32> to vector<16xf32>
      tpu.vector_store %arg8[%parallel_loop3A_364], %parallel_loop3A_367 {add = true, strides = array<i32>} : memref<65536xf32, #tpu.memory_space<vmem>>, vector<16xf32>,
      %parallel_loop3A_368 = arith.constant 16 : i32
      %parallel_loop3A_369 = arith.addi %parallel_loop3A_359, %parallel_loop3A_368 : i32
      %parallel_loop3A_370 = arith.mulf %parallel_loop3A_355, %sub3A_54 : vector<16xf32>
      %parallel_loop3A_371 = arith.addf %get3A_29, %parallel_loop3A_370 : vector<16xf32>
      %parallel_loop3A_372 = arith.index_cast %parallel_loop3A_369 : i32 to index
      %parallel_loop3A_373 = tpu.vector_load %arg8[%parallel_loop3A_372] {strides = array<i32>} : memref<65536xf32, #tpu.memory_space<vmem>>, vector<16xf32>,
      %parallel_loop3A_374 = vector.shape_cast %parallel_loop3A_373 : vector<16xf32> to vector<16xf32>
      %parallel_loop3A_375 = vector.shape_cast %parallel_loop3A_371 : vector<16xf32> to vector<16xf32>
      tpu.vector_store %arg8[%parallel_loop3A_372], %parallel_loop3A_375 {add = true, strides = array<i32>} : memref<65536xf32, #tpu.memory_space<vmem>>, vector<16xf32>,
      %parallel_loop3A_376 = arith.constant 32 : i32
      %parallel_loop3A_377 = arith.addi %parallel_loop3A_359, %parallel_loop3A_376 : i32
      %parallel_loop3A_378 = arith.mulf %parallel_loop3A_355, %sub3A_58 : vector<16xf32>
      %parallel_loop3A_379 = arith.addf %get3A_32, %parallel_loop3A_378 : vector<16xf32>
      %parallel_loop3A_380 = arith.index_cast %parallel_loop3A_377 : i32 to index
      %parallel_loop3A_381 = tpu.vector_load %arg8[%parallel_loop3A_380] {strides = array<i32>} : memref<65536xf32, #tpu.memory_space<vmem>>, vector<16xf32>,
      %parallel_loop3A_382 = vector.shape_cast %parallel_loop3A_381 : vector<16xf32> to vector<16xf32>
      %parallel_loop3A_383 = vector.shape_cast %parallel_loop3A_379 : vector<16xf32> to vector<16xf32>
      tpu.vector_store %arg8[%parallel_loop3A_380], %parallel_loop3A_383 {add = true, strides = array<i32>} : memref<65536xf32, #tpu.memory_space<vmem>>, vector<16xf32>,
      %parallel_loop3A_384 = arith.constant 48 : i32
      %parallel_loop3A_385 = arith.addi %parallel_loop3A_359, %parallel_loop3A_384 : i32
      %parallel_loop3A_386 = arith.mulf %parallel_loop3A_355, %sub3A_62 : vector<16xf32>
      %parallel_loop3A_387 = arith.addf %get3A_35, %parallel_loop3A_386 : vector<16xf32>
      %parallel_loop3A_388 = arith.index_cast %parallel_loop3A_385 : i32 to index
      %parallel_loop3A_389 = tpu.vector_load %arg8[%parallel_loop3A_388] {strides = array<i32>} : memref<65536xf32, #tpu.memory_space<vmem>>, vector<16xf32>,
      %parallel_loop3A_390 = vector.shape_cast %parallel_loop3A_389 : vector<16xf32> to vector<16xf32>
      %parallel_loop3A_391 = vector.shape_cast %parallel_loop3A_387 : vector<16xf32> to vector<16xf32>
      tpu.vector_store %arg8[%parallel_loop3A_388], %parallel_loop3A_391 {add = true, strides = array<i32>} : memref<65536xf32, #tpu.memory_space<vmem>>, vector<16xf32>,
      %parallel_loop3A_392 = arith.constant 64 : i32
      %parallel_loop3A_393 = arith.addi %parallel_loop3A_359, %parallel_loop3A_392 : i32
      %parallel_loop3A_394 = arith.mulf %parallel_loop3A_355, %sub3A_66 : vector<16xf32>
      %parallel_loop3A_395 = arith.addf %get3A_38, %parallel_loop3A_394 : vector<16xf32>
      %parallel_loop3A_396 = arith.index_cast %parallel_loop3A_393 : i32 to index
      %parallel_loop3A_397 = tpu.vector_load %arg8[%parallel_loop3A_396] {strides = array<i32>} : memref<65536xf32, #tpu.memory_space<vmem>>, vector<16xf32>,
      %parallel_loop3A_398 = vector.shape_cast %parallel_loop3A_397 : vector<16xf32> to vector<16xf32>
      %parallel_loop3A_399 = vector.shape_cast %parallel_loop3A_395 : vector<16xf32> to vector<16xf32>
      tpu.vector_store %arg8[%parallel_loop3A_396], %parallel_loop3A_399 {add = true, strides = array<i32>} : memref<65536xf32, #tpu.memory_space<vmem>>, vector<16xf32>,
      %parallel_loop3A_400 = arith.constant 80 : i32
      %parallel_loop3A_401 = arith.addi %parallel_loop3A_359, %parallel_loop3A_400 : i32
      %parallel_loop3A_402 = arith.mulf %parallel_loop3A_355, %sub3A_70 : vector<16xf32>
      %parallel_loop3A_403 = arith.addf %get3A_41, %parallel_loop3A_402 : vector<16xf32>
      %parallel_loop3A_404 = arith.index_cast %parallel_loop3A_401 : i32 to index
      %parallel_loop3A_405 = tpu.vector_load %arg8[%parallel_loop3A_404] {strides = array<i32>} : memref<65536xf32, #tpu.memory_space<vmem>>, vector<16xf32>,
      %parallel_loop3A_406 = vector.shape_cast %parallel_loop3A_405 : vector<16xf32> to vector<16xf32>
      %parallel_loop3A_407 = vector.shape_cast %parallel_loop3A_403 : vector<16xf32> to vector<16xf32>
      tpu.vector_store %arg8[%parallel_loop3A_404], %parallel_loop3A_407 {add = true, strides = array<i32>} : memref<65536xf32, #tpu.memory_space<vmem>>, vector<16xf32>,
      %parallel_loop3A_408 = arith.constant 96 : i32
      %parallel_loop3A_409 = arith.addi %parallel_loop3A_359, %parallel_loop3A_408 : i32
      %parallel_loop3A_410 = arith.mulf %parallel_loop3A_355, %sub3A_74 : vector<16xf32>
      %parallel_loop3A_411 = arith.addf %get3A_44, %parallel_loop3A_410 : vector<16xf32>
      %parallel_loop3A_412 = arith.index_cast %parallel_loop3A_409 : i32 to index
      %parallel_loop3A_413 = tpu.vector_load %arg8[%parallel_loop3A_412] {strides = array<i32>} : memref<65536xf32, #tpu.memory_space<vmem>>, vector<16xf32>,
      %parallel_loop3A_414 = vector.shape_cast %parallel_loop3A_413 : vector<16xf32> to vector<16xf32>
      %parallel_loop3A_415 = vector.shape_cast %parallel_loop3A_411 : vector<16xf32> to vector<16xf32>
      tpu.vector_store %arg8[%parallel_loop3A_412], %parallel_loop3A_415 {add = true, strides = array<i32>} : memref<65536xf32, #tpu.memory_space<vmem>>, vector<16xf32>,
      %parallel_loop3A_416 = arith.constant 112 : i32
      %parallel_loop3A_417 = arith.addi %parallel_loop3A_359, %parallel_loop3A_416 : i32
      %parallel_loop3A_418 = arith.mulf %parallel_loop3A_355, %sub3A_78 : vector<16xf32>
      %parallel_loop3A_419 = arith.addf %get3A_47, %parallel_loop3A_418 : vector<16xf32>
      %parallel_loop3A_420 = arith.index_cast %parallel_loop3A_417 : i32 to index
      %parallel_loop3A_421 = tpu.vector_load %arg8[%parallel_loop3A_420] {strides = array<i32>} : memref<65536xf32, #tpu.memory_space<vmem>>, vector<16xf32>,
      %parallel_loop3A_422 = vector.shape_cast %parallel_loop3A_421 : vector<16xf32> to vector<16xf32>
      %parallel_loop3A_423 = vector.shape_cast %parallel_loop3A_419 : vector<16xf32> to vector<16xf32>
      tpu.vector_store %arg8[%parallel_loop3A_420], %parallel_loop3A_423 {add = true, strides = array<i32>} : memref<65536xf32, #tpu.memory_space<vmem>>, vector<16xf32>,
      %parallel_loop3A_424 = vector.extract_strided_slice %parallel_loop3A_139 {offsets = [4], sizes = [1], strides = [1]} : vector<16xf32> to vector<1xf32>
      %parallel_loop3A_425 = vector.shape_cast %parallel_loop3A_424 : vector<1xf32> to vector<1xf32>
      %parallel_loop3A_426 = vector.broadcast %parallel_loop3A_425 : vector<1xf32> to vector<16xf32>
      %parallel_loop3A_427 = arith.constant 4 : i32
      %parallel_loop3A_428 = arith.addi %parallel_loop3A_132, %parallel_loop3A_427 : i32
      %parallel_loop3A_429 = arith.constant 128 : i32
      %parallel_loop3A_430 = arith.muli %parallel_loop3A_428, %parallel_loop3A_429 : i32
      %parallel_loop3A_431 = arith.constant 0 : i32
      %parallel_loop3A_432 = arith.addi %parallel_loop3A_430, %parallel_loop3A_431 : i32
      %parallel_loop3A_433 = arith.mulf %parallel_loop3A_426, %sub3A : vector<16xf32>
      %parallel_loop3A_434 = arith.addf %get3A_26, %parallel_loop3A_433 : vector<16xf32>
      %parallel_loop3A_435 = arith.index_cast %parallel_loop3A_432 : i32 to index
      %parallel_loop3A_436 = tpu.vector_load %arg8[%parallel_loop3A_435] {strides = array<i32>} : memref<65536xf32, #tpu.memory_space<vmem>>, vector<16xf32>,
      %parallel_loop3A_437 = vector.shape_cast %parallel_loop3A_436 : vector<16xf32> to vector<16xf32>
      %parallel_loop3A_438 = vector.shape_cast %parallel_loop3A_434 : vector<16xf32> to vector<16xf32>
      tpu.vector_store %arg8[%parallel_loop3A_435], %parallel_loop3A_438 {add = true, strides = array<i32>} : memref<65536xf32, #tpu.memory_space<vmem>>, vector<16xf32>,
      %parallel_loop3A_439 = arith.constant 16 : i32
      %parallel_loop3A_440 = arith.addi %parallel_loop3A_430, %parallel_loop3A_439 : i32
      %parallel_loop3A_441 = arith.mulf %parallel_loop3A_426, %sub3A_54 : vector<16xf32>
      %parallel_loop3A_442 = arith.addf %get3A_29, %parallel_loop3A_441 : vector<16xf32>
      %parallel_loop3A_443 = arith.index_cast %parallel_loop3A_440 : i32 to index
      %parallel_loop3A_444 = tpu.vector_load %arg8[%parallel_loop3A_443] {strides = array<i32>} : memref<65536xf32, #tpu.memory_space<vmem>>, vector<16xf32>,
      %parallel_loop3A_445 = vector.shape_cast %parallel_loop3A_444 : vector<16xf32> to vector<16xf32>
      %parallel_loop3A_446 = vector.shape_cast %parallel_loop3A_442 : vector<16xf32> to vector<16xf32>
      tpu.vector_store %arg8[%parallel_loop3A_443], %parallel_loop3A_446 {add = true, strides = array<i32>} : memref<65536xf32, #tpu.memory_space<vmem>>, vector<16xf32>,
      %parallel_loop3A_447 = arith.constant 32 : i32
      %parallel_loop3A_448 = arith.addi %parallel_loop3A_430, %parallel_loop3A_447 : i32
      %parallel_loop3A_449 = arith.mulf %parallel_loop3A_426, %sub3A_58 : vector<16xf32>
      %parallel_loop3A_450 = arith.addf %get3A_32, %parallel_loop3A_449 : vector<16xf32>
      %parallel_loop3A_451 = arith.index_cast %parallel_loop3A_448 : i32 to index
      %parallel_loop3A_452 = tpu.vector_load %arg8[%parallel_loop3A_451] {strides = array<i32>} : memref<65536xf32, #tpu.memory_space<vmem>>, vector<16xf32>,
      %parallel_loop3A_453 = vector.shape_cast %parallel_loop3A_452 : vector<16xf32> to vector<16xf32>
      %parallel_loop3A_454 = vector.shape_cast %parallel_loop3A_450 : vector<16xf32> to vector<16xf32>
      tpu.vector_store %arg8[%parallel_loop3A_451], %parallel_loop3A_454 {add = true, strides = array<i32>} : memref<65536xf32, #tpu.memory_space<vmem>>, vector<16xf32>,
      %parallel_loop3A_455 = arith.constant 48 : i32
      %parallel_loop3A_456 = arith.addi %parallel_loop3A_430, %parallel_loop3A_455 : i32
      %parallel_loop3A_457 = arith.mulf %parallel_loop3A_426, %sub3A_62 : vector<16xf32>
      %parallel_loop3A_458 = arith.addf %get3A_35, %parallel_loop3A_457 : vector<16xf32>
      %parallel_loop3A_459 = arith.index_cast %parallel_loop3A_456 : i32 to index
      %parallel_loop3A_460 = tpu.vector_load %arg8[%parallel_loop3A_459] {strides = array<i32>} : memref<65536xf32, #tpu.memory_space<vmem>>, vector<16xf32>,
      %parallel_loop3A_461 = vector.shape_cast %parallel_loop3A_460 : vector<16xf32> to vector<16xf32>
      %parallel_loop3A_462 = vector.shape_cast %parallel_loop3A_458 : vector<16xf32> to vector<16xf32>
      tpu.vector_store %arg8[%parallel_loop3A_459], %parallel_loop3A_462 {add = true, strides = array<i32>} : memref<65536xf32, #tpu.memory_space<vmem>>, vector<16xf32>,
      %parallel_loop3A_463 = arith.constant 64 : i32
      %parallel_loop3A_464 = arith.addi %parallel_loop3A_430, %parallel_loop3A_463 : i32
      %parallel_loop3A_465 = arith.mulf %parallel_loop3A_426, %sub3A_66 : vector<16xf32>
      %parallel_loop3A_466 = arith.addf %get3A_38, %parallel_loop3A_465 : vector<16xf32>
      %parallel_loop3A_467 = arith.index_cast %parallel_loop3A_464 : i32 to index
      %parallel_loop3A_468 = tpu.vector_load %arg8[%parallel_loop3A_467] {strides = array<i32>} : memref<65536xf32, #tpu.memory_space<vmem>>, vector<16xf32>,
      %parallel_loop3A_469 = vector.shape_cast %parallel_loop3A_468 : vector<16xf32> to vector<16xf32>
      %parallel_loop3A_470 = vector.shape_cast %parallel_loop3A_466 : vector<16xf32> to vector<16xf32>
      tpu.vector_store %arg8[%parallel_loop3A_467], %parallel_loop3A_470 {add = true, strides = array<i32>} : memref<65536xf32, #tpu.memory_space<vmem>>, vector<16xf32>,
      %parallel_loop3A_471 = arith.constant 80 : i32
      %parallel_loop3A_472 = arith.addi %parallel_loop3A_430, %parallel_loop3A_471 : i32
      %parallel_loop3A_473 = arith.mulf %parallel_loop3A_426, %sub3A_70 : vector<16xf32>
      %parallel_loop3A_474 = arith.addf %get3A_41, %parallel_loop3A_473 : vector<16xf32>
      %parallel_loop3A_475 = arith.index_cast %parallel_loop3A_472 : i32 to index
      %parallel_loop3A_476 = tpu.vector_load %arg8[%parallel_loop3A_475] {strides = array<i32>} : memref<65536xf32, #tpu.memory_space<vmem>>, vector<16xf32>,
      %parallel_loop3A_477 = vector.shape_cast %parallel_loop3A_476 : vector<16xf32> to vector<16xf32>
      %parallel_loop3A_478 = vector.shape_cast %parallel_loop3A_474 : vector<16xf32> to vector<16xf32>
      tpu.vector_store %arg8[%parallel_loop3A_475], %parallel_loop3A_478 {add = true, strides = array<i32>} : memref<65536xf32, #tpu.memory_space<vmem>>, vector<16xf32>,
      %parallel_loop3A_479 = arith.constant 96 : i32
      %parallel_loop3A_480 = arith.addi %parallel_loop3A_430, %parallel_loop3A_479 : i32
      %parallel_loop3A_481 = arith.mulf %parallel_loop3A_426, %sub3A_74 : vector<16xf32>
      %parallel_loop3A_482 = arith.addf %get3A_44, %parallel_loop3A_481 : vector<16xf32>
      %parallel_loop3A_483 = arith.index_cast %parallel_loop3A_480 : i32 to index
      %parallel_loop3A_484 = tpu.vector_load %arg8[%parallel_loop3A_483] {strides = array<i32>} : memref<65536xf32, #tpu.memory_space<vmem>>, vector<16xf32>,
      %parallel_loop3A_485 = vector.shape_cast %parallel_loop3A_484 : vector<16xf32> to vector<16xf32>
      %parallel_loop3A_486 = vector.shape_cast %parallel_loop3A_482 : vector<16xf32> to vector<16xf32>
      tpu.vector_store %arg8[%parallel_loop3A_483], %parallel_loop3A_486 {add = true, strides = array<i32>} : memref<65536xf32, #tpu.memory_space<vmem>>, vector<16xf32>,
      %parallel_loop3A_487 = arith.constant 112 : i32
      %parallel_loop3A_488 = arith.addi %parallel_loop3A_430, %parallel_loop3A_487 : i32
      %parallel_loop3A_489 = arith.mulf %parallel_loop3A_426, %sub3A_78 : vector<16xf32>
      %parallel_loop3A_490 = arith.addf %get3A_47, %parallel_loop3A_489 : vector<16xf32>
      %parallel_loop3A_491 = arith.index_cast %parallel_loop3A_488 : i32 to index
      %parallel_loop3A_492 = tpu.vector_load %arg8[%parallel_loop3A_491] {strides = array<i32>} : memref<65536xf32, #tpu.memory_space<vmem>>, vector<16xf32>,
      %parallel_loop3A_493 = vector.shape_cast %parallel_loop3A_492 : vector<16xf32> to vector<16xf32>
      %parallel_loop3A_494 = vector.shape_cast %parallel_loop3A_490 : vector<16xf32> to vector<16xf32>
      tpu.vector_store %arg8[%parallel_loop3A_491], %parallel_loop3A_494 {add = true, strides = array<i32>} : memref<65536xf32, #tpu.memory_space<vmem>>, vector<16xf32>,
      %parallel_loop3A_495 = vector.extract_strided_slice %parallel_loop3A_139 {offsets = [5], sizes = [1], strides = [1]} : vector<16xf32> to vector<1xf32>
      %parallel_loop3A_496 = vector.shape_cast %parallel_loop3A_495 : vector<1xf32> to vector<1xf32>
      %parallel_loop3A_497 = vector.broadcast %parallel_loop3A_496 : vector<1xf32> to vector<16xf32>
      %parallel_loop3A_498 = arith.constant 5 : i32
      %parallel_loop3A_499 = arith.addi %parallel_loop3A_132, %parallel_loop3A_498 : i32
      %parallel_loop3A_500 = arith.constant 128 : i32
      %parallel_loop3A_501 = arith.muli %parallel_loop3A_499, %parallel_loop3A_500 : i32
      %parallel_loop3A_502 = arith.constant 0 : i32
      %parallel_loop3A_503 = arith.addi %parallel_loop3A_501, %parallel_loop3A_502 : i32
      %parallel_loop3A_504 = arith.mulf %parallel_loop3A_497, %sub3A : vector<16xf32>
      %parallel_loop3A_505 = arith.addf %get3A_26, %parallel_loop3A_504 : vector<16xf32>
      %parallel_loop3A_506 = arith.index_cast %parallel_loop3A_503 : i32 to index
      %parallel_loop3A_507 = tpu.vector_load %arg8[%parallel_loop3A_506] {strides = array<i32>} : memref<65536xf32, #tpu.memory_space<vmem>>, vector<16xf32>,
      %parallel_loop3A_508 = vector.shape_cast %parallel_loop3A_507 : vector<16xf32> to vector<16xf32>
      %parallel_loop3A_509 = vector.shape_cast %parallel_loop3A_505 : vector<16xf32> to vector<16xf32>
      tpu.vector_store %arg8[%parallel_loop3A_506], %parallel_loop3A_509 {add = true, strides = array<i32>} : memref<65536xf32, #tpu.memory_space<vmem>>, vector<16xf32>,
      %parallel_loop3A_510 = arith.constant 16 : i32
      %parallel_loop3A_511 = arith.addi %parallel_loop3A_501, %parallel_loop3A_510 : i32
      %parallel_loop3A_512 = arith.mulf %parallel_loop3A_497, %sub3A_54 : vector<16xf32>
      %parallel_loop3A_513 = arith.addf %get3A_29, %parallel_loop3A_512 : vector<16xf32>
      %parallel_loop3A_514 = arith.index_cast %parallel_loop3A_511 : i32 to index
      %parallel_loop3A_515 = tpu.vector_load %arg8[%parallel_loop3A_514] {strides = array<i32>} : memref<65536xf32, #tpu.memory_space<vmem>>, vector<16xf32>,
      %parallel_loop3A_516 = vector.shape_cast %parallel_loop3A_515 : vector<16xf32> to vector<16xf32>
      %parallel_loop3A_517 = vector.shape_cast %parallel_loop3A_513 : vector<16xf32> to vector<16xf32>
      tpu.vector_store %arg8[%parallel_loop3A_514], %parallel_loop3A_517 {add = true, strides = array<i32>} : memref<65536xf32, #tpu.memory_space<vmem>>, vector<16xf32>,
      %parallel_loop3A_518 = arith.constant 32 : i32
      %parallel_loop3A_519 = arith.addi %parallel_loop3A_501, %parallel_loop3A_518 : i32
      %parallel_loop3A_520 = arith.mulf %parallel_loop3A_497, %sub3A_58 : vector<16xf32>
      %parallel_loop3A_521 = arith.addf %get3A_32, %parallel_loop3A_520 : vector<16xf32>
      %parallel_loop3A_522 = arith.index_cast %parallel_loop3A_519 : i32 to index
      %parallel_loop3A_523 = tpu.vector_load %arg8[%parallel_loop3A_522] {strides = array<i32>} : memref<65536xf32, #tpu.memory_space<vmem>>, vector<16xf32>,
      %parallel_loop3A_524 = vector.shape_cast %parallel_loop3A_523 : vector<16xf32> to vector<16xf32>
      %parallel_loop3A_525 = vector.shape_cast %parallel_loop3A_521 : vector<16xf32> to vector<16xf32>
      tpu.vector_store %arg8[%parallel_loop3A_522], %parallel_loop3A_525 {add = true, strides = array<i32>} : memref<65536xf32, #tpu.memory_space<vmem>>, vector<16xf32>,
      %parallel_loop3A_526 = arith.constant 48 : i32
      %parallel_loop3A_527 = arith.addi %parallel_loop3A_501, %parallel_loop3A_526 : i32
      %parallel_loop3A_528 = arith.mulf %parallel_loop3A_497, %sub3A_62 : vector<16xf32>
      %parallel_loop3A_529 = arith.addf %get3A_35, %parallel_loop3A_528 : vector<16xf32>
      %parallel_loop3A_530 = arith.index_cast %parallel_loop3A_527 : i32 to index
      %parallel_loop3A_531 = tpu.vector_load %arg8[%parallel_loop3A_530] {strides = array<i32>} : memref<65536xf32, #tpu.memory_space<vmem>>, vector<16xf32>,
      %parallel_loop3A_532 = vector.shape_cast %parallel_loop3A_531 : vector<16xf32> to vector<16xf32>
      %parallel_loop3A_533 = vector.shape_cast %parallel_loop3A_529 : vector<16xf32> to vector<16xf32>
      tpu.vector_store %arg8[%parallel_loop3A_530], %parallel_loop3A_533 {add = true, strides = array<i32>} : memref<65536xf32, #tpu.memory_space<vmem>>, vector<16xf32>,
      %parallel_loop3A_534 = arith.constant 64 : i32
      %parallel_loop3A_535 = arith.addi %parallel_loop3A_501, %parallel_loop3A_534 : i32
      %parallel_loop3A_536 = arith.mulf %parallel_loop3A_497, %sub3A_66 : vector<16xf32>
      %parallel_loop3A_537 = arith.addf %get3A_38, %parallel_loop3A_536 : vector<16xf32>
      %parallel_loop3A_538 = arith.index_cast %parallel_loop3A_535 : i32 to index
      %parallel_loop3A_539 = tpu.vector_load %arg8[%parallel_loop3A_538] {strides = array<i32>} : memref<65536xf32, #tpu.memory_space<vmem>>, vector<16xf32>,
      %parallel_loop3A_540 = vector.shape_cast %parallel_loop3A_539 : vector<16xf32> to vector<16xf32>
      %parallel_loop3A_541 = vector.shape_cast %parallel_loop3A_537 : vector<16xf32> to vector<16xf32>
      tpu.vector_store %arg8[%parallel_loop3A_538], %parallel_loop3A_541 {add = true, strides = array<i32>} : memref<65536xf32, #tpu.memory_space<vmem>>, vector<16xf32>,
      %parallel_loop3A_542 = arith.constant 80 : i32
      %parallel_loop3A_543 = arith.addi %parallel_loop3A_501, %parallel_loop3A_542 : i32
      %parallel_loop3A_544 = arith.mulf %parallel_loop3A_497, %sub3A_70 : vector<16xf32>
      %parallel_loop3A_545 = arith.addf %get3A_41, %parallel_loop3A_544 : vector<16xf32>
      %parallel_loop3A_546 = arith.index_cast %parallel_loop3A_543 : i32 to index
      %parallel_loop3A_547 = tpu.vector_load %arg8[%parallel_loop3A_546] {strides = array<i32>} : memref<65536xf32, #tpu.memory_space<vmem>>, vector<16xf32>,
      %parallel_loop3A_548 = vector.shape_cast %parallel_loop3A_547 : vector<16xf32> to vector<16xf32>
      %parallel_loop3A_549 = vector.shape_cast %parallel_loop3A_545 : vector<16xf32> to vector<16xf32>
      tpu.vector_store %arg8[%parallel_loop3A_546], %parallel_loop3A_549 {add = true, strides = array<i32>} : memref<65536xf32, #tpu.memory_space<vmem>>, vector<16xf32>,
      %parallel_loop3A_550 = arith.constant 96 : i32
      %parallel_loop3A_551 = arith.addi %parallel_loop3A_501, %parallel_loop3A_550 : i32
      %parallel_loop3A_552 = arith.mulf %parallel_loop3A_497, %sub3A_74 : vector<16xf32>
      %parallel_loop3A_553 = arith.addf %get3A_44, %parallel_loop3A_552 : vector<16xf32>
      %parallel_loop3A_554 = arith.index_cast %parallel_loop3A_551 : i32 to index
      %parallel_loop3A_555 = tpu.vector_load %arg8[%parallel_loop3A_554] {strides = array<i32>} : memref<65536xf32, #tpu.memory_space<vmem>>, vector<16xf32>,
      %parallel_loop3A_556 = vector.shape_cast %parallel_loop3A_555 : vector<16xf32> to vector<16xf32>
      %parallel_loop3A_557 = vector.shape_cast %parallel_loop3A_553 : vector<16xf32> to vector<16xf32>
      tpu.vector_store %arg8[%parallel_loop3A_554], %parallel_loop3A_557 {add = true, strides = array<i32>} : memref<65536xf32, #tpu.memory_space<vmem>>, vector<16xf32>,
      %parallel_loop3A_558 = arith.constant 112 : i32
      %parallel_loop3A_559 = arith.addi %parallel_loop3A_501, %parallel_loop3A_558 : i32
      %parallel_loop3A_560 = arith.mulf %parallel_loop3A_497, %sub3A_78 : vector<16xf32>
      %parallel_loop3A_561 = arith.addf %get3A_47, %parallel_loop3A_560 : vector<16xf32>
      %parallel_loop3A_562 = arith.index_cast %parallel_loop3A_559 : i32 to index
      %parallel_loop3A_563 = tpu.vector_load %arg8[%parallel_loop3A_562] {strides = array<i32>} : memref<65536xf32, #tpu.memory_space<vmem>>, vector<16xf32>,
      %parallel_loop3A_564 = vector.shape_cast %parallel_loop3A_563 : vector<16xf32> to vector<16xf32>
      %parallel_loop3A_565 = vector.shape_cast %parallel_loop3A_561 : vector<16xf32> to vector<16xf32>
      tpu.vector_store %arg8[%parallel_loop3A_562], %parallel_loop3A_565 {add = true, strides = array<i32>} : memref<65536xf32, #tpu.memory_space<vmem>>, vector<16xf32>,
      %parallel_loop3A_566 = vector.extract_strided_slice %parallel_loop3A_139 {offsets = [6], sizes = [1], strides = [1]} : vector<16xf32> to vector<1xf32>
      %parallel_loop3A_567 = vector.shape_cast %parallel_loop3A_566 : vector<1xf32> to vector<1xf32>
      %parallel_loop3A_568 = vector.broadcast %parallel_loop3A_567 : vector<1xf32> to vector<16xf32>
      %parallel_loop3A_569 = arith.constant 6 : i32
      %parallel_loop3A_570 = arith.addi %parallel_loop3A_132, %parallel_loop3A_569 : i32
      %parallel_loop3A_571 = arith.constant 128 : i32
      %parallel_loop3A_572 = arith.muli %parallel_loop3A_570, %parallel_loop3A_571 : i32
      %parallel_loop3A_573 = arith.constant 0 : i32
      %parallel_loop3A_574 = arith.addi %parallel_loop3A_572, %parallel_loop3A_573 : i32
      %parallel_loop3A_575 = arith.mulf %parallel_loop3A_568, %sub3A : vector<16xf32>
      %parallel_loop3A_576 = arith.addf %get3A_26, %parallel_loop3A_575 : vector<16xf32>
      %parallel_loop3A_577 = arith.index_cast %parallel_loop3A_574 : i32 to index
      %parallel_loop3A_578 = tpu.vector_load %arg8[%parallel_loop3A_577] {strides = array<i32>} : memref<65536xf32, #tpu.memory_space<vmem>>, vector<16xf32>,
      %parallel_loop3A_579 = vector.shape_cast %parallel_loop3A_578 : vector<16xf32> to vector<16xf32>
      %parallel_loop3A_580 = vector.shape_cast %parallel_loop3A_576 : vector<16xf32> to vector<16xf32>
      tpu.vector_store %arg8[%parallel_loop3A_577], %parallel_loop3A_580 {add = true, strides = array<i32>} : memref<65536xf32, #tpu.memory_space<vmem>>, vector<16xf32>,
      %parallel_loop3A_581 = arith.constant 16 : i32
      %parallel_loop3A_582 = arith.addi %parallel_loop3A_572, %parallel_loop3A_581 : i32
      %parallel_loop3A_583 = arith.mulf %parallel_loop3A_568, %sub3A_54 : vector<16xf32>
      %parallel_loop3A_584 = arith.addf %get3A_29, %parallel_loop3A_583 : vector<16xf32>
      %parallel_loop3A_585 = arith.index_cast %parallel_loop3A_582 : i32 to index
      %parallel_loop3A_586 = tpu.vector_load %arg8[%parallel_loop3A_585] {strides = array<i32>} : memref<65536xf32, #tpu.memory_space<vmem>>, vector<16xf32>,
      %parallel_loop3A_587 = vector.shape_cast %parallel_loop3A_586 : vector<16xf32> to vector<16xf32>
      %parallel_loop3A_588 = vector.shape_cast %parallel_loop3A_584 : vector<16xf32> to vector<16xf32>
      tpu.vector_store %arg8[%parallel_loop3A_585], %parallel_loop3A_588 {add = true, strides = array<i32>} : memref<65536xf32, #tpu.memory_space<vmem>>, vector<16xf32>,
      %parallel_loop3A_589 = arith.constant 32 : i32
      %parallel_loop3A_590 = arith.addi %parallel_loop3A_572, %parallel_loop3A_589 : i32
      %parallel_loop3A_591 = arith.mulf %parallel_loop3A_568, %sub3A_58 : vector<16xf32>
      %parallel_loop3A_592 = arith.addf %get3A_32, %parallel_loop3A_591 : vector<16xf32>
      %parallel_loop3A_593 = arith.index_cast %parallel_loop3A_590 : i32 to index
      %parallel_loop3A_594 = tpu.vector_load %arg8[%parallel_loop3A_593] {strides = array<i32>} : memref<65536xf32, #tpu.memory_space<vmem>>, vector<16xf32>,
      %parallel_loop3A_595 = vector.shape_cast %parallel_loop3A_594 : vector<16xf32> to vector<16xf32>
      %parallel_loop3A_596 = vector.shape_cast %parallel_loop3A_592 : vector<16xf32> to vector<16xf32>
      tpu.vector_store %arg8[%parallel_loop3A_593], %parallel_loop3A_596 {add = true, strides = array<i32>} : memref<65536xf32, #tpu.memory_space<vmem>>, vector<16xf32>,
      %parallel_loop3A_597 = arith.constant 48 : i32
      %parallel_loop3A_598 = arith.addi %parallel_loop3A_572, %parallel_loop3A_597 : i32
      %parallel_loop3A_599 = arith.mulf %parallel_loop3A_568, %sub3A_62 : vector<16xf32>
      %parallel_loop3A_600 = arith.addf %get3A_35, %parallel_loop3A_599 : vector<16xf32>
      %parallel_loop3A_601 = arith.index_cast %parallel_loop3A_598 : i32 to index
      %parallel_loop3A_602 = tpu.vector_load %arg8[%parallel_loop3A_601] {strides = array<i32>} : memref<65536xf32, #tpu.memory_space<vmem>>, vector<16xf32>,
      %parallel_loop3A_603 = vector.shape_cast %parallel_loop3A_602 : vector<16xf32> to vector<16xf32>
      %parallel_loop3A_604 = vector.shape_cast %parallel_loop3A_600 : vector<16xf32> to vector<16xf32>
      tpu.vector_store %arg8[%parallel_loop3A_601], %parallel_loop3A_604 {add = true, strides = array<i32>} : memref<65536xf32, #tpu.memory_space<vmem>>, vector<16xf32>,
      %parallel_loop3A_605 = arith.constant 64 : i32
      %parallel_loop3A_606 = arith.addi %parallel_loop3A_572, %parallel_loop3A_605 : i32
      %parallel_loop3A_607 = arith.mulf %parallel_loop3A_568, %sub3A_66 : vector<16xf32>
      %parallel_loop3A_608 = arith.addf %get3A_38, %parallel_loop3A_607 : vector<16xf32>
      %parallel_loop3A_609 = arith.index_cast %parallel_loop3A_606 : i32 to index
      %parallel_loop3A_610 = tpu.vector_load %arg8[%parallel_loop3A_609] {strides = array<i32>} : memref<65536xf32, #tpu.memory_space<vmem>>, vector<16xf32>,
      %parallel_loop3A_611 = vector.shape_cast %parallel_loop3A_610 : vector<16xf32> to vector<16xf32>
      %parallel_loop3A_612 = vector.shape_cast %parallel_loop3A_608 : vector<16xf32> to vector<16xf32>
      tpu.vector_store %arg8[%parallel_loop3A_609], %parallel_loop3A_612 {add = true, strides = array<i32>} : memref<65536xf32, #tpu.memory_space<vmem>>, vector<16xf32>,
      %parallel_loop3A_613 = arith.constant 80 : i32
      %parallel_loop3A_614 = arith.addi %parallel_loop3A_572, %parallel_loop3A_613 : i32
      %parallel_loop3A_615 = arith.mulf %parallel_loop3A_568, %sub3A_70 : vector<16xf32>
      %parallel_loop3A_616 = arith.addf %get3A_41, %parallel_loop3A_615 : vector<16xf32>
      %parallel_loop3A_617 = arith.index_cast %parallel_loop3A_614 : i32 to index
      %parallel_loop3A_618 = tpu.vector_load %arg8[%parallel_loop3A_617] {strides = array<i32>} : memref<65536xf32, #tpu.memory_space<vmem>>, vector<16xf32>,
      %parallel_loop3A_619 = vector.shape_cast %parallel_loop3A_618 : vector<16xf32> to vector<16xf32>
      %parallel_loop3A_620 = vector.shape_cast %parallel_loop3A_616 : vector<16xf32> to vector<16xf32>
      tpu.vector_store %arg8[%parallel_loop3A_617], %parallel_loop3A_620 {add = true, strides = array<i32>} : memref<65536xf32, #tpu.memory_space<vmem>>, vector<16xf32>,
      %parallel_loop3A_621 = arith.constant 96 : i32
      %parallel_loop3A_622 = arith.addi %parallel_loop3A_572, %parallel_loop3A_621 : i32
      %parallel_loop3A_623 = arith.mulf %parallel_loop3A_568, %sub3A_74 : vector<16xf32>
      %parallel_loop3A_624 = arith.addf %get3A_44, %parallel_loop3A_623 : vector<16xf32>
      %parallel_loop3A_625 = arith.index_cast %parallel_loop3A_622 : i32 to index
      %parallel_loop3A_626 = tpu.vector_load %arg8[%parallel_loop3A_625] {strides = array<i32>} : memref<65536xf32, #tpu.memory_space<vmem>>, vector<16xf32>,
      %parallel_loop3A_627 = vector.shape_cast %parallel_loop3A_626 : vector<16xf32> to vector<16xf32>
      %parallel_loop3A_628 = vector.shape_cast %parallel_loop3A_624 : vector<16xf32> to vector<16xf32>
      tpu.vector_store %arg8[%parallel_loop3A_625], %parallel_loop3A_628 {add = true, strides = array<i32>} : memref<65536xf32, #tpu.memory_space<vmem>>, vector<16xf32>,
      %parallel_loop3A_629 = arith.constant 112 : i32
      %parallel_loop3A_630 = arith.addi %parallel_loop3A_572, %parallel_loop3A_629 : i32
      %parallel_loop3A_631 = arith.mulf %parallel_loop3A_568, %sub3A_78 : vector<16xf32>
      %parallel_loop3A_632 = arith.addf %get3A_47, %parallel_loop3A_631 : vector<16xf32>
      %parallel_loop3A_633 = arith.index_cast %parallel_loop3A_630 : i32 to index
      %parallel_loop3A_634 = tpu.vector_load %arg8[%parallel_loop3A_633] {strides = array<i32>} : memref<65536xf32, #tpu.memory_space<vmem>>, vector<16xf32>,
      %parallel_loop3A_635 = vector.shape_cast %parallel_loop3A_634 : vector<16xf32> to vector<16xf32>
      %parallel_loop3A_636 = vector.shape_cast %parallel_loop3A_632 : vector<16xf32> to vector<16xf32>
      tpu.vector_store %arg8[%parallel_loop3A_633], %parallel_loop3A_636 {add = true, strides = array<i32>} : memref<65536xf32, #tpu.memory_space<vmem>>, vector<16xf32>,
      %parallel_loop3A_637 = vector.extract_strided_slice %parallel_loop3A_139 {offsets = [7], sizes = [1], strides = [1]} : vector<16xf32> to vector<1xf32>
      %parallel_loop3A_638 = vector.shape_cast %parallel_loop3A_637 : vector<1xf32> to vector<1xf32>
      %parallel_loop3A_639 = vector.broadcast %parallel_loop3A_638 : vector<1xf32> to vector<16xf32>
      %parallel_loop3A_640 = arith.constant 7 : i32
      %parallel_loop3A_641 = arith.addi %parallel_loop3A_132, %parallel_loop3A_640 : i32
      %parallel_loop3A_642 = arith.constant 128 : i32
      %parallel_loop3A_643 = arith.muli %parallel_loop3A_641, %parallel_loop3A_642 : i32
      %parallel_loop3A_644 = arith.constant 0 : i32
      %parallel_loop3A_645 = arith.addi %parallel_loop3A_643, %parallel_loop3A_644 : i32
      %parallel_loop3A_646 = arith.mulf %parallel_loop3A_639, %sub3A : vector<16xf32>
      %parallel_loop3A_647 = arith.addf %get3A_26, %parallel_loop3A_646 : vector<16xf32>
      %parallel_loop3A_648 = arith.index_cast %parallel_loop3A_645 : i32 to index
      %parallel_loop3A_649 = tpu.vector_load %arg8[%parallel_loop3A_648] {strides = array<i32>} : memref<65536xf32, #tpu.memory_space<vmem>>, vector<16xf32>,
      %parallel_loop3A_650 = vector.shape_cast %parallel_loop3A_649 : vector<16xf32> to vector<16xf32>
      %parallel_loop3A_651 = vector.shape_cast %parallel_loop3A_647 : vector<16xf32> to vector<16xf32>
      tpu.vector_store %arg8[%parallel_loop3A_648], %parallel_loop3A_651 {add = true, strides = array<i32>} : memref<65536xf32, #tpu.memory_space<vmem>>, vector<16xf32>,
      %parallel_loop3A_652 = arith.constant 16 : i32
      %parallel_loop3A_653 = arith.addi %parallel_loop3A_643, %parallel_loop3A_652 : i32
      %parallel_loop3A_654 = arith.mulf %parallel_loop3A_639, %sub3A_54 : vector<16xf32>
      %parallel_loop3A_655 = arith.addf %get3A_29, %parallel_loop3A_654 : vector<16xf32>
      %parallel_loop3A_656 = arith.index_cast %parallel_loop3A_653 : i32 to index
      %parallel_loop3A_657 = tpu.vector_load %arg8[%parallel_loop3A_656] {strides = array<i32>} : memref<65536xf32, #tpu.memory_space<vmem>>, vector<16xf32>,
      %parallel_loop3A_658 = vector.shape_cast %parallel_loop3A_657 : vector<16xf32> to vector<16xf32>
      %parallel_loop3A_659 = vector.shape_cast %parallel_loop3A_655 : vector<16xf32> to vector<16xf32>
      tpu.vector_store %arg8[%parallel_loop3A_656], %parallel_loop3A_659 {add = true, strides = array<i32>} : memref<65536xf32, #tpu.memory_space<vmem>>, vector<16xf32>,
      %parallel_loop3A_660 = arith.constant 32 : i32
      %parallel_loop3A_661 = arith.addi %parallel_loop3A_643, %parallel_loop3A_660 : i32
      %parallel_loop3A_662 = arith.mulf %parallel_loop3A_639, %sub3A_58 : vector<16xf32>
      %parallel_loop3A_663 = arith.addf %get3A_32, %parallel_loop3A_662 : vector<16xf32>
      %parallel_loop3A_664 = arith.index_cast %parallel_loop3A_661 : i32 to index
      %parallel_loop3A_665 = tpu.vector_load %arg8[%parallel_loop3A_664] {strides = array<i32>} : memref<65536xf32, #tpu.memory_space<vmem>>, vector<16xf32>,
      %parallel_loop3A_666 = vector.shape_cast %parallel_loop3A_665 : vector<16xf32> to vector<16xf32>
      %parallel_loop3A_667 = vector.shape_cast %parallel_loop3A_663 : vector<16xf32> to vector<16xf32>
      tpu.vector_store %arg8[%parallel_loop3A_664], %parallel_loop3A_667 {add = true, strides = array<i32>} : memref<65536xf32, #tpu.memory_space<vmem>>, vector<16xf32>,
      %parallel_loop3A_668 = arith.constant 48 : i32
      %parallel_loop3A_669 = arith.addi %parallel_loop3A_643, %parallel_loop3A_668 : i32
      %parallel_loop3A_670 = arith.mulf %parallel_loop3A_639, %sub3A_62 : vector<16xf32>
      %parallel_loop3A_671 = arith.addf %get3A_35, %parallel_loop3A_670 : vector<16xf32>
      %parallel_loop3A_672 = arith.index_cast %parallel_loop3A_669 : i32 to index
      %parallel_loop3A_673 = tpu.vector_load %arg8[%parallel_loop3A_672] {strides = array<i32>} : memref<65536xf32, #tpu.memory_space<vmem>>, vector<16xf32>,
      %parallel_loop3A_674 = vector.shape_cast %parallel_loop3A_673 : vector<16xf32> to vector<16xf32>
      %parallel_loop3A_675 = vector.shape_cast %parallel_loop3A_671 : vector<16xf32> to vector<16xf32>
      tpu.vector_store %arg8[%parallel_loop3A_672], %parallel_loop3A_675 {add = true, strides = array<i32>} : memref<65536xf32, #tpu.memory_space<vmem>>, vector<16xf32>,
      %parallel_loop3A_676 = arith.constant 64 : i32
      %parallel_loop3A_677 = arith.addi %parallel_loop3A_643, %parallel_loop3A_676 : i32
      %parallel_loop3A_678 = arith.mulf %parallel_loop3A_639, %sub3A_66 : vector<16xf32>
      %parallel_loop3A_679 = arith.addf %get3A_38, %parallel_loop3A_678 : vector<16xf32>
      %parallel_loop3A_680 = arith.index_cast %parallel_loop3A_677 : i32 to index
      %parallel_loop3A_681 = tpu.vector_load %arg8[%parallel_loop3A_680] {strides = array<i32>} : memref<65536xf32, #tpu.memory_space<vmem>>, vector<16xf32>,
      %parallel_loop3A_682 = vector.shape_cast %parallel_loop3A_681 : vector<16xf32> to vector<16xf32>
      %parallel_loop3A_683 = vector.shape_cast %parallel_loop3A_679 : vector<16xf32> to vector<16xf32>
      tpu.vector_store %arg8[%parallel_loop3A_680], %parallel_loop3A_683 {add = true, strides = array<i32>} : memref<65536xf32, #tpu.memory_space<vmem>>, vector<16xf32>,
      %parallel_loop3A_684 = arith.constant 80 : i32
      %parallel_loop3A_685 = arith.addi %parallel_loop3A_643, %parallel_loop3A_684 : i32
      %parallel_loop3A_686 = arith.mulf %parallel_loop3A_639, %sub3A_70 : vector<16xf32>
      %parallel_loop3A_687 = arith.addf %get3A_41, %parallel_loop3A_686 : vector<16xf32>
      %parallel_loop3A_688 = arith.index_cast %parallel_loop3A_685 : i32 to index
      %parallel_loop3A_689 = tpu.vector_load %arg8[%parallel_loop3A_688] {strides = array<i32>} : memref<65536xf32, #tpu.memory_space<vmem>>, vector<16xf32>,
      %parallel_loop3A_690 = vector.shape_cast %parallel_loop3A_689 : vector<16xf32> to vector<16xf32>
      %parallel_loop3A_691 = vector.shape_cast %parallel_loop3A_687 : vector<16xf32> to vector<16xf32>
      tpu.vector_store %arg8[%parallel_loop3A_688], %parallel_loop3A_691 {add = true, strides = array<i32>} : memref<65536xf32, #tpu.memory_space<vmem>>, vector<16xf32>,
      %parallel_loop3A_692 = arith.constant 96 : i32
      %parallel_loop3A_693 = arith.addi %parallel_loop3A_643, %parallel_loop3A_692 : i32
      %parallel_loop3A_694 = arith.mulf %parallel_loop3A_639, %sub3A_74 : vector<16xf32>
      %parallel_loop3A_695 = arith.addf %get3A_44, %parallel_loop3A_694 : vector<16xf32>
      %parallel_loop3A_696 = arith.index_cast %parallel_loop3A_693 : i32 to index
      %parallel_loop3A_697 = tpu.vector_load %arg8[%parallel_loop3A_696] {strides = array<i32>} : memref<65536xf32, #tpu.memory_space<vmem>>, vector<16xf32>,
      %parallel_loop3A_698 = vector.shape_cast %parallel_loop3A_697 : vector<16xf32> to vector<16xf32>
      %parallel_loop3A_699 = vector.shape_cast %parallel_loop3A_695 : vector<16xf32> to vector<16xf32>
      tpu.vector_store %arg8[%parallel_loop3A_696], %parallel_loop3A_699 {add = true, strides = array<i32>} : memref<65536xf32, #tpu.memory_space<vmem>>, vector<16xf32>,
      %parallel_loop3A_700 = arith.constant 112 : i32
      %parallel_loop3A_701 = arith.addi %parallel_loop3A_643, %parallel_loop3A_700 : i32
      %parallel_loop3A_702 = arith.mulf %parallel_loop3A_639, %sub3A_78 : vector<16xf32>
      %parallel_loop3A_703 = arith.addf %get3A_47, %parallel_loop3A_702 : vector<16xf32>
      %parallel_loop3A_704 = arith.index_cast %parallel_loop3A_701 : i32 to index
      %parallel_loop3A_705 = tpu.vector_load %arg8[%parallel_loop3A_704] {strides = array<i32>} : memref<65536xf32, #tpu.memory_space<vmem>>, vector<16xf32>,
      %parallel_loop3A_706 = vector.shape_cast %parallel_loop3A_705 : vector<16xf32> to vector<16xf32>
      %parallel_loop3A_707 = vector.shape_cast %parallel_loop3A_703 : vector<16xf32> to vector<16xf32>
      tpu.vector_store %arg8[%parallel_loop3A_704], %parallel_loop3A_707 {add = true, strides = array<i32>} : memref<65536xf32, #tpu.memory_space<vmem>>, vector<16xf32>,
      %parallel_loop3A_708 = vector.extract_strided_slice %parallel_loop3A_139 {offsets = [8], sizes = [1], strides = [1]} : vector<16xf32> to vector<1xf32>
      %parallel_loop3A_709 = vector.shape_cast %parallel_loop3A_708 : vector<1xf32> to vector<1xf32>
      %parallel_loop3A_710 = vector.broadcast %parallel_loop3A_709 : vector<1xf32> to vector<16xf32>
      %parallel_loop3A_711 = arith.constant 8 : i32
      %parallel_loop3A_712 = arith.addi %parallel_loop3A_132, %parallel_loop3A_711 : i32
      %parallel_loop3A_713 = arith.constant 128 : i32
      %parallel_loop3A_714 = arith.muli %parallel_loop3A_712, %parallel_loop3A_713 : i32
      %parallel_loop3A_715 = arith.constant 0 : i32
      %parallel_loop3A_716 = arith.addi %parallel_loop3A_714, %parallel_loop3A_715 : i32
      %parallel_loop3A_717 = arith.mulf %parallel_loop3A_710, %sub3A : vector<16xf32>
      %parallel_loop3A_718 = arith.addf %get3A_26, %parallel_loop3A_717 : vector<16xf32>
      %parallel_loop3A_719 = arith.index_cast %parallel_loop3A_716 : i32 to index
      %parallel_loop3A_720 = tpu.vector_load %arg8[%parallel_loop3A_719] {strides = array<i32>} : memref<65536xf32, #tpu.memory_space<vmem>>, vector<16xf32>,
      %parallel_loop3A_721 = vector.shape_cast %parallel_loop3A_720 : vector<16xf32> to vector<16xf32>
      %parallel_loop3A_722 = vector.shape_cast %parallel_loop3A_718 : vector<16xf32> to vector<16xf32>
      tpu.vector_store %arg8[%parallel_loop3A_719], %parallel_loop3A_722 {add = true, strides = array<i32>} : memref<65536xf32, #tpu.memory_space<vmem>>, vector<16xf32>,
      %parallel_loop3A_723 = arith.constant 16 : i32
      %parallel_loop3A_724 = arith.addi %parallel_loop3A_714, %parallel_loop3A_723 : i32
      %parallel_loop3A_725 = arith.mulf %parallel_loop3A_710, %sub3A_54 : vector<16xf32>
      %parallel_loop3A_726 = arith.addf %get3A_29, %parallel_loop3A_725 : vector<16xf32>
      %parallel_loop3A_727 = arith.index_cast %parallel_loop3A_724 : i32 to index
      %parallel_loop3A_728 = tpu.vector_load %arg8[%parallel_loop3A_727] {strides = array<i32>} : memref<65536xf32, #tpu.memory_space<vmem>>, vector<16xf32>,
      %parallel_loop3A_729 = vector.shape_cast %parallel_loop3A_728 : vector<16xf32> to vector<16xf32>
      %parallel_loop3A_730 = vector.shape_cast %parallel_loop3A_726 : vector<16xf32> to vector<16xf32>
      tpu.vector_store %arg8[%parallel_loop3A_727], %parallel_loop3A_730 {add = true, strides = array<i32>} : memref<65536xf32, #tpu.memory_space<vmem>>, vector<16xf32>,
      %parallel_loop3A_731 = arith.constant 32 : i32
      %parallel_loop3A_732 = arith.addi %parallel_loop3A_714, %parallel_loop3A_731 : i32
      %parallel_loop3A_733 = arith.mulf %parallel_loop3A_710, %sub3A_58 : vector<16xf32>
      %parallel_loop3A_734 = arith.addf %get3A_32, %parallel_loop3A_733 : vector<16xf32>
      %parallel_loop3A_735 = arith.index_cast %parallel_loop3A_732 : i32 to index
      %parallel_loop3A_736 = tpu.vector_load %arg8[%parallel_loop3A_735] {strides = array<i32>} : memref<65536xf32, #tpu.memory_space<vmem>>, vector<16xf32>,
      %parallel_loop3A_737 = vector.shape_cast %parallel_loop3A_736 : vector<16xf32> to vector<16xf32>
      %parallel_loop3A_738 = vector.shape_cast %parallel_loop3A_734 : vector<16xf32> to vector<16xf32>
      tpu.vector_store %arg8[%parallel_loop3A_735], %parallel_loop3A_738 {add = true, strides = array<i32>} : memref<65536xf32, #tpu.memory_space<vmem>>, vector<16xf32>,
      %parallel_loop3A_739 = arith.constant 48 : i32
      %parallel_loop3A_740 = arith.addi %parallel_loop3A_714, %parallel_loop3A_739 : i32
      %parallel_loop3A_741 = arith.mulf %parallel_loop3A_710, %sub3A_62 : vector<16xf32>
      %parallel_loop3A_742 = arith.addf %get3A_35, %parallel_loop3A_741 : vector<16xf32>
      %parallel_loop3A_743 = arith.index_cast %parallel_loop3A_740 : i32 to index
      %parallel_loop3A_744 = tpu.vector_load %arg8[%parallel_loop3A_743] {strides = array<i32>} : memref<65536xf32, #tpu.memory_space<vmem>>, vector<16xf32>,
      %parallel_loop3A_745 = vector.shape_cast %parallel_loop3A_744 : vector<16xf32> to vector<16xf32>
      %parallel_loop3A_746 = vector.shape_cast %parallel_loop3A_742 : vector<16xf32> to vector<16xf32>
      tpu.vector_store %arg8[%parallel_loop3A_743], %parallel_loop3A_746 {add = true, strides = array<i32>} : memref<65536xf32, #tpu.memory_space<vmem>>, vector<16xf32>,
      %parallel_loop3A_747 = arith.constant 64 : i32
      %parallel_loop3A_748 = arith.addi %parallel_loop3A_714, %parallel_loop3A_747 : i32
      %parallel_loop3A_749 = arith.mulf %parallel_loop3A_710, %sub3A_66 : vector<16xf32>
      %parallel_loop3A_750 = arith.addf %get3A_38, %parallel_loop3A_749 : vector<16xf32>
      %parallel_loop3A_751 = arith.index_cast %parallel_loop3A_748 : i32 to index
      %parallel_loop3A_752 = tpu.vector_load %arg8[%parallel_loop3A_751] {strides = array<i32>} : memref<65536xf32, #tpu.memory_space<vmem>>, vector<16xf32>,
      %parallel_loop3A_753 = vector.shape_cast %parallel_loop3A_752 : vector<16xf32> to vector<16xf32>
      %parallel_loop3A_754 = vector.shape_cast %parallel_loop3A_750 : vector<16xf32> to vector<16xf32>
      tpu.vector_store %arg8[%parallel_loop3A_751], %parallel_loop3A_754 {add = true, strides = array<i32>} : memref<65536xf32, #tpu.memory_space<vmem>>, vector<16xf32>,
      %parallel_loop3A_755 = arith.constant 80 : i32
      %parallel_loop3A_756 = arith.addi %parallel_loop3A_714, %parallel_loop3A_755 : i32
      %parallel_loop3A_757 = arith.mulf %parallel_loop3A_710, %sub3A_70 : vector<16xf32>
      %parallel_loop3A_758 = arith.addf %get3A_41, %parallel_loop3A_757 : vector<16xf32>
      %parallel_loop3A_759 = arith.index_cast %parallel_loop3A_756 : i32 to index
      %parallel_loop3A_760 = tpu.vector_load %arg8[%parallel_loop3A_759] {strides = array<i32>} : memref<65536xf32, #tpu.memory_space<vmem>>, vector<16xf32>,
      %parallel_loop3A_761 = vector.shape_cast %parallel_loop3A_760 : vector<16xf32> to vector<16xf32>
      %parallel_loop3A_762 = vector.shape_cast %parallel_loop3A_758 : vector<16xf32> to vector<16xf32>
      tpu.vector_store %arg8[%parallel_loop3A_759], %parallel_loop3A_762 {add = true, strides = array<i32>} : memref<65536xf32, #tpu.memory_space<vmem>>, vector<16xf32>,
      %parallel_loop3A_763 = arith.constant 96 : i32
      %parallel_loop3A_764 = arith.addi %parallel_loop3A_714, %parallel_loop3A_763 : i32
      %parallel_loop3A_765 = arith.mulf %parallel_loop3A_710, %sub3A_74 : vector<16xf32>
      %parallel_loop3A_766 = arith.addf %get3A_44, %parallel_loop3A_765 : vector<16xf32>
      %parallel_loop3A_767 = arith.index_cast %parallel_loop3A_764 : i32 to index
      %parallel_loop3A_768 = tpu.vector_load %arg8[%parallel_loop3A_767] {strides = array<i32>} : memref<65536xf32, #tpu.memory_space<vmem>>, vector<16xf32>,
      %parallel_loop3A_769 = vector.shape_cast %parallel_loop3A_768 : vector<16xf32> to vector<16xf32>
      %parallel_loop3A_770 = vector.shape_cast %parallel_loop3A_766 : vector<16xf32> to vector<16xf32>
      tpu.vector_store %arg8[%parallel_loop3A_767], %parallel_loop3A_770 {add = true, strides = array<i32>} : memref<65536xf32, #tpu.memory_space<vmem>>, vector<16xf32>,
      %parallel_loop3A_771 = arith.constant 112 : i32
      %parallel_loop3A_772 = arith.addi %parallel_loop3A_714, %parallel_loop3A_771 : i32
      %parallel_loop3A_773 = arith.mulf %parallel_loop3A_710, %sub3A_78 : vector<16xf32>
      %parallel_loop3A_774 = arith.addf %get3A_47, %parallel_loop3A_773 : vector<16xf32>
      %parallel_loop3A_775 = arith.index_cast %parallel_loop3A_772 : i32 to index
      %parallel_loop3A_776 = tpu.vector_load %arg8[%parallel_loop3A_775] {strides = array<i32>} : memref<65536xf32, #tpu.memory_space<vmem>>, vector<16xf32>,
      %parallel_loop3A_777 = vector.shape_cast %parallel_loop3A_776 : vector<16xf32> to vector<16xf32>
      %parallel_loop3A_778 = vector.shape_cast %parallel_loop3A_774 : vector<16xf32> to vector<16xf32>
      tpu.vector_store %arg8[%parallel_loop3A_775], %parallel_loop3A_778 {add = true, strides = array<i32>} : memref<65536xf32, #tpu.memory_space<vmem>>, vector<16xf32>,
      %parallel_loop3A_779 = vector.extract_strided_slice %parallel_loop3A_139 {offsets = [9], sizes = [1], strides = [1]} : vector<16xf32> to vector<1xf32>
      %parallel_loop3A_780 = vector.shape_cast %parallel_loop3A_779 : vector<1xf32> to vector<1xf32>
      %parallel_loop3A_781 = vector.broadcast %parallel_loop3A_780 : vector<1xf32> to vector<16xf32>
      %parallel_loop3A_782 = arith.constant 9 : i32
      %parallel_loop3A_783 = arith.addi %parallel_loop3A_132, %parallel_loop3A_782 : i32
      %parallel_loop3A_784 = arith.constant 128 : i32
      %parallel_loop3A_785 = arith.muli %parallel_loop3A_783, %parallel_loop3A_784 : i32
      %parallel_loop3A_786 = arith.constant 0 : i32
      %parallel_loop3A_787 = arith.addi %parallel_loop3A_785, %parallel_loop3A_786 : i32
      %parallel_loop3A_788 = arith.mulf %parallel_loop3A_781, %sub3A : vector<16xf32>
      %parallel_loop3A_789 = arith.addf %get3A_26, %parallel_loop3A_788 : vector<16xf32>
      %parallel_loop3A_790 = arith.index_cast %parallel_loop3A_787 : i32 to index
      %parallel_loop3A_791 = tpu.vector_load %arg8[%parallel_loop3A_790] {strides = array<i32>} : memref<65536xf32, #tpu.memory_space<vmem>>, vector<16xf32>,
      %parallel_loop3A_792 = vector.shape_cast %parallel_loop3A_791 : vector<16xf32> to vector<16xf32>
      %parallel_loop3A_793 = vector.shape_cast %parallel_loop3A_789 : vector<16xf32> to vector<16xf32>
      tpu.vector_store %arg8[%parallel_loop3A_790], %parallel_loop3A_793 {add = true, strides = array<i32>} : memref<65536xf32, #tpu.memory_space<vmem>>, vector<16xf32>,
      %parallel_loop3A_794 = arith.constant 16 : i32
      %parallel_loop3A_795 = arith.addi %parallel_loop3A_785, %parallel_loop3A_794 : i32
      %parallel_loop3A_796 = arith.mulf %parallel_loop3A_781, %sub3A_54 : vector<16xf32>
      %parallel_loop3A_797 = arith.addf %get3A_29, %parallel_loop3A_796 : vector<16xf32>
      %parallel_loop3A_798 = arith.index_cast %parallel_loop3A_795 : i32 to index
      %parallel_loop3A_799 = tpu.vector_load %arg8[%parallel_loop3A_798] {strides = array<i32>} : memref<65536xf32, #tpu.memory_space<vmem>>, vector<16xf32>,
      %parallel_loop3A_800 = vector.shape_cast %parallel_loop3A_799 : vector<16xf32> to vector<16xf32>
      %parallel_loop3A_801 = vector.shape_cast %parallel_loop3A_797 : vector<16xf32> to vector<16xf32>
      tpu.vector_store %arg8[%parallel_loop3A_798], %parallel_loop3A_801 {add = true, strides = array<i32>} : memref<65536xf32, #tpu.memory_space<vmem>>, vector<16xf32>,
      %parallel_loop3A_802 = arith.constant 32 : i32
      %parallel_loop3A_803 = arith.addi %parallel_loop3A_785, %parallel_loop3A_802 : i32
      %parallel_loop3A_804 = arith.mulf %parallel_loop3A_781, %sub3A_58 : vector<16xf32>
      %parallel_loop3A_805 = arith.addf %get3A_32, %parallel_loop3A_804 : vector<16xf32>
      %parallel_loop3A_806 = arith.index_cast %parallel_loop3A_803 : i32 to index
      %parallel_loop3A_807 = tpu.vector_load %arg8[%parallel_loop3A_806] {strides = array<i32>} : memref<65536xf32, #tpu.memory_space<vmem>>, vector<16xf32>,
      %parallel_loop3A_808 = vector.shape_cast %parallel_loop3A_807 : vector<16xf32> to vector<16xf32>
      %parallel_loop3A_809 = vector.shape_cast %parallel_loop3A_805 : vector<16xf32> to vector<16xf32>
      tpu.vector_store %arg8[%parallel_loop3A_806], %parallel_loop3A_809 {add = true, strides = array<i32>} : memref<65536xf32, #tpu.memory_space<vmem>>, vector<16xf32>,
      %parallel_loop3A_810 = arith.constant 48 : i32
      %parallel_loop3A_811 = arith.addi %parallel_loop3A_785, %parallel_loop3A_810 : i32
      %parallel_loop3A_812 = arith.mulf %parallel_loop3A_781, %sub3A_62 : vector<16xf32>
      %parallel_loop3A_813 = arith.addf %get3A_35, %parallel_loop3A_812 : vector<16xf32>
      %parallel_loop3A_814 = arith.index_cast %parallel_loop3A_811 : i32 to index
      %parallel_loop3A_815 = tpu.vector_load %arg8[%parallel_loop3A_814] {strides = array<i32>} : memref<65536xf32, #tpu.memory_space<vmem>>, vector<16xf32>,
      %parallel_loop3A_816 = vector.shape_cast %parallel_loop3A_815 : vector<16xf32> to vector<16xf32>
      %parallel_loop3A_817 = vector.shape_cast %parallel_loop3A_813 : vector<16xf32> to vector<16xf32>
      tpu.vector_store %arg8[%parallel_loop3A_814], %parallel_loop3A_817 {add = true, strides = array<i32>} : memref<65536xf32, #tpu.memory_space<vmem>>, vector<16xf32>,
      %parallel_loop3A_818 = arith.constant 64 : i32
      %parallel_loop3A_819 = arith.addi %parallel_loop3A_785, %parallel_loop3A_818 : i32
      %parallel_loop3A_820 = arith.mulf %parallel_loop3A_781, %sub3A_66 : vector<16xf32>
      %parallel_loop3A_821 = arith.addf %get3A_38, %parallel_loop3A_820 : vector<16xf32>
      %parallel_loop3A_822 = arith.index_cast %parallel_loop3A_819 : i32 to index
      %parallel_loop3A_823 = tpu.vector_load %arg8[%parallel_loop3A_822] {strides = array<i32>} : memref<65536xf32, #tpu.memory_space<vmem>>, vector<16xf32>,
      %parallel_loop3A_824 = vector.shape_cast %parallel_loop3A_823 : vector<16xf32> to vector<16xf32>
      %parallel_loop3A_825 = vector.shape_cast %parallel_loop3A_821 : vector<16xf32> to vector<16xf32>
      tpu.vector_store %arg8[%parallel_loop3A_822], %parallel_loop3A_825 {add = true, strides = array<i32>} : memref<65536xf32, #tpu.memory_space<vmem>>, vector<16xf32>,
      %parallel_loop3A_826 = arith.constant 80 : i32
      %parallel_loop3A_827 = arith.addi %parallel_loop3A_785, %parallel_loop3A_826 : i32
      %parallel_loop3A_828 = arith.mulf %parallel_loop3A_781, %sub3A_70 : vector<16xf32>
      %parallel_loop3A_829 = arith.addf %get3A_41, %parallel_loop3A_828 : vector<16xf32>
      %parallel_loop3A_830 = arith.index_cast %parallel_loop3A_827 : i32 to index
      %parallel_loop3A_831 = tpu.vector_load %arg8[%parallel_loop3A_830] {strides = array<i32>} : memref<65536xf32, #tpu.memory_space<vmem>>, vector<16xf32>,
      %parallel_loop3A_832 = vector.shape_cast %parallel_loop3A_831 : vector<16xf32> to vector<16xf32>
      %parallel_loop3A_833 = vector.shape_cast %parallel_loop3A_829 : vector<16xf32> to vector<16xf32>
      tpu.vector_store %arg8[%parallel_loop3A_830], %parallel_loop3A_833 {add = true, strides = array<i32>} : memref<65536xf32, #tpu.memory_space<vmem>>, vector<16xf32>,
      %parallel_loop3A_834 = arith.constant 96 : i32
      %parallel_loop3A_835 = arith.addi %parallel_loop3A_785, %parallel_loop3A_834 : i32
      %parallel_loop3A_836 = arith.mulf %parallel_loop3A_781, %sub3A_74 : vector<16xf32>
      %parallel_loop3A_837 = arith.addf %get3A_44, %parallel_loop3A_836 : vector<16xf32>
      %parallel_loop3A_838 = arith.index_cast %parallel_loop3A_835 : i32 to index
      %parallel_loop3A_839 = tpu.vector_load %arg8[%parallel_loop3A_838] {strides = array<i32>} : memref<65536xf32, #tpu.memory_space<vmem>>, vector<16xf32>,
      %parallel_loop3A_840 = vector.shape_cast %parallel_loop3A_839 : vector<16xf32> to vector<16xf32>
      %parallel_loop3A_841 = vector.shape_cast %parallel_loop3A_837 : vector<16xf32> to vector<16xf32>
      tpu.vector_store %arg8[%parallel_loop3A_838], %parallel_loop3A_841 {add = true, strides = array<i32>} : memref<65536xf32, #tpu.memory_space<vmem>>, vector<16xf32>,
      %parallel_loop3A_842 = arith.constant 112 : i32
      %parallel_loop3A_843 = arith.addi %parallel_loop3A_785, %parallel_loop3A_842 : i32
      %parallel_loop3A_844 = arith.mulf %parallel_loop3A_781, %sub3A_78 : vector<16xf32>
      %parallel_loop3A_845 = arith.addf %get3A_47, %parallel_loop3A_844 : vector<16xf32>
      %parallel_loop3A_846 = arith.index_cast %parallel_loop3A_843 : i32 to index
      %parallel_loop3A_847 = tpu.vector_load %arg8[%parallel_loop3A_846] {strides = array<i32>} : memref<65536xf32, #tpu.memory_space<vmem>>, vector<16xf32>,
      %parallel_loop3A_848 = vector.shape_cast %parallel_loop3A_847 : vector<16xf32> to vector<16xf32>
      %parallel_loop3A_849 = vector.shape_cast %parallel_loop3A_845 : vector<16xf32> to vector<16xf32>
      tpu.vector_store %arg8[%parallel_loop3A_846], %parallel_loop3A_849 {add = true, strides = array<i32>} : memref<65536xf32, #tpu.memory_space<vmem>>, vector<16xf32>,
      %parallel_loop3A_850 = vector.extract_strided_slice %parallel_loop3A_139 {offsets = [10], sizes = [1], strides = [1]} : vector<16xf32> to vector<1xf32>
      %parallel_loop3A_851 = vector.shape_cast %parallel_loop3A_850 : vector<1xf32> to vector<1xf32>
      %parallel_loop3A_852 = vector.broadcast %parallel_loop3A_851 : vector<1xf32> to vector<16xf32>
      %parallel_loop3A_853 = arith.constant 10 : i32
      %parallel_loop3A_854 = arith.addi %parallel_loop3A_132, %parallel_loop3A_853 : i32
      %parallel_loop3A_855 = arith.constant 128 : i32
      %parallel_loop3A_856 = arith.muli %parallel_loop3A_854, %parallel_loop3A_855 : i32
      %parallel_loop3A_857 = arith.constant 0 : i32
      %parallel_loop3A_858 = arith.addi %parallel_loop3A_856, %parallel_loop3A_857 : i32
      %parallel_loop3A_859 = arith.mulf %parallel_loop3A_852, %sub3A : vector<16xf32>
      %parallel_loop3A_860 = arith.addf %get3A_26, %parallel_loop3A_859 : vector<16xf32>
      %parallel_loop3A_861 = arith.index_cast %parallel_loop3A_858 : i32 to index
      %parallel_loop3A_862 = tpu.vector_load %arg8[%parallel_loop3A_861] {strides = array<i32>} : memref<65536xf32, #tpu.memory_space<vmem>>, vector<16xf32>,
      %parallel_loop3A_863 = vector.shape_cast %parallel_loop3A_862 : vector<16xf32> to vector<16xf32>
      %parallel_loop3A_864 = vector.shape_cast %parallel_loop3A_860 : vector<16xf32> to vector<16xf32>
      tpu.vector_store %arg8[%parallel_loop3A_861], %parallel_loop3A_864 {add = true, strides = array<i32>} : memref<65536xf32, #tpu.memory_space<vmem>>, vector<16xf32>,
      %parallel_loop3A_865 = arith.constant 16 : i32
      %parallel_loop3A_866 = arith.addi %parallel_loop3A_856, %parallel_loop3A_865 : i32
      %parallel_loop3A_867 = arith.mulf %parallel_loop3A_852, %sub3A_54 : vector<16xf32>
      %parallel_loop3A_868 = arith.addf %get3A_29, %parallel_loop3A_867 : vector<16xf32>
      %parallel_loop3A_869 = arith.index_cast %parallel_loop3A_866 : i32 to index
      %parallel_loop3A_870 = tpu.vector_load %arg8[%parallel_loop3A_869] {strides = array<i32>} : memref<65536xf32, #tpu.memory_space<vmem>>, vector<16xf32>,
      %parallel_loop3A_871 = vector.shape_cast %parallel_loop3A_870 : vector<16xf32> to vector<16xf32>
      %parallel_loop3A_872 = vector.shape_cast %parallel_loop3A_868 : vector<16xf32> to vector<16xf32>
      tpu.vector_store %arg8[%parallel_loop3A_869], %parallel_loop3A_872 {add = true, strides = array<i32>} : memref<65536xf32, #tpu.memory_space<vmem>>, vector<16xf32>,
      %parallel_loop3A_873 = arith.constant 32 : i32
      %parallel_loop3A_874 = arith.addi %parallel_loop3A_856, %parallel_loop3A_873 : i32
      %parallel_loop3A_875 = arith.mulf %parallel_loop3A_852, %sub3A_58 : vector<16xf32>
      %parallel_loop3A_876 = arith.addf %get3A_32, %parallel_loop3A_875 : vector<16xf32>
      %parallel_loop3A_877 = arith.index_cast %parallel_loop3A_874 : i32 to index
      %parallel_loop3A_878 = tpu.vector_load %arg8[%parallel_loop3A_877] {strides = array<i32>} : memref<65536xf32, #tpu.memory_space<vmem>>, vector<16xf32>,
      %parallel_loop3A_879 = vector.shape_cast %parallel_loop3A_878 : vector<16xf32> to vector<16xf32>
      %parallel_loop3A_880 = vector.shape_cast %parallel_loop3A_876 : vector<16xf32> to vector<16xf32>
      tpu.vector_store %arg8[%parallel_loop3A_877], %parallel_loop3A_880 {add = true, strides = array<i32>} : memref<65536xf32, #tpu.memory_space<vmem>>, vector<16xf32>,
      %parallel_loop3A_881 = arith.constant 48 : i32
      %parallel_loop3A_882 = arith.addi %parallel_loop3A_856, %parallel_loop3A_881 : i32
      %parallel_loop3A_883 = arith.mulf %parallel_loop3A_852, %sub3A_62 : vector<16xf32>
      %parallel_loop3A_884 = arith.addf %get3A_35, %parallel_loop3A_883 : vector<16xf32>
      %parallel_loop3A_885 = arith.index_cast %parallel_loop3A_882 : i32 to index
      %parallel_loop3A_886 = tpu.vector_load %arg8[%parallel_loop3A_885] {strides = array<i32>} : memref<65536xf32, #tpu.memory_space<vmem>>, vector<16xf32>,
      %parallel_loop3A_887 = vector.shape_cast %parallel_loop3A_886 : vector<16xf32> to vector<16xf32>
      %parallel_loop3A_888 = vector.shape_cast %parallel_loop3A_884 : vector<16xf32> to vector<16xf32>
      tpu.vector_store %arg8[%parallel_loop3A_885], %parallel_loop3A_888 {add = true, strides = array<i32>} : memref<65536xf32, #tpu.memory_space<vmem>>, vector<16xf32>,
      %parallel_loop3A_889 = arith.constant 64 : i32
      %parallel_loop3A_890 = arith.addi %parallel_loop3A_856, %parallel_loop3A_889 : i32
      %parallel_loop3A_891 = arith.mulf %parallel_loop3A_852, %sub3A_66 : vector<16xf32>
      %parallel_loop3A_892 = arith.addf %get3A_38, %parallel_loop3A_891 : vector<16xf32>
      %parallel_loop3A_893 = arith.index_cast %parallel_loop3A_890 : i32 to index
      %parallel_loop3A_894 = tpu.vector_load %arg8[%parallel_loop3A_893] {strides = array<i32>} : memref<65536xf32, #tpu.memory_space<vmem>>, vector<16xf32>,
      %parallel_loop3A_895 = vector.shape_cast %parallel_loop3A_894 : vector<16xf32> to vector<16xf32>
      %parallel_loop3A_896 = vector.shape_cast %parallel_loop3A_892 : vector<16xf32> to vector<16xf32>
      tpu.vector_store %arg8[%parallel_loop3A_893], %parallel_loop3A_896 {add = true, strides = array<i32>} : memref<65536xf32, #tpu.memory_space<vmem>>, vector<16xf32>,
      %parallel_loop3A_897 = arith.constant 80 : i32
      %parallel_loop3A_898 = arith.addi %parallel_loop3A_856, %parallel_loop3A_897 : i32
      %parallel_loop3A_899 = arith.mulf %parallel_loop3A_852, %sub3A_70 : vector<16xf32>
      %parallel_loop3A_900 = arith.addf %get3A_41, %parallel_loop3A_899 : vector<16xf32>
      %parallel_loop3A_901 = arith.index_cast %parallel_loop3A_898 : i32 to index
      %parallel_loop3A_902 = tpu.vector_load %arg8[%parallel_loop3A_901] {strides = array<i32>} : memref<65536xf32, #tpu.memory_space<vmem>>, vector<16xf32>,
      %parallel_loop3A_903 = vector.shape_cast %parallel_loop3A_902 : vector<16xf32> to vector<16xf32>
      %parallel_loop3A_904 = vector.shape_cast %parallel_loop3A_900 : vector<16xf32> to vector<16xf32>
      tpu.vector_store %arg8[%parallel_loop3A_901], %parallel_loop3A_904 {add = true, strides = array<i32>} : memref<65536xf32, #tpu.memory_space<vmem>>, vector<16xf32>,
      %parallel_loop3A_905 = arith.constant 96 : i32
      %parallel_loop3A_906 = arith.addi %parallel_loop3A_856, %parallel_loop3A_905 : i32
      %parallel_loop3A_907 = arith.mulf %parallel_loop3A_852, %sub3A_74 : vector<16xf32>
      %parallel_loop3A_908 = arith.addf %get3A_44, %parallel_loop3A_907 : vector<16xf32>
      %parallel_loop3A_909 = arith.index_cast %parallel_loop3A_906 : i32 to index
      %parallel_loop3A_910 = tpu.vector_load %arg8[%parallel_loop3A_909] {strides = array<i32>} : memref<65536xf32, #tpu.memory_space<vmem>>, vector<16xf32>,
      %parallel_loop3A_911 = vector.shape_cast %parallel_loop3A_910 : vector<16xf32> to vector<16xf32>
      %parallel_loop3A_912 = vector.shape_cast %parallel_loop3A_908 : vector<16xf32> to vector<16xf32>
      tpu.vector_store %arg8[%parallel_loop3A_909], %parallel_loop3A_912 {add = true, strides = array<i32>} : memref<65536xf32, #tpu.memory_space<vmem>>, vector<16xf32>,
      %parallel_loop3A_913 = arith.constant 112 : i32
      %parallel_loop3A_914 = arith.addi %parallel_loop3A_856, %parallel_loop3A_913 : i32
      %parallel_loop3A_915 = arith.mulf %parallel_loop3A_852, %sub3A_78 : vector<16xf32>
      %parallel_loop3A_916 = arith.addf %get3A_47, %parallel_loop3A_915 : vector<16xf32>
      %parallel_loop3A_917 = arith.index_cast %parallel_loop3A_914 : i32 to index
      %parallel_loop3A_918 = tpu.vector_load %arg8[%parallel_loop3A_917] {strides = array<i32>} : memref<65536xf32, #tpu.memory_space<vmem>>, vector<16xf32>,
      %parallel_loop3A_919 = vector.shape_cast %parallel_loop3A_918 : vector<16xf32> to vector<16xf32>
      %parallel_loop3A_920 = vector.shape_cast %parallel_loop3A_916 : vector<16xf32> to vector<16xf32>
      tpu.vector_store %arg8[%parallel_loop3A_917], %parallel_loop3A_920 {add = true, strides = array<i32>} : memref<65536xf32, #tpu.memory_space<vmem>>, vector<16xf32>,
      %parallel_loop3A_921 = vector.extract_strided_slice %parallel_loop3A_139 {offsets = [11], sizes = [1], strides = [1]} : vector<16xf32> to vector<1xf32>
      %parallel_loop3A_922 = vector.shape_cast %parallel_loop3A_921 : vector<1xf32> to vector<1xf32>
      %parallel_loop3A_923 = vector.broadcast %parallel_loop3A_922 : vector<1xf32> to vector<16xf32>
      %parallel_loop3A_924 = arith.constant 11 : i32
      %parallel_loop3A_925 = arith.addi %parallel_loop3A_132, %parallel_loop3A_924 : i32
      %parallel_loop3A_926 = arith.constant 128 : i32
      %parallel_loop3A_927 = arith.muli %parallel_loop3A_925, %parallel_loop3A_926 : i32
      %parallel_loop3A_928 = arith.constant 0 : i32
      %parallel_loop3A_929 = arith.addi %parallel_loop3A_927, %parallel_loop3A_928 : i32
      %parallel_loop3A_930 = arith.mulf %parallel_loop3A_923, %sub3A : vector<16xf32>
      %parallel_loop3A_931 = arith.addf %get3A_26, %parallel_loop3A_930 : vector<16xf32>
      %parallel_loop3A_932 = arith.index_cast %parallel_loop3A_929 : i32 to index
      %parallel_loop3A_933 = tpu.vector_load %arg8[%parallel_loop3A_932] {strides = array<i32>} : memref<65536xf32, #tpu.memory_space<vmem>>, vector<16xf32>,
      %parallel_loop3A_934 = vector.shape_cast %parallel_loop3A_933 : vector<16xf32> to vector<16xf32>
      %parallel_loop3A_935 = vector.shape_cast %parallel_loop3A_931 : vector<16xf32> to vector<16xf32>
      tpu.vector_store %arg8[%parallel_loop3A_932], %parallel_loop3A_935 {add = true, strides = array<i32>} : memref<65536xf32, #tpu.memory_space<vmem>>, vector<16xf32>,
      %parallel_loop3A_936 = arith.constant 16 : i32
      %parallel_loop3A_937 = arith.addi %parallel_loop3A_927, %parallel_loop3A_936 : i32
      %parallel_loop3A_938 = arith.mulf %parallel_loop3A_923, %sub3A_54 : vector<16xf32>
      %parallel_loop3A_939 = arith.addf %get3A_29, %parallel_loop3A_938 : vector<16xf32>
      %parallel_loop3A_940 = arith.index_cast %parallel_loop3A_937 : i32 to index
      %parallel_loop3A_941 = tpu.vector_load %arg8[%parallel_loop3A_940] {strides = array<i32>} : memref<65536xf32, #tpu.memory_space<vmem>>, vector<16xf32>,
      %parallel_loop3A_942 = vector.shape_cast %parallel_loop3A_941 : vector<16xf32> to vector<16xf32>
      %parallel_loop3A_943 = vector.shape_cast %parallel_loop3A_939 : vector<16xf32> to vector<16xf32>
      tpu.vector_store %arg8[%parallel_loop3A_940], %parallel_loop3A_943 {add = true, strides = array<i32>} : memref<65536xf32, #tpu.memory_space<vmem>>, vector<16xf32>,
      %parallel_loop3A_944 = arith.constant 32 : i32
      %parallel_loop3A_945 = arith.addi %parallel_loop3A_927, %parallel_loop3A_944 : i32
      %parallel_loop3A_946 = arith.mulf %parallel_loop3A_923, %sub3A_58 : vector<16xf32>
      %parallel_loop3A_947 = arith.addf %get3A_32, %parallel_loop3A_946 : vector<16xf32>
      %parallel_loop3A_948 = arith.index_cast %parallel_loop3A_945 : i32 to index
      %parallel_loop3A_949 = tpu.vector_load %arg8[%parallel_loop3A_948] {strides = array<i32>} : memref<65536xf32, #tpu.memory_space<vmem>>, vector<16xf32>,
      %parallel_loop3A_950 = vector.shape_cast %parallel_loop3A_949 : vector<16xf32> to vector<16xf32>
      %parallel_loop3A_951 = vector.shape_cast %parallel_loop3A_947 : vector<16xf32> to vector<16xf32>
      tpu.vector_store %arg8[%parallel_loop3A_948], %parallel_loop3A_951 {add = true, strides = array<i32>} : memref<65536xf32, #tpu.memory_space<vmem>>, vector<16xf32>,
      %parallel_loop3A_952 = arith.constant 48 : i32
      %parallel_loop3A_953 = arith.addi %parallel_loop3A_927, %parallel_loop3A_952 : i32
      %parallel_loop3A_954 = arith.mulf %parallel_loop3A_923, %sub3A_62 : vector<16xf32>
      %parallel_loop3A_955 = arith.addf %get3A_35, %parallel_loop3A_954 : vector<16xf32>
      %parallel_loop3A_956 = arith.index_cast %parallel_loop3A_953 : i32 to index
      %parallel_loop3A_957 = tpu.vector_load %arg8[%parallel_loop3A_956] {strides = array<i32>} : memref<65536xf32, #tpu.memory_space<vmem>>, vector<16xf32>,
      %parallel_loop3A_958 = vector.shape_cast %parallel_loop3A_957 : vector<16xf32> to vector<16xf32>
      %parallel_loop3A_959 = vector.shape_cast %parallel_loop3A_955 : vector<16xf32> to vector<16xf32>
      tpu.vector_store %arg8[%parallel_loop3A_956], %parallel_loop3A_959 {add = true, strides = array<i32>} : memref<65536xf32, #tpu.memory_space<vmem>>, vector<16xf32>,
      %parallel_loop3A_960 = arith.constant 64 : i32
      %parallel_loop3A_961 = arith.addi %parallel_loop3A_927, %parallel_loop3A_960 : i32
      %parallel_loop3A_962 = arith.mulf %parallel_loop3A_923, %sub3A_66 : vector<16xf32>
      %parallel_loop3A_963 = arith.addf %get3A_38, %parallel_loop3A_962 : vector<16xf32>
      %parallel_loop3A_964 = arith.index_cast %parallel_loop3A_961 : i32 to index
      %parallel_loop3A_965 = tpu.vector_load %arg8[%parallel_loop3A_964] {strides = array<i32>} : memref<65536xf32, #tpu.memory_space<vmem>>, vector<16xf32>,
      %parallel_loop3A_966 = vector.shape_cast %parallel_loop3A_965 : vector<16xf32> to vector<16xf32>
      %parallel_loop3A_967 = vector.shape_cast %parallel_loop3A_963 : vector<16xf32> to vector<16xf32>
      tpu.vector_store %arg8[%parallel_loop3A_964], %parallel_loop3A_967 {add = true, strides = array<i32>} : memref<65536xf32, #tpu.memory_space<vmem>>, vector<16xf32>,
      %parallel_loop3A_968 = arith.constant 80 : i32
      %parallel_loop3A_969 = arith.addi %parallel_loop3A_927, %parallel_loop3A_968 : i32
      %parallel_loop3A_970 = arith.mulf %parallel_loop3A_923, %sub3A_70 : vector<16xf32>
      %parallel_loop3A_971 = arith.addf %get3A_41, %parallel_loop3A_970 : vector<16xf32>
      %parallel_loop3A_972 = arith.index_cast %parallel_loop3A_969 : i32 to index
      %parallel_loop3A_973 = tpu.vector_load %arg8[%parallel_loop3A_972] {strides = array<i32>} : memref<65536xf32, #tpu.memory_space<vmem>>, vector<16xf32>,
      %parallel_loop3A_974 = vector.shape_cast %parallel_loop3A_973 : vector<16xf32> to vector<16xf32>
      %parallel_loop3A_975 = vector.shape_cast %parallel_loop3A_971 : vector<16xf32> to vector<16xf32>
      tpu.vector_store %arg8[%parallel_loop3A_972], %parallel_loop3A_975 {add = true, strides = array<i32>} : memref<65536xf32, #tpu.memory_space<vmem>>, vector<16xf32>,
      %parallel_loop3A_976 = arith.constant 96 : i32
      %parallel_loop3A_977 = arith.addi %parallel_loop3A_927, %parallel_loop3A_976 : i32
      %parallel_loop3A_978 = arith.mulf %parallel_loop3A_923, %sub3A_74 : vector<16xf32>
      %parallel_loop3A_979 = arith.addf %get3A_44, %parallel_loop3A_978 : vector<16xf32>
      %parallel_loop3A_980 = arith.index_cast %parallel_loop3A_977 : i32 to index
      %parallel_loop3A_981 = tpu.vector_load %arg8[%parallel_loop3A_980] {strides = array<i32>} : memref<65536xf32, #tpu.memory_space<vmem>>, vector<16xf32>,
      %parallel_loop3A_982 = vector.shape_cast %parallel_loop3A_981 : vector<16xf32> to vector<16xf32>
      %parallel_loop3A_983 = vector.shape_cast %parallel_loop3A_979 : vector<16xf32> to vector<16xf32>
      tpu.vector_store %arg8[%parallel_loop3A_980], %parallel_loop3A_983 {add = true, strides = array<i32>} : memref<65536xf32, #tpu.memory_space<vmem>>, vector<16xf32>,
      %parallel_loop3A_984 = arith.constant 112 : i32
      %parallel_loop3A_985 = arith.addi %parallel_loop3A_927, %parallel_loop3A_984 : i32
      %parallel_loop3A_986 = arith.mulf %parallel_loop3A_923, %sub3A_78 : vector<16xf32>
      %parallel_loop3A_987 = arith.addf %get3A_47, %parallel_loop3A_986 : vector<16xf32>
      %parallel_loop3A_988 = arith.index_cast %parallel_loop3A_985 : i32 to index
      %parallel_loop3A_989 = tpu.vector_load %arg8[%parallel_loop3A_988] {strides = array<i32>} : memref<65536xf32, #tpu.memory_space<vmem>>, vector<16xf32>,
      %parallel_loop3A_990 = vector.shape_cast %parallel_loop3A_989 : vector<16xf32> to vector<16xf32>
      %parallel_loop3A_991 = vector.shape_cast %parallel_loop3A_987 : vector<16xf32> to vector<16xf32>
      tpu.vector_store %arg8[%parallel_loop3A_988], %parallel_loop3A_991 {add = true, strides = array<i32>} : memref<65536xf32, #tpu.memory_space<vmem>>, vector<16xf32>,
      %parallel_loop3A_992 = vector.extract_strided_slice %parallel_loop3A_139 {offsets = [12], sizes = [1], strides = [1]} : vector<16xf32> to vector<1xf32>
      %parallel_loop3A_993 = vector.shape_cast %parallel_loop3A_992 : vector<1xf32> to vector<1xf32>
      %parallel_loop3A_994 = vector.broadcast %parallel_loop3A_993 : vector<1xf32> to vector<16xf32>
      %parallel_loop3A_995 = arith.constant 12 : i32
      %parallel_loop3A_996 = arith.addi %parallel_loop3A_132, %parallel_loop3A_995 : i32
      %parallel_loop3A_997 = arith.constant 128 : i32
      %parallel_loop3A_998 = arith.muli %parallel_loop3A_996, %parallel_loop3A_997 : i32
      %parallel_loop3A_999 = arith.constant 0 : i32
      %parallel_loop3A_1000 = arith.addi %parallel_loop3A_998, %parallel_loop3A_999 : i32
      %parallel_loop3A_1001 = arith.mulf %parallel_loop3A_994, %sub3A : vector<16xf32>
      %parallel_loop3A_1002 = arith.addf %get3A_26, %parallel_loop3A_1001 : vector<16xf32>
      %parallel_loop3A_1003 = arith.index_cast %parallel_loop3A_1000 : i32 to index
      %parallel_loop3A_1004 = tpu.vector_load %arg8[%parallel_loop3A_1003] {strides = array<i32>} : memref<65536xf32, #tpu.memory_space<vmem>>, vector<16xf32>,
      %parallel_loop3A_1005 = vector.shape_cast %parallel_loop3A_1004 : vector<16xf32> to vector<16xf32>
      %parallel_loop3A_1006 = vector.shape_cast %parallel_loop3A_1002 : vector<16xf32> to vector<16xf32>
      tpu.vector_store %arg8[%parallel_loop3A_1003], %parallel_loop3A_1006 {add = true, strides = array<i32>} : memref<65536xf32, #tpu.memory_space<vmem>>, vector<16xf32>,
      %parallel_loop3A_1007 = arith.constant 16 : i32
      %parallel_loop3A_1008 = arith.addi %parallel_loop3A_998, %parallel_loop3A_1007 : i32
      %parallel_loop3A_1009 = arith.mulf %parallel_loop3A_994, %sub3A_54 : vector<16xf32>
      %parallel_loop3A_1010 = arith.addf %get3A_29, %parallel_loop3A_1009 : vector<16xf32>
      %parallel_loop3A_1011 = arith.index_cast %parallel_loop3A_1008 : i32 to index
      %parallel_loop3A_1012 = tpu.vector_load %arg8[%parallel_loop3A_1011] {strides = array<i32>} : memref<65536xf32, #tpu.memory_space<vmem>>, vector<16xf32>,
      %parallel_loop3A_1013 = vector.shape_cast %parallel_loop3A_1012 : vector<16xf32> to vector<16xf32>
      %parallel_loop3A_1014 = vector.shape_cast %parallel_loop3A_1010 : vector<16xf32> to vector<16xf32>
      tpu.vector_store %arg8[%parallel_loop3A_1011], %parallel_loop3A_1014 {add = true, strides = array<i32>} : memref<65536xf32, #tpu.memory_space<vmem>>, vector<16xf32>,
      %parallel_loop3A_1015 = arith.constant 32 : i32
      %parallel_loop3A_1016 = arith.addi %parallel_loop3A_998, %parallel_loop3A_1015 : i32
      %parallel_loop3A_1017 = arith.mulf %parallel_loop3A_994, %sub3A_58 : vector<16xf32>
      %parallel_loop3A_1018 = arith.addf %get3A_32, %parallel_loop3A_1017 : vector<16xf32>
      %parallel_loop3A_1019 = arith.index_cast %parallel_loop3A_1016 : i32 to index
      %parallel_loop3A_1020 = tpu.vector_load %arg8[%parallel_loop3A_1019] {strides = array<i32>} : memref<65536xf32, #tpu.memory_space<vmem>>, vector<16xf32>,
      %parallel_loop3A_1021 = vector.shape_cast %parallel_loop3A_1020 : vector<16xf32> to vector<16xf32>
      %parallel_loop3A_1022 = vector.shape_cast %parallel_loop3A_1018 : vector<16xf32> to vector<16xf32>
      tpu.vector_store %arg8[%parallel_loop3A_1019], %parallel_loop3A_1022 {add = true, strides = array<i32>} : memref<65536xf32, #tpu.memory_space<vmem>>, vector<16xf32>,
      %parallel_loop3A_1023 = arith.constant 48 : i32
      %parallel_loop3A_1024 = arith.addi %parallel_loop3A_998, %parallel_loop3A_1023 : i32
      %parallel_loop3A_1025 = arith.mulf %parallel_loop3A_994, %sub3A_62 : vector<16xf32>
      %parallel_loop3A_1026 = arith.addf %get3A_35, %parallel_loop3A_1025 : vector<16xf32>
      %parallel_loop3A_1027 = arith.index_cast %parallel_loop3A_1024 : i32 to index
      %parallel_loop3A_1028 = tpu.vector_load %arg8[%parallel_loop3A_1027] {strides = array<i32>} : memref<65536xf32, #tpu.memory_space<vmem>>, vector<16xf32>,
      %parallel_loop3A_1029 = vector.shape_cast %parallel_loop3A_1028 : vector<16xf32> to vector<16xf32>
      %parallel_loop3A_1030 = vector.shape_cast %parallel_loop3A_1026 : vector<16xf32> to vector<16xf32>
      tpu.vector_store %arg8[%parallel_loop3A_1027], %parallel_loop3A_1030 {add = true, strides = array<i32>} : memref<65536xf32, #tpu.memory_space<vmem>>, vector<16xf32>,
      %parallel_loop3A_1031 = arith.constant 64 : i32
      %parallel_loop3A_1032 = arith.addi %parallel_loop3A_998, %parallel_loop3A_1031 : i32
      %parallel_loop3A_1033 = arith.mulf %parallel_loop3A_994, %sub3A_66 : vector<16xf32>
      %parallel_loop3A_1034 = arith.addf %get3A_38, %parallel_loop3A_1033 : vector<16xf32>
      %parallel_loop3A_1035 = arith.index_cast %parallel_loop3A_1032 : i32 to index
      %parallel_loop3A_1036 = tpu.vector_load %arg8[%parallel_loop3A_1035] {strides = array<i32>} : memref<65536xf32, #tpu.memory_space<vmem>>, vector<16xf32>,
      %parallel_loop3A_1037 = vector.shape_cast %parallel_loop3A_1036 : vector<16xf32> to vector<16xf32>
      %parallel_loop3A_1038 = vector.shape_cast %parallel_loop3A_1034 : vector<16xf32> to vector<16xf32>
      tpu.vector_store %arg8[%parallel_loop3A_1035], %parallel_loop3A_1038 {add = true, strides = array<i32>} : memref<65536xf32, #tpu.memory_space<vmem>>, vector<16xf32>,
      %parallel_loop3A_1039 = arith.constant 80 : i32
      %parallel_loop3A_1040 = arith.addi %parallel_loop3A_998, %parallel_loop3A_1039 : i32
      %parallel_loop3A_1041 = arith.mulf %parallel_loop3A_994, %sub3A_70 : vector<16xf32>
      %parallel_loop3A_1042 = arith.addf %get3A_41, %parallel_loop3A_1041 : vector<16xf32>
      %parallel_loop3A_1043 = arith.index_cast %parallel_loop3A_1040 : i32 to index
      %parallel_loop3A_1044 = tpu.vector_load %arg8[%parallel_loop3A_1043] {strides = array<i32>} : memref<65536xf32, #tpu.memory_space<vmem>>, vector<16xf32>,
      %parallel_loop3A_1045 = vector.shape_cast %parallel_loop3A_1044 : vector<16xf32> to vector<16xf32>
      %parallel_loop3A_1046 = vector.shape_cast %parallel_loop3A_1042 : vector<16xf32> to vector<16xf32>
      tpu.vector_store %arg8[%parallel_loop3A_1043], %parallel_loop3A_1046 {add = true, strides = array<i32>} : memref<65536xf32, #tpu.memory_space<vmem>>, vector<16xf32>,
      %parallel_loop3A_1047 = arith.constant 96 : i32
      %parallel_loop3A_1048 = arith.addi %parallel_loop3A_998, %parallel_loop3A_1047 : i32
      %parallel_loop3A_1049 = arith.mulf %parallel_loop3A_994, %sub3A_74 : vector<16xf32>
      %parallel_loop3A_1050 = arith.addf %get3A_44, %parallel_loop3A_1049 : vector<16xf32>
      %parallel_loop3A_1051 = arith.index_cast %parallel_loop3A_1048 : i32 to index
      %parallel_loop3A_1052 = tpu.vector_load %arg8[%parallel_loop3A_1051] {strides = array<i32>} : memref<65536xf32, #tpu.memory_space<vmem>>, vector<16xf32>,
      %parallel_loop3A_1053 = vector.shape_cast %parallel_loop3A_1052 : vector<16xf32> to vector<16xf32>
      %parallel_loop3A_1054 = vector.shape_cast %parallel_loop3A_1050 : vector<16xf32> to vector<16xf32>
      tpu.vector_store %arg8[%parallel_loop3A_1051], %parallel_loop3A_1054 {add = true, strides = array<i32>} : memref<65536xf32, #tpu.memory_space<vmem>>, vector<16xf32>,
      %parallel_loop3A_1055 = arith.constant 112 : i32
      %parallel_loop3A_1056 = arith.addi %parallel_loop3A_998, %parallel_loop3A_1055 : i32
      %parallel_loop3A_1057 = arith.mulf %parallel_loop3A_994, %sub3A_78 : vector<16xf32>
      %parallel_loop3A_1058 = arith.addf %get3A_47, %parallel_loop3A_1057 : vector<16xf32>
      %parallel_loop3A_1059 = arith.index_cast %parallel_loop3A_1056 : i32 to index
      %parallel_loop3A_1060 = tpu.vector_load %arg8[%parallel_loop3A_1059] {strides = array<i32>} : memref<65536xf32, #tpu.memory_space<vmem>>, vector<16xf32>,
      %parallel_loop3A_1061 = vector.shape_cast %parallel_loop3A_1060 : vector<16xf32> to vector<16xf32>
      %parallel_loop3A_1062 = vector.shape_cast %parallel_loop3A_1058 : vector<16xf32> to vector<16xf32>
      tpu.vector_store %arg8[%parallel_loop3A_1059], %parallel_loop3A_1062 {add = true, strides = array<i32>} : memref<65536xf32, #tpu.memory_space<vmem>>, vector<16xf32>,
      %parallel_loop3A_1063 = vector.extract_strided_slice %parallel_loop3A_139 {offsets = [13], sizes = [1], strides = [1]} : vector<16xf32> to vector<1xf32>
      %parallel_loop3A_1064 = vector.shape_cast %parallel_loop3A_1063 : vector<1xf32> to vector<1xf32>
      %parallel_loop3A_1065 = vector.broadcast %parallel_loop3A_1064 : vector<1xf32> to vector<16xf32>
      %parallel_loop3A_1066 = arith.constant 13 : i32
      %parallel_loop3A_1067 = arith.addi %parallel_loop3A_132, %parallel_loop3A_1066 : i32
      %parallel_loop3A_1068 = arith.constant 128 : i32
      %parallel_loop3A_1069 = arith.muli %parallel_loop3A_1067, %parallel_loop3A_1068 : i32
      %parallel_loop3A_1070 = arith.constant 0 : i32
      %parallel_loop3A_1071 = arith.addi %parallel_loop3A_1069, %parallel_loop3A_1070 : i32
      %parallel_loop3A_1072 = arith.mulf %parallel_loop3A_1065, %sub3A : vector<16xf32>
      %parallel_loop3A_1073 = arith.addf %get3A_26, %parallel_loop3A_1072 : vector<16xf32>
      %parallel_loop3A_1074 = arith.index_cast %parallel_loop3A_1071 : i32 to index
      %parallel_loop3A_1075 = tpu.vector_load %arg8[%parallel_loop3A_1074] {strides = array<i32>} : memref<65536xf32, #tpu.memory_space<vmem>>, vector<16xf32>,
      %parallel_loop3A_1076 = vector.shape_cast %parallel_loop3A_1075 : vector<16xf32> to vector<16xf32>
      %parallel_loop3A_1077 = vector.shape_cast %parallel_loop3A_1073 : vector<16xf32> to vector<16xf32>
      tpu.vector_store %arg8[%parallel_loop3A_1074], %parallel_loop3A_1077 {add = true, strides = array<i32>} : memref<65536xf32, #tpu.memory_space<vmem>>, vector<16xf32>,
      %parallel_loop3A_1078 = arith.constant 16 : i32
      %parallel_loop3A_1079 = arith.addi %parallel_loop3A_1069, %parallel_loop3A_1078 : i32
      %parallel_loop3A_1080 = arith.mulf %parallel_loop3A_1065, %sub3A_54 : vector<16xf32>
      %parallel_loop3A_1081 = arith.addf %get3A_29, %parallel_loop3A_1080 : vector<16xf32>
      %parallel_loop3A_1082 = arith.index_cast %parallel_loop3A_1079 : i32 to index
      %parallel_loop3A_1083 = tpu.vector_load %arg8[%parallel_loop3A_1082] {strides = array<i32>} : memref<65536xf32, #tpu.memory_space<vmem>>, vector<16xf32>,
      %parallel_loop3A_1084 = vector.shape_cast %parallel_loop3A_1083 : vector<16xf32> to vector<16xf32>
      %parallel_loop3A_1085 = vector.shape_cast %parallel_loop3A_1081 : vector<16xf32> to vector<16xf32>
      tpu.vector_store %arg8[%parallel_loop3A_1082], %parallel_loop3A_1085 {add = true, strides = array<i32>} : memref<65536xf32, #tpu.memory_space<vmem>>, vector<16xf32>,
      %parallel_loop3A_1086 = arith.constant 32 : i32
      %parallel_loop3A_1087 = arith.addi %parallel_loop3A_1069, %parallel_loop3A_1086 : i32
      %parallel_loop3A_1088 = arith.mulf %parallel_loop3A_1065, %sub3A_58 : vector<16xf32>
      %parallel_loop3A_1089 = arith.addf %get3A_32, %parallel_loop3A_1088 : vector<16xf32>
      %parallel_loop3A_1090 = arith.index_cast %parallel_loop3A_1087 : i32 to index
      %parallel_loop3A_1091 = tpu.vector_load %arg8[%parallel_loop3A_1090] {strides = array<i32>} : memref<65536xf32, #tpu.memory_space<vmem>>, vector<16xf32>,
      %parallel_loop3A_1092 = vector.shape_cast %parallel_loop3A_1091 : vector<16xf32> to vector<16xf32>
      %parallel_loop3A_1093 = vector.shape_cast %parallel_loop3A_1089 : vector<16xf32> to vector<16xf32>
      tpu.vector_store %arg8[%parallel_loop3A_1090], %parallel_loop3A_1093 {add = true, strides = array<i32>} : memref<65536xf32, #tpu.memory_space<vmem>>, vector<16xf32>,
      %parallel_loop3A_1094 = arith.constant 48 : i32
      %parallel_loop3A_1095 = arith.addi %parallel_loop3A_1069, %parallel_loop3A_1094 : i32
      %parallel_loop3A_1096 = arith.mulf %parallel_loop3A_1065, %sub3A_62 : vector<16xf32>
      %parallel_loop3A_1097 = arith.addf %get3A_35, %parallel_loop3A_1096 : vector<16xf32>
      %parallel_loop3A_1098 = arith.index_cast %parallel_loop3A_1095 : i32 to index
      %parallel_loop3A_1099 = tpu.vector_load %arg8[%parallel_loop3A_1098] {strides = array<i32>} : memref<65536xf32, #tpu.memory_space<vmem>>, vector<16xf32>,
      %parallel_loop3A_1100 = vector.shape_cast %parallel_loop3A_1099 : vector<16xf32> to vector<16xf32>
      %parallel_loop3A_1101 = vector.shape_cast %parallel_loop3A_1097 : vector<16xf32> to vector<16xf32>
      tpu.vector_store %arg8[%parallel_loop3A_1098], %parallel_loop3A_1101 {add = true, strides = array<i32>} : memref<65536xf32, #tpu.memory_space<vmem>>, vector<16xf32>,
      %parallel_loop3A_1102 = arith.constant 64 : i32
      %parallel_loop3A_1103 = arith.addi %parallel_loop3A_1069, %parallel_loop3A_1102 : i32
      %parallel_loop3A_1104 = arith.mulf %parallel_loop3A_1065, %sub3A_66 : vector<16xf32>
      %parallel_loop3A_1105 = arith.addf %get3A_38, %parallel_loop3A_1104 : vector<16xf32>
      %parallel_loop3A_1106 = arith.index_cast %parallel_loop3A_1103 : i32 to index
      %parallel_loop3A_1107 = tpu.vector_load %arg8[%parallel_loop3A_1106] {strides = array<i32>} : memref<65536xf32, #tpu.memory_space<vmem>>, vector<16xf32>,
      %parallel_loop3A_1108 = vector.shape_cast %parallel_loop3A_1107 : vector<16xf32> to vector<16xf32>
      %parallel_loop3A_1109 = vector.shape_cast %parallel_loop3A_1105 : vector<16xf32> to vector<16xf32>
      tpu.vector_store %arg8[%parallel_loop3A_1106], %parallel_loop3A_1109 {add = true, strides = array<i32>} : memref<65536xf32, #tpu.memory_space<vmem>>, vector<16xf32>,
      %parallel_loop3A_1110 = arith.constant 80 : i32
      %parallel_loop3A_1111 = arith.addi %parallel_loop3A_1069, %parallel_loop3A_1110 : i32
      %parallel_loop3A_1112 = arith.mulf %parallel_loop3A_1065, %sub3A_70 : vector<16xf32>
      %parallel_loop3A_1113 = arith.addf %get3A_41, %parallel_loop3A_1112 : vector<16xf32>
      %parallel_loop3A_1114 = arith.index_cast %parallel_loop3A_1111 : i32 to index
      %parallel_loop3A_1115 = tpu.vector_load %arg8[%parallel_loop3A_1114] {strides = array<i32>} : memref<65536xf32, #tpu.memory_space<vmem>>, vector<16xf32>,
      %parallel_loop3A_1116 = vector.shape_cast %parallel_loop3A_1115 : vector<16xf32> to vector<16xf32>
      %parallel_loop3A_1117 = vector.shape_cast %parallel_loop3A_1113 : vector<16xf32> to vector<16xf32>
      tpu.vector_store %arg8[%parallel_loop3A_1114], %parallel_loop3A_1117 {add = true, strides = array<i32>} : memref<65536xf32, #tpu.memory_space<vmem>>, vector<16xf32>,
      %parallel_loop3A_1118 = arith.constant 96 : i32
      %parallel_loop3A_1119 = arith.addi %parallel_loop3A_1069, %parallel_loop3A_1118 : i32
      %parallel_loop3A_1120 = arith.mulf %parallel_loop3A_1065, %sub3A_74 : vector<16xf32>
      %parallel_loop3A_1121 = arith.addf %get3A_44, %parallel_loop3A_1120 : vector<16xf32>
      %parallel_loop3A_1122 = arith.index_cast %parallel_loop3A_1119 : i32 to index
      %parallel_loop3A_1123 = tpu.vector_load %arg8[%parallel_loop3A_1122] {strides = array<i32>} : memref<65536xf32, #tpu.memory_space<vmem>>, vector<16xf32>,
      %parallel_loop3A_1124 = vector.shape_cast %parallel_loop3A_1123 : vector<16xf32> to vector<16xf32>
      %parallel_loop3A_1125 = vector.shape_cast %parallel_loop3A_1121 : vector<16xf32> to vector<16xf32>
      tpu.vector_store %arg8[%parallel_loop3A_1122], %parallel_loop3A_1125 {add = true, strides = array<i32>} : memref<65536xf32, #tpu.memory_space<vmem>>, vector<16xf32>,
      %parallel_loop3A_1126 = arith.constant 112 : i32
      %parallel_loop3A_1127 = arith.addi %parallel_loop3A_1069, %parallel_loop3A_1126 : i32
      %parallel_loop3A_1128 = arith.mulf %parallel_loop3A_1065, %sub3A_78 : vector<16xf32>
      %parallel_loop3A_1129 = arith.addf %get3A_47, %parallel_loop3A_1128 : vector<16xf32>
      %parallel_loop3A_1130 = arith.index_cast %parallel_loop3A_1127 : i32 to index
      %parallel_loop3A_1131 = tpu.vector_load %arg8[%parallel_loop3A_1130] {strides = array<i32>} : memref<65536xf32, #tpu.memory_space<vmem>>, vector<16xf32>,
      %parallel_loop3A_1132 = vector.shape_cast %parallel_loop3A_1131 : vector<16xf32> to vector<16xf32>
      %parallel_loop3A_1133 = vector.shape_cast %parallel_loop3A_1129 : vector<16xf32> to vector<16xf32>
      tpu.vector_store %arg8[%parallel_loop3A_1130], %parallel_loop3A_1133 {add = true, strides = array<i32>} : memref<65536xf32, #tpu.memory_space<vmem>>, vector<16xf32>,
      %parallel_loop3A_1134 = vector.extract_strided_slice %parallel_loop3A_139 {offsets = [14], sizes = [1], strides = [1]} : vector<16xf32> to vector<1xf32>
      %parallel_loop3A_1135 = vector.shape_cast %parallel_loop3A_1134 : vector<1xf32> to vector<1xf32>
      %parallel_loop3A_1136 = vector.broadcast %parallel_loop3A_1135 : vector<1xf32> to vector<16xf32>
      %parallel_loop3A_1137 = arith.constant 14 : i32
      %parallel_loop3A_1138 = arith.addi %parallel_loop3A_132, %parallel_loop3A_1137 : i32
      %parallel_loop3A_1139 = arith.constant 128 : i32
      %parallel_loop3A_1140 = arith.muli %parallel_loop3A_1138, %parallel_loop3A_1139 : i32
      %parallel_loop3A_1141 = arith.constant 0 : i32
      %parallel_loop3A_1142 = arith.addi %parallel_loop3A_1140, %parallel_loop3A_1141 : i32
      %parallel_loop3A_1143 = arith.mulf %parallel_loop3A_1136, %sub3A : vector<16xf32>
      %parallel_loop3A_1144 = arith.addf %get3A_26, %parallel_loop3A_1143 : vector<16xf32>
      %parallel_loop3A_1145 = arith.index_cast %parallel_loop3A_1142 : i32 to index
      %parallel_loop3A_1146 = tpu.vector_load %arg8[%parallel_loop3A_1145] {strides = array<i32>} : memref<65536xf32, #tpu.memory_space<vmem>>, vector<16xf32>,
      %parallel_loop3A_1147 = vector.shape_cast %parallel_loop3A_1146 : vector<16xf32> to vector<16xf32>
      %parallel_loop3A_1148 = vector.shape_cast %parallel_loop3A_1144 : vector<16xf32> to vector<16xf32>
      tpu.vector_store %arg8[%parallel_loop3A_1145], %parallel_loop3A_1148 {add = true, strides = array<i32>} : memref<65536xf32, #tpu.memory_space<vmem>>, vector<16xf32>,
      %parallel_loop3A_1149 = arith.constant 16 : i32
      %parallel_loop3A_1150 = arith.addi %parallel_loop3A_1140, %parallel_loop3A_1149 : i32
      %parallel_loop3A_1151 = arith.mulf %parallel_loop3A_1136, %sub3A_54 : vector<16xf32>
      %parallel_loop3A_1152 = arith.addf %get3A_29, %parallel_loop3A_1151 : vector<16xf32>
      %parallel_loop3A_1153 = arith.index_cast %parallel_loop3A_1150 : i32 to index
      %parallel_loop3A_1154 = tpu.vector_load %arg8[%parallel_loop3A_1153] {strides = array<i32>} : memref<65536xf32, #tpu.memory_space<vmem>>, vector<16xf32>,
      %parallel_loop3A_1155 = vector.shape_cast %parallel_loop3A_1154 : vector<16xf32> to vector<16xf32>
      %parallel_loop3A_1156 = vector.shape_cast %parallel_loop3A_1152 : vector<16xf32> to vector<16xf32>
      tpu.vector_store %arg8[%parallel_loop3A_1153], %parallel_loop3A_1156 {add = true, strides = array<i32>} : memref<65536xf32, #tpu.memory_space<vmem>>, vector<16xf32>,
      %parallel_loop3A_1157 = arith.constant 32 : i32
      %parallel_loop3A_1158 = arith.addi %parallel_loop3A_1140, %parallel_loop3A_1157 : i32
      %parallel_loop3A_1159 = arith.mulf %parallel_loop3A_1136, %sub3A_58 : vector<16xf32>
      %parallel_loop3A_1160 = arith.addf %get3A_32, %parallel_loop3A_1159 : vector<16xf32>
      %parallel_loop3A_1161 = arith.index_cast %parallel_loop3A_1158 : i32 to index
      %parallel_loop3A_1162 = tpu.vector_load %arg8[%parallel_loop3A_1161] {strides = array<i32>} : memref<65536xf32, #tpu.memory_space<vmem>>, vector<16xf32>,
      %parallel_loop3A_1163 = vector.shape_cast %parallel_loop3A_1162 : vector<16xf32> to vector<16xf32>
      %parallel_loop3A_1164 = vector.shape_cast %parallel_loop3A_1160 : vector<16xf32> to vector<16xf32>
      tpu.vector_store %arg8[%parallel_loop3A_1161], %parallel_loop3A_1164 {add = true, strides = array<i32>} : memref<65536xf32, #tpu.memory_space<vmem>>, vector<16xf32>,
      %parallel_loop3A_1165 = arith.constant 48 : i32
      %parallel_loop3A_1166 = arith.addi %parallel_loop3A_1140, %parallel_loop3A_1165 : i32
      %parallel_loop3A_1167 = arith.mulf %parallel_loop3A_1136, %sub3A_62 : vector<16xf32>
      %parallel_loop3A_1168 = arith.addf %get3A_35, %parallel_loop3A_1167 : vector<16xf32>
      %parallel_loop3A_1169 = arith.index_cast %parallel_loop3A_1166 : i32 to index
      %parallel_loop3A_1170 = tpu.vector_load %arg8[%parallel_loop3A_1169] {strides = array<i32>} : memref<65536xf32, #tpu.memory_space<vmem>>, vector<16xf32>,
      %parallel_loop3A_1171 = vector.shape_cast %parallel_loop3A_1170 : vector<16xf32> to vector<16xf32>
      %parallel_loop3A_1172 = vector.shape_cast %parallel_loop3A_1168 : vector<16xf32> to vector<16xf32>
      tpu.vector_store %arg8[%parallel_loop3A_1169], %parallel_loop3A_1172 {add = true, strides = array<i32>} : memref<65536xf32, #tpu.memory_space<vmem>>, vector<16xf32>,
      %parallel_loop3A_1173 = arith.constant 64 : i32
      %parallel_loop3A_1174 = arith.addi %parallel_loop3A_1140, %parallel_loop3A_1173 : i32
      %parallel_loop3A_1175 = arith.mulf %parallel_loop3A_1136, %sub3A_66 : vector<16xf32>
      %parallel_loop3A_1176 = arith.addf %get3A_38, %parallel_loop3A_1175 : vector<16xf32>
      %parallel_loop3A_1177 = arith.index_cast %parallel_loop3A_1174 : i32 to index
      %parallel_loop3A_1178 = tpu.vector_load %arg8[%parallel_loop3A_1177] {strides = array<i32>} : memref<65536xf32, #tpu.memory_space<vmem>>, vector<16xf32>,
      %parallel_loop3A_1179 = vector.shape_cast %parallel_loop3A_1178 : vector<16xf32> to vector<16xf32>
      %parallel_loop3A_1180 = vector.shape_cast %parallel_loop3A_1176 : vector<16xf32> to vector<16xf32>
      tpu.vector_store %arg8[%parallel_loop3A_1177], %parallel_loop3A_1180 {add = true, strides = array<i32>} : memref<65536xf32, #tpu.memory_space<vmem>>, vector<16xf32>,
      %parallel_loop3A_1181 = arith.constant 80 : i32
      %parallel_loop3A_1182 = arith.addi %parallel_loop3A_1140, %parallel_loop3A_1181 : i32
      %parallel_loop3A_1183 = arith.mulf %parallel_loop3A_1136, %sub3A_70 : vector<16xf32>
      %parallel_loop3A_1184 = arith.addf %get3A_41, %parallel_loop3A_1183 : vector<16xf32>
      %parallel_loop3A_1185 = arith.index_cast %parallel_loop3A_1182 : i32 to index
      %parallel_loop3A_1186 = tpu.vector_load %arg8[%parallel_loop3A_1185] {strides = array<i32>} : memref<65536xf32, #tpu.memory_space<vmem>>, vector<16xf32>,
      %parallel_loop3A_1187 = vector.shape_cast %parallel_loop3A_1186 : vector<16xf32> to vector<16xf32>
      %parallel_loop3A_1188 = vector.shape_cast %parallel_loop3A_1184 : vector<16xf32> to vector<16xf32>
      tpu.vector_store %arg8[%parallel_loop3A_1185], %parallel_loop3A_1188 {add = true, strides = array<i32>} : memref<65536xf32, #tpu.memory_space<vmem>>, vector<16xf32>,
      %parallel_loop3A_1189 = arith.constant 96 : i32
      %parallel_loop3A_1190 = arith.addi %parallel_loop3A_1140, %parallel_loop3A_1189 : i32
      %parallel_loop3A_1191 = arith.mulf %parallel_loop3A_1136, %sub3A_74 : vector<16xf32>
      %parallel_loop3A_1192 = arith.addf %get3A_44, %parallel_loop3A_1191 : vector<16xf32>
      %parallel_loop3A_1193 = arith.index_cast %parallel_loop3A_1190 : i32 to index
      %parallel_loop3A_1194 = tpu.vector_load %arg8[%parallel_loop3A_1193] {strides = array<i32>} : memref<65536xf32, #tpu.memory_space<vmem>>, vector<16xf32>,
      %parallel_loop3A_1195 = vector.shape_cast %parallel_loop3A_1194 : vector<16xf32> to vector<16xf32>
      %parallel_loop3A_1196 = vector.shape_cast %parallel_loop3A_1192 : vector<16xf32> to vector<16xf32>
      tpu.vector_store %arg8[%parallel_loop3A_1193], %parallel_loop3A_1196 {add = true, strides = array<i32>} : memref<65536xf32, #tpu.memory_space<vmem>>, vector<16xf32>,
      %parallel_loop3A_1197 = arith.constant 112 : i32
      %parallel_loop3A_1198 = arith.addi %parallel_loop3A_1140, %parallel_loop3A_1197 : i32
      %parallel_loop3A_1199 = arith.mulf %parallel_loop3A_1136, %sub3A_78 : vector<16xf32>
      %parallel_loop3A_1200 = arith.addf %get3A_47, %parallel_loop3A_1199 : vector<16xf32>
      %parallel_loop3A_1201 = arith.index_cast %parallel_loop3A_1198 : i32 to index
      %parallel_loop3A_1202 = tpu.vector_load %arg8[%parallel_loop3A_1201] {strides = array<i32>} : memref<65536xf32, #tpu.memory_space<vmem>>, vector<16xf32>,
      %parallel_loop3A_1203 = vector.shape_cast %parallel_loop3A_1202 : vector<16xf32> to vector<16xf32>
      %parallel_loop3A_1204 = vector.shape_cast %parallel_loop3A_1200 : vector<16xf32> to vector<16xf32>
      tpu.vector_store %arg8[%parallel_loop3A_1201], %parallel_loop3A_1204 {add = true, strides = array<i32>} : memref<65536xf32, #tpu.memory_space<vmem>>, vector<16xf32>,
      %parallel_loop3A_1205 = vector.extract_strided_slice %parallel_loop3A_139 {offsets = [15], sizes = [1], strides = [1]} : vector<16xf32> to vector<1xf32>
      %parallel_loop3A_1206 = vector.shape_cast %parallel_loop3A_1205 : vector<1xf32> to vector<1xf32>
      %parallel_loop3A_1207 = vector.broadcast %parallel_loop3A_1206 : vector<1xf32> to vector<16xf32>
      %parallel_loop3A_1208 = arith.constant 15 : i32
      %parallel_loop3A_1209 = arith.addi %parallel_loop3A_132, %parallel_loop3A_1208 : i32
      %parallel_loop3A_1210 = arith.constant 128 : i32
      %parallel_loop3A_1211 = arith.muli %parallel_loop3A_1209, %parallel_loop3A_1210 : i32
      %parallel_loop3A_1212 = arith.constant 0 : i32
      %parallel_loop3A_1213 = arith.addi %parallel_loop3A_1211, %parallel_loop3A_1212 : i32
      %parallel_loop3A_1214 = arith.mulf %parallel_loop3A_1207, %sub3A : vector<16xf32>
      %parallel_loop3A_1215 = arith.addf %get3A_26, %parallel_loop3A_1214 : vector<16xf32>
      %parallel_loop3A_1216 = arith.index_cast %parallel_loop3A_1213 : i32 to index
      %parallel_loop3A_1217 = tpu.vector_load %arg8[%parallel_loop3A_1216] {strides = array<i32>} : memref<65536xf32, #tpu.memory_space<vmem>>, vector<16xf32>,
      %parallel_loop3A_1218 = vector.shape_cast %parallel_loop3A_1217 : vector<16xf32> to vector<16xf32>
      %parallel_loop3A_1219 = vector.shape_cast %parallel_loop3A_1215 : vector<16xf32> to vector<16xf32>
      tpu.vector_store %arg8[%parallel_loop3A_1216], %parallel_loop3A_1219 {add = true, strides = array<i32>} : memref<65536xf32, #tpu.memory_space<vmem>>, vector<16xf32>,
      %parallel_loop3A_1220 = arith.constant 16 : i32
      %parallel_loop3A_1221 = arith.addi %parallel_loop3A_1211, %parallel_loop3A_1220 : i32
      %parallel_loop3A_1222 = arith.mulf %parallel_loop3A_1207, %sub3A_54 : vector<16xf32>
      %parallel_loop3A_1223 = arith.addf %get3A_29, %parallel_loop3A_1222 : vector<16xf32>
      %parallel_loop3A_1224 = arith.index_cast %parallel_loop3A_1221 : i32 to index
      %parallel_loop3A_1225 = tpu.vector_load %arg8[%parallel_loop3A_1224] {strides = array<i32>} : memref<65536xf32, #tpu.memory_space<vmem>>, vector<16xf32>,
      %parallel_loop3A_1226 = vector.shape_cast %parallel_loop3A_1225 : vector<16xf32> to vector<16xf32>
      %parallel_loop3A_1227 = vector.shape_cast %parallel_loop3A_1223 : vector<16xf32> to vector<16xf32>
      tpu.vector_store %arg8[%parallel_loop3A_1224], %parallel_loop3A_1227 {add = true, strides = array<i32>} : memref<65536xf32, #tpu.memory_space<vmem>>, vector<16xf32>,
      %parallel_loop3A_1228 = arith.constant 32 : i32
      %parallel_loop3A_1229 = arith.addi %parallel_loop3A_1211, %parallel_loop3A_1228 : i32
      %parallel_loop3A_1230 = arith.mulf %parallel_loop3A_1207, %sub3A_58 : vector<16xf32>
      %parallel_loop3A_1231 = arith.addf %get3A_32, %parallel_loop3A_1230 : vector<16xf32>
      %parallel_loop3A_1232 = arith.index_cast %parallel_loop3A_1229 : i32 to index
      %parallel_loop3A_1233 = tpu.vector_load %arg8[%parallel_loop3A_1232] {strides = array<i32>} : memref<65536xf32, #tpu.memory_space<vmem>>, vector<16xf32>,
      %parallel_loop3A_1234 = vector.shape_cast %parallel_loop3A_1233 : vector<16xf32> to vector<16xf32>
      %parallel_loop3A_1235 = vector.shape_cast %parallel_loop3A_1231 : vector<16xf32> to vector<16xf32>
      tpu.vector_store %arg8[%parallel_loop3A_1232], %parallel_loop3A_1235 {add = true, strides = array<i32>} : memref<65536xf32, #tpu.memory_space<vmem>>, vector<16xf32>,
      %parallel_loop3A_1236 = arith.constant 48 : i32
      %parallel_loop3A_1237 = arith.addi %parallel_loop3A_1211, %parallel_loop3A_1236 : i32
      %parallel_loop3A_1238 = arith.mulf %parallel_loop3A_1207, %sub3A_62 : vector<16xf32>
      %parallel_loop3A_1239 = arith.addf %get3A_35, %parallel_loop3A_1238 : vector<16xf32>
      %parallel_loop3A_1240 = arith.index_cast %parallel_loop3A_1237 : i32 to index
      %parallel_loop3A_1241 = tpu.vector_load %arg8[%parallel_loop3A_1240] {strides = array<i32>} : memref<65536xf32, #tpu.memory_space<vmem>>, vector<16xf32>,
      %parallel_loop3A_1242 = vector.shape_cast %parallel_loop3A_1241 : vector<16xf32> to vector<16xf32>
      %parallel_loop3A_1243 = vector.shape_cast %parallel_loop3A_1239 : vector<16xf32> to vector<16xf32>
      tpu.vector_store %arg8[%parallel_loop3A_1240], %parallel_loop3A_1243 {add = true, strides = array<i32>} : memref<65536xf32, #tpu.memory_space<vmem>>, vector<16xf32>,
      %parallel_loop3A_1244 = arith.constant 64 : i32
      %parallel_loop3A_1245 = arith.addi %parallel_loop3A_1211, %parallel_loop3A_1244 : i32
      %parallel_loop3A_1246 = arith.mulf %parallel_loop3A_1207, %sub3A_66 : vector<16xf32>
      %parallel_loop3A_1247 = arith.addf %get3A_38, %parallel_loop3A_1246 : vector<16xf32>
      %parallel_loop3A_1248 = arith.index_cast %parallel_loop3A_1245 : i32 to index
      %parallel_loop3A_1249 = tpu.vector_load %arg8[%parallel_loop3A_1248] {strides = array<i32>} : memref<65536xf32, #tpu.memory_space<vmem>>, vector<16xf32>,
      %parallel_loop3A_1250 = vector.shape_cast %parallel_loop3A_1249 : vector<16xf32> to vector<16xf32>
      %parallel_loop3A_1251 = vector.shape_cast %parallel_loop3A_1247 : vector<16xf32> to vector<16xf32>
      tpu.vector_store %arg8[%parallel_loop3A_1248], %parallel_loop3A_1251 {add = true, strides = array<i32>} : memref<65536xf32, #tpu.memory_space<vmem>>, vector<16xf32>,
      %parallel_loop3A_1252 = arith.constant 80 : i32
      %parallel_loop3A_1253 = arith.addi %parallel_loop3A_1211, %parallel_loop3A_1252 : i32
      %parallel_loop3A_1254 = arith.mulf %parallel_loop3A_1207, %sub3A_70 : vector<16xf32>
      %parallel_loop3A_1255 = arith.addf %get3A_41, %parallel_loop3A_1254 : vector<16xf32>
      %parallel_loop3A_1256 = arith.index_cast %parallel_loop3A_1253 : i32 to index
      %parallel_loop3A_1257 = tpu.vector_load %arg8[%parallel_loop3A_1256] {strides = array<i32>} : memref<65536xf32, #tpu.memory_space<vmem>>, vector<16xf32>,
      %parallel_loop3A_1258 = vector.shape_cast %parallel_loop3A_1257 : vector<16xf32> to vector<16xf32>
      %parallel_loop3A_1259 = vector.shape_cast %parallel_loop3A_1255 : vector<16xf32> to vector<16xf32>
      tpu.vector_store %arg8[%parallel_loop3A_1256], %parallel_loop3A_1259 {add = true, strides = array<i32>} : memref<65536xf32, #tpu.memory_space<vmem>>, vector<16xf32>,
      %parallel_loop3A_1260 = arith.constant 96 : i32
      %parallel_loop3A_1261 = arith.addi %parallel_loop3A_1211, %parallel_loop3A_1260 : i32
      %parallel_loop3A_1262 = arith.mulf %parallel_loop3A_1207, %sub3A_74 : vector<16xf32>
      %parallel_loop3A_1263 = arith.addf %get3A_44, %parallel_loop3A_1262 : vector<16xf32>
      %parallel_loop3A_1264 = arith.index_cast %parallel_loop3A_1261 : i32 to index
      %parallel_loop3A_1265 = tpu.vector_load %arg8[%parallel_loop3A_1264] {strides = array<i32>} : memref<65536xf32, #tpu.memory_space<vmem>>, vector<16xf32>,
      %parallel_loop3A_1266 = vector.shape_cast %parallel_loop3A_1265 : vector<16xf32> to vector<16xf32>
      %parallel_loop3A_1267 = vector.shape_cast %parallel_loop3A_1263 : vector<16xf32> to vector<16xf32>
      tpu.vector_store %arg8[%parallel_loop3A_1264], %parallel_loop3A_1267 {add = true, strides = array<i32>} : memref<65536xf32, #tpu.memory_space<vmem>>, vector<16xf32>,
      %parallel_loop3A_1268 = arith.constant 112 : i32
      %parallel_loop3A_1269 = arith.addi %parallel_loop3A_1211, %parallel_loop3A_1268 : i32
      %parallel_loop3A_1270 = arith.mulf %parallel_loop3A_1207, %sub3A_78 : vector<16xf32>
      %parallel_loop3A_1271 = arith.addf %get3A_47, %parallel_loop3A_1270 : vector<16xf32>
      %parallel_loop3A_1272 = arith.index_cast %parallel_loop3A_1269 : i32 to index
      %parallel_loop3A_1273 = tpu.vector_load %arg8[%parallel_loop3A_1272] {strides = array<i32>} : memref<65536xf32, #tpu.memory_space<vmem>>, vector<16xf32>,
      %parallel_loop3A_1274 = vector.shape_cast %parallel_loop3A_1273 : vector<16xf32> to vector<16xf32>
      %parallel_loop3A_1275 = vector.shape_cast %parallel_loop3A_1271 : vector<16xf32> to vector<16xf32>
      tpu.vector_store %arg8[%parallel_loop3A_1272], %parallel_loop3A_1275 {add = true, strides = array<i32>} : memref<65536xf32, #tpu.memory_space<vmem>>, vector<16xf32>,
    } {sc.loop_unroll_factor = 2 : i64, sc.parallel_access}
    %add3A_106 = arith.constant 256 : i32
    %add3A_107 = arith.addi %mul3A_2, %add3A_106 : i32
    %mul3A_108 = arith.constant 128 : i32
    %mul3A_109 = arith.muli %add3A_107, %mul3A_108 : i32
    %dma_start3A_110 = arith.constant 32768 : i32
    %dma_start3A_111 = tpu.memref_slice %arg8[%dma_start3A_110] : memref<65536xf32, #tpu.memory_space<vmem>> -> memref<32768xf32, #tpu.memory_space<vmem>>
    %dma_start3A_112 = tpu.memref_slice %arg5[%mul3A_109] : memref<2097152xf32, #tpu.memory_space<hbm>> -> memref<32768xf32, #tpu.memory_space<hbm>>
    %dma_start3A_113 = tpu.memref_slice %arg5[%mul3A_109] : memref<2097152xf32, #tpu.memory_space<hbm>> -> memref<32768xf32, #tpu.memory_space<hbm>>
    %dma_start3A_114 = arith.constant 32768 : i32
    %dma_start3A_115 = tpu.memref_slice %arg8[%dma_start3A_114] : memref<65536xf32, #tpu.memory_space<vmem>> -> memref<32768xf32, #tpu.memory_space<vmem>>
    tpu.enqueue_dma source(%dma_start3A_115 : memref<32768xf32, #tpu.memory_space<vmem>>) target(%dma_start3A_113 : memref<32768xf32, #tpu.memory_space<hbm>>) target_semaphore(%arg14 : memref<!tpu.dma_semaphore, #tpu.memory_space<semaphore_mem>>)
    %dma_wait3A_116 = arith.constant 0 : i32
    %dma_wait3A_117 = tpu.memref_slice %arg8[%dma_wait3A_116] : memref<65536xf32, #tpu.memory_space<vmem>> -> memref<32768xf32, #tpu.memory_space<vmem>>
    %dma_wait3A_118 = tpu.memref_slice %arg5[%mul3A_90] : memref<2097152xf32, #tpu.memory_space<hbm>> -> memref<32768xf32, #tpu.memory_space<hbm>>
    %dma_wait3A_119 = tpu.memref_slice %arg5[%mul3A_90] : memref<2097152xf32, #tpu.memory_space<hbm>> -> memref<32768xf32, #tpu.memory_space<hbm>>
    %dma_wait3A_120 = arith.constant 0 : i32
    %dma_wait3A_121 = tpu.memref_slice %arg8[%dma_wait3A_120] : memref<65536xf32, #tpu.memory_space<vmem>> -> memref<32768xf32, #tpu.memory_space<vmem>>
    tpu.wait_dma2 semaphore(%arg13 : memref<!tpu.dma_semaphore, #tpu.memory_space<semaphore_mem>>) src(%dma_wait3A_121 : memref<32768xf32, #tpu.memory_space<vmem>>) dst(%dma_wait3A_119 : memref<32768xf32, #tpu.memory_space<hbm>>)
    %dma_wait3A_122 = arith.constant 32768 : i32
    %dma_wait3A_123 = tpu.memref_slice %arg8[%dma_wait3A_122] : memref<65536xf32, #tpu.memory_space<vmem>> -> memref<32768xf32, #tpu.memory_space<vmem>>
    %dma_wait3A_124 = tpu.memref_slice %arg5[%mul3A_109] : memref<2097152xf32, #tpu.memory_space<hbm>> -> memref<32768xf32, #tpu.memory_space<hbm>>
    %dma_wait3A_125 = tpu.memref_slice %arg5[%mul3A_109] : memref<2097152xf32, #tpu.memory_space<hbm>> -> memref<32768xf32, #tpu.memory_space<hbm>>
    %dma_wait3A_126 = arith.constant 32768 : i32
    %dma_wait3A_127 = tpu.memref_slice %arg8[%dma_wait3A_126] : memref<65536xf32, #tpu.memory_space<vmem>> -> memref<32768xf32, #tpu.memory_space<vmem>>
    tpu.wait_dma2 semaphore(%arg14 : memref<!tpu.dma_semaphore, #tpu.memory_space<semaphore_mem>>) src(%dma_wait3A_127 : memref<32768xf32, #tpu.memory_space<vmem>>) dst(%dma_wait3A_125 : memref<32768xf32, #tpu.memory_space<hbm>>)
    return
  }
}

</mosaic_0001>

<sc_bundles>
// kernel: _run.3.cloned.1.call-start
scs
__scs_entry_jumppad:
0x0: {  	(pc) =	sbr.rel $0x88, $3  }
0x1: {  	(tag) =	ssettag $0x0;
	lr =	simm.s32 $0x1  }
0x2: {  	[smem:$0x3F9E] =	sst lr;
	_ =	strace $0xD0000000  }
0x3: {  	_ = 	snop  }
0x4: {  	_ = 	snop  }
0x5: {  	_ = 	snop  }
0x6: {  	_ = 	snop  }
0x7: {  	_ = 	snop  }
__scs_overlays_trampoline_lowered:
0x8: {  	[smem:$0x3FAD] =	sst s0  }
0x9: {  	[smem:$0x3FAE] =	sst s1  }
0xa: {  	[smem:$0x3FAF] =	sst s2  }
0xb: {  	[smem:$0x3FB0] =	sst s3  }
0xc: {  	[smem:$0x3FB1] =	sst s4  }
0xd: {  	[smem:$0x3FB2] =	sst s5  }
0xe: {  	[smem:$0x3FB3] =	sst s6  }
0xf: {  	[smem:$0x3FB4] =	sst s7  }
0x10: {  	[smem:$0x3FB5] =	sst s8  }
0x11: {  	[smem:$0x3FB6] =	sst s9;
	s0 =	simm.s32 @!p0 $0x0  }
0x12: {  	s1 =	sld [smem:$0x3F9C];
	s0 =	simm.s32 @p0 $0x1  }
0x13: {  	[smem:$0x3FB7] =	sst s0;
	s0 =	simm.s32 @!p1 $0x0  }
0x14: {  	s2 =	sld [smem:$0x3F9B];
	s0 =	simm.s32 @p1 $0x1  }
0x15: {  	[smem:$0x3FB8] =	sst s0;
	s0 =	simm.s32 @!p2 $0x0  }
0x16: {  	s3 =	sld [smem:$0x3FDB];
	s0 =	simm.s32 @p2 $0x1  }
0x17: {  	s4 =	simm.s32 $0x1BF5;
	[smem:$0x3FBA] =	sst s0  }
0x18: {  	s0 =	sld [smem:$0x3F9D];
	_ =	swait.ge [sflag:s4], $0x0  }
0x19: {  	s7 =	sld [smem:$0x3F9E]  }
0x1a: {  	s8 =	sadd.s32 $0xFFFFE003, lr  }
0x1b: {  	s9 =	sadd.s32 $0xFFFFFEF7, lr;
	s5 =	simm.s32 $0xFFFFFFFF;
	p2 =	slt.u32 s8, $0xFFFFF086  }
0x1c: {  	p1 =	slt.u32 s9, $0xF7A;
	s5 =	simm.s32 @!p2 $0x0  }
0x1d: {  	s5 =	simm.s32 @p1 $0x1;
	p0 =	seq.s32 s7, s2  }
0x1e: {  	s7 =	smul.u32 @!p0 $0xF7A, s2;
	p2 =	seq.s32 @!p0 s5, $0x0  }
0x1f: {  	s9 =	smul.u32 $0xF7A, s1;
	s8 =	simm.s32 @!p0 $0x1BF5;
	p2 =	por !p2, p0  }
0x20: {  	[sflag:s8] =	ssyncset.s32 @!p0 $0xFFFFF086;
	s6 =	sadd.s32 @!p0 s3, s7;
	s7 =	simm.s32 @!p0 $0x108  }
0x21: {  	s3 =	sadd.s32 s3, s9;
	s6 =	sadd.s32 @!p0 $0x88, s6;
	s7 =	simm.s32 @p2 $0x1082  }
0x22: {  	[simem:s7], [sflag:s8] =	dma.local @!p0 [hbm:s6], $0xF7A  }
0x23: {  	s9 =	sor.u32 $0xD0000000, s2;
	s6 =	simm.s32 $0x108;
	_ =	swait.ge @!p0 [sflag:s8], $0x0  }
0x24: {  	s3 =	sadd.s32 $0x88, s3;
	s6 =	simm.s32 @!p1 $0x1082;
	[sflag:s4] =	ssyncset.s32 $0xFFFFF086  }
0x25: {  	[simem:s6], [sflag:s4] =	dma.local [hbm:s3], $0xF7A  }
0x26: {  	[smem:$0x3F9E] =	sst s1;
	(tag) =	ssettag s2;
	_ =	strace s9  }
0x27: {  	s1 =	sld [smem:$0x3FAE]  }
0x28: {  	s2 =	sld [smem:$0x3FAF]  }
0x29: {  	s4 =	sld [smem:$0x3FB1]  }
0x2a: {  	p0 =	seq.s32 s5, $0x0;
	s5 =	sld [smem:$0x3FB2]  }
0x2b: {  	s6 =	sld [smem:$0x3FB3]  }
0x2c: {  	s7 =	sld [smem:$0x3FB4]  }
0x2d: {  	s3 =	simm.s32 $0x108;
	s8 =	sld [smem:$0x3FB5]  }
0x2e: {  	s3 =	simm.s32 @!p0 $0x1082;
	s9 =	sld [smem:$0x3FB6]  }
0x2f: {  	lr =	sadd.s32 s0, s3;
	s0 =	sld [smem:$0x3FAD]  }
0x30: {  	s3 =	sld [smem:$0x3FB0]  }
0x31: {  	[smem:$0x3FB9] =	sst s10  }
0x32: {  	s10 =	sld [smem:$0x3FB7];
	_ =	sdelay $0x3  }
0x33: {  	p0 =	seq.s32 s10, $0x1;
	s10 =	sld [smem:$0x3FB9];
	_ =	sdelay $0x3  }
0x34: {  	[smem:$0x3FB9] =	sst s10  }
0x35: {  	s10 =	sld [smem:$0x3FB8];
	_ =	sdelay $0x3  }
0x36: {  	p1 =	seq.s32 s10, $0x1;
	s10 =	sld [smem:$0x3FB9];
	_ =	sdelay $0x3  }
0x37: {  	[smem:$0x3FB9] =	sst s10  }
0x38: {  	s10 =	sld [smem:$0x3FBA]  }
0x39: {  	_ = 	snop;
	(pc) =	sbr.ind lr, $3  }
0x3a: {  	_ = 	snop  }
0x3b: {  	_ = 	snop  }
0x3c: {  	p2 =	seq.s32 s10, $0x1;
	s10 =	sld [smem:$0x3FB9]  }
0x3d: {  	_ =	shalt  }
0x3e: {  	_ =	shalt  }
0x3f: {  	_ =	shalt  }
0x40: {  	_ =	shalt  }
0x41: {  	_ =	shalt  }
0x42: {  	_ =	shalt  }
0x43: {  	_ =	shalt  }
0x44: {  	_ =	shalt  }
0x45: {  	_ =	shalt  }
0x46: {  	_ =	shalt  }
0x47: {  	_ =	shalt  }
0x48: {  	_ =	shalt  }
0x49: {  	_ =	shalt  }
0x4a: {  	_ =	shalt  }
0x4b: {  	_ =	shalt  }
0x4c: {  	_ =	shalt  }
0x4d: {  	_ =	shalt  }
0x4e: {  	_ =	shalt  }
0x4f: {  	_ =	shalt  }
0x50: {  	_ =	shalt  }
0x51: {  	_ =	shalt  }
0x52: {  	_ =	shalt  }
0x53: {  	_ =	shalt  }
0x54: {  	_ =	shalt  }
0x55: {  	_ =	shalt  }
0x56: {  	_ =	shalt  }
0x57: {  	_ =	shalt  }
0x58: {  	_ =	shalt  }
0x59: {  	_ =	shalt  }
0x5a: {  	_ =	shalt  }
0x5b: {  	_ =	shalt  }
0x5c: {  	_ =	shalt  }
0x5d: {  	_ =	shalt  }
0x5e: {  	_ =	shalt  }
0x5f: {  	_ =	shalt  }
0x60: {  	_ =	shalt  }
0x61: {  	_ =	shalt  }
0x62: {  	_ =	shalt  }
0x63: {  	_ =	shalt  }
0x64: {  	_ =	shalt  }
0x65: {  	_ =	shalt  }
0x66: {  	_ =	shalt  }
0x67: {  	_ =	shalt  }
0x68: {  	_ =	shalt  }
0x69: {  	_ =	shalt  }
0x6a: {  	_ =	shalt  }
0x6b: {  	_ =	shalt  }
0x6c: {  	_ =	shalt  }
0x6d: {  	_ =	shalt  }
0x6e: {  	_ =	shalt  }
0x6f: {  	_ =	shalt  }
0x70: {  	_ =	shalt  }
0x71: {  	_ =	shalt  }
0x72: {  	_ =	shalt  }
0x73: {  	_ =	shalt  }
0x74: {  	_ =	shalt  }
0x75: {  	_ =	shalt  }
0x76: {  	_ =	shalt  }
0x77: {  	_ =	shalt  }
0x78: {  	_ =	shalt  }
0x79: {  	_ =	shalt  }
0x7a: {  	_ =	shalt  }
0x7b: {  	_ =	shalt  }
0x7c: {  	_ =	shalt  }
0x7d: {  	_ =	shalt  }
0x7e: {  	_ =	shalt  }
0x7f: {  	_ =	shalt  }
0x80: {  	_ =	shalt  }
0x81: {  	_ =	shalt  }
0x82: {  	_ =	shalt  }
0x83: {  	_ =	shalt  }
0x84: {  	_ =	shalt  }
0x85: {  	_ =	shalt  }
0x86: {  	_ =	shalt  }
0x87: {  	_ =	shalt  }
.Lfunc_end0:
.L_simem_size_0:
called_computation_lowered:
.L_overlay_start_0:
0x88: {  	s2 =	sld [smem:$0x3FD9]  }
0x89: {  	s3 =	sld [smem:$0x3FFE];
	_ =	sdelay $0x1  }
0x8a: {  	s1 =	srdreg.scid  }
0x8b: {  	s0 =	sand.u32 $0x1, s1  }
0x8c: {  	s18 =	sshll.u32 s0, $0xA;
	s2 =	sadd.s32 s3, s2  }
0x8d: {  	s2 =	sadd.s32 s2, s18  }
0x8e: {  	[smem:$0x3FC5] =	sst s2  }
0x8f: {  	_ = 	snop  }
0x90: {  	s2 =	sld [smem:$0x3FC9]  }
0x91: {  	s19 =	sld [smem:$0x3FC8]  }
0x92: {  	s4 =	sld [smem:$0x3FC7]  }
0x93: {  	s5 =	sld [smem:$0x3FD0];
	(tm) =	ssettm $0x1  }
0x94: {  	s6 =	sld [smem:$0x3FFB];
	_ =	sdelay $0x3  }
0x95: {  	_ =	strace s6  }
0x96: {  	s6 =	sld [smem:$0x3FFC];
	_ =	sdelay $0x3  }
0x97: {  	_ =	strace s6  }
0x98: {  	s6 =	sld [smem:$0x3FFD];
	_ =	sdelay $0x3  }
0x99: {  	_ =	strace s6  }
0x9a: {  	_ =	strace $0x8FFFFFFF  }
0x9b: {  	s20 =	sld [smem:$0x3FDB];
	_ =	sdelay $0x1  }
0x9c: {  	s7 =	simm.s32 $_scs_section_size  }
0x9d: {  	s8 =	simm.s32 $_size__tile_overlayer_lowered;
	s9 =	simm.s32 $_tile_overlayer_lowered  }
0x9e: {  	s23 =	simm.s32 $0x1BFF;
	s22 =	sshll.u32 s9, $0x1;
	s6 =	sadd.s32 s7, s20  }
0x9f: {  	s10 =	simm.s32 $0x0;
	s21 =	sshll.u32 s8, $0x1;
	s8 =	sadd.s32 s22, s6  }
0xa0: {  	[timem:s10], [sflag:s23] =	dma.local [hbm:s8], s21  }
0xa1: {  	_ =	swait.ge [sflag:s23], s21  }
0xa2: {  	s7 =	ssub.s32 $0x0, s21;
	[sflag:s23] =	ssyncset.done $0x0  }
0xa3: {  	[sflag:s23] =	ssyncadd.s32 s7;
	_ =	sdelay $0x1  }
0xa4: {  	s24 =	simm.s32 $0x1B8B  }
0xa5: {  	_ =	swait.ge [sflag:s24], $0x1  }
0xa6: {  	[sflag:s24] =	ssyncset.done $0x0  }
0xa7: {  	s25 =	simm.s32 $0x1B8E;
	[sflag:s24] =	ssyncadd.s32 $0xFFFFFFFF  }
0xa8: {  	s26 =	simm.s32 $execute0_lowered;
	[smem:$0x3FD2] =	sst s25  }
0xa9: {  	s7 =	sshll.u32 s26, $0x1;
	_ =	strace $0x80000046;
	[dreg:$0x1] =	wrdreg $0xFFFFFFFF  }
0xaa: {  	s28 =	simm.s32 $_size_execute0_lowered;
	s6 =	sadd.s32 s6, s7;
	[dreg:$0x0] =	wrdreg $0x0  }
0xab: {  	s7 =	sshll.u32 s28, $0x1;
	[dreg:$0x2] =	wrdreg s6  }
0xac: {  	[dreg:$0x3] =	wrdreg s7  }
0xad: {  	[dreg:$0x4] =	wrdreg $0xC0  }
0xae: {  	_ =	task [dreg:s10], $0x5FFFF  }
0xaf: {  	[dreg:$0x1] =	wrdreg $0xFFFFFFFF  }
0xb0: {  	[dreg:$0x0] =	wrdreg $0x60  }
0xb1: {  	[dreg:$0x2] =	wrdreg s2  }
0xb2: {  	[dreg:$0x3] =	wrdreg s19  }
0xb3: {  	[dreg:$0x4] =	wrdreg s4  }
0xb4: {  	[dreg:$0x5] =	wrdreg s5  }
0xb5: {  	[dreg:$0x6] =	wrdreg $0x9  }
0xb6: {  	_ =	task.clear_ibuf [dreg:s10], $0x7FFFF;
	_ =	strace $0x90000046  }
0xb7: {  	s29 =	simm.s32 $0x9;
	_ =	strace $0x80000048  }
0xb8: {  	_ =	swait.ge [sflag:s29], $0x1  }
0xb9: {  	[sflag:s29] =	ssyncadd.s32 $0xFFFFFFFF  }
0xba: {  	_ =	strace $0x90000048  }
0xbb: {  	_ =	sfence  }
0xbc: {  	s30 =	sld [smem:$0x0];
	_ =	sdelay $0x2  }
0xbd: {  	s31 =	sshll.u32 s1, $0xD;
	s1 =	sshrl.u32 s1, $0x2  }
0xbe: {  	s3 =	sand.u32 $0x4000, s31;
	s1 =	sadd.s32 s1, s30  }
0xbf: {  	s0 =	sor.u32 s3, s0;
	s1 =	sshll.u32 s1, $0x11  }
0xc0: {  	s0 =	sor.u32 s1, s0  }
0xc1: {  	s0 =	sadd.s32 $0x8F2B, s0  }
0xc2: {  	[sflag:s0] =	ssyncadd.remote.s32 $0x1  }
0xc3: {  	_ =	sfence.sel $0xFFFF  }
0xc4: {  	[dreg:$0x0] =	wrdreg $0xFFFFFFFF;
	(pc) =	sbr.abs _section_cstart, $3  }
0xc5: {  	[dreg:$0x1] =	wrdreg $0xFFFFFFFF  }
0xc6: {  	_ =	task.clear_ibuf [dreg:s10], $0x2FFFF;
	_ =	strace $0x9FFFFFFF  }
0xc7: {  	(tm) =	ssettm $0x7FFFFFFF  }
tec
execute0_lowered:
.L_overlay_start_1:
0x0: {  	(tag) =	ssettag $0x1  }
0x1: {  	s4 =	rddreg [dreg:$0x0]  }
0x2: {  	s6 =	rddreg [dreg:$0x1]  }
0x3: {  	s1 =	rddreg [dreg:$0x2]  }
0x4: {  	s8 =	rddreg [dreg:$0x3]  }
0x5: {  	s0 =	rddreg [dreg:$0x4]  }
0x6: {  	s3 =	simm.s32 $0x0;
	s5 =	srdreg.scid;
	s2 =	stileid.u32  }
0x7: {  	s12 =	simm.s32 $0x8300;
	s13 =	simm.s32 $0x1;
	s14 =	simm.s32 $0x2  }
0x8: {  	s15 =	simm.s32 $0x3;
	s16 =	simm.s32 $0x4;
	s17 =	simm.s32 $0x5  }
0x9: {  	s18 =	simm.s32 $0x6;
	s19 =	simm.s32 $0x0;
	s5 =	sand.u32 $0x1, s5  }
0xa: {  	v0 =	vimm.s32 $0x0;
	[smem:$0x7FF] =	sst s3;
	s7 =	sshll.u32 s2, $0x1;
	s9 =	ssub.s32 $0x2, s5  }
0xb: {  	v1 =	vimm.s32 $0x1;
	v2 =	vimm.s32 $0x2;
	v3 =	vimm.s32 $0x3;
	_ =	strace $0x80000047;
	s5 =	sor.u32 s5, s7;
	s30 =	sshrl.u32 s9, $0x1  }
0xc: {  	v4 =	vimm.s32 $0x4;
	v5 =	vimm.s32 $0x5;
	v6 =	vimm.s32 $0x6;
	s10 =	sshll.u32 s5, $0x6;
	s11 =	sshll.u32 s5, $0xD;
	s9 =	ssub.s32 s9, s30  }
0xd: {  	v7 =	vimm.s32 $0x7;
	v8 =	vimm.s32 $0x8;
	v9 =	vimm.s32 $0x9;
	s4 =	sadd.s32 s4, s10;
	s31 =	sor.u32 $0x1000, s11;
	s5 =	sadd.s32 s6, s11  }
0xe: {  	v10 =	vimm.s32 $0xA;
	v11 =	vimm.s32 $0xB;
	v12 =	vimm.s32 $0xC;
	s7 =	sadd.s32 s8, s11;
	s10 =	simm.s32 $0x200;
	s11 =	simm.s32 $0x300  }
0xf: {  	v13 =	vimm.s32 $0xD;
	v14 =	vimm.s32 $0xE;
	v15 =	vimm.s32 $0xF;
	s6 =	sadd.s32 s6, s31;
	s8 =	sadd.s32 s8, s31;
	s9 =	smax.u32 s9, $0x1  }
.LBB2_1:
0x10: {  	[tilespmem:s10], [sflag:$0x1] =	stream.linear.gather [hbm4b:s1+s3], $0x100, $0x38;
	[tilespmem:$0x10300] =	vst v63  }
0x11: {  	_ = 	snop  }
0x12: {  	[tilespmem:s3], [sflag:$0x2] =	stream.linear.gather [hbm4b:s4+s3], $0x200, $0x38;
	[tilespmem:$0x10300] =	vst v63  }
0x13: {  	_ = 	snop  }
0x14: {  	[tilespmem:s11], [sflag:$0x3] =	stream.linear.gather [hbm4b:s5+s3], $0x8000, $0x38;
	[tilespmem:$0x10300] =	vst v63  }
0x15: {  	_ = 	snop  }
0x16: {  	[tilespmem:s12], [sflag:$0x4] =	stream.linear.gather [hbm4b:s6+s3], $0x8000, $0x38;
	[tilespmem:$0x10300] =	vst v63  }
0x17: {  	_ =	swait.ge [sflag:s13], $0x100  }
0x18: {  	[sflag:s13] =	ssyncset.done $0x0  }
0x19: {  	[sflag:s13] =	ssyncadd.s32 $0xFFFFFF00  }
0x1a: {  	_ =	swait.ge [sflag:s14], $0x200  }
0x1b: {  	[sflag:s14] =	ssyncset.done $0x0  }
0x1c: {  	[sflag:s14] =	ssyncadd.s32 $0xFFFFFE00  }
0x1d: {  	v16 =	vld [tilespmem:$0x280]  }
0x1e: {  	v17 =	vld [tilespmem:$0x290]  }
0x1f: {  	v18 =	vld [tilespmem:$0x2A0]  }
0x20: {  	v19 =	vld [tilespmem:$0x2B0]  }
0x21: {  	v20 =	vld [tilespmem:$0x2C0]  }
0x22: {  	v21 =	vld [tilespmem:$0x2D0]  }
0x23: {  	v22 =	vld [tilespmem:$0x2E0]  }
0x24: {  	v23 =	vld [tilespmem:$0x2F0]  }
0x25: {  	v24 =	vld [tilespmem:$0x200]  }
0x26: {  	v25 =	vld [tilespmem:$0x210]  }
0x27: {  	v26 =	vld [tilespmem:$0x220]  }
0x28: {  	v27 =	vld [tilespmem:$0x230]  }
0x29: {  	v28 =	vld [tilespmem:$0x240]  }
0x2a: {  	v29 =	vld [tilespmem:$0x250]  }
0x2b: {  	v30 =	vld [tilespmem:$0x260]  }
0x2c: {  	v31 =	vld [tilespmem:$0x270];
	_ =	sdelay $0x1  }
0x2d: {  	v24 =	vsub.f32 v24, v16;
	v25 =	vsub.f32 v25, v17  }
0x2e: {  	_ =	swait.ge [sflag:s15], $0x8000;
	v26 =	vsub.f32 v26, v18;
	v27 =	vsub.f32 v27, v19  }
0x2f: {  	[sflag:s15] =	ssyncset.done $0x0;
	v28 =	vsub.f32 v28, v20;
	v29 =	vsub.f32 v29, v21  }
0x30: {  	s20 =	simm.s32 $0x0;
	[sflag:s15] =	ssyncadd.s32 $0xFFFF8000;
	v30 =	vsub.f32 v30, v22;
	v31 =	vsub.f32 v31, v23  }
.LBB2_2:
0x31: {  	s21 =	sshll.u32 s20, $0x4  }
0x32: {  	s21 =	sand.u32 $0x3FFFFFF0, s21  }
0x33: {  	v32 =	vld [tilespmem:s21+$0x0];
	_ =	sdelay $0x4  }
0x34: {  	v32 =	vcvt.s32.f32 v32;
	_ =	sdelay $0x1  }
0x35: {  	v32 =	vsub.f32 $1.000000000e+00, v32;
	_ =	sdelay $0x1  }
0x36: {  	v33 =	vperm.xlane v32, v0;
	_ =	sdelay $0x1  }
0x37: {  	v34 =	vmul.f32 v33, v24  }
0x38: {  	s30 =	sshll.u32 s20, $0xB;
	v35 =	vmul.f32 v33, v25  }
0x39: {  	s21 =	sand.u32 $0x3FFFF800, s30;
	v36 =	vmul.f32 v33, v26;
	v34 =	vadd.f32 v34, v16  }
0x3a: {  	s22 =	sor.u32 $0x300, s21;
	v37 =	vmul.f32 v33, v27;
	v35 =	vadd.f32 v35, v17  }
0x3b: {  	s31 =	sor.u32 $0x310, s21;
	v40 =	vmul.f32 v33, v28;
	v63 =	vadd.f32 v36, v18;
	[tilespmem:s22+$0x0] =	vst.add.f32.msk $0xffff, v34  }
0x3c: {  	s23 =	sor.u32 $0x320, s21;
	v42 =	vmul.f32 v33, v29;
	v41 =	vadd.f32 v37, v19;
	[tilespmem:s31+$0x0] =	vst.add.f32.msk $0xffff, v35  }
0x3d: {  	s24 =	sor.u32 $0x330, s21;
	v38 =	vperm.xlane v32, v1;
	v44 =	vmul.f32 v33, v30;
	v43 =	vadd.f32 v40, v20;
	[tilespmem:s23+$0x0] =	vst.add.f32.msk $0xffff, v63  }
0x3e: {  	s25 =	sor.u32 $0x340, s21;
	v33 =	vmul.f32 v33, v31;
	v45 =	vadd.f32 v42, v21;
	[tilespmem:s24+$0x0] =	vst.add.f32.msk $0xffff, v41  }
0x3f: {  	s26 =	sor.u32 $0x350, s21;
	v47 =	vmul.f32 v38, v24;
	v46 =	vadd.f32 v44, v22;
	[tilespmem:s25+$0x0] =	vst.add.f32.msk $0xffff, v43  }
0x40: {  	s28 =	sor.u32 $0x360, s21;
	v48 =	vmul.f32 v38, v25;
	v33 =	vadd.f32 v33, v23;
	[tilespmem:s26+$0x0] =	vst.add.f32.msk $0xffff, v45  }
0x41: {  	s29 =	sor.u32 $0x370, s21;
	v50 =	vmul.f32 v38, v26;
	v49 =	vadd.f32 v47, v16;
	[tilespmem:s28+$0x0] =	vst.add.f32.msk $0xffff, v46  }
0x42: {  	s30 =	sor.u32 $0x380, s21;
	v52 =	vmul.f32 v38, v27;
	v51 =	vadd.f32 v48, v17;
	[tilespmem:s29+$0x0] =	vst.add.f32.msk $0xffff, v33  }
0x43: {  	v54 =	vmul.f32 v38, v28;
	v53 =	vadd.f32 v50, v18;
	s31 =	sor.u32 $0x390, s21;
	[tilespmem:s30+$0x0] =	vst.add.f32.msk $0xffff, v49  }
0x44: {  	v56 =	vmul.f32 v38, v29;
	v55 =	vadd.f32 v52, v19;
	s23 =	sor.u32 $0x3A0, s21;
	[tilespmem:s31+$0x0] =	vst.add.f32.msk $0xffff, v51  }
0x45: {  	v59 =	vperm.xlane v32, v2;
	v58 =	vmul.f32 v38, v30;
	v57 =	vadd.f32 v54, v20;
	s24 =	sor.u32 $0x3B0, s21;
	[tilespmem:s23+$0x0] =	vst.add.f32.msk $0xffff, v53  }
0x46: {  	v61 =	vmul.f32 v38, v31;
	v60 =	vadd.f32 v56, v21;
	s25 =	sor.u32 $0x3C0, s21;
	[tilespmem:s24+$0x0] =	vst.add.f32.msk $0xffff, v55  }
0x47: {  	v62 =	vadd.f32 v58, v22;
	v63 =	vmul.f32 v59, v24;
	s26 =	sor.u32 $0x3D0, s21;
	[tilespmem:s25+$0x0] =	vst.add.f32.msk $0xffff, v57  }
0x48: {  	v40 =	vadd.f32 v61, v23;
	v41 =	vmul.f32 v59, v25;
	s28 =	sor.u32 $0x3E0, s21;
	[tilespmem:s26+$0x0] =	vst.add.f32.msk $0xffff, v60  }
0x49: {  	v42 =	vadd.f32 v63, v16;
	v43 =	vmul.f32 v59, v26;
	s29 =	sor.u32 $0x3F0, s21;
	[tilespmem:s28+$0x0] =	vst.add.f32.msk $0xffff, v62  }
0x4a: {  	v44 =	vadd.f32 v41, v17;
	v45 =	vmul.f32 v59, v27;
	s30 =	sor.u32 $0x400, s21;
	[tilespmem:s29+$0x0] =	vst.add.f32.msk $0xffff, v40  }
0x4b: {  	v47 =	vmul.f32 v59, v28;
	v46 =	vadd.f32 v43, v18;
	s31 =	sor.u32 $0x410, s21;
	[tilespmem:s30+$0x0] =	vst.add.f32.msk $0xffff, v42  }
0x4c: {  	v48 =	vadd.f32 v45, v19;
	v49 =	vmul.f32 v59, v29;
	s23 =	sor.u32 $0x420, s21;
	[tilespmem:s31+$0x0] =	vst.add.f32.msk $0xffff, v44  }
0x4d: {  	v52 =	vperm.xlane v32, v3;
	v50 =	vadd.f32 v47, v20;
	v51 =	vmul.f32 v59, v30;
	s24 =	sor.u32 $0x430, s21;
	[tilespmem:s23+$0x0] =	vst.add.f32.msk $0xffff, v46  }
0x4e: {  	v54 =	vmul.f32 v59, v31;
	v53 =	vadd.f32 v49, v21;
	s25 =	sor.u32 $0x440, s21;
	[tilespmem:s24+$0x0] =	vst.add.f32.msk $0xffff, v48  }
0x4f: {  	v56 =	vmul.f32 v52, v24;
	v55 =	vadd.f32 v51, v22;
	s26 =	sor.u32 $0x450, s21;
	[tilespmem:s25+$0x0] =	vst.add.f32.msk $0xffff, v50  }
0x50: {  	v58 =	vmul.f32 v52, v25;
	v57 =	vadd.f32 v54, v23;
	s28 =	sor.u32 $0x460, s21;
	[tilespmem:s26+$0x0] =	vst.add.f32.msk $0xffff, v53  }
0x51: {  	v59 =	vadd.f32 v56, v16;
	v60 =	vmul.f32 v52, v26;
	s29 =	sor.u32 $0x470, s21;
	[tilespmem:s28+$0x0] =	vst.add.f32.msk $0xffff, v55  }
0x52: {  	v61 =	vadd.f32 v58, v17;
	v62 =	vmul.f32 v52, v27;
	s30 =	sor.u32 $0x480, s21;
	[tilespmem:s29+$0x0] =	vst.add.f32.msk $0xffff, v57  }
0x53: {  	v63 =	vadd.f32 v60, v18;
	v40 =	vmul.f32 v52, v28;
	s31 =	sor.u32 $0x490, s21;
	[tilespmem:s30+$0x0] =	vst.add.f32.msk $0xffff, v59  }
0x54: {  	v41 =	vadd.f32 v62, v19;
	v42 =	vmul.f32 v52, v29;
	s23 =	sor.u32 $0x4A0, s21;
	[tilespmem:s31+$0x0] =	vst.add.f32.msk $0xffff, v61  }
0x55: {  	v45 =	vperm.xlane v32, v4;
	v43 =	vadd.f32 v40, v20;
	v44 =	vmul.f32 v52, v30;
	s24 =	sor.u32 $0x4B0, s21;
	[tilespmem:s23+$0x0] =	vst.add.f32.msk $0xffff, v63  }
0x56: {  	v47 =	vmul.f32 v52, v31;
	v46 =	vadd.f32 v42, v21;
	s25 =	sor.u32 $0x4C0, s21;
	[tilespmem:s24+$0x0] =	vst.add.f32.msk $0xffff, v41  }
0x57: {  	v49 =	vmul.f32 v45, v24;
	v48 =	vadd.f32 v44, v22;
	s26 =	sor.u32 $0x4D0, s21;
	[tilespmem:s25+$0x0] =	vst.add.f32.msk $0xffff, v43  }
0x58: {  	v51 =	vmul.f32 v45, v25;
	v50 =	vadd.f32 v47, v23;
	s28 =	sor.u32 $0x4E0, s21;
	[tilespmem:s26+$0x0] =	vst.add.f32.msk $0xffff, v46  }
0x59: {  	v52 =	vadd.f32 v49, v16;
	v53 =	vmul.f32 v45, v26;
	s29 =	sor.u32 $0x4F0, s21;
	[tilespmem:s28+$0x0] =	vst.add.f32.msk $0xffff, v48  }
0x5a: {  	v54 =	vadd.f32 v51, v17;
	v55 =	vmul.f32 v45, v27;
	s30 =	sor.u32 $0x500, s21;
	[tilespmem:s29+$0x0] =	vst.add.f32.msk $0xffff, v50  }
0x5b: {  	v56 =	vadd.f32 v53, v18;
	v57 =	vmul.f32 v45, v28;
	s31 =	sor.u32 $0x510, s21;
	[tilespmem:s30+$0x0] =	vst.add.f32.msk $0xffff, v52  }
0x5c: {  	v58 =	vadd.f32 v55, v19;
	v59 =	vmul.f32 v45, v29;
	s23 =	sor.u32 $0x520, s21;
	[tilespmem:s31+$0x0] =	vst.add.f32.msk $0xffff, v54  }
0x5d: {  	v62 =	vperm.xlane v32, v5;
	v60 =	vadd.f32 v57, v20;
	v61 =	vmul.f32 v45, v30;
	s24 =	sor.u32 $0x530, s21;
	[tilespmem:s23+$0x0] =	vst.add.f32.msk $0xffff, v56  }
0x5e: {  	v40 =	vmul.f32 v45, v31;
	v63 =	vadd.f32 v59, v21;
	s25 =	sor.u32 $0x540, s21;
	[tilespmem:s24+$0x0] =	vst.add.f32.msk $0xffff, v58  }
0x5f: {  	v42 =	vmul.f32 v62, v24;
	v41 =	vadd.f32 v61, v22;
	s26 =	sor.u32 $0x550, s21;
	[tilespmem:s25+$0x0] =	vst.add.f32.msk $0xffff, v60  }
0x60: {  	v44 =	vmul.f32 v62, v25;
	v43 =	vadd.f32 v40, v23;
	s28 =	sor.u32 $0x560, s21;
	[tilespmem:s26+$0x0] =	vst.add.f32.msk $0xffff, v63  }
0x61: {  	v45 =	vadd.f32 v42, v16;
	v46 =	vmul.f32 v62, v26;
	s29 =	sor.u32 $0x570, s21;
	[tilespmem:s28+$0x0] =	vst.add.f32.msk $0xffff, v41  }
0x62: {  	v47 =	vadd.f32 v44, v17;
	v48 =	vmul.f32 v62, v27;
	s30 =	sor.u32 $0x580, s21;
	[tilespmem:s29+$0x0] =	vst.add.f32.msk $0xffff, v43  }
0x63: {  	v49 =	vadd.f32 v46, v18;
	v50 =	vmul.f32 v62, v28;
	s31 =	sor.u32 $0x590, s21;
	[tilespmem:s30+$0x0] =	vst.add.f32.msk $0xffff, v45  }
0x64: {  	v51 =	vadd.f32 v48, v19;
	v52 =	vmul.f32 v62, v29;
	s23 =	sor.u32 $0x5A0, s21;
	[tilespmem:s31+$0x0] =	vst.add.f32.msk $0xffff, v47  }
0x65: {  	v55 =	vperm.xlane v32, v6;
	v53 =	vadd.f32 v50, v20;
	v54 =	vmul.f32 v62, v30;
	s24 =	sor.u32 $0x5B0, s21;
	[tilespmem:s23+$0x0] =	vst.add.f32.msk $0xffff, v49  }
0x66: {  	v57 =	vmul.f32 v62, v31;
	v56 =	vadd.f32 v52, v21;
	s25 =	sor.u32 $0x5C0, s21;
	[tilespmem:s24+$0x0] =	vst.add.f32.msk $0xffff, v51  }
0x67: {  	v59 =	vmul.f32 v55, v24;
	v58 =	vadd.f32 v54, v22;
	s26 =	sor.u32 $0x5D0, s21;
	[tilespmem:s25+$0x0] =	vst.add.f32.msk $0xffff, v53  }
0x68: {  	v61 =	vmul.f32 v55, v25;
	v60 =	vadd.f32 v57, v23;
	s28 =	sor.u32 $0x5E0, s21;
	[tilespmem:s26+$0x0] =	vst.add.f32.msk $0xffff, v56  }
0x69: {  	v62 =	vadd.f32 v59, v16;
	v63 =	vmul.f32 v55, v26;
	s29 =	sor.u32 $0x5F0, s21;
	[tilespmem:s28+$0x0] =	vst.add.f32.msk $0xffff, v58  }
0x6a: {  	v40 =	vadd.f32 v61, v17;
	v41 =	vmul.f32 v55, v27;
	s30 =	sor.u32 $0x600, s21;
	[tilespmem:s29+$0x0] =	vst.add.f32.msk $0xffff, v60  }
0x6b: {  	v42 =	vadd.f32 v63, v18;
	v43 =	vmul.f32 v55, v28;
	s31 =	sor.u32 $0x610, s21;
	[tilespmem:s30+$0x0] =	vst.add.f32.msk $0xffff, v62  }
0x6c: {  	v44 =	vadd.f32 v41, v19;
	v45 =	vmul.f32 v55, v29;
	s23 =	sor.u32 $0x620, s21;
	[tilespmem:s31+$0x0] =	vst.add.f32.msk $0xffff, v40  }
0x6d: {  	v48 =	vperm.xlane v32, v7;
	v46 =	vadd.f32 v43, v20;
	v47 =	vmul.f32 v55, v30;
	s24 =	sor.u32 $0x630, s21;
	[tilespmem:s23+$0x0] =	vst.add.f32.msk $0xffff, v42  }
0x6e: {  	v50 =	vmul.f32 v55, v31;
	v49 =	vadd.f32 v45, v21;
	s25 =	sor.u32 $0x640, s21;
	[tilespmem:s24+$0x0] =	vst.add.f32.msk $0xffff, v44  }
0x6f: {  	v52 =	vmul.f32 v48, v24;
	v51 =	vadd.f32 v47, v22;
	s26 =	sor.u32 $0x650, s21;
	[tilespmem:s25+$0x0] =	vst.add.f32.msk $0xffff, v46  }
0x70: {  	v54 =	vmul.f32 v48, v25;
	v53 =	vadd.f32 v50, v23;
	s28 =	sor.u32 $0x660, s21;
	[tilespmem:s26+$0x0] =	vst.add.f32.msk $0xffff, v49  }
0x71: {  	v55 =	vadd.f32 v52, v16;
	v56 =	vmul.f32 v48, v26;
	s29 =	sor.u32 $0x670, s21;
	[tilespmem:s28+$0x0] =	vst.add.f32.msk $0xffff, v51  }
0x72: {  	v57 =	vadd.f32 v54, v17;
	v58 =	vmul.f32 v48, v27;
	s30 =	sor.u32 $0x680, s21;
	[tilespmem:s29+$0x0] =	vst.add.f32.msk $0xffff, v53  }
0x73: {  	v59 =	vadd.f32 v56, v18;
	v60 =	vmul.f32 v48, v28;
	s31 =	sor.u32 $0x690, s21;
	[tilespmem:s30+$0x0] =	vst.add.f32.msk $0xffff, v55  }
0x74: {  	v61 =	vadd.f32 v58, v19;
	v62 =	vmul.f32 v48, v29;
	s23 =	sor.u32 $0x6A0, s21;
	[tilespmem:s31+$0x0] =	vst.add.f32.msk $0xffff, v57  }
0x75: {  	v41 =	vperm.xlane v32, v8;
	v63 =	vadd.f32 v60, v20;
	v40 =	vmul.f32 v48, v30;
	s24 =	sor.u32 $0x6B0, s21;
	[tilespmem:s23+$0x0] =	vst.add.f32.msk $0xffff, v59  }
0x76: {  	v43 =	vmul.f32 v48, v31;
	v42 =	vadd.f32 v62, v21;
	s25 =	sor.u32 $0x6C0, s21;
	[tilespmem:s24+$0x0] =	vst.add.f32.msk $0xffff, v61  }
0x77: {  	v45 =	vmul.f32 v41, v24;
	v44 =	vadd.f32 v40, v22;
	s26 =	sor.u32 $0x6D0, s21;
	[tilespmem:s25+$0x0] =	vst.add.f32.msk $0xffff, v63  }
0x78: {  	v47 =	vmul.f32 v41, v25;
	v46 =	vadd.f32 v43, v23;
	s28 =	sor.u32 $0x6E0, s21;
	[tilespmem:s26+$0x0] =	vst.add.f32.msk $0xffff, v42  }
0x79: {  	v48 =	vadd.f32 v45, v16;
	v49 =	vmul.f32 v41, v26;
	s29 =	sor.u32 $0x6F0, s21;
	[tilespmem:s28+$0x0] =	vst.add.f32.msk $0xffff, v44  }
0x7a: {  	v50 =	vadd.f32 v47, v17;
	v51 =	vmul.f32 v41, v27;
	s30 =	sor.u32 $0x700, s21;
	[tilespmem:s29+$0x0] =	vst.add.f32.msk $0xffff, v46  }
0x7b: {  	v52 =	vadd.f32 v49, v18;
	v53 =	vmul.f32 v41, v28;
	s31 =	sor.u32 $0x710, s21;
	[tilespmem:s30+$0x0] =	vst.add.f32.msk $0xffff, v48  }
0x7c: {  	v54 =	vadd.f32 v51, v19;
	v55 =	vmul.f32 v41, v29;
	s23 =	sor.u32 $0x720, s21;
	[tilespmem:s31+$0x0] =	vst.add.f32.msk $0xffff, v50  }
0x7d: {  	v58 =	vperm.xlane v32, v9;
	v56 =	vadd.f32 v53, v20;
	v57 =	vmul.f32 v41, v30;
	s24 =	sor.u32 $0x730, s21;
	[tilespmem:s23+$0x0] =	vst.add.f32.msk $0xffff, v52  }
0x7e: {  	v60 =	vmul.f32 v41, v31;
	v59 =	vadd.f32 v55, v21;
	s25 =	sor.u32 $0x740, s21;
	[tilespmem:s24+$0x0] =	vst.add.f32.msk $0xffff, v54  }
0x7f: {  	v62 =	vmul.f32 v58, v24;
	v61 =	vadd.f32 v57, v22;
	s26 =	sor.u32 $0x750, s21;
	[tilespmem:s25+$0x0] =	vst.add.f32.msk $0xffff, v56  }
0x80: {  	v40 =	vmul.f32 v58, v25;
	v63 =	vadd.f32 v60, v23;
	s28 =	sor.u32 $0x760, s21;
	[tilespmem:s26+$0x0] =	vst.add.f32.msk $0xffff, v59  }
0x81: {  	v41 =	vadd.f32 v62, v16;
	v42 =	vmul.f32 v58, v26;
	s29 =	sor.u32 $0x770, s21;
	[tilespmem:s28+$0x0] =	vst.add.f32.msk $0xffff, v61  }
0x82: {  	v43 =	vadd.f32 v40, v17;
	v44 =	vmul.f32 v58, v27;
	s30 =	sor.u32 $0x780, s21;
	[tilespmem:s29+$0x0] =	vst.add.f32.msk $0xffff, v63  }
0x83: {  	v45 =	vadd.f32 v42, v18;
	v46 =	vmul.f32 v58, v28;
	s31 =	sor.u32 $0x790, s21;
	[tilespmem:s30+$0x0] =	vst.add.f32.msk $0xffff, v41  }
0x84: {  	v47 =	vadd.f32 v44, v19;
	v48 =	vmul.f32 v58, v29;
	s23 =	sor.u32 $0x7A0, s21;
	[tilespmem:s31+$0x0] =	vst.add.f32.msk $0xffff, v43  }
0x85: {  	v49 =	vadd.f32 v46, v20;
	s24 =	sor.u32 $0x7B0, s21;
	[tilespmem:s23+$0x0] =	vst.add.f32.msk $0xffff, v45  }
0x86: {  	v53 =	vperm.xlane v32, v10;
	v50 =	vmul.f32 v58, v30;
	v51 =	vadd.f32 v48, v21;
	s25 =	sor.u32 $0x7C0, s21;
	s28 =	sor.u32 $0x1, s20;
	[tilespmem:s24+$0x0] =	vst.add.f32.msk $0xffff, v47  }
0x87: {  	v52 =	vmul.f32 v58, v31;
	s26 =	sor.u32 $0x7D0, s21;
	s24 =	sshll.u32 s28, $0x4;
	[tilespmem:s25+$0x0] =	vst.add.f32.msk $0xffff, v49  }
0x88: {  	v54 =	vadd.f32 v50, v22;
	v56 =	vmul.f32 v53, v24;
	s30 =	sand.u32 $0x3FFFFFF0, s24;
	[tilespmem:s26+$0x0] =	vst.add.f32.msk $0xffff, v51  }
0x89: {  	v57 =	vmul.f32 v53, v25;
	v55 =	vadd.f32 v52, v23;
	s23 =	sor.u32 $0x7E0, s21;
	v36 =	vld [tilespmem:s30+$0x0]  }
0x8a: {  	v59 =	vmul.f32 v53, v26;
	v58 =	vadd.f32 v56, v16;
	s29 =	sor.u32 $0x7F0, s21;
	[tilespmem:s23+$0x0] =	vst.add.f32.msk $0xffff, v54  }
0x8b: {  	v60 =	vmul.f32 v53, v27;
	v34 =	vadd.f32 v57, v17;
	[tilespmem:s29+$0x0] =	vst.add.f32.msk $0xffff, v55  }
0x8c: {  	v62 =	vmul.f32 v53, v28;
	v61 =	vadd.f32 v59, v18;
	[tilespmem:s21+$0x800] =	vst.add.f32.msk $0xffff, v58  }
0x8d: {  	v42 =	vmul.f32 v53, v29;
	v63 =	vadd.f32 v60, v19;
	[tilespmem:s21+$0x810] =	vst.add.f32.msk $0xffff, v34  }
0x8e: {  	v39 =	vperm.xlane v32, v11;
	v44 =	vmul.f32 v53, v30;
	v43 =	vadd.f32 v62, v20;
	[tilespmem:s21+$0x820] =	vst.add.f32.msk $0xffff, v61  }
0x8f: {  	v37 =	vmul.f32 v53, v31;
	v45 =	vadd.f32 v42, v21;
	[tilespmem:s21+$0x830] =	vst.add.f32.msk $0xffff, v63  }
0x90: {  	v46 =	vadd.f32 v44, v22;
	v47 =	vmul.f32 v39, v24;
	[tilespmem:s21+$0x840] =	vst.add.f32.msk $0xffff, v43  }
0x91: {  	v48 =	vadd.f32 v37, v23;
	v49 =	vmul.f32 v39, v25;
	[tilespmem:s21+$0x850] =	vst.add.f32.msk $0xffff, v45  }
0x92: {  	v53 =	vmul.f32 v39, v27;
	v60 =	vperm.xlane v32, v12;
	v50 =	vadd.f32 v47, v16;
	[tilespmem:s21+$0x860] =	vst.add.f32.msk $0xffff, v46  }
0x93: {  	v62 =	vmul.f32 v39, v31;
	v52 =	vadd.f32 v49, v17;
	[tilespmem:s21+$0x870] =	vst.add.f32.msk $0xffff, v48  }
0x94: {  	v56 =	vadd.f32 v53, v19;
	v44 =	vmul.f32 v60, v26;
	[tilespmem:s21+$0x880] =	vst.add.f32.msk $0xffff, v50  }
0x95: {  	v41 =	vadd.f32 v62, v23;
	v51 =	vmul.f32 v39, v26;
	[tilespmem:s21+$0x890] =	vst.add.f32.msk $0xffff, v52  }
0x96: {  	v57 =	vmul.f32 v39, v29;
	v47 =	vadd.f32 v44, v18;
	[tilespmem:s21+$0x8B0] =	vst.add.f32.msk $0xffff, v56  }
0x97: {  	v59 =	vmul.f32 v39, v30;
	v54 =	vadd.f32 v51, v18;
	[tilespmem:s21+$0x8F0] =	vst.add.f32.msk $0xffff, v41  }
0x98: {  	v40 =	vmul.f32 v60, v24;
	v61 =	vadd.f32 v57, v21;
	[tilespmem:s21+$0x920] =	vst.add.f32.msk $0xffff, v47  }
0x99: {  	v42 =	vmul.f32 v60, v25;
	v63 =	vadd.f32 v59, v22;
	[tilespmem:s21+$0x8A0] =	vst.add.f32.msk $0xffff, v54  }
0x9a: {  	v55 =	vmul.f32 v39, v28;
	v43 =	vadd.f32 v40, v16;
	[tilespmem:s21+$0x8D0] =	vst.add.f32.msk $0xffff, v61  }
0x9b: {  	v45 =	vadd.f32 v42, v17;
	v46 =	vmul.f32 v60, v27;
	[tilespmem:s21+$0x8E0] =	vst.add.f32.msk $0xffff, v63  }
0x9c: {  	v48 =	vmul.f32 v60, v28;
	v58 =	vadd.f32 v55, v20;
	[tilespmem:s21+$0x900] =	vst.add.f32.msk $0xffff, v43  }
0x9d: {  	v53 =	vperm.xlane v32, v13;
	v50 =	vmul.f32 v60, v29;
	[tilespmem:s21+$0x910] =	vst.add.f32.msk $0xffff, v45;
	v49 =	vadd.f32 v46, v19  }
0x9e: {  	v52 =	vmul.f32 v60, v30;
	v51 =	vadd.f32 v48, v20;
	[tilespmem:s21+$0x8C0] =	vst.add.f32.msk $0xffff, v58  }
0x9f: {  	v57 =	vmul.f32 v53, v24;
	v54 =	vadd.f32 v50, v21;
	[tilespmem:s21+$0x930] =	vst.add.f32.msk $0xffff, v49  }
0xa0: {  	v59 =	vmul.f32 v53, v25;
	v56 =	vadd.f32 v52, v22;
	[tilespmem:s21+$0x940] =	vst.add.f32.msk $0xffff, v51  }
0xa1: {  	v41 =	vmul.f32 v53, v28;
	v55 =	vmul.f32 v60, v31;
	v60 =	vadd.f32 v57, v16;
	[tilespmem:s21+$0x950] =	vst.add.f32.msk $0xffff, v54  }
0xa2: {  	v62 =	vadd.f32 v59, v17;
	[tilespmem:s21+$0x960] =	vst.add.f32.msk $0xffff, v56  }
0xa3: {  	v61 =	vmul.f32 v53, v26;
	v44 =	vadd.f32 v41, v20;
	[tilespmem:s21+$0x980] =	vst.add.f32.msk $0xffff, v60  }
0xa4: {  	v63 =	vmul.f32 v53, v27;
	v58 =	vadd.f32 v55, v23;
	[tilespmem:s21+$0x990] =	vst.add.f32.msk $0xffff, v62  }
0xa5: {  	v43 =	vmul.f32 v53, v29;
	v40 =	vadd.f32 v61, v18;
	[tilespmem:s21+$0x9C0] =	vst.add.f32.msk $0xffff, v44  }
0xa6: {  	v45 =	vmul.f32 v53, v30;
	v46 =	vperm.xlane v32, v14;
	v42 =	vadd.f32 v63, v19;
	[tilespmem:s21+$0x970] =	vst.add.f32.msk $0xffff, v58  }
0xa7: {  	v48 =	vmul.f32 v53, v31;
	v47 =	vadd.f32 v43, v21;
	[tilespmem:s21+$0x9A0] =	vst.add.f32.msk $0xffff, v40  }
0xa8: {  	v49 =	vadd.f32 v45, v22;
	v50 =	vmul.f32 v46, v24;
	[tilespmem:s21+$0x9B0] =	vst.add.f32.msk $0xffff, v42  }
0xa9: {  	v51 =	vadd.f32 v48, v23;
	v52 =	vmul.f32 v46, v25;
	[tilespmem:s21+$0x9D0] =	vst.add.f32.msk $0xffff, v47  }
0xaa: {  	v54 =	vmul.f32 v46, v26;
	[tilespmem:s21+$0x9E0] =	vst.add.f32.msk $0xffff, v49;
	v53 =	vadd.f32 v50, v16  }
0xab: {  	v56 =	vmul.f32 v46, v27;
	[tilespmem:s21+$0x9F0] =	vst.add.f32.msk $0xffff, v51;
	v55 =	vadd.f32 v52, v17  }
0xac: {  	v60 =	vmul.f32 v46, v29;
	v57 =	vadd.f32 v54, v18;
	[tilespmem:s21+$0xA00] =	vst.add.f32.msk $0xffff, v53  }
0xad: {  	v62 =	vmul.f32 v46, v30;
	v59 =	vadd.f32 v56, v19;
	[tilespmem:s21+$0xA10] =	vst.add.f32.msk $0xffff, v55  }
0xae: {  	v63 =	vperm.xlane v32, v15;
	v41 =	vmul.f32 v46, v31;
	v40 =	vadd.f32 v60, v21;
	[tilespmem:s21+$0xA20] =	vst.add.f32.msk $0xffff, v57  }
0xaf: {  	v58 =	vmul.f32 v46, v28;
	v42 =	vadd.f32 v62, v22;
	[tilespmem:s21+$0xA30] =	vst.add.f32.msk $0xffff, v59  }
0xb0: {  	v43 =	vmul.f32 v63, v24;
	v44 =	vadd.f32 v41, v23;
	[tilespmem:s21+$0xA50] =	vst.add.f32.msk $0xffff, v40  }
0xb1: {  	v45 =	vmul.f32 v63, v25;
	v61 =	vadd.f32 v58, v20;
	[tilespmem:s21+$0xA60] =	vst.add.f32.msk $0xffff, v42  }
0xb2: {  	v36 =	vcvt.s32.f32 v36;
	v47 =	vmul.f32 v63, v26;
	v46 =	vadd.f32 v43, v16;
	[tilespmem:s21+$0xA70] =	vst.add.f32.msk $0xffff, v44  }
0xb3: {  	v48 =	vmul.f32 v63, v27;
	v34 =	vadd.f32 v45, v17;
	[tilespmem:s21+$0xA40] =	vst.add.f32.msk $0xffff, v61  }
0xb4: {  	v32 =	vsub.f32 $1.000000000e+00, v36;
	v50 =	vmul.f32 v63, v28;
	v49 =	vadd.f32 v47, v18;
	[tilespmem:s21+$0xA80] =	vst.add.f32.msk $0xffff, v46  }
0xb5: {  	v52 =	vmul.f32 v63, v29;
	v51 =	vadd.f32 v48, v19;
	[tilespmem:s21+$0xA90] =	vst.add.f32.msk $0xffff, v34  }
0xb6: {  	v54 =	vmul.f32 v63, v30;
	v53 =	vadd.f32 v50, v20;
	v55 =	vperm.xlane v32, v0;
	[tilespmem:s21+$0xAA0] =	vst.add.f32.msk $0xffff, v49  }
0xb7: {  	v56 =	vadd.f32 v52, v21;
	v57 =	vmul.f32 v63, v31;
	[tilespmem:s21+$0xAB0] =	vst.add.f32.msk $0xffff, v51  }
0xb8: {  	v58 =	vadd.f32 v54, v22;
	[tilespmem:s21+$0xAC0] =	vst.add.f32.msk $0xffff, v53;
	v59 =	vmul.f32 v55, v24  }
0xb9: {  	s22 =	sshll.u32 s28, $0xB;
	[tilespmem:s21+$0xAD0] =	vst.add.f32.msk $0xffff, v56;
	v60 =	vadd.f32 v57, v23;
	v61 =	vmul.f32 v55, v25  }
0xba: {  	s22 =	sand.u32 $0x3FFFF800, s22;
	[tilespmem:s21+$0xAE0] =	vst.add.f32.msk $0xffff, v58;
	v63 =	vmul.f32 v55, v26;
	v62 =	vadd.f32 v59, v16  }
0xbb: {  	s31 =	sor.u32 $0x300, s22;
	v41 =	vmul.f32 v55, v27;
	[tilespmem:s21+$0xAF0] =	vst.add.f32.msk $0xffff, v60;
	v40 =	vadd.f32 v61, v17  }
0xbc: {  	s23 =	sor.u32 $0x310, s22;
	v43 =	vmul.f32 v55, v28;
	v42 =	vadd.f32 v63, v18;
	[tilespmem:s31+$0x0] =	vst.add.f32.msk $0xffff, v62  }
0xbd: {  	s24 =	sor.u32 $0x320, s22;
	v45 =	vmul.f32 v55, v29;
	v44 =	vadd.f32 v41, v19;
	[tilespmem:s23+$0x0] =	vst.add.f32.msk $0xffff, v40  }
0xbe: {  	s25 =	sor.u32 $0x330, s22;
	v48 =	vperm.xlane v32, v1;
	v47 =	vmul.f32 v55, v30;
	v46 =	vadd.f32 v43, v20;
	[tilespmem:s24+$0x0] =	vst.add.f32.msk $0xffff, v42  }
0xbf: {  	s26 =	sor.u32 $0x340, s22;
	v50 =	vmul.f32 v55, v31;
	v49 =	vadd.f32 v45, v21;
	[tilespmem:s25+$0x0] =	vst.add.f32.msk $0xffff, v44  }
0xc0: {  	s28 =	sor.u32 $0x350, s22;
	v52 =	vmul.f32 v48, v24;
	v51 =	vadd.f32 v47, v22;
	[tilespmem:s26+$0x0] =	vst.add.f32.msk $0xffff, v46  }
0xc1: {  	s29 =	sor.u32 $0x360, s22;
	v54 =	vmul.f32 v48, v25;
	v53 =	vadd.f32 v50, v23;
	[tilespmem:s28+$0x0] =	vst.add.f32.msk $0xffff, v49  }
0xc2: {  	s30 =	sor.u32 $0x370, s22;
	v56 =	vmul.f32 v48, v26;
	v55 =	vadd.f32 v52, v16;
	[tilespmem:s29+$0x0] =	vst.add.f32.msk $0xffff, v51  }
0xc3: {  	v58 =	vmul.f32 v48, v27;
	v57 =	vadd.f32 v54, v17;
	s31 =	sor.u32 $0x380, s22;
	[tilespmem:s30+$0x0] =	vst.add.f32.msk $0xffff, v53  }
0xc4: {  	v59 =	vadd.f32 v56, v18;
	v60 =	vmul.f32 v48, v28;
	s23 =	sor.u32 $0x390, s22;
	[tilespmem:s31+$0x0] =	vst.add.f32.msk $0xffff, v55  }
0xc5: {  	v61 =	vadd.f32 v58, v19;
	v62 =	vmul.f32 v48, v29;
	s24 =	sor.u32 $0x3A0, s22;
	[tilespmem:s23+$0x0] =	vst.add.f32.msk $0xffff, v57  }
0xc6: {  	v41 =	vperm.xlane v32, v2;
	v63 =	vadd.f32 v60, v20;
	v40 =	vmul.f32 v48, v30;
	s25 =	sor.u32 $0x3B0, s22;
	[tilespmem:s24+$0x0] =	vst.add.f32.msk $0xffff, v59  }
0xc7: {  	v43 =	vmul.f32 v48, v31;
	v42 =	vadd.f32 v62, v21;
	s26 =	sor.u32 $0x3C0, s22;
	[tilespmem:s25+$0x0] =	vst.add.f32.msk $0xffff, v61  }
0xc8: {  	v45 =	vmul.f32 v41, v24;
	v44 =	vadd.f32 v40, v22;
	s28 =	sor.u32 $0x3D0, s22;
	[tilespmem:s26+$0x0] =	vst.add.f32.msk $0xffff, v63  }
0xc9: {  	v47 =	vmul.f32 v41, v25;
	v46 =	vadd.f32 v43, v23;
	s29 =	sor.u32 $0x3E0, s22;
	[tilespmem:s28+$0x0] =	vst.add.f32.msk $0xffff, v42  }
0xca: {  	v48 =	vadd.f32 v45, v16;
	v49 =	vmul.f32 v41, v26;
	s30 =	sor.u32 $0x3F0, s22;
	[tilespmem:s29+$0x0] =	vst.add.f32.msk $0xffff, v44  }
0xcb: {  	v50 =	vadd.f32 v47, v17;
	v51 =	vmul.f32 v41, v27;
	s31 =	sor.u32 $0x400, s22;
	[tilespmem:s30+$0x0] =	vst.add.f32.msk $0xffff, v46  }
0xcc: {  	v52 =	vadd.f32 v49, v18;
	v53 =	vmul.f32 v41, v28;
	s23 =	sor.u32 $0x410, s22;
	[tilespmem:s31+$0x0] =	vst.add.f32.msk $0xffff, v48  }
0xcd: {  	v54 =	vadd.f32 v51, v19;
	v55 =	vmul.f32 v41, v29;
	s24 =	sor.u32 $0x420, s22;
	[tilespmem:s23+$0x0] =	vst.add.f32.msk $0xffff, v50  }
0xce: {  	v58 =	vperm.xlane v32, v3;
	v56 =	vadd.f32 v53, v20;
	v57 =	vmul.f32 v41, v30;
	s25 =	sor.u32 $0x430, s22;
	[tilespmem:s24+$0x0] =	vst.add.f32.msk $0xffff, v52  }
0xcf: {  	v60 =	vmul.f32 v41, v31;
	v59 =	vadd.f32 v55, v21;
	s26 =	sor.u32 $0x440, s22;
	[tilespmem:s25+$0x0] =	vst.add.f32.msk $0xffff, v54  }
0xd0: {  	v62 =	vmul.f32 v58, v24;
	v61 =	vadd.f32 v57, v22;
	s28 =	sor.u32 $0x450, s22;
	[tilespmem:s26+$0x0] =	vst.add.f32.msk $0xffff, v56  }
0xd1: {  	v40 =	vmul.f32 v58, v25;
	v63 =	vadd.f32 v60, v23;
	s29 =	sor.u32 $0x460, s22;
	[tilespmem:s28+$0x0] =	vst.add.f32.msk $0xffff, v59  }
0xd2: {  	v41 =	vadd.f32 v62, v16;
	v42 =	vmul.f32 v58, v26;
	s30 =	sor.u32 $0x470, s22;
	[tilespmem:s29+$0x0] =	vst.add.f32.msk $0xffff, v61  }
0xd3: {  	v43 =	vadd.f32 v40, v17;
	v44 =	vmul.f32 v58, v27;
	s31 =	sor.u32 $0x480, s22;
	[tilespmem:s30+$0x0] =	vst.add.f32.msk $0xffff, v63  }
0xd4: {  	v45 =	vadd.f32 v42, v18;
	v46 =	vmul.f32 v58, v28;
	s23 =	sor.u32 $0x490, s22;
	[tilespmem:s31+$0x0] =	vst.add.f32.msk $0xffff, v41  }
0xd5: {  	v47 =	vadd.f32 v44, v19;
	v48 =	vmul.f32 v58, v29;
	s24 =	sor.u32 $0x4A0, s22;
	[tilespmem:s23+$0x0] =	vst.add.f32.msk $0xffff, v43  }
0xd6: {  	v51 =	vperm.xlane v32, v4;
	v49 =	vadd.f32 v46, v20;
	v50 =	vmul.f32 v58, v30;
	s25 =	sor.u32 $0x4B0, s22;
	[tilespmem:s24+$0x0] =	vst.add.f32.msk $0xffff, v45  }
0xd7: {  	v53 =	vmul.f32 v58, v31;
	v52 =	vadd.f32 v48, v21;
	s26 =	sor.u32 $0x4C0, s22;
	[tilespmem:s25+$0x0] =	vst.add.f32.msk $0xffff, v47  }
0xd8: {  	v55 =	vmul.f32 v51, v24;
	v54 =	vadd.f32 v50, v22;
	s28 =	sor.u32 $0x4D0, s22;
	[tilespmem:s26+$0x0] =	vst.add.f32.msk $0xffff, v49  }
0xd9: {  	v57 =	vmul.f32 v51, v25;
	v56 =	vadd.f32 v53, v23;
	s29 =	sor.u32 $0x4E0, s22;
	[tilespmem:s28+$0x0] =	vst.add.f32.msk $0xffff, v52  }
0xda: {  	v58 =	vadd.f32 v55, v16;
	v59 =	vmul.f32 v51, v26;
	s30 =	sor.u32 $0x4F0, s22;
	[tilespmem:s29+$0x0] =	vst.add.f32.msk $0xffff, v54  }
0xdb: {  	v60 =	vadd.f32 v57, v17;
	v61 =	vmul.f32 v51, v27;
	s31 =	sor.u32 $0x500, s22;
	[tilespmem:s30+$0x0] =	vst.add.f32.msk $0xffff, v56  }
0xdc: {  	v62 =	vadd.f32 v59, v18;
	v63 =	vmul.f32 v51, v28;
	s23 =	sor.u32 $0x510, s22;
	[tilespmem:s31+$0x0] =	vst.add.f32.msk $0xffff, v58  }
0xdd: {  	v40 =	vadd.f32 v61, v19;
	v41 =	vmul.f32 v51, v29;
	s24 =	sor.u32 $0x520, s22;
	[tilespmem:s23+$0x0] =	vst.add.f32.msk $0xffff, v60  }
0xde: {  	v44 =	vperm.xlane v32, v5;
	v42 =	vadd.f32 v63, v20;
	v43 =	vmul.f32 v51, v30;
	s25 =	sor.u32 $0x530, s22;
	[tilespmem:s24+$0x0] =	vst.add.f32.msk $0xffff, v62  }
0xdf: {  	v46 =	vmul.f32 v51, v31;
	v45 =	vadd.f32 v41, v21;
	s26 =	sor.u32 $0x540, s22;
	[tilespmem:s25+$0x0] =	vst.add.f32.msk $0xffff, v40  }
0xe0: {  	v48 =	vmul.f32 v44, v24;
	v47 =	vadd.f32 v43, v22;
	s28 =	sor.u32 $0x550, s22;
	[tilespmem:s26+$0x0] =	vst.add.f32.msk $0xffff, v42  }
0xe1: {  	v50 =	vmul.f32 v44, v25;
	v49 =	vadd.f32 v46, v23;
	s29 =	sor.u32 $0x560, s22;
	[tilespmem:s28+$0x0] =	vst.add.f32.msk $0xffff, v45  }
0xe2: {  	v51 =	vadd.f32 v48, v16;
	v52 =	vmul.f32 v44, v26;
	s30 =	sor.u32 $0x570, s22;
	[tilespmem:s29+$0x0] =	vst.add.f32.msk $0xffff, v47  }
0xe3: {  	v53 =	vadd.f32 v50, v17;
	v54 =	vmul.f32 v44, v27;
	s31 =	sor.u32 $0x580, s22;
	[tilespmem:s30+$0x0] =	vst.add.f32.msk $0xffff, v49  }
0xe4: {  	v55 =	vadd.f32 v52, v18;
	v56 =	vmul.f32 v44, v28;
	s23 =	sor.u32 $0x590, s22;
	[tilespmem:s31+$0x0] =	vst.add.f32.msk $0xffff, v51  }
0xe5: {  	v57 =	vadd.f32 v54, v19;
	v58 =	vmul.f32 v44, v29;
	s24 =	sor.u32 $0x5A0, s22;
	[tilespmem:s23+$0x0] =	vst.add.f32.msk $0xffff, v53  }
0xe6: {  	v61 =	vperm.xlane v32, v6;
	v59 =	vadd.f32 v56, v20;
	v60 =	vmul.f32 v44, v30;
	s25 =	sor.u32 $0x5B0, s22;
	[tilespmem:s24+$0x0] =	vst.add.f32.msk $0xffff, v55  }
0xe7: {  	v63 =	vmul.f32 v44, v31;
	v62 =	vadd.f32 v58, v21;
	s26 =	sor.u32 $0x5C0, s22;
	[tilespmem:s25+$0x0] =	vst.add.f32.msk $0xffff, v57  }
0xe8: {  	v41 =	vmul.f32 v61, v24;
	v40 =	vadd.f32 v60, v22;
	s28 =	sor.u32 $0x5D0, s22;
	[tilespmem:s26+$0x0] =	vst.add.f32.msk $0xffff, v59  }
0xe9: {  	v43 =	vmul.f32 v61, v25;
	v42 =	vadd.f32 v63, v23;
	s29 =	sor.u32 $0x5E0, s22;
	[tilespmem:s28+$0x0] =	vst.add.f32.msk $0xffff, v62  }
0xea: {  	v44 =	vadd.f32 v41, v16;
	v45 =	vmul.f32 v61, v26;
	s30 =	sor.u32 $0x5F0, s22;
	[tilespmem:s29+$0x0] =	vst.add.f32.msk $0xffff, v40  }
0xeb: {  	v46 =	vadd.f32 v43, v17;
	v47 =	vmul.f32 v61, v27;
	s31 =	sor.u32 $0x600, s22;
	[tilespmem:s30+$0x0] =	vst.add.f32.msk $0xffff, v42  }
0xec: {  	v48 =	vadd.f32 v45, v18;
	v49 =	vmul.f32 v61, v28;
	s23 =	sor.u32 $0x610, s22;
	[tilespmem:s31+$0x0] =	vst.add.f32.msk $0xffff, v44  }
0xed: {  	v50 =	vadd.f32 v47, v19;
	v51 =	vmul.f32 v61, v29;
	s24 =	sor.u32 $0x620, s22;
	[tilespmem:s23+$0x0] =	vst.add.f32.msk $0xffff, v46  }
0xee: {  	v54 =	vperm.xlane v32, v7;
	v52 =	vadd.f32 v49, v20;
	v53 =	vmul.f32 v61, v30;
	s25 =	sor.u32 $0x630, s22;
	[tilespmem:s24+$0x0] =	vst.add.f32.msk $0xffff, v48  }
0xef: {  	v56 =	vmul.f32 v61, v31;
	v55 =	vadd.f32 v51, v21;
	s26 =	sor.u32 $0x640, s22;
	[tilespmem:s25+$0x0] =	vst.add.f32.msk $0xffff, v50  }
0xf0: {  	v58 =	vmul.f32 v54, v24;
	v57 =	vadd.f32 v53, v22;
	s28 =	sor.u32 $0x650, s22;
	[tilespmem:s26+$0x0] =	vst.add.f32.msk $0xffff, v52  }
0xf1: {  	v60 =	vmul.f32 v54, v25;
	v59 =	vadd.f32 v56, v23;
	s29 =	sor.u32 $0x660, s22;
	[tilespmem:s28+$0x0] =	vst.add.f32.msk $0xffff, v55  }
0xf2: {  	v61 =	vadd.f32 v58, v16;
	v62 =	vmul.f32 v54, v26;
	s30 =	sor.u32 $0x670, s22;
	[tilespmem:s29+$0x0] =	vst.add.f32.msk $0xffff, v57  }
0xf3: {  	v63 =	vadd.f32 v60, v17;
	v40 =	vmul.f32 v54, v27;
	s31 =	sor.u32 $0x680, s22;
	[tilespmem:s30+$0x0] =	vst.add.f32.msk $0xffff, v59  }
0xf4: {  	v41 =	vadd.f32 v62, v18;
	v42 =	vmul.f32 v54, v28;
	s23 =	sor.u32 $0x690, s22;
	[tilespmem:s31+$0x0] =	vst.add.f32.msk $0xffff, v61  }
0xf5: {  	v43 =	vadd.f32 v40, v19;
	v44 =	vmul.f32 v54, v29;
	s24 =	sor.u32 $0x6A0, s22;
	[tilespmem:s23+$0x0] =	vst.add.f32.msk $0xffff, v63  }
0xf6: {  	v47 =	vperm.xlane v32, v8;
	v45 =	vadd.f32 v42, v20;
	v46 =	vmul.f32 v54, v30;
	s25 =	sor.u32 $0x6B0, s22;
	[tilespmem:s24+$0x0] =	vst.add.f32.msk $0xffff, v41  }
0xf7: {  	v49 =	vmul.f32 v54, v31;
	v48 =	vadd.f32 v44, v21;
	s26 =	sor.u32 $0x6C0, s22;
	[tilespmem:s25+$0x0] =	vst.add.f32.msk $0xffff, v43  }
0xf8: {  	v51 =	vmul.f32 v47, v24;
	v50 =	vadd.f32 v46, v22;
	s28 =	sor.u32 $0x6D0, s22;
	[tilespmem:s26+$0x0] =	vst.add.f32.msk $0xffff, v45  }
0xf9: {  	v53 =	vmul.f32 v47, v25;
	v52 =	vadd.f32 v49, v23;
	s29 =	sor.u32 $0x6E0, s22;
	[tilespmem:s28+$0x0] =	vst.add.f32.msk $0xffff, v48  }
0xfa: {  	v54 =	vadd.f32 v51, v16;
	v55 =	vmul.f32 v47, v26;
	s30 =	sor.u32 $0x6F0, s22;
	[tilespmem:s29+$0x0] =	vst.add.f32.msk $0xffff, v50  }
0xfb: {  	v56 =	vadd.f32 v53, v17;
	v57 =	vmul.f32 v47, v27;
	s31 =	sor.u32 $0x700, s22;
	[tilespmem:s30+$0x0] =	vst.add.f32.msk $0xffff, v52  }
0xfc: {  	v58 =	vadd.f32 v55, v18;
	v59 =	vmul.f32 v47, v28;
	s23 =	sor.u32 $0x710, s22;
	[tilespmem:s31+$0x0] =	vst.add.f32.msk $0xffff, v54  }
0xfd: {  	v60 =	vadd.f32 v57, v19;
	v61 =	vmul.f32 v47, v29;
	s24 =	sor.u32 $0x720, s22;
	[tilespmem:s23+$0x0] =	vst.add.f32.msk $0xffff, v56  }
0xfe: {  	v40 =	vperm.xlane v32, v9;
	v62 =	vadd.f32 v59, v20;
	v63 =	vmul.f32 v47, v30;
	s25 =	sor.u32 $0x730, s22;
	[tilespmem:s24+$0x0] =	vst.add.f32.msk $0xffff, v58  }
0xff: {  	v42 =	vmul.f32 v47, v31;
	v41 =	vadd.f32 v61, v21;
	s26 =	sor.u32 $0x740, s22;
	[tilespmem:s25+$0x0] =	vst.add.f32.msk $0xffff, v60  }
0x100: {  	v44 =	vmul.f32 v40, v24;
	v43 =	vadd.f32 v63, v22;
	s28 =	sor.u32 $0x750, s22;
	[tilespmem:s26+$0x0] =	vst.add.f32.msk $0xffff, v62  }
0x101: {  	v46 =	vmul.f32 v40, v25;
	v45 =	vadd.f32 v42, v23;
	s29 =	sor.u32 $0x760, s22;
	[tilespmem:s28+$0x0] =	vst.add.f32.msk $0xffff, v41  }
0x102: {  	v47 =	vadd.f32 v44, v16;
	v48 =	vmul.f32 v40, v26;
	s30 =	sor.u32 $0x770, s22;
	[tilespmem:s29+$0x0] =	vst.add.f32.msk $0xffff, v43  }
0x103: {  	v49 =	vadd.f32 v46, v17;
	v50 =	vmul.f32 v40, v27;
	s31 =	sor.u32 $0x780, s22;
	[tilespmem:s30+$0x0] =	vst.add.f32.msk $0xffff, v45  }
0x104: {  	v51 =	vadd.f32 v48, v18;
	v52 =	vmul.f32 v40, v28;
	s23 =	sor.u32 $0x790, s22;
	[tilespmem:s31+$0x0] =	vst.add.f32.msk $0xffff, v47  }
0x105: {  	v53 =	vadd.f32 v50, v19;
	v54 =	vmul.f32 v40, v29;
	s24 =	sor.u32 $0x7A0, s22;
	[tilespmem:s23+$0x0] =	vst.add.f32.msk $0xffff, v49  }
0x106: {  	v57 =	vperm.xlane v32, v10;
	v55 =	vadd.f32 v52, v20;
	v56 =	vmul.f32 v40, v30;
	s25 =	sor.u32 $0x7B0, s22;
	[tilespmem:s24+$0x0] =	vst.add.f32.msk $0xffff, v51  }
0x107: {  	v59 =	vmul.f32 v40, v31;
	v58 =	vadd.f32 v54, v21;
	s26 =	sor.u32 $0x7C0, s22;
	[tilespmem:s25+$0x0] =	vst.add.f32.msk $0xffff, v53  }
0x108: {  	v61 =	vmul.f32 v57, v24;
	v60 =	vadd.f32 v56, v22;
	s28 =	sor.u32 $0x7D0, s22;
	[tilespmem:s26+$0x0] =	vst.add.f32.msk $0xffff, v55  }
0x109: {  	v63 =	vmul.f32 v57, v25;
	v62 =	vadd.f32 v59, v23;
	s29 =	sor.u32 $0x7E0, s22;
	[tilespmem:s28+$0x0] =	vst.add.f32.msk $0xffff, v58  }
0x10a: {  	v40 =	vadd.f32 v61, v16;
	v41 =	vmul.f32 v57, v26;
	s30 =	sor.u32 $0x7F0, s22;
	[tilespmem:s29+$0x0] =	vst.add.f32.msk $0xffff, v60  }
0x10b: {  	v42 =	vadd.f32 v63, v17;
	v43 =	vmul.f32 v57, v27;
	[tilespmem:s30+$0x0] =	vst.add.f32.msk $0xffff, v62  }
0x10c: {  	v44 =	vadd.f32 v41, v18;
	v45 =	vmul.f32 v57, v28;
	[tilespmem:s22+$0x800] =	vst.add.f32.msk $0xffff, v40  }
0x10d: {  	v46 =	vadd.f32 v43, v19;
	v47 =	vmul.f32 v57, v29;
	[tilespmem:s22+$0x810] =	vst.add.f32.msk $0xffff, v42  }
0x10e: {  	v50 =	vperm.xlane v32, v11;
	v48 =	vadd.f32 v45, v20;
	v49 =	vmul.f32 v57, v30;
	[tilespmem:s22+$0x820] =	vst.add.f32.msk $0xffff, v44  }
0x10f: {  	v52 =	vmul.f32 v57, v31;
	v51 =	vadd.f32 v47, v21;
	[tilespmem:s22+$0x830] =	vst.add.f32.msk $0xffff, v46  }
0x110: {  	v54 =	vmul.f32 v50, v24;
	v43 =	vperm.xlane v32, v12;
	v53 =	vadd.f32 v49, v22;
	[tilespmem:s22+$0x840] =	vst.add.f32.msk $0xffff, v48  }
0x111: {  	v56 =	vmul.f32 v50, v25;
	v55 =	vadd.f32 v52, v23;
	[tilespmem:s22+$0x850] =	vst.add.f32.msk $0xffff, v51  }
0x112: {  	v57 =	vadd.f32 v54, v16;
	v49 =	vmul.f32 v43, v25;
	[tilespmem:s22+$0x860] =	vst.add.f32.msk $0xffff, v53  }
0x113: {  	v59 =	vadd.f32 v56, v17;
	v58 =	vmul.f32 v50, v26;
	[tilespmem:s22+$0x870] =	vst.add.f32.msk $0xffff, v55  }
0x114: {  	v52 =	vadd.f32 v49, v17;
	v60 =	vmul.f32 v50, v27;
	[tilespmem:s22+$0x880] =	vst.add.f32.msk $0xffff, v57  }
0x115: {  	v45 =	vmul.f32 v50, v31;
	v61 =	vadd.f32 v58, v18;
	[tilespmem:s22+$0x890] =	vst.add.f32.msk $0xffff, v59  }
0x116: {  	v47 =	vmul.f32 v43, v24;
	v63 =	vadd.f32 v60, v19;
	[tilespmem:s22+$0x910] =	vst.add.f32.msk $0xffff, v52  }
0x117: {  	v62 =	vmul.f32 v50, v28;
	v48 =	vadd.f32 v45, v23;
	[tilespmem:s22+$0x8A0] =	vst.add.f32.msk $0xffff, v61  }
0x118: {  	v40 =	vmul.f32 v50, v29;
	v42 =	vmul.f32 v50, v30;
	v50 =	vadd.f32 v47, v16;
	[tilespmem:s22+$0x8B0] =	vst.add.f32.msk $0xffff, v63  }
0x119: {  	v41 =	vadd.f32 v62, v20;
	[tilespmem:s22+$0x8F0] =	vst.add.f32.msk $0xffff, v48  }
0x11a: {  	v51 =	vmul.f32 v43, v26;
	v44 =	vadd.f32 v40, v21;
	[tilespmem:s22+$0x900] =	vst.add.f32.msk $0xffff, v50  }
0x11b: {  	v53 =	vmul.f32 v43, v27;
	v46 =	vadd.f32 v42, v22;
	[tilespmem:s22+$0x8C0] =	vst.add.f32.msk $0xffff, v41  }
0x11c: {  	v55 =	vmul.f32 v43, v28;
	v54 =	vadd.f32 v51, v18;
	[tilespmem:s22+$0x8D0] =	vst.add.f32.msk $0xffff, v44  }
0x11d: {  	v57 =	vmul.f32 v43, v29;
	v56 =	vadd.f32 v53, v19;
	[tilespmem:s22+$0x8E0] =	vst.add.f32.msk $0xffff, v46  }
0x11e: {  	v59 =	vmul.f32 v43, v30;
	v60 =	vperm.xlane v32, v13;
	v58 =	vadd.f32 v55, v20;
	[tilespmem:s22+$0x920] =	vst.add.f32.msk $0xffff, v54  }
0x11f: {  	v62 =	vmul.f32 v43, v31;
	v61 =	vadd.f32 v57, v21;
	[tilespmem:s22+$0x930] =	vst.add.f32.msk $0xffff, v56  }
0x120: {  	v63 =	vadd.f32 v59, v22;
	v40 =	vmul.f32 v60, v24;
	[tilespmem:s22+$0x940] =	vst.add.f32.msk $0xffff, v58  }
0x121: {  	v42 =	vmul.f32 v60, v25;
	v41 =	vadd.f32 v62, v23;
	[tilespmem:s22+$0x950] =	vst.add.f32.msk $0xffff, v61  }
0x122: {  	v48 =	vmul.f32 v60, v28;
	[tilespmem:s22+$0x960] =	vst.add.f32.msk $0xffff, v63;
	v43 =	vadd.f32 v40, v16  }
0x123: {  	v50 =	vmul.f32 v60, v29;
	v45 =	vadd.f32 v42, v17;
	[tilespmem:s22+$0x970] =	vst.add.f32.msk $0xffff, v41  }
0x124: {  	v52 =	vmul.f32 v60, v30;
	v51 =	vadd.f32 v48, v20;
	[tilespmem:s22+$0x980] =	vst.add.f32.msk $0xffff, v43  }
0x125: {  	v55 =	vmul.f32 v60, v31;
	v54 =	vadd.f32 v50, v21;
	[tilespmem:s22+$0x990] =	vst.add.f32.msk $0xffff, v45  }
0x126: {  	v53 =	vperm.xlane v32, v14;
	v44 =	vmul.f32 v60, v26;
	v56 =	vadd.f32 v52, v22;
	[tilespmem:s22+$0x9C0] =	vst.add.f32.msk $0xffff, v51  }
0x127: {  	v46 =	vmul.f32 v60, v27;
	v58 =	vadd.f32 v55, v23;
	[tilespmem:s22+$0x9D0] =	vst.add.f32.msk $0xffff, v54  }
0x128: {  	v57 =	vmul.f32 v53, v24;
	v47 =	vadd.f32 v44, v18;
	[tilespmem:s22+$0x9E0] =	vst.add.f32.msk $0xffff, v56  }
0x129: {  	v59 =	vmul.f32 v53, v25;
	v49 =	vadd.f32 v46, v19;
	[tilespmem:s22+$0x9F0] =	vst.add.f32.msk $0xffff, v58  }
0x12a: {  	v32 =	vperm.xlane v32, v15;
	v61 =	vmul.f32 v53, v26;
	v60 =	vadd.f32 v57, v16;
	[tilespmem:s22+$0x9A0] =	vst.add.f32.msk $0xffff, v47  }
0x12b: {  	v63 =	vmul.f32 v53, v27;
	v62 =	vadd.f32 v59, v17;
	[tilespmem:s22+$0x9B0] =	vst.add.f32.msk $0xffff, v49  }
0x12c: {  	v55 =	vmul.f32 v32, v27;
	v40 =	vadd.f32 v61, v18;
	[tilespmem:s22+$0xA00] =	vst.add.f32.msk $0xffff, v60  }
0x12d: {  	v41 =	vmul.f32 v53, v28;
	v42 =	vadd.f32 v63, v19;
	[tilespmem:s22+$0xA10] =	vst.add.f32.msk $0xffff, v62  }
0x12e: {  	v43 =	vmul.f32 v53, v29;
	v58 =	vadd.f32 v55, v19;
	[tilespmem:s22+$0xA20] =	vst.add.f32.msk $0xffff, v40  }
0x12f: {  	v45 =	vmul.f32 v53, v30;
	v44 =	vadd.f32 v41, v20;
	[tilespmem:s22+$0xA30] =	vst.add.f32.msk $0xffff, v42  }
0x130: {  	v51 =	vmul.f32 v32, v25;
	v46 =	vadd.f32 v43, v21;
	[tilespmem:s22+$0xAB0] =	vst.add.f32.msk $0xffff, v58  }
0x131: {  	v57 =	vmul.f32 v32, v28;
	v48 =	vadd.f32 v45, v22;
	[tilespmem:s22+$0xA40] =	vst.add.f32.msk $0xffff, v44  }
0x132: {  	v59 =	vmul.f32 v32, v29;
	v54 =	vadd.f32 v51, v17;
	[tilespmem:s22+$0xA50] =	vst.add.f32.msk $0xffff, v46  }
0x133: {  	v61 =	vmul.f32 v32, v30;
	v60 =	vadd.f32 v57, v20;
	[tilespmem:s22+$0xA60] =	vst.add.f32.msk $0xffff, v48  }
0x134: {  	v47 =	vmul.f32 v53, v31;
	v62 =	vadd.f32 v59, v21;
	[tilespmem:s22+$0xA90] =	vst.add.f32.msk $0xffff, v54  }
0x135: {  	v49 =	vmul.f32 v32, v24;
	v63 =	vadd.f32 v61, v22;
	[tilespmem:s22+$0xAC0] =	vst.add.f32.msk $0xffff, v60  }
0x136: {  	p0 =	slt.u32 s20, $0xE;
	v53 =	vmul.f32 v32, v26;
	v50 =	vadd.f32 v47, v23;
	[tilespmem:s22+$0xAD0] =	vst.add.f32.msk $0xffff, v62  }
.Ltmp0:
0x137: {  	v32 =	vmul.f32 v32, v31;
	v52 =	vadd.f32 v49, v16;
	[tilespmem:s22+$0xAE0] =	vst.add.f32.msk $0xffff, v63;
	(pc) =	sbr.rel @p0 .LBB2_2-.Ltmp0, $4  }
0x138: {  	v56 =	vadd.f32 v53, v18;
	[tilespmem:s22+$0xA70] =	vst.add.f32.msk $0xffff, v50  }
0x139: {  	v32 =	vadd.f32 v32, v23;
	[tilespmem:s22+$0xA80] =	vst.add.f32.msk $0xffff, v52  }
0x13a: {  	s31 =	sadd.s32 $0x2, s20;
	[tilespmem:s22+$0xAA0] =	vst.add.f32.msk $0xffff, v56  }
0x13b: {  	s20 =	smov.u32 s31;
	[tilespmem:s22+$0xAF0] =	vst.add.f32.msk $0xffff, v32  }
0x13c: {  	s20 =	simm.s32 $0x0  }
0x13d: {  	[hbm4b:s7+s20] =	stream.linear.scatter [tilespmem:s11], [sflag:$0x5], $0x8000, $0x38;
	[tilespmem:$0x10300] =	vst v63  }
0x13e: {  	_ =	swait.ge [sflag:s16], $0x8000  }
0x13f: {  	[sflag:s16] =	ssyncset.done $0x0  }
0x140: {  	[sflag:s16] =	ssyncadd.s32 $0xFFFF8000  }
.LBB2_4:
0x141: {  	s22 =	sshll.u32 s20, $0x4  }
0x142: {  	s21 =	sor.u32 $0x100, s22  }
0x143: {  	s23 =	sand.u32 $0x1E0, s21  }
0x144: {  	v32 =	vld [tilespmem:s23+$0x0];
	_ =	sdelay $0x4  }
0x145: {  	v32 =	vcvt.s32.f32 v32;
	_ =	sdelay $0x1  }
0x146: {  	v32 =	vsub.f32 $1.000000000e+00, v32;
	_ =	sdelay $0x1  }
0x147: {  	v33 =	vperm.xlane v32, v0;
	_ =	sdelay $0x1  }
0x148: {  	v34 =	vmul.f32 v33, v24  }
0x149: {  	s21 =	sshll.u32 s21, $0x7;
	v35 =	vmul.f32 v33, v25  }
0x14a: {  	s21 =	sand.u32 $0x3FFFF800, s21;
	v36 =	vmul.f32 v33, v26;
	v34 =	vadd.f32 v34, v16  }
0x14b: {  	s30 =	sor.u32 $0x300, s21;
	v37 =	vmul.f32 v33, v27;
	v35 =	vadd.f32 v35, v17  }
0x14c: {  	s31 =	sor.u32 $0x310, s21;
	v40 =	vmul.f32 v33, v28;
	v63 =	vadd.f32 v36, v18;
	[tilespmem:s30+$0x0] =	vst.add.f32.msk $0xffff, v34  }
0x14d: {  	s24 =	sor.u32 $0x320, s21;
	v42 =	vmul.f32 v33, v29;
	v41 =	vadd.f32 v37, v19;
	[tilespmem:s31+$0x0] =	vst.add.f32.msk $0xffff, v35  }
0x14e: {  	s25 =	sor.u32 $0x330, s21;
	v38 =	vperm.xlane v32, v1;
	v44 =	vmul.f32 v33, v30;
	v43 =	vadd.f32 v40, v20;
	[tilespmem:s24+$0x0] =	vst.add.f32.msk $0xffff, v63  }
0x14f: {  	s26 =	sor.u32 $0x340, s21;
	v33 =	vmul.f32 v33, v31;
	v45 =	vadd.f32 v42, v21;
	[tilespmem:s25+$0x0] =	vst.add.f32.msk $0xffff, v41  }
0x150: {  	s28 =	sor.u32 $0x350, s21;
	v47 =	vmul.f32 v38, v24;
	v46 =	vadd.f32 v44, v22;
	[tilespmem:s26+$0x0] =	vst.add.f32.msk $0xffff, v43  }
0x151: {  	s29 =	sor.u32 $0x360, s21;
	v48 =	vmul.f32 v38, v25;
	v33 =	vadd.f32 v33, v23;
	[tilespmem:s28+$0x0] =	vst.add.f32.msk $0xffff, v45  }
0x152: {  	s21 =	sor.u32 $0x370, s21;
	v50 =	vmul.f32 v38, v26;
	v49 =	vadd.f32 v47, v16;
	s30 =	sshll.u32 s20, $0xB;
	[tilespmem:s29+$0x0] =	vst.add.f32.msk $0xffff, v46  }
0x153: {  	v52 =	vmul.f32 v38, v27;
	v51 =	vadd.f32 v48, v17;
	[tilespmem:s21+$0x0] =	vst.add.f32.msk $0xffff, v33;
	s21 =	sand.u32 $0x3FFFF800, s30  }
0x154: {  	v54 =	vmul.f32 v38, v28;
	v53 =	vadd.f32 v50, v18;
	[tilespmem:s21+$0x8380] =	vst.add.f32.msk $0xffff, v49  }
0x155: {  	v56 =	vmul.f32 v38, v29;
	v55 =	vadd.f32 v52, v19;
	[tilespmem:s21+$0x8390] =	vst.add.f32.msk $0xffff, v51  }
0x156: {  	v59 =	vperm.xlane v32, v2;
	v58 =	vmul.f32 v38, v30;
	v57 =	vadd.f32 v54, v20;
	[tilespmem:s21+$0x83A0] =	vst.add.f32.msk $0xffff, v53  }
0x157: {  	v61 =	vmul.f32 v38, v31;
	v60 =	vadd.f32 v56, v21;
	[tilespmem:s21+$0x83B0] =	vst.add.f32.msk $0xffff, v55  }
0x158: {  	v62 =	vadd.f32 v58, v22;
	v63 =	vmul.f32 v59, v24;
	[tilespmem:s21+$0x83C0] =	vst.add.f32.msk $0xffff, v57  }
0x159: {  	v40 =	vadd.f32 v61, v23;
	v41 =	vmul.f32 v59, v25;
	[tilespmem:s21+$0x83D0] =	vst.add.f32.msk $0xffff, v60  }
0x15a: {  	v52 =	vperm.xlane v32, v3;
	v42 =	vadd.f32 v63, v16;
	v43 =	vmul.f32 v59, v26;
	[tilespmem:s21+$0x83E0] =	vst.add.f32.msk $0xffff, v62  }
0x15b: {  	v47 =	vmul.f32 v59, v28;
	v44 =	vadd.f32 v41, v17;
	[tilespmem:s21+$0x83F0] =	vst.add.f32.msk $0xffff, v40  }
0x15c: {  	v58 =	vmul.f32 v52, v25;
	v46 =	vadd.f32 v43, v18;
	[tilespmem:s21+$0x8400] =	vst.add.f32.msk $0xffff, v42  }
0x15d: {  	v50 =	vadd.f32 v47, v20;
	v45 =	vmul.f32 v59, v27;
	[tilespmem:s21+$0x8410] =	vst.add.f32.msk $0xffff, v44  }
0x15e: {  	v54 =	vmul.f32 v59, v31;
	v61 =	vadd.f32 v58, v17;
	[tilespmem:s21+$0x8420] =	vst.add.f32.msk $0xffff, v46  }
0x15f: {  	v56 =	vmul.f32 v52, v24;
	v48 =	vadd.f32 v45, v19;
	[tilespmem:s21+$0x8440] =	vst.add.f32.msk $0xffff, v50  }
0x160: {  	v47 =	vmul.f32 v52, v31;
	v57 =	vadd.f32 v54, v23;
	[tilespmem:s21+$0x8490] =	vst.add.f32.msk $0xffff, v61  }
0x161: {  	v49 =	vmul.f32 v59, v29;
	v51 =	vmul.f32 v59, v30;
	v59 =	vadd.f32 v56, v16;
	[tilespmem:s21+$0x8430] =	vst.add.f32.msk $0xffff, v48  }
0x162: {  	v50 =	vadd.f32 v47, v23;
	[tilespmem:s21+$0x8470] =	vst.add.f32.msk $0xffff, v57  }
0x163: {  	v60 =	vmul.f32 v52, v26;
	v53 =	vadd.f32 v49, v21;
	[tilespmem:s21+$0x8480] =	vst.add.f32.msk $0xffff, v59  }
0x164: {  	v62 =	vmul.f32 v52, v27;
	v55 =	vadd.f32 v51, v22;
	[tilespmem:s21+$0x84F0] =	vst.add.f32.msk $0xffff, v50  }
0x165: {  	v40 =	vmul.f32 v52, v28;
	v63 =	vadd.f32 v60, v18;
	[tilespmem:s21+$0x8450] =	vst.add.f32.msk $0xffff, v53  }
0x166: {  	v45 =	vperm.xlane v32, v4;
	v42 =	vmul.f32 v52, v29;
	v41 =	vadd.f32 v62, v19;
	[tilespmem:s21+$0x8460] =	vst.add.f32.msk $0xffff, v55  }
0x167: {  	v44 =	vmul.f32 v52, v30;
	v43 =	vadd.f32 v40, v20;
	[tilespmem:s21+$0x84A0] =	vst.add.f32.msk $0xffff, v63  }
0x168: {  	v46 =	vadd.f32 v42, v21;
	v49 =	vmul.f32 v45, v24;
	[tilespmem:s21+$0x84B0] =	vst.add.f32.msk $0xffff, v41  }
0x169: {  	v48 =	vadd.f32 v44, v22;
	v51 =	vmul.f32 v45, v25;
	[tilespmem:s21+$0x84C0] =	vst.add.f32.msk $0xffff, v43  }
0x16a: {  	v57 =	vmul.f32 v45, v28;
	[tilespmem:s21+$0x84D0] =	vst.add.f32.msk $0xffff, v46;
	v52 =	vadd.f32 v49, v16  }
0x16b: {  	v59 =	vmul.f32 v45, v29;
	[tilespmem:s21+$0x84E0] =	vst.add.f32.msk $0xffff, v48;
	v54 =	vadd.f32 v51, v17  }
0x16c: {  	v61 =	vmul.f32 v45, v30;
	v60 =	vadd.f32 v57, v20;
	[tilespmem:s21+$0x8500] =	vst.add.f32.msk $0xffff, v52  }
0x16d: {  	v40 =	vmul.f32 v45, v31;
	v63 =	vadd.f32 v59, v21;
	[tilespmem:s21+$0x8510] =	vst.add.f32.msk $0xffff, v54  }
0x16e: {  	v62 =	vperm.xlane v32, v5;
	v53 =	vmul.f32 v45, v26;
	v41 =	vadd.f32 v61, v22;
	[tilespmem:s21+$0x8540] =	vst.add.f32.msk $0xffff, v60  }
0x16f: {  	v55 =	vmul.f32 v45, v27;
	v43 =	vadd.f32 v40, v23;
	[tilespmem:s21+$0x8550] =	vst.add.f32.msk $0xffff, v63  }
0x170: {  	v42 =	vmul.f32 v62, v24;
	v56 =	vadd.f32 v53, v18;
	[tilespmem:s21+$0x8560] =	vst.add.f32.msk $0xffff, v41  }
0x171: {  	v44 =	vmul.f32 v62, v25;
	v58 =	vadd.f32 v55, v19;
	[tilespmem:s21+$0x8570] =	vst.add.f32.msk $0xffff, v43  }
0x172: {  	v46 =	vmul.f32 v62, v26;
	v45 =	vadd.f32 v42, v16;
	[tilespmem:s21+$0x8520] =	vst.add.f32.msk $0xffff, v56  }
0x173: {  	v48 =	vmul.f32 v62, v27;
	v47 =	vadd.f32 v44, v17;
	[tilespmem:s21+$0x8530] =	vst.add.f32.msk $0xffff, v58  }
0x174: {  	v50 =	vmul.f32 v62, v28;
	v49 =	vadd.f32 v46, v18;
	[tilespmem:s21+$0x8580] =	vst.add.f32.msk $0xffff, v45  }
0x175: {  	v57 =	vmul.f32 v62, v31;
	v51 =	vadd.f32 v48, v19;
	[tilespmem:s21+$0x8590] =	vst.add.f32.msk $0xffff, v47  }
0x176: {  	v52 =	vmul.f32 v62, v29;
	v53 =	vadd.f32 v50, v20;
	v55 =	vperm.xlane v32, v6;
	[tilespmem:s21+$0x85A0] =	vst.add.f32.msk $0xffff, v49  }
0x177: {  	v54 =	vmul.f32 v62, v30;
	v60 =	vadd.f32 v57, v23;
	[tilespmem:s21+$0x85B0] =	vst.add.f32.msk $0xffff, v51  }
0x178: {  	v56 =	vadd.f32 v52, v21;
	[tilespmem:s21+$0x85C0] =	vst.add.f32.msk $0xffff, v53;
	v59 =	vmul.f32 v55, v24  }
0x179: {  	v58 =	vadd.f32 v54, v22;
	v61 =	vmul.f32 v55, v25;
	[tilespmem:s21+$0x85F0] =	vst.add.f32.msk $0xffff, v60  }
0x17a: {  	v63 =	vmul.f32 v55, v26;
	[tilespmem:s21+$0x85D0] =	vst.add.f32.msk $0xffff, v56;
	v62 =	vadd.f32 v59, v16  }
0x17b: {  	v41 =	vmul.f32 v55, v27;
	[tilespmem:s21+$0x85E0] =	vst.add.f32.msk $0xffff, v58;
	v40 =	vadd.f32 v61, v17  }
0x17c: {  	v43 =	vmul.f32 v55, v28;
	v42 =	vadd.f32 v63, v18;
	[tilespmem:s21+$0x8600] =	vst.add.f32.msk $0xffff, v62  }
0x17d: {  	v45 =	vmul.f32 v55, v29;
	v44 =	vadd.f32 v41, v19;
	[tilespmem:s21+$0x8610] =	vst.add.f32.msk $0xffff, v40  }
0x17e: {  	v48 =	vperm.xlane v32, v7;
	v47 =	vmul.f32 v55, v30;
	v46 =	vadd.f32 v43, v20;
	[tilespmem:s21+$0x8620] =	vst.add.f32.msk $0xffff, v42  }
0x17f: {  	v50 =	vmul.f32 v55, v31;
	v49 =	vadd.f32 v45, v21;
	[tilespmem:s21+$0x8630] =	vst.add.f32.msk $0xffff, v44  }
0x180: {  	v52 =	vmul.f32 v48, v24;
	v51 =	vadd.f32 v47, v22;
	[tilespmem:s21+$0x8640] =	vst.add.f32.msk $0xffff, v46  }
0x181: {  	v54 =	vmul.f32 v48, v25;
	v53 =	vadd.f32 v50, v23;
	[tilespmem:s21+$0x8650] =	vst.add.f32.msk $0xffff, v49  }
0x182: {  	v60 =	vmul.f32 v48, v28;
	v55 =	vadd.f32 v52, v16;
	[tilespmem:s21+$0x8660] =	vst.add.f32.msk $0xffff, v51  }
0x183: {  	v56 =	vmul.f32 v48, v26;
	v57 =	vadd.f32 v54, v17;
	[tilespmem:s21+$0x8670] =	vst.add.f32.msk $0xffff, v53  }
0x184: {  	v58 =	vmul.f32 v48, v27;
	v63 =	vadd.f32 v60, v20;
	[tilespmem:s21+$0x8680] =	vst.add.f32.msk $0xffff, v55  }
0x185: {  	v43 =	vmul.f32 v48, v31;
	v59 =	vadd.f32 v56, v18;
	[tilespmem:s21+$0x8690] =	vst.add.f32.msk $0xffff, v57  }
0x186: {  	v41 =	vperm.xlane v32, v8;
	v61 =	vadd.f32 v58, v19;
	v62 =	vmul.f32 v48, v29;
	[tilespmem:s21+$0x86C0] =	vst.add.f32.msk $0xffff, v63  }
0x187: {  	v40 =	vmul.f32 v48, v30;
	v46 =	vadd.f32 v43, v23;
	[tilespmem:s21+$0x86A0] =	vst.add.f32.msk $0xffff, v59  }
0x188: {  	v45 =	vmul.f32 v41, v24;
	[tilespmem:s21+$0x86B0] =	vst.add.f32.msk $0xffff, v61;
	v42 =	vadd.f32 v62, v21  }
0x189: {  	v47 =	vmul.f32 v41, v25;
	v44 =	vadd.f32 v40, v22;
	[tilespmem:s21+$0x86F0] =	vst.add.f32.msk $0xffff, v46  }
0x18a: {  	v49 =	vmul.f32 v41, v26;
	v48 =	vadd.f32 v45, v16;
	[tilespmem:s21+$0x86D0] =	vst.add.f32.msk $0xffff, v42  }
0x18b: {  	v51 =	vmul.f32 v41, v27;
	v50 =	vadd.f32 v47, v17;
	[tilespmem:s21+$0x86E0] =	vst.add.f32.msk $0xffff, v44  }
0x18c: {  	v53 =	vmul.f32 v41, v28;
	v52 =	vadd.f32 v49, v18;
	[tilespmem:s21+$0x8700] =	vst.add.f32.msk $0xffff, v48  }
0x18d: {  	v55 =	vmul.f32 v41, v29;
	v54 =	vadd.f32 v51, v19;
	[tilespmem:s21+$0x8710] =	vst.add.f32.msk $0xffff, v50  }
0x18e: {  	v57 =	vmul.f32 v41, v30;
	v58 =	vperm.xlane v32, v9;
	v56 =	vadd.f32 v53, v20;
	[tilespmem:s21+$0x8720] =	vst.add.f32.msk $0xffff, v52  }
0x18f: {  	v60 =	vmul.f32 v41, v31;
	v59 =	vadd.f32 v55, v21;
	[tilespmem:s21+$0x8730] =	vst.add.f32.msk $0xffff, v54  }
0x190: {  	v61 =	vadd.f32 v57, v22;
	v62 =	vmul.f32 v58, v24;
	[tilespmem:s21+$0x8740] =	vst.add.f32.msk $0xffff, v56  }
0x191: {  	v63 =	vadd.f32 v60, v23;
	v40 =	vmul.f32 v58, v25;
	[tilespmem:s21+$0x8750] =	vst.add.f32.msk $0xffff, v59  }
0x192: {  	v46 =	vmul.f32 v58, v28;
	[tilespmem:s21+$0x8760] =	vst.add.f32.msk $0xffff, v61;
	v41 =	vadd.f32 v62, v16  }
0x193: {  	v53 =	vmul.f32 v58, v31;
	[tilespmem:s21+$0x8770] =	vst.add.f32.msk $0xffff, v63;
	v43 =	vadd.f32 v40, v17  }
0x194: {  	v42 =	vmul.f32 v58, v26;
	v49 =	vadd.f32 v46, v20;
	[tilespmem:s21+$0x8780] =	vst.add.f32.msk $0xffff, v41  }
0x195: {  	v44 =	vmul.f32 v58, v27;
	v56 =	vadd.f32 v53, v23;
	[tilespmem:s21+$0x8790] =	vst.add.f32.msk $0xffff, v43  }
0x196: {  	v51 =	vperm.xlane v32, v10;
	v48 =	vmul.f32 v58, v29;
	v45 =	vadd.f32 v42, v18;
	[tilespmem:s21+$0x87C0] =	vst.add.f32.msk $0xffff, v49  }
0x197: {  	v50 =	vmul.f32 v58, v30;
	v47 =	vadd.f32 v44, v19;
	[tilespmem:s21+$0x87F0] =	vst.add.f32.msk $0xffff, v56  }
0x198: {  	v55 =	vmul.f32 v51, v24;
	v52 =	vadd.f32 v48, v21;
	[tilespmem:s21+$0x87A0] =	vst.add.f32.msk $0xffff, v45  }
0x199: {  	v57 =	vmul.f32 v51, v25;
	v54 =	vadd.f32 v50, v22;
	[tilespmem:s21+$0x87B0] =	vst.add.f32.msk $0xffff, v47  }
0x19a: {  	v59 =	vmul.f32 v51, v26;
	v58 =	vadd.f32 v55, v16;
	[tilespmem:s21+$0x87D0] =	vst.add.f32.msk $0xffff, v52  }
0x19b: {  	v61 =	vmul.f32 v51, v27;
	v60 =	vadd.f32 v57, v17;
	[tilespmem:s21+$0x87E0] =	vst.add.f32.msk $0xffff, v54  }
0x19c: {  	v63 =	vmul.f32 v51, v28;
	v62 =	vadd.f32 v59, v18;
	[tilespmem:s21+$0x8800] =	vst.add.f32.msk $0xffff, v58  }
0x19d: {  	v46 =	vmul.f32 v51, v31;
	v40 =	vadd.f32 v61, v19;
	[tilespmem:s21+$0x8810] =	vst.add.f32.msk $0xffff, v60  }
0x19e: {  	v41 =	vmul.f32 v51, v29;
	v42 =	vadd.f32 v63, v20;
	v44 =	vperm.xlane v32, v11;
	[tilespmem:s21+$0x8820] =	vst.add.f32.msk $0xffff, v62  }
0x19f: {  	v43 =	vmul.f32 v51, v30;
	v49 =	vadd.f32 v46, v23;
	[tilespmem:s21+$0x8830] =	vst.add.f32.msk $0xffff, v40  }
0x1a0: {  	v45 =	vadd.f32 v41, v21;
	[tilespmem:s21+$0x8840] =	vst.add.f32.msk $0xffff, v42;
	v48 =	vmul.f32 v44, v24  }
0x1a1: {  	v47 =	vadd.f32 v43, v22;
	v50 =	vmul.f32 v44, v25;
	[tilespmem:s21+$0x8870] =	vst.add.f32.msk $0xffff, v49  }
0x1a2: {  	v52 =	vmul.f32 v44, v26;
	[tilespmem:s21+$0x8850] =	vst.add.f32.msk $0xffff, v45;
	v51 =	vadd.f32 v48, v16  }
0x1a3: {  	v54 =	vmul.f32 v44, v27;
	[tilespmem:s21+$0x8860] =	vst.add.f32.msk $0xffff, v47;
	v53 =	vadd.f32 v50, v17  }
0x1a4: {  	v56 =	vmul.f32 v44, v28;
	v55 =	vadd.f32 v52, v18;
	[tilespmem:s21+$0x8880] =	vst.add.f32.msk $0xffff, v51  }
0x1a5: {  	v58 =	vmul.f32 v44, v29;
	v57 =	vadd.f32 v54, v19;
	[tilespmem:s21+$0x8890] =	vst.add.f32.msk $0xffff, v53  }
0x1a6: {  	v61 =	vperm.xlane v32, v12;
	v60 =	vmul.f32 v44, v30;
	v59 =	vadd.f32 v56, v20;
	[tilespmem:s21+$0x88A0] =	vst.add.f32.msk $0xffff, v55  }
0x1a7: {  	v63 =	vmul.f32 v44, v31;
	v62 =	vadd.f32 v58, v21;
	[tilespmem:s21+$0x88B0] =	vst.add.f32.msk $0xffff, v57  }
0x1a8: {  	v41 =	vmul.f32 v61, v24;
	v40 =	vadd.f32 v60, v22;
	[tilespmem:s21+$0x88C0] =	vst.add.f32.msk $0xffff, v59  }
0x1a9: {  	v43 =	vmul.f32 v61, v25;
	v42 =	vadd.f32 v63, v23;
	[tilespmem:s21+$0x88D0] =	vst.add.f32.msk $0xffff, v62  }
0x1aa: {  	v49 =	vmul.f32 v61, v28;
	v44 =	vadd.f32 v41, v16;
	[tilespmem:s21+$0x88E0] =	vst.add.f32.msk $0xffff, v40  }
0x1ab: {  	v45 =	vmul.f32 v61, v26;
	v46 =	vadd.f32 v43, v17;
	[tilespmem:s21+$0x88F0] =	vst.add.f32.msk $0xffff, v42  }
0x1ac: {  	v47 =	vmul.f32 v61, v27;
	v52 =	vadd.f32 v49, v20;
	[tilespmem:s21+$0x8900] =	vst.add.f32.msk $0xffff, v44  }
0x1ad: {  	v56 =	vmul.f32 v61, v31;
	v48 =	vadd.f32 v45, v18;
	[tilespmem:s21+$0x8910] =	vst.add.f32.msk $0xffff, v46  }
0x1ae: {  	v54 =	vperm.xlane v32, v13;
	v50 =	vadd.f32 v47, v19;
	v51 =	vmul.f32 v61, v29;
	[tilespmem:s21+$0x8940] =	vst.add.f32.msk $0xffff, v52  }
0x1af: {  	v53 =	vmul.f32 v61, v30;
	v59 =	vadd.f32 v56, v23;
	[tilespmem:s21+$0x8920] =	vst.add.f32.msk $0xffff, v48  }
0x1b0: {  	v58 =	vmul.f32 v54, v24;
	[tilespmem:s21+$0x8930] =	vst.add.f32.msk $0xffff, v50;
	v55 =	vadd.f32 v51, v21  }
0x1b1: {  	v60 =	vmul.f32 v54, v25;
	v57 =	vadd.f32 v53, v22;
	[tilespmem:s21+$0x8970] =	vst.add.f32.msk $0xffff, v59  }
0x1b2: {  	v62 =	vmul.f32 v54, v26;
	v61 =	vadd.f32 v58, v16;
	[tilespmem:s21+$0x8950] =	vst.add.f32.msk $0xffff, v55  }
0x1b3: {  	v40 =	vmul.f32 v54, v27;
	v63 =	vadd.f32 v60, v17;
	[tilespmem:s21+$0x8960] =	vst.add.f32.msk $0xffff, v57  }
0x1b4: {  	v42 =	vmul.f32 v54, v28;
	v41 =	vadd.f32 v62, v18;
	[tilespmem:s21+$0x8980] =	vst.add.f32.msk $0xffff, v61  }
0x1b5: {  	v44 =	vmul.f32 v54, v29;
	v43 =	vadd.f32 v40, v19;
	[tilespmem:s21+$0x8990] =	vst.add.f32.msk $0xffff, v63  }
0x1b6: {  	v46 =	vmul.f32 v54, v30;
	v45 =	vadd.f32 v42, v20;
	[tilespmem:s21+$0x89A0] =	vst.add.f32.msk $0xffff, v41  }
0x1b7: {  	v47 =	vperm.xlane v32, v14;
	v49 =	vmul.f32 v54, v31;
	v48 =	vadd.f32 v44, v21;
	[tilespmem:s21+$0x89B0] =	vst.add.f32.msk $0xffff, v43  }
0x1b8: {  	v50 =	vadd.f32 v46, v22;
	[tilespmem:s21+$0x89C0] =	vst.add.f32.msk $0xffff, v45  }
0x1b9: {  	v51 =	vmul.f32 v47, v24;
	v52 =	vadd.f32 v49, v23;
	[tilespmem:s21+$0x89D0] =	vst.add.f32.msk $0xffff, v48  }
0x1ba: {  	v53 =	vmul.f32 v47, v25;
	[tilespmem:s21+$0x89E0] =	vst.add.f32.msk $0xffff, v50  }
0x1bb: {  	s22 =	sor.u32 $0x110, s22;
	v56 =	vmul.f32 v47, v26;
	v54 =	vadd.f32 v51, v16;
	[tilespmem:s21+$0x89F0] =	vst.add.f32.msk $0xffff, v52  }
0x1bc: {  	v59 =	vmul.f32 v47, v28;
	v55 =	vadd.f32 v53, v17;
	v61 =	vld [tilespmem:s22+$0x0]  }
0x1bd: {  	v39 =	vperm.xlane v32, v15;
	v60 =	vmul.f32 v47, v29;
	v58 =	vadd.f32 v56, v18;
	[tilespmem:s21+$0x8A00] =	vst.add.f32.msk $0xffff, v54  }
0x1be: {  	v40 =	vmul.f32 v47, v31;
	v62 =	vadd.f32 v59, v20;
	[tilespmem:s21+$0x8A10] =	vst.add.f32.msk $0xffff, v55  }
0x1bf: {  	v42 =	vmul.f32 v39, v24;
	v36 =	vadd.f32 v60, v21;
	[tilespmem:s21+$0x8A20] =	vst.add.f32.msk $0xffff, v58  }
0x1c0: {  	v46 =	vmul.f32 v39, v26;
	v43 =	vadd.f32 v40, v23;
	[tilespmem:s21+$0x8A40] =	vst.add.f32.msk $0xffff, v62  }
0x1c1: {  	v57 =	vmul.f32 v47, v27;
	v45 =	vadd.f32 v42, v16;
	[tilespmem:s21+$0x8A50] =	vst.add.f32.msk $0xffff, v36  }
0x1c2: {  	v63 =	vmul.f32 v47, v30;
	v49 =	vadd.f32 v46, v18;
	[tilespmem:s21+$0x8A70] =	vst.add.f32.msk $0xffff, v43  }
0x1c3: {  	v48 =	vmul.f32 v39, v27;
	v34 =	vadd.f32 v57, v19;
	[tilespmem:s21+$0x8A80] =	vst.add.f32.msk $0xffff, v45;
	v47 =	vcvt.s32.f32 v61  }
0x1c4: {  	v50 =	vmul.f32 v39, v28;
	v41 =	vadd.f32 v63, v22;
	[tilespmem:s21+$0x8AA0] =	vst.add.f32.msk $0xffff, v49  }
0x1c5: {  	v52 =	vmul.f32 v39, v29;
	v51 =	vadd.f32 v48, v19;
	[tilespmem:s21+$0x8A30] =	vst.add.f32.msk $0xffff, v34;
	v32 =	vsub.f32 $1.000000000e+00, v47  }
0x1c6: {  	v44 =	vmul.f32 v39, v25;
	v53 =	vadd.f32 v50, v20;
	[tilespmem:s21+$0x8A60] =	vst.add.f32.msk $0xffff, v41  }
0x1c7: {  	v54 =	vmul.f32 v39, v30;
	v56 =	vadd.f32 v52, v21;
	[tilespmem:s21+$0x8AB0] =	vst.add.f32.msk $0xffff, v51;
	v55 =	vperm.xlane v32, v0  }
0x1c8: {  	v57 =	vmul.f32 v39, v31;
	v34 =	vadd.f32 v44, v17;
	[tilespmem:s21+$0x8AC0] =	vst.add.f32.msk $0xffff, v53  }
0x1c9: {  	v58 =	vadd.f32 v54, v22;
	[tilespmem:s21+$0x8AD0] =	vst.add.f32.msk $0xffff, v56;
	v59 =	vmul.f32 v55, v24  }
0x1ca: {  	s22 =	sshll.u32 s22, $0x7;
	v60 =	vadd.f32 v57, v23;
	[tilespmem:s21+$0x8A90] =	vst.add.f32.msk $0xffff, v34;
	v61 =	vmul.f32 v55, v25  }
0x1cb: {  	s22 =	sand.u32 $0x3FFFF800, s22;
	[tilespmem:s21+$0x8AE0] =	vst.add.f32.msk $0xffff, v58;
	v63 =	vmul.f32 v55, v26;
	v62 =	vadd.f32 v59, v16  }
0x1cc: {  	s31 =	sor.u32 $0x300, s22;
	[tilespmem:s21+$0x8AF0] =	vst.add.f32.msk $0xffff, v60;
	v41 =	vmul.f32 v55, v27;
	v40 =	vadd.f32 v61, v17  }
0x1cd: {  	s24 =	sor.u32 $0x310, s22;
	v43 =	vmul.f32 v55, v28;
	v42 =	vadd.f32 v63, v18;
	[tilespmem:s31+$0x0] =	vst.add.f32.msk $0xffff, v62  }
0x1ce: {  	s25 =	sor.u32 $0x320, s22;
	v45 =	vmul.f32 v55, v29;
	v44 =	vadd.f32 v41, v19;
	[tilespmem:s24+$0x0] =	vst.add.f32.msk $0xffff, v40  }
0x1cf: {  	s26 =	sor.u32 $0x330, s22;
	v48 =	vperm.xlane v32, v1;
	v47 =	vmul.f32 v55, v30;
	v46 =	vadd.f32 v43, v20;
	[tilespmem:s25+$0x0] =	vst.add.f32.msk $0xffff, v42  }
0x1d0: {  	s28 =	sor.u32 $0x340, s22;
	v50 =	vmul.f32 v55, v31;
	v49 =	vadd.f32 v45, v21;
	[tilespmem:s26+$0x0] =	vst.add.f32.msk $0xffff, v44  }
0x1d1: {  	s29 =	sor.u32 $0x350, s22;
	v52 =	vmul.f32 v48, v24;
	v51 =	vadd.f32 v47, v22;
	[tilespmem:s28+$0x0] =	vst.add.f32.msk $0xffff, v46  }
0x1d2: {  	s30 =	sor.u32 $0x360, s22;
	v54 =	vmul.f32 v48, v25;
	v53 =	vadd.f32 v50, v23;
	[tilespmem:s29+$0x0] =	vst.add.f32.msk $0xffff, v49  }
0x1d3: {  	s22 =	sor.u32 $0x370, s22;
	v56 =	vmul.f32 v48, v26;
	v55 =	vadd.f32 v52, v16;
	[tilespmem:s30+$0x0] =	vst.add.f32.msk $0xffff, v51  }
0x1d4: {  	v58 =	vmul.f32 v48, v27;
	v57 =	vadd.f32 v54, v17;
	[tilespmem:s22+$0x0] =	vst.add.f32.msk $0xffff, v53  }
0x1d5: {  	v60 =	vmul.f32 v48, v28;
	v59 =	vadd.f32 v56, v18;
	[tilespmem:s21+$0x8B80] =	vst.add.f32.msk $0xffff, v55  }
0x1d6: {  	v61 =	vadd.f32 v58, v19;
	v62 =	vmul.f32 v48, v29;
	[tilespmem:s21+$0x8B90] =	vst.add.f32.msk $0xffff, v57  }
0x1d7: {  	v63 =	vadd.f32 v60, v20;
	v41 =	vperm.xlane v32, v2;
	v40 =	vmul.f32 v48, v30;
	[tilespmem:s21+$0x8BA0] =	vst.add.f32.msk $0xffff, v59  }
0x1d8: {  	v43 =	vmul.f32 v48, v31;
	v42 =	vadd.f32 v62, v21;
	[tilespmem:s21+$0x8BB0] =	vst.add.f32.msk $0xffff, v61  }
0x1d9: {  	v58 =	vperm.xlane v32, v3;
	v45 =	vmul.f32 v41, v24;
	v44 =	vadd.f32 v40, v22;
	[tilespmem:s21+$0x8BC0] =	vst.add.f32.msk $0xffff, v63  }
0x1da: {  	v47 =	vmul.f32 v41, v25;
	v46 =	vadd.f32 v43, v23;
	[tilespmem:s21+$0x8BD0] =	vst.add.f32.msk $0xffff, v42  }
0x1db: {  	v48 =	vadd.f32 v45, v16;
	v40 =	vmul.f32 v58, v25;
	[tilespmem:s21+$0x8BE0] =	vst.add.f32.msk $0xffff, v44  }
0x1dc: {  	v50 =	vadd.f32 v47, v17;
	v49 =	vmul.f32 v41, v26;
	[tilespmem:s21+$0x8BF0] =	vst.add.f32.msk $0xffff, v46  }
0x1dd: {  	v43 =	vadd.f32 v40, v17;
	v51 =	vmul.f32 v41, v27;
	[tilespmem:s21+$0x8C00] =	vst.add.f32.msk $0xffff, v48  }
0x1de: {  	v60 =	vmul.f32 v41, v31;
	v52 =	vadd.f32 v49, v18;
	[tilespmem:s21+$0x8C10] =	vst.add.f32.msk $0xffff, v50  }
0x1df: {  	v62 =	vmul.f32 v58, v24;
	v54 =	vadd.f32 v51, v19;
	[tilespmem:s21+$0x8C90] =	vst.add.f32.msk $0xffff, v43  }
0x1e0: {  	v53 =	vmul.f32 v41, v28;
	v63 =	vadd.f32 v60, v23;
	[tilespmem:s21+$0x8C20] =	vst.add.f32.msk $0xffff, v52  }
0x1e1: {  	v55 =	vmul.f32 v41, v29;
	v57 =	vmul.f32 v41, v30;
	v41 =	vadd.f32 v62, v16;
	[tilespmem:s21+$0x8C30] =	vst.add.f32.msk $0xffff, v54  }
0x1e2: {  	v56 =	vadd.f32 v53, v20;
	[tilespmem:s21+$0x8C70] =	vst.add.f32.msk $0xffff, v63  }
0x1e3: {  	v42 =	vmul.f32 v58, v26;
	v59 =	vadd.f32 v55, v21;
	[tilespmem:s21+$0x8C80] =	vst.add.f32.msk $0xffff, v41  }
0x1e4: {  	v44 =	vmul.f32 v58, v27;
	v61 =	vadd.f32 v57, v22;
	[tilespmem:s21+$0x8C40] =	vst.add.f32.msk $0xffff, v56  }
0x1e5: {  	v46 =	vmul.f32 v58, v28;
	v45 =	vadd.f32 v42, v18;
	[tilespmem:s21+$0x8C50] =	vst.add.f32.msk $0xffff, v59  }
0x1e6: {  	v48 =	vmul.f32 v58, v29;
	v47 =	vadd.f32 v44, v19;
	[tilespmem:s21+$0x8C60] =	vst.add.f32.msk $0xffff, v61  }
0x1e7: {  	v50 =	vmul.f32 v58, v30;
	v51 =	vperm.xlane v32, v4;
	v49 =	vadd.f32 v46, v20;
	[tilespmem:s21+$0x8CA0] =	vst.add.f32.msk $0xffff, v45  }
0x1e8: {  	v53 =	vmul.f32 v58, v31;
	v52 =	vadd.f32 v48, v21;
	[tilespmem:s21+$0x8CB0] =	vst.add.f32.msk $0xffff, v47  }
0x1e9: {  	v54 =	vadd.f32 v50, v22;
	v55 =	vmul.f32 v51, v24;
	[tilespmem:s21+$0x8CC0] =	vst.add.f32.msk $0xffff, v49  }
0x1ea: {  	v57 =	vmul.f32 v51, v25;
	v56 =	vadd.f32 v53, v23;
	[tilespmem:s21+$0x8CD0] =	vst.add.f32.msk $0xffff, v52  }
0x1eb: {  	v63 =	vmul.f32 v51, v28;
	[tilespmem:s21+$0x8CE0] =	vst.add.f32.msk $0xffff, v54;
	v58 =	vadd.f32 v55, v16  }
0x1ec: {  	v41 =	vmul.f32 v51, v29;
	v60 =	vadd.f32 v57, v17;
	[tilespmem:s21+$0x8CF0] =	vst.add.f32.msk $0xffff, v56  }
0x1ed: {  	v43 =	vmul.f32 v51, v30;
	v42 =	vadd.f32 v63, v20;
	[tilespmem:s21+$0x8D00] =	vst.add.f32.msk $0xffff, v58  }
0x1ee: {  	v46 =	vmul.f32 v51, v31;
	v45 =	vadd.f32 v41, v21;
	[tilespmem:s21+$0x8D10] =	vst.add.f32.msk $0xffff, v60  }
0x1ef: {  	v44 =	vperm.xlane v32, v5;
	v59 =	vmul.f32 v51, v26;
	v47 =	vadd.f32 v43, v22;
	[tilespmem:s21+$0x8D40] =	vst.add.f32.msk $0xffff, v42  }
0x1f0: {  	v61 =	vmul.f32 v51, v27;
	v49 =	vadd.f32 v46, v23;
	[tilespmem:s21+$0x8D50] =	vst.add.f32.msk $0xffff, v45  }
0x1f1: {  	v48 =	vmul.f32 v44, v24;
	v62 =	vadd.f32 v59, v18;
	[tilespmem:s21+$0x8D60] =	vst.add.f32.msk $0xffff, v47  }
0x1f2: {  	v50 =	vmul.f32 v44, v25;
	v40 =	vadd.f32 v61, v19;
	[tilespmem:s21+$0x8D70] =	vst.add.f32.msk $0xffff, v49  }
0x1f3: {  	v52 =	vmul.f32 v44, v26;
	v51 =	vadd.f32 v48, v16;
	[tilespmem:s21+$0x8D20] =	vst.add.f32.msk $0xffff, v62  }
0x1f4: {  	v54 =	vmul.f32 v44, v27;
	v53 =	vadd.f32 v50, v17;
	[tilespmem:s21+$0x8D30] =	vst.add.f32.msk $0xffff, v40  }
0x1f5: {  	v63 =	vmul.f32 v44, v31;
	v55 =	vadd.f32 v52, v18;
	[tilespmem:s21+$0x8D80] =	vst.add.f32.msk $0xffff, v51  }
0x1f6: {  	v56 =	vmul.f32 v44, v28;
	v57 =	vadd.f32 v54, v19;
	[tilespmem:s21+$0x8D90] =	vst.add.f32.msk $0xffff, v53  }
0x1f7: {  	v58 =	vmul.f32 v44, v29;
	v61 =	vperm.xlane v32, v6;
	v42 =	vadd.f32 v63, v23;
	[tilespmem:s21+$0x8DA0] =	vst.add.f32.msk $0xffff, v55  }
0x1f8: {  	v60 =	vmul.f32 v44, v30;
	v59 =	vadd.f32 v56, v20;
	[tilespmem:s21+$0x8DB0] =	vst.add.f32.msk $0xffff, v57  }
0x1f9: {  	v62 =	vadd.f32 v58, v21;
	v41 =	vmul.f32 v61, v24;
	[tilespmem:s21+$0x8DF0] =	vst.add.f32.msk $0xffff, v42  }
0x1fa: {  	v40 =	vadd.f32 v60, v22;
	v43 =	vmul.f32 v61, v25;
	[tilespmem:s21+$0x8DC0] =	vst.add.f32.msk $0xffff, v59  }
0x1fb: {  	v45 =	vmul.f32 v61, v26;
	[tilespmem:s21+$0x8DD0] =	vst.add.f32.msk $0xffff, v62;
	v44 =	vadd.f32 v41, v16  }
0x1fc: {  	v47 =	vmul.f32 v61, v27;
	[tilespmem:s21+$0x8DE0] =	vst.add.f32.msk $0xffff, v40;
	v46 =	vadd.f32 v43, v17  }
0x1fd: {  	v49 =	vmul.f32 v61, v28;
	v48 =	vadd.f32 v45, v18;
	[tilespmem:s21+$0x8E00] =	vst.add.f32.msk $0xffff, v44  }
0x1fe: {  	v51 =	vmul.f32 v61, v29;
	v50 =	vadd.f32 v47, v19;
	[tilespmem:s21+$0x8E10] =	vst.add.f32.msk $0xffff, v46  }
0x1ff: {  	v54 =	vperm.xlane v32, v7;
	v53 =	vmul.f32 v61, v30;
	v52 =	vadd.f32 v49, v20;
	[tilespmem:s21+$0x8E20] =	vst.add.f32.msk $0xffff, v48  }
0x200: {  	v56 =	vmul.f32 v61, v31;
	v55 =	vadd.f32 v51, v21;
	[tilespmem:s21+$0x8E30] =	vst.add.f32.msk $0xffff, v50  }
0x201: {  	v58 =	vmul.f32 v54, v24;
	v57 =	vadd.f32 v53, v22;
	[tilespmem:s21+$0x8E40] =	vst.add.f32.msk $0xffff, v52  }
0x202: {  	v60 =	vmul.f32 v54, v25;
	v59 =	vadd.f32 v56, v23;
	[tilespmem:s21+$0x8E50] =	vst.add.f32.msk $0xffff, v55  }
0x203: {  	v42 =	vmul.f32 v54, v28;
	v61 =	vadd.f32 v58, v16;
	[tilespmem:s21+$0x8E60] =	vst.add.f32.msk $0xffff, v57  }
0x204: {  	v62 =	vmul.f32 v54, v26;
	v63 =	vadd.f32 v60, v17;
	[tilespmem:s21+$0x8E70] =	vst.add.f32.msk $0xffff, v59  }
0x205: {  	v40 =	vmul.f32 v54, v27;
	v45 =	vadd.f32 v42, v20;
	[tilespmem:s21+$0x8E80] =	vst.add.f32.msk $0xffff, v61  }
0x206: {  	v49 =	vmul.f32 v54, v31;
	v41 =	vadd.f32 v62, v18;
	[tilespmem:s21+$0x8E90] =	vst.add.f32.msk $0xffff, v63  }
0x207: {  	v47 =	vperm.xlane v32, v8;
	v43 =	vadd.f32 v40, v19;
	v44 =	vmul.f32 v54, v29;
	[tilespmem:s21+$0x8EC0] =	vst.add.f32.msk $0xffff, v45  }
0x208: {  	v46 =	vmul.f32 v54, v30;
	v52 =	vadd.f32 v49, v23;
	[tilespmem:s21+$0x8EA0] =	vst.add.f32.msk $0xffff, v41  }
0x209: {  	v51 =	vmul.f32 v47, v24;
	[tilespmem:s21+$0x8EB0] =	vst.add.f32.msk $0xffff, v43;
	v48 =	vadd.f32 v44, v21  }
0x20a: {  	v53 =	vmul.f32 v47, v25;
	v50 =	vadd.f32 v46, v22;
	[tilespmem:s21+$0x8EF0] =	vst.add.f32.msk $0xffff, v52  }
0x20b: {  	v55 =	vmul.f32 v47, v26;
	v54 =	vadd.f32 v51, v16;
	[tilespmem:s21+$0x8ED0] =	vst.add.f32.msk $0xffff, v48  }
0x20c: {  	v57 =	vmul.f32 v47, v27;
	v56 =	vadd.f32 v53, v17;
	[tilespmem:s21+$0x8EE0] =	vst.add.f32.msk $0xffff, v50  }
0x20d: {  	v59 =	vmul.f32 v47, v28;
	v58 =	vadd.f32 v55, v18;
	[tilespmem:s21+$0x8F00] =	vst.add.f32.msk $0xffff, v54  }
0x20e: {  	v61 =	vmul.f32 v47, v29;
	v60 =	vadd.f32 v57, v19;
	[tilespmem:s21+$0x8F10] =	vst.add.f32.msk $0xffff, v56  }
0x20f: {  	v63 =	vmul.f32 v47, v30;
	v40 =	vperm.xlane v32, v9;
	v62 =	vadd.f32 v59, v20;
	[tilespmem:s21+$0x8F20] =	vst.add.f32.msk $0xffff, v58  }
0x210: {  	v42 =	vmul.f32 v47, v31;
	v41 =	vadd.f32 v61, v21;
	[tilespmem:s21+$0x8F30] =	vst.add.f32.msk $0xffff, v60  }
0x211: {  	v43 =	vadd.f32 v63, v22;
	v44 =	vmul.f32 v40, v24;
	[tilespmem:s21+$0x8F40] =	vst.add.f32.msk $0xffff, v62  }
0x212: {  	v45 =	vadd.f32 v42, v23;
	v46 =	vmul.f32 v40, v25;
	[tilespmem:s21+$0x8F50] =	vst.add.f32.msk $0xffff, v41  }
0x213: {  	v52 =	vmul.f32 v40, v28;
	[tilespmem:s21+$0x8F60] =	vst.add.f32.msk $0xffff, v43;
	v47 =	vadd.f32 v44, v16  }
0x214: {  	v59 =	vmul.f32 v40, v31;
	[tilespmem:s21+$0x8F70] =	vst.add.f32.msk $0xffff, v45;
	v49 =	vadd.f32 v46, v17  }
0x215: {  	v48 =	vmul.f32 v40, v26;
	v55 =	vadd.f32 v52, v20;
	[tilespmem:s21+$0x8F80] =	vst.add.f32.msk $0xffff, v47  }
0x216: {  	v50 =	vmul.f32 v40, v27;
	v62 =	vadd.f32 v59, v23;
	[tilespmem:s21+$0x8F90] =	vst.add.f32.msk $0xffff, v49  }
0x217: {  	v57 =	vperm.xlane v32, v10;
	v54 =	vmul.f32 v40, v29;
	v51 =	vadd.f32 v48, v18;
	[tilespmem:s21+$0x8FC0] =	vst.add.f32.msk $0xffff, v55  }
0x218: {  	v56 =	vmul.f32 v40, v30;
	v53 =	vadd.f32 v50, v19;
	[tilespmem:s21+$0x8FF0] =	vst.add.f32.msk $0xffff, v62  }
0x219: {  	v61 =	vmul.f32 v57, v24;
	v58 =	vadd.f32 v54, v21;
	[tilespmem:s21+$0x8FA0] =	vst.add.f32.msk $0xffff, v51  }
0x21a: {  	v63 =	vmul.f32 v57, v25;
	v60 =	vadd.f32 v56, v22;
	[tilespmem:s21+$0x8FB0] =	vst.add.f32.msk $0xffff, v53  }
0x21b: {  	v41 =	vmul.f32 v57, v26;
	v40 =	vadd.f32 v61, v16;
	[tilespmem:s21+$0x8FD0] =	vst.add.f32.msk $0xffff, v58  }
0x21c: {  	v43 =	vmul.f32 v57, v27;
	v42 =	vadd.f32 v63, v17;
	[tilespmem:s21+$0x8FE0] =	vst.add.f32.msk $0xffff, v60  }
0x21d: {  	v45 =	vmul.f32 v57, v28;
	v44 =	vadd.f32 v41, v18;
	[tilespmem:s21+$0x9000] =	vst.add.f32.msk $0xffff, v40  }
0x21e: {  	v52 =	vmul.f32 v57, v31;
	v46 =	vadd.f32 v43, v19;
	[tilespmem:s21+$0x9010] =	vst.add.f32.msk $0xffff, v42  }
0x21f: {  	v47 =	vmul.f32 v57, v29;
	v48 =	vadd.f32 v45, v20;
	v50 =	vperm.xlane v32, v11;
	[tilespmem:s21+$0x9020] =	vst.add.f32.msk $0xffff, v44  }
0x220: {  	v49 =	vmul.f32 v57, v30;
	v55 =	vadd.f32 v52, v23;
	[tilespmem:s21+$0x9030] =	vst.add.f32.msk $0xffff, v46  }
0x221: {  	v51 =	vadd.f32 v47, v21;
	[tilespmem:s21+$0x9040] =	vst.add.f32.msk $0xffff, v48;
	v54 =	vmul.f32 v50, v24  }
0x222: {  	v53 =	vadd.f32 v49, v22;
	v56 =	vmul.f32 v50, v25;
	[tilespmem:s21+$0x9070] =	vst.add.f32.msk $0xffff, v55  }
0x223: {  	v58 =	vmul.f32 v50, v26;
	[tilespmem:s21+$0x9050] =	vst.add.f32.msk $0xffff, v51;
	v57 =	vadd.f32 v54, v16  }
0x224: {  	v60 =	vmul.f32 v50, v27;
	[tilespmem:s21+$0x9060] =	vst.add.f32.msk $0xffff, v53;
	v59 =	vadd.f32 v56, v17  }
0x225: {  	v62 =	vmul.f32 v50, v28;
	v61 =	vadd.f32 v58, v18;
	[tilespmem:s21+$0x9080] =	vst.add.f32.msk $0xffff, v57  }
0x226: {  	v40 =	vmul.f32 v50, v29;
	v63 =	vadd.f32 v60, v19;
	[tilespmem:s21+$0x9090] =	vst.add.f32.msk $0xffff, v59  }
0x227: {  	v43 =	vperm.xlane v32, v12;
	v42 =	vmul.f32 v50, v30;
	v41 =	vadd.f32 v62, v20;
	[tilespmem:s21+$0x90A0] =	vst.add.f32.msk $0xffff, v61  }
0x228: {  	v45 =	vmul.f32 v50, v31;
	v44 =	vadd.f32 v40, v21;
	[tilespmem:s21+$0x90B0] =	vst.add.f32.msk $0xffff, v63  }
0x229: {  	v47 =	vmul.f32 v43, v24;
	v46 =	vadd.f32 v42, v22;
	[tilespmem:s21+$0x90C0] =	vst.add.f32.msk $0xffff, v41  }
0x22a: {  	v49 =	vmul.f32 v43, v25;
	v48 =	vadd.f32 v45, v23;
	[tilespmem:s21+$0x90D0] =	vst.add.f32.msk $0xffff, v44  }
0x22b: {  	v55 =	vmul.f32 v43, v28;
	v50 =	vadd.f32 v47, v16;
	[tilespmem:s21+$0x90E0] =	vst.add.f32.msk $0xffff, v46  }
0x22c: {  	v51 =	vmul.f32 v43, v26;
	v52 =	vadd.f32 v49, v17;
	[tilespmem:s21+$0x90F0] =	vst.add.f32.msk $0xffff, v48  }
0x22d: {  	v53 =	vmul.f32 v43, v27;
	v58 =	vadd.f32 v55, v20;
	[tilespmem:s21+$0x9100] =	vst.add.f32.msk $0xffff, v50  }
0x22e: {  	v62 =	vmul.f32 v43, v31;
	v54 =	vadd.f32 v51, v18;
	[tilespmem:s21+$0x9110] =	vst.add.f32.msk $0xffff, v52  }
0x22f: {  	v60 =	vperm.xlane v32, v13;
	v56 =	vadd.f32 v53, v19;
	v57 =	vmul.f32 v43, v29;
	[tilespmem:s21+$0x9140] =	vst.add.f32.msk $0xffff, v58  }
0x230: {  	v59 =	vmul.f32 v43, v30;
	v41 =	vadd.f32 v62, v23;
	[tilespmem:s21+$0x9120] =	vst.add.f32.msk $0xffff, v54  }
0x231: {  	v40 =	vmul.f32 v60, v24;
	[tilespmem:s21+$0x9130] =	vst.add.f32.msk $0xffff, v56;
	v61 =	vadd.f32 v57, v21  }
0x232: {  	v42 =	vmul.f32 v60, v25;
	v63 =	vadd.f32 v59, v22;
	[tilespmem:s21+$0x9170] =	vst.add.f32.msk $0xffff, v41  }
0x233: {  	v44 =	vmul.f32 v60, v26;
	v43 =	vadd.f32 v40, v16;
	[tilespmem:s21+$0x9150] =	vst.add.f32.msk $0xffff, v61  }
0x234: {  	v46 =	vmul.f32 v60, v27;
	v45 =	vadd.f32 v42, v17;
	[tilespmem:s21+$0x9160] =	vst.add.f32.msk $0xffff, v63  }
0x235: {  	v48 =	vmul.f32 v60, v28;
	v47 =	vadd.f32 v44, v18;
	[tilespmem:s21+$0x9180] =	vst.add.f32.msk $0xffff, v43  }
0x236: {  	v50 =	vmul.f32 v60, v29;
	v49 =	vadd.f32 v46, v19;
	[tilespmem:s21+$0x9190] =	vst.add.f32.msk $0xffff, v45  }
0x237: {  	v52 =	vmul.f32 v60, v30;
	v53 =	vperm.xlane v32, v14;
	v51 =	vadd.f32 v48, v20;
	[tilespmem:s21+$0x91A0] =	vst.add.f32.msk $0xffff, v47  }
0x238: {  	v55 =	vmul.f32 v60, v31;
	v54 =	vadd.f32 v50, v21;
	[tilespmem:s21+$0x91B0] =	vst.add.f32.msk $0xffff, v49  }
0x239: {  	v56 =	vadd.f32 v52, v22;
	v57 =	vmul.f32 v53, v24;
	[tilespmem:s21+$0x91C0] =	vst.add.f32.msk $0xffff, v51  }
0x23a: {  	v32 =	vperm.xlane v32, v15;
	v58 =	vadd.f32 v55, v23;
	v59 =	vmul.f32 v53, v25;
	[tilespmem:s21+$0x91D0] =	vst.add.f32.msk $0xffff, v54  }
0x23b: {  	v41 =	vmul.f32 v53, v28;
	[tilespmem:s21+$0x91E0] =	vst.add.f32.msk $0xffff, v56;
	v60 =	vadd.f32 v57, v16  }
0x23c: {  	v55 =	vmul.f32 v32, v27;
	[tilespmem:s21+$0x91F0] =	vst.add.f32.msk $0xffff, v58;
	v62 =	vadd.f32 v59, v17  }
0x23d: {  	v61 =	vmul.f32 v53, v26;
	v44 =	vadd.f32 v41, v20;
	[tilespmem:s21+$0x9200] =	vst.add.f32.msk $0xffff, v60  }
0x23e: {  	v63 =	vmul.f32 v53, v27;
	v58 =	vadd.f32 v55, v19;
	[tilespmem:s21+$0x9210] =	vst.add.f32.msk $0xffff, v62  }
0x23f: {  	v43 =	vmul.f32 v53, v29;
	v40 =	vadd.f32 v61, v18;
	[tilespmem:s21+$0x9240] =	vst.add.f32.msk $0xffff, v44  }
0x240: {  	v45 =	vmul.f32 v53, v30;
	v42 =	vadd.f32 v63, v19;
	[tilespmem:s21+$0x92B0] =	vst.add.f32.msk $0xffff, v58  }
0x241: {  	v47 =	vmul.f32 v53, v31;
	v46 =	vadd.f32 v43, v21;
	[tilespmem:s21+$0x9220] =	vst.add.f32.msk $0xffff, v40  }
0x242: {  	v49 =	vmul.f32 v32, v24;
	v48 =	vadd.f32 v45, v22;
	[tilespmem:s21+$0x9230] =	vst.add.f32.msk $0xffff, v42  }
0x243: {  	v51 =	vmul.f32 v32, v25;
	v50 =	vadd.f32 v47, v23;
	[tilespmem:s21+$0x9250] =	vst.add.f32.msk $0xffff, v46  }
0x244: {  	v53 =	vmul.f32 v32, v26;
	v52 =	vadd.f32 v49, v16;
	[tilespmem:s21+$0x9260] =	vst.add.f32.msk $0xffff, v48  }
0x245: {  	v57 =	vmul.f32 v32, v28;
	v54 =	vadd.f32 v51, v17;
	[tilespmem:s21+$0x9270] =	vst.add.f32.msk $0xffff, v50  }
0x246: {  	v59 =	vmul.f32 v32, v29;
	v56 =	vadd.f32 v53, v18;
	[tilespmem:s21+$0x9280] =	vst.add.f32.msk $0xffff, v52  }
0x247: {  	p0 =	slt.u32 s20, $0xE;
	v60 =	vadd.f32 v57, v20;
	v61 =	vmul.f32 v32, v30;
	[tilespmem:s21+$0x9290] =	vst.add.f32.msk $0xffff, v54  }
.Ltmp1:
0x248: {  	v62 =	vadd.f32 v59, v21;
	v32 =	vmul.f32 v32, v31;
	[tilespmem:s21+$0x92A0] =	vst.add.f32.msk $0xffff, v56;
	(pc) =	sbr.rel @p0 .LBB2_4-.Ltmp1, $4  }
0x249: {  	[tilespmem:s21+$0x92C0] =	vst.add.f32.msk $0xffff, v60;
	v63 =	vadd.f32 v61, v22  }
0x24a: {  	[tilespmem:s21+$0x92D0] =	vst.add.f32.msk $0xffff, v62;
	v32 =	vadd.f32 v32, v23  }
0x24b: {  	s31 =	sadd.s32 $0x2, s20;
	[tilespmem:s21+$0x92E0] =	vst.add.f32.msk $0xffff, v63  }
0x24c: {  	s20 =	smov.u32 s31;
	[tilespmem:s21+$0x92F0] =	vst.add.f32.msk $0xffff, v32  }
0x24d: {  	[hbm4b:s8+s3] =	stream.linear.scatter [tilespmem:s12], [sflag:$0x6], $0x8000, $0x38;
	[tilespmem:$0x10300] =	vst v63  }
0x24e: {  	s19 =	sadd.s32 $0x1, s19  }
0x24f: {  	_ =	swait.ge [sflag:s17], $0x8000;
	p0 =	sne.s32 s19, s9  }
.Ltmp2:
0x250: {  	[sflag:s17] =	ssyncset.done $0x0;
	(pc) =	sbr.rel @p0 .LBB2_1-.Ltmp2, $4  }
0x251: {  	[sflag:s17] =	ssyncadd.s32 $0xFFFF8000  }
0x252: {  	_ =	swait.ge [sflag:s18], $0x8000  }
0x253: {  	[sflag:s18] =	ssyncset.done $0x0  }
0x254: {  	[sflag:s18] =	ssyncadd.s32 $0xFFFF8000  }
0x255: {  	_ =	sfence.sel $0x180000  }
0x256: {  	[bflag:$0x0] =	sbarrier.arrive $0xFFFF  }
0x257: {  	p0 =	sne.s32 s2, $0x0;
	_ =	strace $0x90000047  }
0x258: {  	s0 =	sadd.s32 @!p0 $0x100000, s0;
	[bflag:$0x2] =	sbarrier.arrive $0xFFFF  }
0x259: {  	[sflag:s0] =	ssyncadd.tile.s32 @!p0 $0x1;
	_ =	shalt  }
.Lfunc_end2:
_tile_overlayer_lowered:
.L_overlay_start_2:
0x25a: {  	(tag) =	ssettag $0x2  }
0x25b: {  	s0 =	rddreg [dreg:$0x0];
	s2 =	stileid.u32  }
0x25c: {  	s1 =	rddreg [dreg:$0x1];
	p0 =	sne.s32 s2, $0x0  }
0x25d: {  	s3 =	rddreg [dreg:$0x2];
	[bflag:$0x3] =	sbarrier.arrive $0xFFFF;
	s2 =	simm.s32 @!p0 $0x1C07  }
0x25e: {  	[timem:s3], [sflag:s2] =	dma.local @!p0 [hbm:s0], s1  }
0x25f: {  	s0 =	simm.s32 @!p0 $0x7  }
0x260: {  	_ =	swait.ge @!p0 [sflag:s0], s1  }
0x261: {  	s1 =	ssub.s32 @!p0 $0x0, s1;
	[sflag:s0] =	ssyncset.done @!p0 $0x0  }
0x262: {  	[sflag:s0] =	ssyncadd.s32 @!p0 s1  }
0x263: {  	[bflag:$0x3] =	sbarrier.arrive $0xFFFF  }
0x264: {  	_ =	shalt  }

</sc_bundles>
